<compile_context>
chip_gen: v7x
topology: tpu7x:2x2x1
jax: 0.10.2.dev20260603
libtpu: 0.0.44.dev20260713+nightly
codegen_flags: <defaults>
</compile_context>

<pallas_src>
import functools

import jax
import jax.numpy as jnp
from jax import lax
from jax.experimental import pallas as pl
from jax.experimental.pallas import tpu as pltpu
from jax.experimental.pallas import tpu_sc as plsc

NC = 2
NS = 16
L = 16
NW = NC * NS
CHUNK = 128
WIN = 8
NCB = 20

SPMM_SPLIT = (120, 40)
SEG_SPLIT = (104, 56)
PAIR_CHUNKS = 160


def _sc_mesh():
    return plsc.VectorSubcoreMesh(core_axis_name="c", subcore_axis_name="s")


def _zero_vec_loop(ref, nwords):
    z = jnp.zeros((L,), jnp.float32)

    def body(i, carry):
        ref[pl.ds(i * L, L)] = z
        return carry

    lax.fori_loop(0, nwords // L, body, 0)




def _make_scalar_seg_kernel(n_pad, e_pad, gather):
    epw = e_pad // NW
    nch = epw // CHUNK
    zb = n_pad // NS

    scratch = [
        pltpu.VMEM((1, CHUNK), jnp.int32),
        pltpu.VMEM((CHUNK,), jnp.float32),
        pltpu.VMEM((CHUNK,), jnp.float32),
        pltpu.VMEM((zb,), jnp.float32),
        pltpu.VMEM_SHARED((n_pad,), jnp.float32),
    ]
    if gather:
        scratch.insert(0, pltpu.VMEM((CHUNK,), jnp.int32))
        scratch.insert(0, pltpu.VMEM((CHUNK,), jnp.float32))

    @functools.partial(
        pl.kernel,
        out_type=jax.ShapeDtypeStruct((NC, n_pad), jnp.float32),
        mesh=_sc_mesh(),
        scratch_types=scratch,
    )
    def seg_kernel(*refs):
        if gather:
            (vals_hbm, src_hbm, dst_hbm, ew_hbm, out_hbm,
             gat_v, src_v, dst_v, ew_v, msg_v, zb_v, acc_sh) = refs
        else:
            (dst_hbm, ew_hbm, out_hbm,
             dst_v, ew_v, msg_v, zb_v, acc_sh) = refs
        c = lax.axis_index("c")
        s = lax.axis_index("s")
        wid = c * NS + s

        _zero_vec_loop(zb_v, zb)
        pltpu.sync_copy(zb_v, acc_sh.at[pl.ds(s * zb, zb)])
        plsc.subcore_barrier()

        def ebody(g, carry):
            off = wid * epw + g * CHUNK
            pltpu.sync_copy(dst_hbm.at[pl.ds(off, CHUNK)], dst_v.at[0])
            pltpu.sync_copy(ew_hbm.at[pl.ds(off, CHUNK)], ew_v)
            if gather:
                pltpu.sync_copy(src_hbm.at[pl.ds(off, CHUNK)], src_v)
                pltpu.sync_copy(vals_hbm.at[src_v], gat_v)
                for j in range(CHUNK // L):
                    sl = pl.ds(j * L, L)
                    msg_v[sl] = ew_v[sl] * gat_v[sl]
                pltpu.sync_copy(msg_v, acc_sh.at[dst_v.at[0]], add=True)
            else:
                pltpu.sync_copy(ew_v, acc_sh.at[dst_v.at[0]], add=True)
            return carry

        lax.fori_loop(0, nch, ebody, 0)
        plsc.subcore_barrier()
        pltpu.sync_copy(acc_sh.at[pl.ds(s * zb, zb)],
                        out_hbm.at[c, pl.ds(s * zb, zb)])

    return seg_kernel


def _make_spmm_kernel(n_r, d, e_pad):
    epw = e_pad // NW
    nch = epw // CHUNK
    rows_per_tile = n_r // NS
    zrows = 64
    ncopies = rows_per_tile // zrows

    @functools.partial(
        pl.kernel,
        out_type=jax.ShapeDtypeStruct((NC, n_r, d), jnp.float32),
        mesh=_sc_mesh(),
        scratch_types=[
            pltpu.VMEM((CHUNK,), jnp.int32),
            pltpu.VMEM((1, CHUNK), jnp.int32),
            pltpu.VMEM((CHUNK,), jnp.float32),
            pltpu.VMEM((CHUNK, d), jnp.float32),
            pltpu.VMEM((zrows, d), jnp.float32),
            pltpu.VMEM_SHARED((n_r, d), jnp.float32),
            pltpu.SemaphoreType.DMA,
        ],
    )
    def spmm_kernel(y_hbm, src_hbm, dst_hbm, ew_hbm, out_hbm,
                    src_v, dst_v, ew_v, rows_v, zb_v, acc_sh, sem):
        c = lax.axis_index("c")
        s = lax.axis_index("s")
        wid = c * NS + s

        z = jnp.zeros((L,), jnp.float32)

        def zbody(i, carry):
            for f in range(d // L):
                zb_v[i, pl.ds(f * L, L)] = z
            return carry

        lax.fori_loop(0, zrows, zbody, 0)
        for r in range(ncopies):
            pltpu.sync_copy(
                zb_v, acc_sh.at[pl.ds(s * rows_per_tile + r * zrows, zrows), :])
        plsc.subcore_barrier()

        def ebody(g, carry):
            off = wid * epw + g * CHUNK
            pltpu.sync_copy(src_hbm.at[pl.ds(off, CHUNK)], src_v)
            pltpu.sync_copy(dst_hbm.at[pl.ds(off, CHUNK)], dst_v.at[0])
            pltpu.sync_copy(ew_hbm.at[pl.ds(off, CHUNK)], ew_v)
            pltpu.async_copy(y_hbm.at[src_v], rows_v, sem).wait()

            def sbody(j, icarry):
                ewv = ew_v[pl.ds(j * L, L)]
                base = j * L
                for lane in range(L):
                    sv = ewv[lane]
                    for f in range(d // L):
                        sl = pl.ds(f * L, L)
                        rows_v[base + lane, sl] = rows_v[base + lane, sl] * sv
                return icarry

            lax.fori_loop(0, CHUNK // L, sbody, 0)
            pltpu.sync_copy(rows_v, acc_sh.at[dst_v.at[0]], add=True)
            return carry

        lax.fori_loop(0, nch, ebody, 0)
        plsc.subcore_barrier()
        pltpu.sync_copy(
            acc_sh.at[pl.ds(s * rows_per_tile, rows_per_tile), :],
            out_hbm.at[c, pl.ds(s * rows_per_tile, rows_per_tile), :])

    return spmm_kernel


def _tc1_body(x_ref, w_ref, dpt_ref, y_ref, dis_ref):
    xw = jnp.dot(x_ref[...], w_ref[...], preferred_element_type=jnp.float32)
    deg = dpt_ref[:, 0] + dpt_ref[:, 1] + 1.0
    dis = jnp.where(deg > 0,
                    lax.rsqrt(jnp.maximum(deg, 1e-12)),
                    0.0)[:, None]
    y_ref[...] = xw * dis
    dis_ref[...] = dis


def _tc2_body(p_ref, y_ref, dis_ref, w2_ref, b1_ref, y2_ref):
    agg = p_ref[0] + p_ref[1] + y_ref[...]
    dis = dis_ref[...]
    h = jnp.maximum(dis * agg + b1_ref[...], 0.0)
    h2 = jnp.dot(h, w2_ref[...], preferred_element_type=jnp.float32)
    y2_ref[...] = dis * h2


def _tc3_body(qt_ref, y2_ref, dis_ref, b2_ref, o_ref):
    agg = (qt_ref[:, 0] + qt_ref[:, 1])[:, None] + y2_ref[...]
    o_ref[...] = dis_ref[...] * agg + b2_ref[0, 0]


def kernel(x, edge_index, edge_weight, W1, b1, W2, b2):
    n, d_in = x.shape
    d_hid = W1.shape[1]
    d_out = W2.shape[1]
    e = edge_weight.shape[0]

    epw = CHUNK * -(-e // (NW * CHUNK))
    e_pad = NW * epw
    src = edge_index[0].astype(jnp.int32)
    dst = edge_index[1].astype(jnp.int32)
    ew = edge_weight.astype(jnp.float32)
    pad = e_pad - e
    if pad:
        src = jnp.concatenate([src, jnp.zeros((pad,), jnp.int32)])
        dst = jnp.concatenate([dst, jnp.zeros((pad,), jnp.int32)])
        ew = jnp.concatenate([ew, jnp.zeros((pad,), jnp.float32)])

    n_pad = NS * L * -(-n // (NS * L))

    rb = 1000
    grid = n // rb

    deg_kernel = _make_scalar_seg_kernel(n_pad, e_pad, gather=False)
    dp = deg_kernel(dst, ew)
    dpt = dp.T[:n]

    y1, dis = pl.pallas_call(
        _tc1_body,
        grid=(grid,),
        in_specs=[
            pl.BlockSpec((rb, d_in), lambda i: (i, 0)),
            pl.BlockSpec((d_in, d_hid), lambda i: (0, 0)),
            pl.BlockSpec((rb, 2), lambda i: (i, 0)),
        ],
        out_specs=[
            pl.BlockSpec((rb, d_hid), lambda i: (i, 0)),
            pl.BlockSpec((rb, 1), lambda i: (i, 0)),
        ],
        out_shape=[
            jax.ShapeDtypeStruct((n, d_hid), jnp.float32),
            jax.ShapeDtypeStruct((n, 1), jnp.float32),
        ],
    )(x, W1, dpt)

    n_r = NS * 8 * -(-n // (NS * 8))
    spmm = _make_spmm_kernel(n_r, d_hid, e_pad)
    p = spmm(y1, src, dst, ew)

    y2 = pl.pallas_call(
        _tc2_body,
        grid=(grid,),
        in_specs=[
            pl.BlockSpec((NC, rb, d_hid), lambda i: (0, i, 0)),
            pl.BlockSpec((rb, d_hid), lambda i: (i, 0)),
            pl.BlockSpec((rb, 1), lambda i: (i, 0)),
            pl.BlockSpec((d_hid, d_out), lambda i: (0, 0)),
            pl.BlockSpec((1, d_hid), lambda i: (0, 0)),
        ],
        out_specs=pl.BlockSpec((rb, d_out), lambda i: (i, 0)),
        out_shape=jax.ShapeDtypeStruct((n, d_out), jnp.float32),
    )(p, y1, dis, W2, b1.reshape(1, d_hid))

    seg = _make_scalar_seg_kernel(n_pad, e_pad, gather=True)
    q = seg(y2.reshape(n), src, dst, ew)
    qt = q.T[:n]

    out = pl.pallas_call(
        _tc3_body,
        grid=(grid,),
        in_specs=[
            pl.BlockSpec((rb, 2), lambda i: (i, 0)),
            pl.BlockSpec((rb, 1), lambda i: (i, 0)),
            pl.BlockSpec((rb, 1), lambda i: (i, 0)),
            pl.BlockSpec((1, 1), lambda i: (0, 0)),
        ],
        out_specs=pl.BlockSpec((rb, 1), lambda i: (i, 0)),
        out_shape=jax.ShapeDtypeStruct((n, d_out), jnp.float32),
    )(qt, y2, dis, b2.reshape(1, 1))

    return out

# --- scband reference (transcript-rebuilt; emitter-appended) ---
"""Pipeline reference for scband-synaptic-gnn-7748121002474 (READ-ONLY COPY).

The authoritative reference and input builder live on the scoring server;
editing this copy changes nothing except your own understanding.
"""

import jax, jax.numpy as jnp
import numpy as np

N = 10000
E = 320000
D_IN = 128
HID = 128
D_OUT = 1


def gcn_conv(x, edge_index, edge_weight, W, b, num_nodes):
    # PyG-style GCNConv: linear transform, add self-loops, symmetric normalization, scatter-add aggregate, add bias
    x = x @ W
    src = edge_index[0]
    dst = edge_index[1]
    loop = jnp.arange(num_nodes, dtype=src.dtype)
    src = jnp.concatenate([src, loop])
    dst = jnp.concatenate([dst, loop])
    ew = jnp.concatenate([edge_weight, jnp.ones((num_nodes,), dtype=x.dtype)])
    deg = jnp.zeros((num_nodes,), dtype=x.dtype).at[dst].add(ew)
    deg_inv_sqrt = jnp.where(deg > 0, jax.lax.rsqrt(jnp.maximum(deg, 1e-12)), 0.0)
    norm = deg_inv_sqrt[src] * ew * deg_inv_sqrt[dst]
    msg = x[src] * norm[:, None]
    out = jnp.zeros((num_nodes, x.shape[1]), dtype=x.dtype).at[dst].add(msg)
    return out + b


def setup_inputs(seed: int = 0) -> dict:
    key = jax.random.key(seed)
    ks = jax.random.split(key, 8)
    x = jax.random.normal(ks[0], (N, D_IN), dtype=jnp.float32)
    edge_index = jax.random.randint(ks[1], (2, E), 0, N)
    edge_weight = jax.random.uniform(ks[2], (E,), dtype=jnp.float32)
    W1 = jax.random.normal(ks[3], (D_IN, HID), dtype=jnp.float32) * (1.0 / np.sqrt(D_IN))
    b1 = jnp.zeros((HID,), dtype=jnp.float32)
    W2 = jax.random.normal(ks[4], (HID, D_OUT), dtype=jnp.float32) * (1.0 / np.sqrt(HID))
    b2 = jnp.zeros((D_OUT,), dtype=jnp.float32)
    return {"x": x, "edge_index": edge_index, "edge_weight": edge_weight, "W1": W1, "b1": b1, "W2": W2, "b2": b2}


def reference(x, edge_index, edge_weight, W1, b1, W2, b2):
    h = gcn_conv(x, edge_index, edge_weight, W1, b1, N)
    h = jax.nn.relu(h)
    out = gcn_conv(h, edge_index, edge_weight, W2, b2, N)
    return out

if __name__ == "__main__":
    import jax
    _d = setup_inputs()
    print(jax.jit(kernel)(*tuple(_d.values())))

</pallas_src>

<mosaic_0001>
#map = affine_map<(d0, d1) -> (0)>
#map1 = affine_map<(d0, d1) -> (0, 0)>
module attributes {stable_mosaic.version = 14 : i64} {
  func.func @seg_kernel(%arg0: i32, %arg1: i32, %arg2: memref<323584xi32, #tpu.memory_space<hbm>>, %arg3: memref<323584xf32, #tpu.memory_space<hbm>>, %arg4: memref<2x10240xf32, #tpu.memory_space<hbm>>, %arg5: memref<1x128xi32, #tpu.memory_space<vmem>>, %arg6: memref<128xf32, #tpu.memory_space<vmem>>, %arg7: memref<128xf32, #tpu.memory_space<vmem>>, %arg8: memref<640xf32, #tpu.memory_space<vmem>>, %arg9: memref<10240xf32, #tpu.memory_space<vmem_shared>>) attributes {dimension_semantics = [#tpu.dimension_semantics<core_parallel>, #tpu.dimension_semantics<subcore_parallel>], iteration_bounds = array<i64: 2, 16>, scalar_prefetch = 0 : i64, scratch_operands = 5 : i64, tpu.core_type = #tpu.core_type<sc_vector_subcore>, window_params = [{transform_indices = #map}, {transform_indices = #map}, {transform_indices = #map1}]} {
    %mul3A = arith.constant 16 : i32
    %mul3A_0 = arith.muli %arg0, %mul3A : i32
    %add3A = arith.addi %mul3A_0, %arg1 : i32
    %broadcast_in_dim3A = arith.constant 0.000000e+00 : f32
    %broadcast_in_dim3A_1 = vector.broadcast %broadcast_in_dim3A : f32 to vector<16xf32>
    %scan3A = arith.constant 0 : i32
    %scan3A_2 = arith.constant 0 : i32
    %scan3A_3 = arith.constant 40 : i32
    %scan3A_4 = arith.addi %scan3A_2, %scan3A_3 : i32
    %scan3A_5 = arith.constant 1 : i32
    scf.for %scan3A_20 = %scan3A_2 to %scan3A_4 step %scan3A_5  : i32 {
      %mul3A_21 = arith.constant 16 : i32
      %mul3A_22 = arith.muli %scan3A_20, %mul3A_21 : i32
      %swap3A = arith.index_cast %mul3A_22 : i32 to index
      %swap3A_23 = tpu.vector_load %arg8[%swap3A] {strides = array<i32>} : memref<640xf32, #tpu.memory_space<vmem>>, vector<16xf32>,
      %swap3A_24 = vector.shape_cast %swap3A_23 : vector<16xf32> to vector<16xf32>
      %swap3A_25 = vector.shape_cast %broadcast_in_dim3A_1 : vector<16xf32> to vector<16xf32>
      tpu.vector_store %arg8[%swap3A], %swap3A_25 {strides = array<i32>} : memref<640xf32, #tpu.memory_space<vmem>>, vector<16xf32>,
    }
    %scan3A_6 = arith.constant 40 : i32
    %mul3A_7 = arith.constant 640 : i32
    %mul3A_8 = arith.muli %arg1, %mul3A_7 : i32
    "tpu.region"() ({
      %run_scoped3A = tpu.sem_alloc : memref<!tpu.dma_semaphore, #tpu.memory_space<semaphore_mem>>
      %dma_start3A = tpu.memref_slice %arg9[%mul3A_8] : memref<10240xf32, #tpu.memory_space<vmem_shared>> -> memref<640xf32, #tpu.memory_space<vmem_shared>>
      %dma_start3A_20 = tpu.memref_slice %arg9[%mul3A_8] : memref<10240xf32, #tpu.memory_space<vmem_shared>> -> memref<640xf32, #tpu.memory_space<vmem_shared>>
      tpu.enqueue_dma source(%arg8 : memref<640xf32, #tpu.memory_space<vmem>>) target(%dma_start3A_20 : memref<640xf32, #tpu.memory_space<vmem_shared>>) target_semaphore(%run_scoped3A : memref<!tpu.dma_semaphore, #tpu.memory_space<semaphore_mem>>)
      %dma_wait3A = tpu.memref_slice %arg9[%mul3A_8] : memref<10240xf32, #tpu.memory_space<vmem_shared>> -> memref<640xf32, #tpu.memory_space<vmem_shared>>
      %dma_wait3A_21 = tpu.memref_slice %arg9[%mul3A_8] : memref<10240xf32, #tpu.memory_space<vmem_shared>> -> memref<640xf32, #tpu.memory_space<vmem_shared>>
      tpu.wait_dma2 semaphore(%run_scoped3A : memref<!tpu.dma_semaphore, #tpu.memory_space<semaphore_mem>>) src(%arg8 : memref<640xf32, #tpu.memory_space<vmem>>) dst(%dma_wait3A_21 : memref<640xf32, #tpu.memory_space<vmem_shared>>)
      tpu.yield
    }) : () -> ()
    %barrier3A = arith.constant 0 : index
    tpu.barrier barrier_id(%barrier3A)
    %scan3A_9 = arith.constant 0 : i32
    %scan3A_10 = arith.constant 0 : i32
    %scan3A_11 = arith.constant 79 : i32
    %scan3A_12 = arith.addi %scan3A_10, %scan3A_11 : i32
    %scan3A_13 = arith.constant 1 : i32
    scf.for %scan3A_20 = %scan3A_10 to %scan3A_12 step %scan3A_13  : i32 {
      %mul3A_21 = arith.constant 10112 : i32
      %mul3A_22 = arith.muli %add3A, %mul3A_21 : i32
      %mul3A_23 = arith.constant 128 : i32
      %mul3A_24 = arith.muli %scan3A_20, %mul3A_23 : i32
      %add3A_25 = arith.addi %mul3A_22, %mul3A_24 : i32
      %run_scoped3A = arith.constant 0 : i32
      "tpu.region"() ({
        %run_scoped3A_27 = tpu.sem_alloc : memref<!tpu.dma_semaphore, #tpu.memory_space<semaphore_mem>>
        %dma_start3A = arith.constant 0 : i32
        %dma_start3A_28 = tpu.memref_slice %arg5[%run_scoped3A, %dma_start3A] : memref<1x128xi32, #tpu.memory_space<vmem>> -> memref<1x128xi32, #tpu.memory_space<vmem>>
        %dma_start3A_29 = tpu.memref_squeeze %dma_start3A_28 : memref<1x128xi32, #tpu.memory_space<vmem>> -> memref<128xi32, #tpu.memory_space<vmem>>
        %dma_start3A_30 = tpu.memref_slice %arg2[%add3A_25] : memref<323584xi32, #tpu.memory_space<hbm>> -> memref<128xi32, #tpu.memory_space<hbm>>
        %dma_start3A_31 = arith.constant 0 : i32
        %dma_start3A_32 = tpu.memref_slice %arg5[%run_scoped3A, %dma_start3A_31] : memref<1x128xi32, #tpu.memory_space<vmem>> -> memref<1x128xi32, #tpu.memory_space<vmem>>
        %dma_start3A_33 = tpu.memref_squeeze %dma_start3A_32 : memref<1x128xi32, #tpu.memory_space<vmem>> -> memref<128xi32, #tpu.memory_space<vmem>>
        %dma_start3A_34 = tpu.memref_slice %arg2[%add3A_25] : memref<323584xi32, #tpu.memory_space<hbm>> -> memref<128xi32, #tpu.memory_space<hbm>>
        tpu.enqueue_dma source(%dma_start3A_34 : memref<128xi32, #tpu.memory_space<hbm>>) target(%dma_start3A_33 : memref<128xi32, #tpu.memory_space<vmem>>) target_semaphore(%run_scoped3A_27 : memref<!tpu.dma_semaphore, #tpu.memory_space<semaphore_mem>>)
        %dma_wait3A = arith.constant 0 : i32
        %dma_wait3A_35 = tpu.memref_slice %arg5[%run_scoped3A, %dma_wait3A] : memref<1x128xi32, #tpu.memory_space<vmem>> -> memref<1x128xi32, #tpu.memory_space<vmem>>
        %dma_wait3A_36 = tpu.memref_squeeze %dma_wait3A_35 : memref<1x128xi32, #tpu.memory_space<vmem>> -> memref<128xi32, #tpu.memory_space<vmem>>
        %dma_wait3A_37 = tpu.memref_slice %arg2[%add3A_25] : memref<323584xi32, #tpu.memory_space<hbm>> -> memref<128xi32, #tpu.memory_space<hbm>>
        %dma_wait3A_38 = arith.constant 0 : i32
        %dma_wait3A_39 = tpu.memref_slice %arg5[%run_scoped3A, %dma_wait3A_38] : memref<1x128xi32, #tpu.memory_space<vmem>> -> memref<1x128xi32, #tpu.memory_space<vmem>>
        %dma_wait3A_40 = tpu.memref_squeeze %dma_wait3A_39 : memref<1x128xi32, #tpu.memory_space<vmem>> -> memref<128xi32, #tpu.memory_space<vmem>>
        %dma_wait3A_41 = tpu.memref_slice %arg2[%add3A_25] : memref<323584xi32, #tpu.memory_space<hbm>> -> memref<128xi32, #tpu.memory_space<hbm>>
        tpu.wait_dma2 semaphore(%run_scoped3A_27 : memref<!tpu.dma_semaphore, #tpu.memory_space<semaphore_mem>>) src(%dma_wait3A_41 : memref<128xi32, #tpu.memory_space<hbm>>) dst(%dma_wait3A_40 : memref<128xi32, #tpu.memory_space<vmem>>)
        tpu.yield
      }) : () -> ()
      "tpu.region"() ({
        %run_scoped3A_27 = tpu.sem_alloc : memref<!tpu.dma_semaphore, #tpu.memory_space<semaphore_mem>>
        %dma_start3A = tpu.memref_slice %arg3[%add3A_25] : memref<323584xf32, #tpu.memory_space<hbm>> -> memref<128xf32, #tpu.memory_space<hbm>>
        %dma_start3A_28 = tpu.memref_slice %arg3[%add3A_25] : memref<323584xf32, #tpu.memory_space<hbm>> -> memref<128xf32, #tpu.memory_space<hbm>>
        tpu.enqueue_dma source(%dma_start3A_28 : memref<128xf32, #tpu.memory_space<hbm>>) target(%arg6 : memref<128xf32, #tpu.memory_space<vmem>>) target_semaphore(%run_scoped3A_27 : memref<!tpu.dma_semaphore, #tpu.memory_space<semaphore_mem>>)
        %dma_wait3A = tpu.memref_slice %arg3[%add3A_25] : memref<323584xf32, #tpu.memory_space<hbm>> -> memref<128xf32, #tpu.memory_space<hbm>>
        %dma_wait3A_29 = tpu.memref_slice %arg3[%add3A_25] : memref<323584xf32, #tpu.memory_space<hbm>> -> memref<128xf32, #tpu.memory_space<hbm>>
        tpu.wait_dma2 semaphore(%run_scoped3A_27 : memref<!tpu.dma_semaphore, #tpu.memory_space<semaphore_mem>>) src(%dma_wait3A_29 : memref<128xf32, #tpu.memory_space<hbm>>) dst(%arg6 : memref<128xf32, #tpu.memory_space<vmem>>)
        tpu.yield
      }) : () -> ()
      %run_scoped3A_26 = arith.constant 0 : i32
      "tpu.region"() ({
        %run_scoped3A_27 = tpu.sem_alloc : memref<!tpu.dma_semaphore, #tpu.memory_space<semaphore_mem>>
        %dma_start3A = arith.constant 0 : i32
        %dma_start3A_28 = tpu.memref_slice %arg5[%run_scoped3A_26, %dma_start3A] : memref<1x128xi32, #tpu.memory_space<vmem>> -> memref<1x128xi32, #tpu.memory_space<vmem>>
        %dma_start3A_29 = tpu.memref_squeeze %dma_start3A_28 : memref<1x128xi32, #tpu.memory_space<vmem>> -> memref<128xi32, #tpu.memory_space<vmem>>
        %dma_start3A_30 = arith.constant 0 : i32
        %dma_start3A_31 = tpu.memref_slice %arg9[%dma_start3A_30] : memref<10240xf32, #tpu.memory_space<vmem_shared>> -> memref<10240xf32, #tpu.memory_space<vmem_shared>>
        tpu.enqueue_indirect_dma source(%arg6 : memref<128xf32, #tpu.memory_space<vmem>>) target(%dma_start3A_31 : memref<10240xf32, #tpu.memory_space<vmem_shared>>) offsets(%dma_start3A_29 : memref<128xi32, #tpu.memory_space<vmem>>) semaphore(%run_scoped3A_27 : memref<!tpu.dma_semaphore, #tpu.memory_space<semaphore_mem>>) {add = true}
        %dma_wait3A = arith.constant 0 : i32
        %dma_wait3A_32 = tpu.memref_slice %arg5[%run_scoped3A_26, %dma_wait3A] : memref<1x128xi32, #tpu.memory_space<vmem>> -> memref<1x128xi32, #tpu.memory_space<vmem>>
        %dma_wait3A_33 = tpu.memref_squeeze %dma_wait3A_32 : memref<1x128xi32, #tpu.memory_space<vmem>> -> memref<128xi32, #tpu.memory_space<vmem>>
        %dma_wait3A_34 = arith.constant 0 : i32
        %dma_wait3A_35 = tpu.memref_slice %arg9[%dma_wait3A_34] : memref<10240xf32, #tpu.memory_space<vmem_shared>> -> memref<10240xf32, #tpu.memory_space<vmem_shared>>
        tpu.wait_indirect_dma semaphore(%run_scoped3A_27 : memref<!tpu.dma_semaphore, #tpu.memory_space<semaphore_mem>>) src(%arg6 : memref<128xf32, #tpu.memory_space<vmem>>) dst(%dma_wait3A_35 : memref<10240xf32, #tpu.memory_space<vmem_shared>>)
        tpu.yield
      }) : () -> ()
    }
    %scan3A_14 = arith.constant 79 : i32
    %barrier3A_15 = arith.constant 0 : index
    tpu.barrier barrier_id(%barrier3A_15)
    %mul3A_16 = arith.constant 640 : i32
    %mul3A_17 = arith.muli %arg1, %mul3A_16 : i32
    %mul3A_18 = arith.constant 640 : i32
    %mul3A_19 = arith.muli %arg1, %mul3A_18 : i32
    "tpu.region"() ({
      %run_scoped3A = tpu.sem_alloc : memref<!tpu.dma_semaphore, #tpu.memory_space<semaphore_mem>>
      %dma_start3A = tpu.memref_slice %arg4[%arg0, %mul3A_19] : memref<2x10240xf32, #tpu.memory_space<hbm>> -> memref<1x640xf32, #tpu.memory_space<hbm>>
      %dma_start3A_20 = tpu.memref_squeeze %dma_start3A : memref<1x640xf32, #tpu.memory_space<hbm>> -> memref<640xf32, #tpu.memory_space<hbm>>
      %dma_start3A_21 = tpu.memref_slice %arg9[%mul3A_17] : memref<10240xf32, #tpu.memory_space<vmem_shared>> -> memref<640xf32, #tpu.memory_space<vmem_shared>>
      tpu.enqueue_dma source(%dma_start3A_21 : memref<640xf32, #tpu.memory_space<vmem_shared>>) target(%dma_start3A_20 : memref<640xf32, #tpu.memory_space<hbm>>) target_semaphore(%run_scoped3A : memref<!tpu.dma_semaphore, #tpu.memory_space<semaphore_mem>>)
      %dma_wait3A = tpu.memref_slice %arg4[%arg0, %mul3A_19] : memref<2x10240xf32, #tpu.memory_space<hbm>> -> memref<1x640xf32, #tpu.memory_space<hbm>>
      %dma_wait3A_22 = tpu.memref_squeeze %dma_wait3A : memref<1x640xf32, #tpu.memory_space<hbm>> -> memref<640xf32, #tpu.memory_space<hbm>>
      %dma_wait3A_23 = tpu.memref_slice %arg9[%mul3A_17] : memref<10240xf32, #tpu.memory_space<vmem_shared>> -> memref<640xf32, #tpu.memory_space<vmem_shared>>
      tpu.wait_dma2 semaphore(%run_scoped3A : memref<!tpu.dma_semaphore, #tpu.memory_space<semaphore_mem>>) src(%dma_wait3A_23 : memref<640xf32, #tpu.memory_space<vmem_shared>>) dst(%dma_wait3A_22 : memref<640xf32, #tpu.memory_space<hbm>>)
      tpu.yield
    }) : () -> ()
    return
  }
}

#map = affine_map<(d0, d1) -> (0, 0)>
#map1 = affine_map<(d0, d1) -> (0)>
#map2 = affine_map<(d0, d1) -> (0, 0, 0)>
module attributes {stable_mosaic.version = 14 : i64} {
  func.func @spmm_kernel(%arg0: i32, %arg1: i32, %arg2: memref<10000x128xf32, #tpu.memory_space<hbm>>, %arg3: memref<323584xi32, #tpu.memory_space<hbm>>, %arg4: memref<323584xi32, #tpu.memory_space<hbm>>, %arg5: memref<323584xf32, #tpu.memory_space<hbm>>, %arg6: memref<2x10112x128xf32, #tpu.memory_space<hbm>>, %arg7: memref<128xi32, #tpu.memory_space<vmem>>, %arg8: memref<1x128xi32, #tpu.memory_space<vmem>>, %arg9: memref<128xf32, #tpu.memory_space<vmem>>, %arg10: memref<128x128xf32, #tpu.memory_space<vmem>>, %arg11: memref<64x128xf32, #tpu.memory_space<vmem>>, %arg12: memref<10112x128xf32, #tpu.memory_space<vmem_shared>>, %arg13: memref<!tpu.dma_semaphore, #tpu.memory_space<semaphore_mem>>) attributes {dimension_semantics = [#tpu.dimension_semantics<core_parallel>, #tpu.dimension_semantics<subcore_parallel>], iteration_bounds = array<i64: 2, 16>, scalar_prefetch = 0 : i64, scratch_operands = 7 : i64, tpu.core_type = #tpu.core_type<sc_vector_subcore>, window_params = [{transform_indices = #map}, {transform_indices = #map1}, {transform_indices = #map1}, {transform_indices = #map1}, {transform_indices = #map2}]} {
    %mul3A = arith.constant 16 : i32
    %mul3A_0 = arith.muli %arg0, %mul3A : i32
    %add3A = arith.addi %mul3A_0, %arg1 : i32
    %broadcast_in_dim3A = arith.constant 0.000000e+00 : f32
    %broadcast_in_dim3A_1 = vector.broadcast %broadcast_in_dim3A : f32 to vector<16xf32>
    %scan3A = arith.constant 0 : i32
    %scan3A_2 = arith.constant 0 : i32
    %scan3A_3 = arith.constant 64 : i32
    %scan3A_4 = arith.addi %scan3A_2, %scan3A_3 : i32
    %scan3A_5 = arith.constant 1 : i32
    scf.for %scan3A_54 = %scan3A_2 to %scan3A_4 step %scan3A_5  : i32 {
      %swap3A = arith.index_cast %scan3A_54 : i32 to index
      %swap3A_55 = arith.constant 0 : index
      %swap3A_56 = tpu.vector_load %arg11[%swap3A, %swap3A_55] {strides = array<i32>} : memref<64x128xf32, #tpu.memory_space<vmem>>, vector<1x16xf32>,
      %swap3A_57 = vector.shape_cast %swap3A_56 : vector<1x16xf32> to vector<16xf32>
      %swap3A_58 = vector.shape_cast %broadcast_in_dim3A_1 : vector<16xf32> to vector<1x16xf32>
      tpu.vector_store %arg11[%swap3A, %swap3A_55], %swap3A_58 {strides = array<i32>} : memref<64x128xf32, #tpu.memory_space<vmem>>, vector<1x16xf32>,
      %swap3A_59 = arith.index_cast %scan3A_54 : i32 to index
      %swap3A_60 = arith.constant 16 : index
      %swap3A_61 = tpu.vector_load %arg11[%swap3A_59, %swap3A_60] {strides = array<i32>} : memref<64x128xf32, #tpu.memory_space<vmem>>, vector<1x16xf32>,
      %swap3A_62 = vector.shape_cast %swap3A_61 : vector<1x16xf32> to vector<16xf32>
      %swap3A_63 = vector.shape_cast %broadcast_in_dim3A_1 : vector<16xf32> to vector<1x16xf32>
      tpu.vector_store %arg11[%swap3A_59, %swap3A_60], %swap3A_63 {strides = array<i32>} : memref<64x128xf32, #tpu.memory_space<vmem>>, vector<1x16xf32>,
      %swap3A_64 = arith.index_cast %scan3A_54 : i32 to index
      %swap3A_65 = arith.constant 32 : index
      %swap3A_66 = tpu.vector_load %arg11[%swap3A_64, %swap3A_65] {strides = array<i32>} : memref<64x128xf32, #tpu.memory_space<vmem>>, vector<1x16xf32>,
      %swap3A_67 = vector.shape_cast %swap3A_66 : vector<1x16xf32> to vector<16xf32>
      %swap3A_68 = vector.shape_cast %broadcast_in_dim3A_1 : vector<16xf32> to vector<1x16xf32>
      tpu.vector_store %arg11[%swap3A_64, %swap3A_65], %swap3A_68 {strides = array<i32>} : memref<64x128xf32, #tpu.memory_space<vmem>>, vector<1x16xf32>,
      %swap3A_69 = arith.index_cast %scan3A_54 : i32 to index
      %swap3A_70 = arith.constant 48 : index
      %swap3A_71 = tpu.vector_load %arg11[%swap3A_69, %swap3A_70] {strides = array<i32>} : memref<64x128xf32, #tpu.memory_space<vmem>>, vector<1x16xf32>,
      %swap3A_72 = vector.shape_cast %swap3A_71 : vector<1x16xf32> to vector<16xf32>
      %swap3A_73 = vector.shape_cast %broadcast_in_dim3A_1 : vector<16xf32> to vector<1x16xf32>
      tpu.vector_store %arg11[%swap3A_69, %swap3A_70], %swap3A_73 {strides = array<i32>} : memref<64x128xf32, #tpu.memory_space<vmem>>, vector<1x16xf32>,
      %swap3A_74 = arith.index_cast %scan3A_54 : i32 to index
      %swap3A_75 = arith.constant 64 : index
      %swap3A_76 = tpu.vector_load %arg11[%swap3A_74, %swap3A_75] {strides = array<i32>} : memref<64x128xf32, #tpu.memory_space<vmem>>, vector<1x16xf32>,
      %swap3A_77 = vector.shape_cast %swap3A_76 : vector<1x16xf32> to vector<16xf32>
      %swap3A_78 = vector.shape_cast %broadcast_in_dim3A_1 : vector<16xf32> to vector<1x16xf32>
      tpu.vector_store %arg11[%swap3A_74, %swap3A_75], %swap3A_78 {strides = array<i32>} : memref<64x128xf32, #tpu.memory_space<vmem>>, vector<1x16xf32>,
      %swap3A_79 = arith.index_cast %scan3A_54 : i32 to index
      %swap3A_80 = arith.constant 80 : index
      %swap3A_81 = tpu.vector_load %arg11[%swap3A_79, %swap3A_80] {strides = array<i32>} : memref<64x128xf32, #tpu.memory_space<vmem>>, vector<1x16xf32>,
      %swap3A_82 = vector.shape_cast %swap3A_81 : vector<1x16xf32> to vector<16xf32>
      %swap3A_83 = vector.shape_cast %broadcast_in_dim3A_1 : vector<16xf32> to vector<1x16xf32>
      tpu.vector_store %arg11[%swap3A_79, %swap3A_80], %swap3A_83 {strides = array<i32>} : memref<64x128xf32, #tpu.memory_space<vmem>>, vector<1x16xf32>,
      %swap3A_84 = arith.index_cast %scan3A_54 : i32 to index
      %swap3A_85 = arith.constant 96 : index
      %swap3A_86 = tpu.vector_load %arg11[%swap3A_84, %swap3A_85] {strides = array<i32>} : memref<64x128xf32, #tpu.memory_space<vmem>>, vector<1x16xf32>,
      %swap3A_87 = vector.shape_cast %swap3A_86 : vector<1x16xf32> to vector<16xf32>
      %swap3A_88 = vector.shape_cast %broadcast_in_dim3A_1 : vector<16xf32> to vector<1x16xf32>
      tpu.vector_store %arg11[%swap3A_84, %swap3A_85], %swap3A_88 {strides = array<i32>} : memref<64x128xf32, #tpu.memory_space<vmem>>, vector<1x16xf32>,
      %swap3A_89 = arith.index_cast %scan3A_54 : i32 to index
      %swap3A_90 = arith.constant 112 : index
      %swap3A_91 = tpu.vector_load %arg11[%swap3A_89, %swap3A_90] {strides = array<i32>} : memref<64x128xf32, #tpu.memory_space<vmem>>, vector<1x16xf32>,
      %swap3A_92 = vector.shape_cast %swap3A_91 : vector<1x16xf32> to vector<16xf32>
      %swap3A_93 = vector.shape_cast %broadcast_in_dim3A_1 : vector<16xf32> to vector<1x16xf32>
      tpu.vector_store %arg11[%swap3A_89, %swap3A_90], %swap3A_93 {strides = array<i32>} : memref<64x128xf32, #tpu.memory_space<vmem>>, vector<1x16xf32>,
    }
    %scan3A_6 = arith.constant 64 : i32
    %mul3A_7 = arith.constant 632 : i32
    %mul3A_8 = arith.muli %arg1, %mul3A_7 : i32
    %add3A_9 = arith.constant 0 : i32
    %add3A_10 = arith.addi %mul3A_8, %add3A_9 : i32
    "tpu.region"() ({
      %run_scoped3A = tpu.sem_alloc : memref<!tpu.dma_semaphore, #tpu.memory_space<semaphore_mem>>
      %dma_start3A = arith.constant 0 : i32
      %dma_start3A_54 = tpu.memref_slice %arg12[%add3A_10, %dma_start3A] : memref<10112x128xf32, #tpu.memory_space<vmem_shared>> -> memref<64x128xf32, #tpu.memory_space<vmem_shared>>
      %dma_start3A_55 = arith.constant 0 : i32
      %dma_start3A_56 = tpu.memref_slice %arg12[%add3A_10, %dma_start3A_55] : memref<10112x128xf32, #tpu.memory_space<vmem_shared>> -> memref<64x128xf32, #tpu.memory_space<vmem_shared>>
      tpu.enqueue_dma source(%arg11 : memref<64x128xf32, #tpu.memory_space<vmem>>) target(%dma_start3A_56 : memref<64x128xf32, #tpu.memory_space<vmem_shared>>) target_semaphore(%run_scoped3A : memref<!tpu.dma_semaphore, #tpu.memory_space<semaphore_mem>>)
      %dma_wait3A = arith.constant 0 : i32
      %dma_wait3A_57 = tpu.memref_slice %arg12[%add3A_10, %dma_wait3A] : memref<10112x128xf32, #tpu.memory_space<vmem_shared>> -> memref<64x128xf32, #tpu.memory_space<vmem_shared>>
      %dma_wait3A_58 = arith.constant 0 : i32
      %dma_wait3A_59 = tpu.memref_slice %arg12[%add3A_10, %dma_wait3A_58] : memref<10112x128xf32, #tpu.memory_space<vmem_shared>> -> memref<64x128xf32, #tpu.memory_space<vmem_shared>>
      tpu.wait_dma2 semaphore(%run_scoped3A : memref<!tpu.dma_semaphore, #tpu.memory_space<semaphore_mem>>) src(%arg11 : memref<64x128xf32, #tpu.memory_space<vmem>>) dst(%dma_wait3A_59 : memref<64x128xf32, #tpu.memory_space<vmem_shared>>)
      tpu.yield
    }) : () -> ()
    %mul3A_11 = arith.constant 632 : i32
    %mul3A_12 = arith.muli %arg1, %mul3A_11 : i32
    %add3A_13 = arith.constant 64 : i32
    %add3A_14 = arith.addi %mul3A_12, %add3A_13 : i32
    "tpu.region"() ({
      %run_scoped3A = tpu.sem_alloc : memref<!tpu.dma_semaphore, #tpu.memory_space<semaphore_mem>>
      %dma_start3A = arith.constant 0 : i32
      %dma_start3A_54 = tpu.memref_slice %arg12[%add3A_14, %dma_start3A] : memref<10112x128xf32, #tpu.memory_space<vmem_shared>> -> memref<64x128xf32, #tpu.memory_space<vmem_shared>>
      %dma_start3A_55 = arith.constant 0 : i32
      %dma_start3A_56 = tpu.memref_slice %arg12[%add3A_14, %dma_start3A_55] : memref<10112x128xf32, #tpu.memory_space<vmem_shared>> -> memref<64x128xf32, #tpu.memory_space<vmem_shared>>
      tpu.enqueue_dma source(%arg11 : memref<64x128xf32, #tpu.memory_space<vmem>>) target(%dma_start3A_56 : memref<64x128xf32, #tpu.memory_space<vmem_shared>>) target_semaphore(%run_scoped3A : memref<!tpu.dma_semaphore, #tpu.memory_space<semaphore_mem>>)
      %dma_wait3A = arith.constant 0 : i32
      %dma_wait3A_57 = tpu.memref_slice %arg12[%add3A_14, %dma_wait3A] : memref<10112x128xf32, #tpu.memory_space<vmem_shared>> -> memref<64x128xf32, #tpu.memory_space<vmem_shared>>
      %dma_wait3A_58 = arith.constant 0 : i32
      %dma_wait3A_59 = tpu.memref_slice %arg12[%add3A_14, %dma_wait3A_58] : memref<10112x128xf32, #tpu.memory_space<vmem_shared>> -> memref<64x128xf32, #tpu.memory_space<vmem_shared>>
      tpu.wait_dma2 semaphore(%run_scoped3A : memref<!tpu.dma_semaphore, #tpu.memory_space<semaphore_mem>>) src(%arg11 : memref<64x128xf32, #tpu.memory_space<vmem>>) dst(%dma_wait3A_59 : memref<64x128xf32, #tpu.memory_space<vmem_shared>>)
      tpu.yield
    }) : () -> ()
    %mul3A_15 = arith.constant 632 : i32
    %mul3A_16 = arith.muli %arg1, %mul3A_15 : i32
    %add3A_17 = arith.constant 128 : i32
    %add3A_18 = arith.addi %mul3A_16, %add3A_17 : i32
    "tpu.region"() ({
      %run_scoped3A = tpu.sem_alloc : memref<!tpu.dma_semaphore, #tpu.memory_space<semaphore_mem>>
      %dma_start3A = arith.constant 0 : i32
      %dma_start3A_54 = tpu.memref_slice %arg12[%add3A_18, %dma_start3A] : memref<10112x128xf32, #tpu.memory_space<vmem_shared>> -> memref<64x128xf32, #tpu.memory_space<vmem_shared>>
      %dma_start3A_55 = arith.constant 0 : i32
      %dma_start3A_56 = tpu.memref_slice %arg12[%add3A_18, %dma_start3A_55] : memref<10112x128xf32, #tpu.memory_space<vmem_shared>> -> memref<64x128xf32, #tpu.memory_space<vmem_shared>>
      tpu.enqueue_dma source(%arg11 : memref<64x128xf32, #tpu.memory_space<vmem>>) target(%dma_start3A_56 : memref<64x128xf32, #tpu.memory_space<vmem_shared>>) target_semaphore(%run_scoped3A : memref<!tpu.dma_semaphore, #tpu.memory_space<semaphore_mem>>)
      %dma_wait3A = arith.constant 0 : i32
      %dma_wait3A_57 = tpu.memref_slice %arg12[%add3A_18, %dma_wait3A] : memref<10112x128xf32, #tpu.memory_space<vmem_shared>> -> memref<64x128xf32, #tpu.memory_space<vmem_shared>>
      %dma_wait3A_58 = arith.constant 0 : i32
      %dma_wait3A_59 = tpu.memref_slice %arg12[%add3A_18, %dma_wait3A_58] : memref<10112x128xf32, #tpu.memory_space<vmem_shared>> -> memref<64x128xf32, #tpu.memory_space<vmem_shared>>
      tpu.wait_dma2 semaphore(%run_scoped3A : memref<!tpu.dma_semaphore, #tpu.memory_space<semaphore_mem>>) src(%arg11 : memref<64x128xf32, #tpu.memory_space<vmem>>) dst(%dma_wait3A_59 : memref<64x128xf32, #tpu.memory_space<vmem_shared>>)
      tpu.yield
    }) : () -> ()
    %mul3A_19 = arith.constant 632 : i32
    %mul3A_20 = arith.muli %arg1, %mul3A_19 : i32
    %add3A_21 = arith.constant 192 : i32
    %add3A_22 = arith.addi %mul3A_20, %add3A_21 : i32
    "tpu.region"() ({
      %run_scoped3A = tpu.sem_alloc : memref<!tpu.dma_semaphore, #tpu.memory_space<semaphore_mem>>
      %dma_start3A = arith.constant 0 : i32
      %dma_start3A_54 = tpu.memref_slice %arg12[%add3A_22, %dma_start3A] : memref<10112x128xf32, #tpu.memory_space<vmem_shared>> -> memref<64x128xf32, #tpu.memory_space<vmem_shared>>
      %dma_start3A_55 = arith.constant 0 : i32
      %dma_start3A_56 = tpu.memref_slice %arg12[%add3A_22, %dma_start3A_55] : memref<10112x128xf32, #tpu.memory_space<vmem_shared>> -> memref<64x128xf32, #tpu.memory_space<vmem_shared>>
      tpu.enqueue_dma source(%arg11 : memref<64x128xf32, #tpu.memory_space<vmem>>) target(%dma_start3A_56 : memref<64x128xf32, #tpu.memory_space<vmem_shared>>) target_semaphore(%run_scoped3A : memref<!tpu.dma_semaphore, #tpu.memory_space<semaphore_mem>>)
      %dma_wait3A = arith.constant 0 : i32
      %dma_wait3A_57 = tpu.memref_slice %arg12[%add3A_22, %dma_wait3A] : memref<10112x128xf32, #tpu.memory_space<vmem_shared>> -> memref<64x128xf32, #tpu.memory_space<vmem_shared>>
      %dma_wait3A_58 = arith.constant 0 : i32
      %dma_wait3A_59 = tpu.memref_slice %arg12[%add3A_22, %dma_wait3A_58] : memref<10112x128xf32, #tpu.memory_space<vmem_shared>> -> memref<64x128xf32, #tpu.memory_space<vmem_shared>>
      tpu.wait_dma2 semaphore(%run_scoped3A : memref<!tpu.dma_semaphore, #tpu.memory_space<semaphore_mem>>) src(%arg11 : memref<64x128xf32, #tpu.memory_space<vmem>>) dst(%dma_wait3A_59 : memref<64x128xf32, #tpu.memory_space<vmem_shared>>)
      tpu.yield
    }) : () -> ()
    %mul3A_23 = arith.constant 632 : i32
    %mul3A_24 = arith.muli %arg1, %mul3A_23 : i32
    %add3A_25 = arith.constant 256 : i32
    %add3A_26 = arith.addi %mul3A_24, %add3A_25 : i32
    "tpu.region"() ({
      %run_scoped3A = tpu.sem_alloc : memref<!tpu.dma_semaphore, #tpu.memory_space<semaphore_mem>>
      %dma_start3A = arith.constant 0 : i32
      %dma_start3A_54 = tpu.memref_slice %arg12[%add3A_26, %dma_start3A] : memref<10112x128xf32, #tpu.memory_space<vmem_shared>> -> memref<64x128xf32, #tpu.memory_space<vmem_shared>>
      %dma_start3A_55 = arith.constant 0 : i32
      %dma_start3A_56 = tpu.memref_slice %arg12[%add3A_26, %dma_start3A_55] : memref<10112x128xf32, #tpu.memory_space<vmem_shared>> -> memref<64x128xf32, #tpu.memory_space<vmem_shared>>
      tpu.enqueue_dma source(%arg11 : memref<64x128xf32, #tpu.memory_space<vmem>>) target(%dma_start3A_56 : memref<64x128xf32, #tpu.memory_space<vmem_shared>>) target_semaphore(%run_scoped3A : memref<!tpu.dma_semaphore, #tpu.memory_space<semaphore_mem>>)
      %dma_wait3A = arith.constant 0 : i32
      %dma_wait3A_57 = tpu.memref_slice %arg12[%add3A_26, %dma_wait3A] : memref<10112x128xf32, #tpu.memory_space<vmem_shared>> -> memref<64x128xf32, #tpu.memory_space<vmem_shared>>
      %dma_wait3A_58 = arith.constant 0 : i32
      %dma_wait3A_59 = tpu.memref_slice %arg12[%add3A_26, %dma_wait3A_58] : memref<10112x128xf32, #tpu.memory_space<vmem_shared>> -> memref<64x128xf32, #tpu.memory_space<vmem_shared>>
      tpu.wait_dma2 semaphore(%run_scoped3A : memref<!tpu.dma_semaphore, #tpu.memory_space<semaphore_mem>>) src(%arg11 : memref<64x128xf32, #tpu.memory_space<vmem>>) dst(%dma_wait3A_59 : memref<64x128xf32, #tpu.memory_space<vmem_shared>>)
      tpu.yield
    }) : () -> ()
    %mul3A_27 = arith.constant 632 : i32
    %mul3A_28 = arith.muli %arg1, %mul3A_27 : i32
    %add3A_29 = arith.constant 320 : i32
    %add3A_30 = arith.addi %mul3A_28, %add3A_29 : i32
    "tpu.region"() ({
      %run_scoped3A = tpu.sem_alloc : memref<!tpu.dma_semaphore, #tpu.memory_space<semaphore_mem>>
      %dma_start3A = arith.constant 0 : i32
      %dma_start3A_54 = tpu.memref_slice %arg12[%add3A_30, %dma_start3A] : memref<10112x128xf32, #tpu.memory_space<vmem_shared>> -> memref<64x128xf32, #tpu.memory_space<vmem_shared>>
      %dma_start3A_55 = arith.constant 0 : i32
      %dma_start3A_56 = tpu.memref_slice %arg12[%add3A_30, %dma_start3A_55] : memref<10112x128xf32, #tpu.memory_space<vmem_shared>> -> memref<64x128xf32, #tpu.memory_space<vmem_shared>>
      tpu.enqueue_dma source(%arg11 : memref<64x128xf32, #tpu.memory_space<vmem>>) target(%dma_start3A_56 : memref<64x128xf32, #tpu.memory_space<vmem_shared>>) target_semaphore(%run_scoped3A : memref<!tpu.dma_semaphore, #tpu.memory_space<semaphore_mem>>)
      %dma_wait3A = arith.constant 0 : i32
      %dma_wait3A_57 = tpu.memref_slice %arg12[%add3A_30, %dma_wait3A] : memref<10112x128xf32, #tpu.memory_space<vmem_shared>> -> memref<64x128xf32, #tpu.memory_space<vmem_shared>>
      %dma_wait3A_58 = arith.constant 0 : i32
      %dma_wait3A_59 = tpu.memref_slice %arg12[%add3A_30, %dma_wait3A_58] : memref<10112x128xf32, #tpu.memory_space<vmem_shared>> -> memref<64x128xf32, #tpu.memory_space<vmem_shared>>
      tpu.wait_dma2 semaphore(%run_scoped3A : memref<!tpu.dma_semaphore, #tpu.memory_space<semaphore_mem>>) src(%arg11 : memref<64x128xf32, #tpu.memory_space<vmem>>) dst(%dma_wait3A_59 : memref<64x128xf32, #tpu.memory_space<vmem_shared>>)
      tpu.yield
    }) : () -> ()
    %mul3A_31 = arith.constant 632 : i32
    %mul3A_32 = arith.muli %arg1, %mul3A_31 : i32
    %add3A_33 = arith.constant 384 : i32
    %add3A_34 = arith.addi %mul3A_32, %add3A_33 : i32
    "tpu.region"() ({
      %run_scoped3A = tpu.sem_alloc : memref<!tpu.dma_semaphore, #tpu.memory_space<semaphore_mem>>
      %dma_start3A = arith.constant 0 : i32
      %dma_start3A_54 = tpu.memref_slice %arg12[%add3A_34, %dma_start3A] : memref<10112x128xf32, #tpu.memory_space<vmem_shared>> -> memref<64x128xf32, #tpu.memory_space<vmem_shared>>
      %dma_start3A_55 = arith.constant 0 : i32
      %dma_start3A_56 = tpu.memref_slice %arg12[%add3A_34, %dma_start3A_55] : memref<10112x128xf32, #tpu.memory_space<vmem_shared>> -> memref<64x128xf32, #tpu.memory_space<vmem_shared>>
      tpu.enqueue_dma source(%arg11 : memref<64x128xf32, #tpu.memory_space<vmem>>) target(%dma_start3A_56 : memref<64x128xf32, #tpu.memory_space<vmem_shared>>) target_semaphore(%run_scoped3A : memref<!tpu.dma_semaphore, #tpu.memory_space<semaphore_mem>>)
      %dma_wait3A = arith.constant 0 : i32
      %dma_wait3A_57 = tpu.memref_slice %arg12[%add3A_34, %dma_wait3A] : memref<10112x128xf32, #tpu.memory_space<vmem_shared>> -> memref<64x128xf32, #tpu.memory_space<vmem_shared>>
      %dma_wait3A_58 = arith.constant 0 : i32
      %dma_wait3A_59 = tpu.memref_slice %arg12[%add3A_34, %dma_wait3A_58] : memref<10112x128xf32, #tpu.memory_space<vmem_shared>> -> memref<64x128xf32, #tpu.memory_space<vmem_shared>>
      tpu.wait_dma2 semaphore(%run_scoped3A : memref<!tpu.dma_semaphore, #tpu.memory_space<semaphore_mem>>) src(%arg11 : memref<64x128xf32, #tpu.memory_space<vmem>>) dst(%dma_wait3A_59 : memref<64x128xf32, #tpu.memory_space<vmem_shared>>)
      tpu.yield
    }) : () -> ()
    %mul3A_35 = arith.constant 632 : i32
    %mul3A_36 = arith.muli %arg1, %mul3A_35 : i32
    %add3A_37 = arith.constant 448 : i32
    %add3A_38 = arith.addi %mul3A_36, %add3A_37 : i32
    "tpu.region"() ({
      %run_scoped3A = tpu.sem_alloc : memref<!tpu.dma_semaphore, #tpu.memory_space<semaphore_mem>>
      %dma_start3A = arith.constant 0 : i32
      %dma_start3A_54 = tpu.memref_slice %arg12[%add3A_38, %dma_start3A] : memref<10112x128xf32, #tpu.memory_space<vmem_shared>> -> memref<64x128xf32, #tpu.memory_space<vmem_shared>>
      %dma_start3A_55 = arith.constant 0 : i32
      %dma_start3A_56 = tpu.memref_slice %arg12[%add3A_38, %dma_start3A_55] : memref<10112x128xf32, #tpu.memory_space<vmem_shared>> -> memref<64x128xf32, #tpu.memory_space<vmem_shared>>
      tpu.enqueue_dma source(%arg11 : memref<64x128xf32, #tpu.memory_space<vmem>>) target(%dma_start3A_56 : memref<64x128xf32, #tpu.memory_space<vmem_shared>>) target_semaphore(%run_scoped3A : memref<!tpu.dma_semaphore, #tpu.memory_space<semaphore_mem>>)
      %dma_wait3A = arith.constant 0 : i32
      %dma_wait3A_57 = tpu.memref_slice %arg12[%add3A_38, %dma_wait3A] : memref<10112x128xf32, #tpu.memory_space<vmem_shared>> -> memref<64x128xf32, #tpu.memory_space<vmem_shared>>
      %dma_wait3A_58 = arith.constant 0 : i32
      %dma_wait3A_59 = tpu.memref_slice %arg12[%add3A_38, %dma_wait3A_58] : memref<10112x128xf32, #tpu.memory_space<vmem_shared>> -> memref<64x128xf32, #tpu.memory_space<vmem_shared>>
      tpu.wait_dma2 semaphore(%run_scoped3A : memref<!tpu.dma_semaphore, #tpu.memory_space<semaphore_mem>>) src(%arg11 : memref<64x128xf32, #tpu.memory_space<vmem>>) dst(%dma_wait3A_59 : memref<64x128xf32, #tpu.memory_space<vmem_shared>>)
      tpu.yield
    }) : () -> ()
    %mul3A_39 = arith.constant 632 : i32
    %mul3A_40 = arith.muli %arg1, %mul3A_39 : i32
    %add3A_41 = arith.constant 512 : i32
    %add3A_42 = arith.addi %mul3A_40, %add3A_41 : i32
    "tpu.region"() ({
      %run_scoped3A = tpu.sem_alloc : memref<!tpu.dma_semaphore, #tpu.memory_space<semaphore_mem>>
      %dma_start3A = arith.constant 0 : i32
      %dma_start3A_54 = tpu.memref_slice %arg12[%add3A_42, %dma_start3A] : memref<10112x128xf32, #tpu.memory_space<vmem_shared>> -> memref<64x128xf32, #tpu.memory_space<vmem_shared>>
      %dma_start3A_55 = arith.constant 0 : i32
      %dma_start3A_56 = tpu.memref_slice %arg12[%add3A_42, %dma_start3A_55] : memref<10112x128xf32, #tpu.memory_space<vmem_shared>> -> memref<64x128xf32, #tpu.memory_space<vmem_shared>>
      tpu.enqueue_dma source(%arg11 : memref<64x128xf32, #tpu.memory_space<vmem>>) target(%dma_start3A_56 : memref<64x128xf32, #tpu.memory_space<vmem_shared>>) target_semaphore(%run_scoped3A : memref<!tpu.dma_semaphore, #tpu.memory_space<semaphore_mem>>)
      %dma_wait3A = arith.constant 0 : i32
      %dma_wait3A_57 = tpu.memref_slice %arg12[%add3A_42, %dma_wait3A] : memref<10112x128xf32, #tpu.memory_space<vmem_shared>> -> memref<64x128xf32, #tpu.memory_space<vmem_shared>>
      %dma_wait3A_58 = arith.constant 0 : i32
      %dma_wait3A_59 = tpu.memref_slice %arg12[%add3A_42, %dma_wait3A_58] : memref<10112x128xf32, #tpu.memory_space<vmem_shared>> -> memref<64x128xf32, #tpu.memory_space<vmem_shared>>
      tpu.wait_dma2 semaphore(%run_scoped3A : memref<!tpu.dma_semaphore, #tpu.memory_space<semaphore_mem>>) src(%arg11 : memref<64x128xf32, #tpu.memory_space<vmem>>) dst(%dma_wait3A_59 : memref<64x128xf32, #tpu.memory_space<vmem_shared>>)
      tpu.yield
    }) : () -> ()
    %barrier3A = arith.constant 0 : index
    tpu.barrier barrier_id(%barrier3A)
    %scan3A_43 = arith.constant 0 : i32
    %scan3A_44 = arith.constant 0 : i32
    %scan3A_45 = arith.constant 79 : i32
    %scan3A_46 = arith.addi %scan3A_44, %scan3A_45 : i32
    %scan3A_47 = arith.constant 1 : i32
    scf.for %scan3A_54 = %scan3A_44 to %scan3A_46 step %scan3A_47  : i32 {
      %mul3A_55 = arith.constant 10112 : i32
      %mul3A_56 = arith.muli %add3A, %mul3A_55 : i32
      %mul3A_57 = arith.constant 128 : i32
      %mul3A_58 = arith.muli %scan3A_54, %mul3A_57 : i32
      %add3A_59 = arith.addi %mul3A_56, %mul3A_58 : i32
      "tpu.region"() ({
        %run_scoped3A_71 = tpu.sem_alloc : memref<!tpu.dma_semaphore, #tpu.memory_space<semaphore_mem>>
        %dma_start3A_72 = tpu.memref_slice %arg3[%add3A_59] : memref<323584xi32, #tpu.memory_space<hbm>> -> memref<128xi32, #tpu.memory_space<hbm>>
        %dma_start3A_73 = tpu.memref_slice %arg3[%add3A_59] : memref<323584xi32, #tpu.memory_space<hbm>> -> memref<128xi32, #tpu.memory_space<hbm>>
        tpu.enqueue_dma source(%dma_start3A_73 : memref<128xi32, #tpu.memory_space<hbm>>) target(%arg7 : memref<128xi32, #tpu.memory_space<vmem>>) target_semaphore(%run_scoped3A_71 : memref<!tpu.dma_semaphore, #tpu.memory_space<semaphore_mem>>)
        %dma_wait3A_74 = tpu.memref_slice %arg3[%add3A_59] : memref<323584xi32, #tpu.memory_space<hbm>> -> memref<128xi32, #tpu.memory_space<hbm>>
        %dma_wait3A_75 = tpu.memref_slice %arg3[%add3A_59] : memref<323584xi32, #tpu.memory_space<hbm>> -> memref<128xi32, #tpu.memory_space<hbm>>
        tpu.wait_dma2 semaphore(%run_scoped3A_71 : memref<!tpu.dma_semaphore, #tpu.memory_space<semaphore_mem>>) src(%dma_wait3A_75 : memref<128xi32, #tpu.memory_space<hbm>>) dst(%arg7 : memref<128xi32, #tpu.memory_space<vmem>>)
        tpu.yield
      }) : () -> ()
      %run_scoped3A = arith.constant 0 : i32
      "tpu.region"() ({
        %run_scoped3A_71 = tpu.sem_alloc : memref<!tpu.dma_semaphore, #tpu.memory_space<semaphore_mem>>
        %dma_start3A_72 = arith.constant 0 : i32
        %dma_start3A_73 = tpu.memref_slice %arg8[%run_scoped3A, %dma_start3A_72] : memref<1x128xi32, #tpu.memory_space<vmem>> -> memref<1x128xi32, #tpu.memory_space<vmem>>
        %dma_start3A_74 = tpu.memref_squeeze %dma_start3A_73 : memref<1x128xi32, #tpu.memory_space<vmem>> -> memref<128xi32, #tpu.memory_space<vmem>>
        %dma_start3A_75 = tpu.memref_slice %arg4[%add3A_59] : memref<323584xi32, #tpu.memory_space<hbm>> -> memref<128xi32, #tpu.memory_space<hbm>>
        %dma_start3A_76 = arith.constant 0 : i32
        %dma_start3A_77 = tpu.memref_slice %arg8[%run_scoped3A, %dma_start3A_76] : memref<1x128xi32, #tpu.memory_space<vmem>> -> memref<1x128xi32, #tpu.memory_space<vmem>>
        %dma_start3A_78 = tpu.memref_squeeze %dma_start3A_77 : memref<1x128xi32, #tpu.memory_space<vmem>> -> memref<128xi32, #tpu.memory_space<vmem>>
        %dma_start3A_79 = tpu.memref_slice %arg4[%add3A_59] : memref<323584xi32, #tpu.memory_space<hbm>> -> memref<128xi32, #tpu.memory_space<hbm>>
        tpu.enqueue_dma source(%dma_start3A_79 : memref<128xi32, #tpu.memory_space<hbm>>) target(%dma_start3A_78 : memref<128xi32, #tpu.memory_space<vmem>>) target_semaphore(%run_scoped3A_71 : memref<!tpu.dma_semaphore, #tpu.memory_space<semaphore_mem>>)
        %dma_wait3A_80 = arith.constant 0 : i32
        %dma_wait3A_81 = tpu.memref_slice %arg8[%run_scoped3A, %dma_wait3A_80] : memref<1x128xi32, #tpu.memory_space<vmem>> -> memref<1x128xi32, #tpu.memory_space<vmem>>
        %dma_wait3A_82 = tpu.memref_squeeze %dma_wait3A_81 : memref<1x128xi32, #tpu.memory_space<vmem>> -> memref<128xi32, #tpu.memory_space<vmem>>
        %dma_wait3A_83 = tpu.memref_slice %arg4[%add3A_59] : memref<323584xi32, #tpu.memory_space<hbm>> -> memref<128xi32, #tpu.memory_space<hbm>>
        %dma_wait3A_84 = arith.constant 0 : i32
        %dma_wait3A_85 = tpu.memref_slice %arg8[%run_scoped3A, %dma_wait3A_84] : memref<1x128xi32, #tpu.memory_space<vmem>> -> memref<1x128xi32, #tpu.memory_space<vmem>>
        %dma_wait3A_86 = tpu.memref_squeeze %dma_wait3A_85 : memref<1x128xi32, #tpu.memory_space<vmem>> -> memref<128xi32, #tpu.memory_space<vmem>>
        %dma_wait3A_87 = tpu.memref_slice %arg4[%add3A_59] : memref<323584xi32, #tpu.memory_space<hbm>> -> memref<128xi32, #tpu.memory_space<hbm>>
        tpu.wait_dma2 semaphore(%run_scoped3A_71 : memref<!tpu.dma_semaphore, #tpu.memory_space<semaphore_mem>>) src(%dma_wait3A_87 : memref<128xi32, #tpu.memory_space<hbm>>) dst(%dma_wait3A_86 : memref<128xi32, #tpu.memory_space<vmem>>)
        tpu.yield
      }) : () -> ()
      "tpu.region"() ({
        %run_scoped3A_71 = tpu.sem_alloc : memref<!tpu.dma_semaphore, #tpu.memory_space<semaphore_mem>>
        %dma_start3A_72 = tpu.memref_slice %arg5[%add3A_59] : memref<323584xf32, #tpu.memory_space<hbm>> -> memref<128xf32, #tpu.memory_space<hbm>>
        %dma_start3A_73 = tpu.memref_slice %arg5[%add3A_59] : memref<323584xf32, #tpu.memory_space<hbm>> -> memref<128xf32, #tpu.memory_space<hbm>>
        tpu.enqueue_dma source(%dma_start3A_73 : memref<128xf32, #tpu.memory_space<hbm>>) target(%arg9 : memref<128xf32, #tpu.memory_space<vmem>>) target_semaphore(%run_scoped3A_71 : memref<!tpu.dma_semaphore, #tpu.memory_space<semaphore_mem>>)
        %dma_wait3A_74 = tpu.memref_slice %arg5[%add3A_59] : memref<323584xf32, #tpu.memory_space<hbm>> -> memref<128xf32, #tpu.memory_space<hbm>>
        %dma_wait3A_75 = tpu.memref_slice %arg5[%add3A_59] : memref<323584xf32, #tpu.memory_space<hbm>> -> memref<128xf32, #tpu.memory_space<hbm>>
        tpu.wait_dma2 semaphore(%run_scoped3A_71 : memref<!tpu.dma_semaphore, #tpu.memory_space<semaphore_mem>>) src(%dma_wait3A_75 : memref<128xf32, #tpu.memory_space<hbm>>) dst(%arg9 : memref<128xf32, #tpu.memory_space<vmem>>)
        tpu.yield
      }) : () -> ()
      %dma_start3A = arith.constant 0 : i32
      %dma_start3A_60 = arith.constant 0 : i32
      %dma_start3A_61 = tpu.memref_slice %arg2[%dma_start3A, %dma_start3A_60] : memref<10000x128xf32, #tpu.memory_space<hbm>> -> memref<10000x128xf32, #tpu.memory_space<hbm>>
      tpu.enqueue_indirect_dma source(%dma_start3A_61 : memref<10000x128xf32, #tpu.memory_space<hbm>>) target(%arg10 : memref<128x128xf32, #tpu.memory_space<vmem>>) offsets(%arg7 : memref<128xi32, #tpu.memory_space<vmem>>) semaphore(%arg13 : memref<!tpu.dma_semaphore, #tpu.memory_space<semaphore_mem>>)
      %dma_wait3A = arith.constant 0 : i32
      %dma_wait3A_62 = arith.constant 0 : i32
      %dma_wait3A_63 = tpu.memref_slice %arg2[%dma_wait3A, %dma_wait3A_62] : memref<10000x128xf32, #tpu.memory_space<hbm>> -> memref<10000x128xf32, #tpu.memory_space<hbm>>
      tpu.wait_indirect_dma semaphore(%arg13 : memref<!tpu.dma_semaphore, #tpu.memory_space<semaphore_mem>>) src(%dma_wait3A_63 : memref<10000x128xf32, #tpu.memory_space<hbm>>) dst(%arg10 : memref<128x128xf32, #tpu.memory_space<vmem>>)
      %scan3A_64 = arith.constant 0 : i32
      %scan3A_65 = arith.constant 0 : i32
      %scan3A_66 = arith.constant 8 : i32
      %scan3A_67 = arith.addi %scan3A_65, %scan3A_66 : i32
      %scan3A_68 = arith.constant 1 : i32
      scf.for %scan3A_71 = %scan3A_65 to %scan3A_67 step %scan3A_68  : i32 {
        %mul3A_72 = arith.constant 16 : i32
        %mul3A_73 = arith.muli %scan3A_71, %mul3A_72 : i32
        %get3A = arith.index_cast %mul3A_73 : i32 to index
        %get3A_74 = tpu.vector_load %arg9[%get3A] {strides = array<i32>} : memref<128xf32, #tpu.memory_space<vmem>>, vector<16xf32>,
        %get3A_75 = vector.shape_cast %get3A_74 : vector<16xf32> to vector<16xf32>
        %mul3A_76 = arith.constant 16 : i32
        %mul3A_77 = arith.muli %scan3A_71, %mul3A_76 : i32
        %slice3A = vector.extract_strided_slice %get3A_75 {offsets = [0], sizes = [1], strides = [1]} : vector<16xf32> to vector<1xf32>
        %squeeze3A = vector.extract %slice3A[0] : f32 from vector<1xf32>
        %add3A_78 = arith.constant 0 : i32
        %add3A_79 = arith.addi %mul3A_77, %add3A_78 : i32
        %get3A_80 = arith.index_cast %add3A_79 : i32 to index
        %get3A_81 = arith.constant 0 : index
        %get3A_82 = tpu.vector_load %arg10[%get3A_80, %get3A_81] {strides = array<i32>} : memref<128x128xf32, #tpu.memory_space<vmem>>, vector<1x16xf32>,
        %get3A_83 = vector.shape_cast %get3A_82 : vector<1x16xf32> to vector<16xf32>
        %mul3A_84 = vector.broadcast %squeeze3A : f32 to vector<16xf32>
        %mul3A_85 = arith.mulf %get3A_83, %mul3A_84 : vector<16xf32>
        %add3A_86 = arith.constant 0 : i32
        %add3A_87 = arith.addi %mul3A_77, %add3A_86 : i32
        %swap3A = arith.index_cast %add3A_87 : i32 to index
        %swap3A_88 = arith.constant 0 : index
        %swap3A_89 = tpu.vector_load %arg10[%swap3A, %swap3A_88] {strides = array<i32>} : memref<128x128xf32, #tpu.memory_space<vmem>>, vector<1x16xf32>,
        %swap3A_90 = vector.shape_cast %swap3A_89 : vector<1x16xf32> to vector<16xf32>
        %swap3A_91 = vector.shape_cast %mul3A_85 : vector<16xf32> to vector<1x16xf32>
        tpu.vector_store %arg10[%swap3A, %swap3A_88], %swap3A_91 {strides = array<i32>} : memref<128x128xf32, #tpu.memory_space<vmem>>, vector<1x16xf32>,
        %add3A_92 = arith.constant 0 : i32
        %add3A_93 = arith.addi %mul3A_77, %add3A_92 : i32
        %get3A_94 = arith.index_cast %add3A_93 : i32 to index
        %get3A_95 = arith.constant 16 : index
        %get3A_96 = tpu.vector_load %arg10[%get3A_94, %get3A_95] {strides = array<i32>} : memref<128x128xf32, #tpu.memory_space<vmem>>, vector<1x16xf32>,
        %get3A_97 = vector.shape_cast %get3A_96 : vector<1x16xf32> to vector<16xf32>
        %mul3A_98 = vector.broadcast %squeeze3A : f32 to vector<16xf32>
        %mul3A_99 = arith.mulf %get3A_97, %mul3A_98 : vector<16xf32>
        %add3A_100 = arith.constant 0 : i32
        %add3A_101 = arith.addi %mul3A_77, %add3A_100 : i32
        %swap3A_102 = arith.index_cast %add3A_101 : i32 to index
        %swap3A_103 = arith.constant 16 : index
        %swap3A_104 = tpu.vector_load %arg10[%swap3A_102, %swap3A_103] {strides = array<i32>} : memref<128x128xf32, #tpu.memory_space<vmem>>, vector<1x16xf32>,
        %swap3A_105 = vector.shape_cast %swap3A_104 : vector<1x16xf32> to vector<16xf32>
        %swap3A_106 = vector.shape_cast %mul3A_99 : vector<16xf32> to vector<1x16xf32>
        tpu.vector_store %arg10[%swap3A_102, %swap3A_103], %swap3A_106 {strides = array<i32>} : memref<128x128xf32, #tpu.memory_space<vmem>>, vector<1x16xf32>,
        %add3A_107 = arith.constant 0 : i32
        %add3A_108 = arith.addi %mul3A_77, %add3A_107 : i32
        %get3A_109 = arith.index_cast %add3A_108 : i32 to index
        %get3A_110 = arith.constant 32 : index
        %get3A_111 = tpu.vector_load %arg10[%get3A_109, %get3A_110] {strides = array<i32>} : memref<128x128xf32, #tpu.memory_space<vmem>>, vector<1x16xf32>,
        %get3A_112 = vector.shape_cast %get3A_111 : vector<1x16xf32> to vector<16xf32>
        %mul3A_113 = vector.broadcast %squeeze3A : f32 to vector<16xf32>
        %mul3A_114 = arith.mulf %get3A_112, %mul3A_113 : vector<16xf32>
        %add3A_115 = arith.constant 0 : i32
        %add3A_116 = arith.addi %mul3A_77, %add3A_115 : i32
        %swap3A_117 = arith.index_cast %add3A_116 : i32 to index
        %swap3A_118 = arith.constant 32 : index
        %swap3A_119 = tpu.vector_load %arg10[%swap3A_117, %swap3A_118] {strides = array<i32>} : memref<128x128xf32, #tpu.memory_space<vmem>>, vector<1x16xf32>,
        %swap3A_120 = vector.shape_cast %swap3A_119 : vector<1x16xf32> to vector<16xf32>
        %swap3A_121 = vector.shape_cast %mul3A_114 : vector<16xf32> to vector<1x16xf32>
        tpu.vector_store %arg10[%swap3A_117, %swap3A_118], %swap3A_121 {strides = array<i32>} : memref<128x128xf32, #tpu.memory_space<vmem>>, vector<1x16xf32>,
        %add3A_122 = arith.constant 0 : i32
        %add3A_123 = arith.addi %mul3A_77, %add3A_122 : i32
        %get3A_124 = arith.index_cast %add3A_123 : i32 to index
        %get3A_125 = arith.constant 48 : index
        %get3A_126 = tpu.vector_load %arg10[%get3A_124, %get3A_125] {strides = array<i32>} : memref<128x128xf32, #tpu.memory_space<vmem>>, vector<1x16xf32>,
        %get3A_127 = vector.shape_cast %get3A_126 : vector<1x16xf32> to vector<16xf32>
        %mul3A_128 = vector.broadcast %squeeze3A : f32 to vector<16xf32>
        %mul3A_129 = arith.mulf %get3A_127, %mul3A_128 : vector<16xf32>
        %add3A_130 = arith.constant 0 : i32
        %add3A_131 = arith.addi %mul3A_77, %add3A_130 : i32
        %swap3A_132 = arith.index_cast %add3A_131 : i32 to index
        %swap3A_133 = arith.constant 48 : index
        %swap3A_134 = tpu.vector_load %arg10[%swap3A_132, %swap3A_133] {strides = array<i32>} : memref<128x128xf32, #tpu.memory_space<vmem>>, vector<1x16xf32>,
        %swap3A_135 = vector.shape_cast %swap3A_134 : vector<1x16xf32> to vector<16xf32>
        %swap3A_136 = vector.shape_cast %mul3A_129 : vector<16xf32> to vector<1x16xf32>
        tpu.vector_store %arg10[%swap3A_132, %swap3A_133], %swap3A_136 {strides = array<i32>} : memref<128x128xf32, #tpu.memory_space<vmem>>, vector<1x16xf32>,
        %add3A_137 = arith.constant 0 : i32
        %add3A_138 = arith.addi %mul3A_77, %add3A_137 : i32
        %get3A_139 = arith.index_cast %add3A_138 : i32 to index
        %get3A_140 = arith.constant 64 : index
        %get3A_141 = tpu.vector_load %arg10[%get3A_139, %get3A_140] {strides = array<i32>} : memref<128x128xf32, #tpu.memory_space<vmem>>, vector<1x16xf32>,
        %get3A_142 = vector.shape_cast %get3A_141 : vector<1x16xf32> to vector<16xf32>
        %mul3A_143 = vector.broadcast %squeeze3A : f32 to vector<16xf32>
        %mul3A_144 = arith.mulf %get3A_142, %mul3A_143 : vector<16xf32>
        %add3A_145 = arith.constant 0 : i32
        %add3A_146 = arith.addi %mul3A_77, %add3A_145 : i32
        %swap3A_147 = arith.index_cast %add3A_146 : i32 to index
        %swap3A_148 = arith.constant 64 : index
        %swap3A_149 = tpu.vector_load %arg10[%swap3A_147, %swap3A_148] {strides = array<i32>} : memref<128x128xf32, #tpu.memory_space<vmem>>, vector<1x16xf32>,
        %swap3A_150 = vector.shape_cast %swap3A_149 : vector<1x16xf32> to vector<16xf32>
        %swap3A_151 = vector.shape_cast %mul3A_144 : vector<16xf32> to vector<1x16xf32>
        tpu.vector_store %arg10[%swap3A_147, %swap3A_148], %swap3A_151 {strides = array<i32>} : memref<128x128xf32, #tpu.memory_space<vmem>>, vector<1x16xf32>,
        %add3A_152 = arith.constant 0 : i32
        %add3A_153 = arith.addi %mul3A_77, %add3A_152 : i32
        %get3A_154 = arith.index_cast %add3A_153 : i32 to index
        %get3A_155 = arith.constant 80 : index
        %get3A_156 = tpu.vector_load %arg10[%get3A_154, %get3A_155] {strides = array<i32>} : memref<128x128xf32, #tpu.memory_space<vmem>>, vector<1x16xf32>,
        %get3A_157 = vector.shape_cast %get3A_156 : vector<1x16xf32> to vector<16xf32>
        %mul3A_158 = vector.broadcast %squeeze3A : f32 to vector<16xf32>
        %mul3A_159 = arith.mulf %get3A_157, %mul3A_158 : vector<16xf32>
        %add3A_160 = arith.constant 0 : i32
        %add3A_161 = arith.addi %mul3A_77, %add3A_160 : i32
        %swap3A_162 = arith.index_cast %add3A_161 : i32 to index
        %swap3A_163 = arith.constant 80 : index
        %swap3A_164 = tpu.vector_load %arg10[%swap3A_162, %swap3A_163] {strides = array<i32>} : memref<128x128xf32, #tpu.memory_space<vmem>>, vector<1x16xf32>,
        %swap3A_165 = vector.shape_cast %swap3A_164 : vector<1x16xf32> to vector<16xf32>
        %swap3A_166 = vector.shape_cast %mul3A_159 : vector<16xf32> to vector<1x16xf32>
        tpu.vector_store %arg10[%swap3A_162, %swap3A_163], %swap3A_166 {strides = array<i32>} : memref<128x128xf32, #tpu.memory_space<vmem>>, vector<1x16xf32>,
        %add3A_167 = arith.constant 0 : i32
        %add3A_168 = arith.addi %mul3A_77, %add3A_167 : i32
        %get3A_169 = arith.index_cast %add3A_168 : i32 to index
        %get3A_170 = arith.constant 96 : index
        %get3A_171 = tpu.vector_load %arg10[%get3A_169, %get3A_170] {strides = array<i32>} : memref<128x128xf32, #tpu.memory_space<vmem>>, vector<1x16xf32>,
        %get3A_172 = vector.shape_cast %get3A_171 : vector<1x16xf32> to vector<16xf32>
        %mul3A_173 = vector.broadcast %squeeze3A : f32 to vector<16xf32>
        %mul3A_174 = arith.mulf %get3A_172, %mul3A_173 : vector<16xf32>
        %add3A_175 = arith.constant 0 : i32
        %add3A_176 = arith.addi %mul3A_77, %add3A_175 : i32
        %swap3A_177 = arith.index_cast %add3A_176 : i32 to index
        %swap3A_178 = arith.constant 96 : index
        %swap3A_179 = tpu.vector_load %arg10[%swap3A_177, %swap3A_178] {strides = array<i32>} : memref<128x128xf32, #tpu.memory_space<vmem>>, vector<1x16xf32>,
        %swap3A_180 = vector.shape_cast %swap3A_179 : vector<1x16xf32> to vector<16xf32>
        %swap3A_181 = vector.shape_cast %mul3A_174 : vector<16xf32> to vector<1x16xf32>
        tpu.vector_store %arg10[%swap3A_177, %swap3A_178], %swap3A_181 {strides = array<i32>} : memref<128x128xf32, #tpu.memory_space<vmem>>, vector<1x16xf32>,
        %add3A_182 = arith.constant 0 : i32
        %add3A_183 = arith.addi %mul3A_77, %add3A_182 : i32
        %get3A_184 = arith.index_cast %add3A_183 : i32 to index
        %get3A_185 = arith.constant 112 : index
        %get3A_186 = tpu.vector_load %arg10[%get3A_184, %get3A_185] {strides = array<i32>} : memref<128x128xf32, #tpu.memory_space<vmem>>, vector<1x16xf32>,
        %get3A_187 = vector.shape_cast %get3A_186 : vector<1x16xf32> to vector<16xf32>
        %mul3A_188 = vector.broadcast %squeeze3A : f32 to vector<16xf32>
        %mul3A_189 = arith.mulf %get3A_187, %mul3A_188 : vector<16xf32>
        %add3A_190 = arith.constant 0 : i32
        %add3A_191 = arith.addi %mul3A_77, %add3A_190 : i32
        %swap3A_192 = arith.index_cast %add3A_191 : i32 to index
        %swap3A_193 = arith.constant 112 : index
        %swap3A_194 = tpu.vector_load %arg10[%swap3A_192, %swap3A_193] {strides = array<i32>} : memref<128x128xf32, #tpu.memory_space<vmem>>, vector<1x16xf32>,
        %swap3A_195 = vector.shape_cast %swap3A_194 : vector<1x16xf32> to vector<16xf32>
        %swap3A_196 = vector.shape_cast %mul3A_189 : vector<16xf32> to vector<1x16xf32>
        tpu.vector_store %arg10[%swap3A_192, %swap3A_193], %swap3A_196 {strides = array<i32>} : memref<128x128xf32, #tpu.memory_space<vmem>>, vector<1x16xf32>,
        %slice3A_197 = vector.extract_strided_slice %get3A_75 {offsets = [1], sizes = [1], strides = [1]} : vector<16xf32> to vector<1xf32>
        %squeeze3A_198 = vector.extract %slice3A_197[0] : f32 from vector<1xf32>
        %add3A_199 = arith.constant 1 : i32
        %add3A_200 = arith.addi %mul3A_77, %add3A_199 : i32
        %get3A_201 = arith.index_cast %add3A_200 : i32 to index
        %get3A_202 = arith.constant 0 : index
        %get3A_203 = tpu.vector_load %arg10[%get3A_201, %get3A_202] {strides = array<i32>} : memref<128x128xf32, #tpu.memory_space<vmem>>, vector<1x16xf32>,
        %get3A_204 = vector.shape_cast %get3A_203 : vector<1x16xf32> to vector<16xf32>
        %mul3A_205 = vector.broadcast %squeeze3A_198 : f32 to vector<16xf32>
        %mul3A_206 = arith.mulf %get3A_204, %mul3A_205 : vector<16xf32>
        %add3A_207 = arith.constant 1 : i32
        %add3A_208 = arith.addi %mul3A_77, %add3A_207 : i32
        %swap3A_209 = arith.index_cast %add3A_208 : i32 to index
        %swap3A_210 = arith.constant 0 : index
        %swap3A_211 = tpu.vector_load %arg10[%swap3A_209, %swap3A_210] {strides = array<i32>} : memref<128x128xf32, #tpu.memory_space<vmem>>, vector<1x16xf32>,
        %swap3A_212 = vector.shape_cast %swap3A_211 : vector<1x16xf32> to vector<16xf32>
        %swap3A_213 = vector.shape_cast %mul3A_206 : vector<16xf32> to vector<1x16xf32>
        tpu.vector_store %arg10[%swap3A_209, %swap3A_210], %swap3A_213 {strides = array<i32>} : memref<128x128xf32, #tpu.memory_space<vmem>>, vector<1x16xf32>,
        %add3A_214 = arith.constant 1 : i32
        %add3A_215 = arith.addi %mul3A_77, %add3A_214 : i32
        %get3A_216 = arith.index_cast %add3A_215 : i32 to index
        %get3A_217 = arith.constant 16 : index
        %get3A_218 = tpu.vector_load %arg10[%get3A_216, %get3A_217] {strides = array<i32>} : memref<128x128xf32, #tpu.memory_space<vmem>>, vector<1x16xf32>,
        %get3A_219 = vector.shape_cast %get3A_218 : vector<1x16xf32> to vector<16xf32>
        %mul3A_220 = vector.broadcast %squeeze3A_198 : f32 to vector<16xf32>
        %mul3A_221 = arith.mulf %get3A_219, %mul3A_220 : vector<16xf32>
        %add3A_222 = arith.constant 1 : i32
        %add3A_223 = arith.addi %mul3A_77, %add3A_222 : i32
        %swap3A_224 = arith.index_cast %add3A_223 : i32 to index
        %swap3A_225 = arith.constant 16 : index
        %swap3A_226 = tpu.vector_load %arg10[%swap3A_224, %swap3A_225] {strides = array<i32>} : memref<128x128xf32, #tpu.memory_space<vmem>>, vector<1x16xf32>,
        %swap3A_227 = vector.shape_cast %swap3A_226 : vector<1x16xf32> to vector<16xf32>
        %swap3A_228 = vector.shape_cast %mul3A_221 : vector<16xf32> to vector<1x16xf32>
        tpu.vector_store %arg10[%swap3A_224, %swap3A_225], %swap3A_228 {strides = array<i32>} : memref<128x128xf32, #tpu.memory_space<vmem>>, vector<1x16xf32>,
        %add3A_229 = arith.constant 1 : i32
        %add3A_230 = arith.addi %mul3A_77, %add3A_229 : i32
        %get3A_231 = arith.index_cast %add3A_230 : i32 to index
        %get3A_232 = arith.constant 32 : index
        %get3A_233 = tpu.vector_load %arg10[%get3A_231, %get3A_232] {strides = array<i32>} : memref<128x128xf32, #tpu.memory_space<vmem>>, vector<1x16xf32>,
        %get3A_234 = vector.shape_cast %get3A_233 : vector<1x16xf32> to vector<16xf32>
        %mul3A_235 = vector.broadcast %squeeze3A_198 : f32 to vector<16xf32>
        %mul3A_236 = arith.mulf %get3A_234, %mul3A_235 : vector<16xf32>
        %add3A_237 = arith.constant 1 : i32
        %add3A_238 = arith.addi %mul3A_77, %add3A_237 : i32
        %swap3A_239 = arith.index_cast %add3A_238 : i32 to index
        %swap3A_240 = arith.constant 32 : index
        %swap3A_241 = tpu.vector_load %arg10[%swap3A_239, %swap3A_240] {strides = array<i32>} : memref<128x128xf32, #tpu.memory_space<vmem>>, vector<1x16xf32>,
        %swap3A_242 = vector.shape_cast %swap3A_241 : vector<1x16xf32> to vector<16xf32>
        %swap3A_243 = vector.shape_cast %mul3A_236 : vector<16xf32> to vector<1x16xf32>
        tpu.vector_store %arg10[%swap3A_239, %swap3A_240], %swap3A_243 {strides = array<i32>} : memref<128x128xf32, #tpu.memory_space<vmem>>, vector<1x16xf32>,
        %add3A_244 = arith.constant 1 : i32
        %add3A_245 = arith.addi %mul3A_77, %add3A_244 : i32
        %get3A_246 = arith.index_cast %add3A_245 : i32 to index
        %get3A_247 = arith.constant 48 : index
        %get3A_248 = tpu.vector_load %arg10[%get3A_246, %get3A_247] {strides = array<i32>} : memref<128x128xf32, #tpu.memory_space<vmem>>, vector<1x16xf32>,
        %get3A_249 = vector.shape_cast %get3A_248 : vector<1x16xf32> to vector<16xf32>
        %mul3A_250 = vector.broadcast %squeeze3A_198 : f32 to vector<16xf32>
        %mul3A_251 = arith.mulf %get3A_249, %mul3A_250 : vector<16xf32>
        %add3A_252 = arith.constant 1 : i32
        %add3A_253 = arith.addi %mul3A_77, %add3A_252 : i32
        %swap3A_254 = arith.index_cast %add3A_253 : i32 to index
        %swap3A_255 = arith.constant 48 : index
        %swap3A_256 = tpu.vector_load %arg10[%swap3A_254, %swap3A_255] {strides = array<i32>} : memref<128x128xf32, #tpu.memory_space<vmem>>, vector<1x16xf32>,
        %swap3A_257 = vector.shape_cast %swap3A_256 : vector<1x16xf32> to vector<16xf32>
        %swap3A_258 = vector.shape_cast %mul3A_251 : vector<16xf32> to vector<1x16xf32>
        tpu.vector_store %arg10[%swap3A_254, %swap3A_255], %swap3A_258 {strides = array<i32>} : memref<128x128xf32, #tpu.memory_space<vmem>>, vector<1x16xf32>,
        %add3A_259 = arith.constant 1 : i32
        %add3A_260 = arith.addi %mul3A_77, %add3A_259 : i32
        %get3A_261 = arith.index_cast %add3A_260 : i32 to index
        %get3A_262 = arith.constant 64 : index
        %get3A_263 = tpu.vector_load %arg10[%get3A_261, %get3A_262] {strides = array<i32>} : memref<128x128xf32, #tpu.memory_space<vmem>>, vector<1x16xf32>,
        %get3A_264 = vector.shape_cast %get3A_263 : vector<1x16xf32> to vector<16xf32>
        %mul3A_265 = vector.broadcast %squeeze3A_198 : f32 to vector<16xf32>
        %mul3A_266 = arith.mulf %get3A_264, %mul3A_265 : vector<16xf32>
        %add3A_267 = arith.constant 1 : i32
        %add3A_268 = arith.addi %mul3A_77, %add3A_267 : i32
        %swap3A_269 = arith.index_cast %add3A_268 : i32 to index
        %swap3A_270 = arith.constant 64 : index
        %swap3A_271 = tpu.vector_load %arg10[%swap3A_269, %swap3A_270] {strides = array<i32>} : memref<128x128xf32, #tpu.memory_space<vmem>>, vector<1x16xf32>,
        %swap3A_272 = vector.shape_cast %swap3A_271 : vector<1x16xf32> to vector<16xf32>
        %swap3A_273 = vector.shape_cast %mul3A_266 : vector<16xf32> to vector<1x16xf32>
        tpu.vector_store %arg10[%swap3A_269, %swap3A_270], %swap3A_273 {strides = array<i32>} : memref<128x128xf32, #tpu.memory_space<vmem>>, vector<1x16xf32>,
        %add3A_274 = arith.constant 1 : i32
        %add3A_275 = arith.addi %mul3A_77, %add3A_274 : i32
        %get3A_276 = arith.index_cast %add3A_275 : i32 to index
        %get3A_277 = arith.constant 80 : index
        %get3A_278 = tpu.vector_load %arg10[%get3A_276, %get3A_277] {strides = array<i32>} : memref<128x128xf32, #tpu.memory_space<vmem>>, vector<1x16xf32>,
        %get3A_279 = vector.shape_cast %get3A_278 : vector<1x16xf32> to vector<16xf32>
        %mul3A_280 = vector.broadcast %squeeze3A_198 : f32 to vector<16xf32>
        %mul3A_281 = arith.mulf %get3A_279, %mul3A_280 : vector<16xf32>
        %add3A_282 = arith.constant 1 : i32
        %add3A_283 = arith.addi %mul3A_77, %add3A_282 : i32
        %swap3A_284 = arith.index_cast %add3A_283 : i32 to index
        %swap3A_285 = arith.constant 80 : index
        %swap3A_286 = tpu.vector_load %arg10[%swap3A_284, %swap3A_285] {strides = array<i32>} : memref<128x128xf32, #tpu.memory_space<vmem>>, vector<1x16xf32>,
        %swap3A_287 = vector.shape_cast %swap3A_286 : vector<1x16xf32> to vector<16xf32>
        %swap3A_288 = vector.shape_cast %mul3A_281 : vector<16xf32> to vector<1x16xf32>
        tpu.vector_store %arg10[%swap3A_284, %swap3A_285], %swap3A_288 {strides = array<i32>} : memref<128x128xf32, #tpu.memory_space<vmem>>, vector<1x16xf32>,
        %add3A_289 = arith.constant 1 : i32
        %add3A_290 = arith.addi %mul3A_77, %add3A_289 : i32
        %get3A_291 = arith.index_cast %add3A_290 : i32 to index
        %get3A_292 = arith.constant 96 : index
        %get3A_293 = tpu.vector_load %arg10[%get3A_291, %get3A_292] {strides = array<i32>} : memref<128x128xf32, #tpu.memory_space<vmem>>, vector<1x16xf32>,
        %get3A_294 = vector.shape_cast %get3A_293 : vector<1x16xf32> to vector<16xf32>
        %mul3A_295 = vector.broadcast %squeeze3A_198 : f32 to vector<16xf32>
        %mul3A_296 = arith.mulf %get3A_294, %mul3A_295 : vector<16xf32>
        %add3A_297 = arith.constant 1 : i32
        %add3A_298 = arith.addi %mul3A_77, %add3A_297 : i32
        %swap3A_299 = arith.index_cast %add3A_298 : i32 to index
        %swap3A_300 = arith.constant 96 : index
        %swap3A_301 = tpu.vector_load %arg10[%swap3A_299, %swap3A_300] {strides = array<i32>} : memref<128x128xf32, #tpu.memory_space<vmem>>, vector<1x16xf32>,
        %swap3A_302 = vector.shape_cast %swap3A_301 : vector<1x16xf32> to vector<16xf32>
        %swap3A_303 = vector.shape_cast %mul3A_296 : vector<16xf32> to vector<1x16xf32>
        tpu.vector_store %arg10[%swap3A_299, %swap3A_300], %swap3A_303 {strides = array<i32>} : memref<128x128xf32, #tpu.memory_space<vmem>>, vector<1x16xf32>,
        %add3A_304 = arith.constant 1 : i32
        %add3A_305 = arith.addi %mul3A_77, %add3A_304 : i32
        %get3A_306 = arith.index_cast %add3A_305 : i32 to index
        %get3A_307 = arith.constant 112 : index
        %get3A_308 = tpu.vector_load %arg10[%get3A_306, %get3A_307] {strides = array<i32>} : memref<128x128xf32, #tpu.memory_space<vmem>>, vector<1x16xf32>,
        %get3A_309 = vector.shape_cast %get3A_308 : vector<1x16xf32> to vector<16xf32>
        %mul3A_310 = vector.broadcast %squeeze3A_198 : f32 to vector<16xf32>
        %mul3A_311 = arith.mulf %get3A_309, %mul3A_310 : vector<16xf32>
        %add3A_312 = arith.constant 1 : i32
        %add3A_313 = arith.addi %mul3A_77, %add3A_312 : i32
        %swap3A_314 = arith.index_cast %add3A_313 : i32 to index
        %swap3A_315 = arith.constant 112 : index
        %swap3A_316 = tpu.vector_load %arg10[%swap3A_314, %swap3A_315] {strides = array<i32>} : memref<128x128xf32, #tpu.memory_space<vmem>>, vector<1x16xf32>,
        %swap3A_317 = vector.shape_cast %swap3A_316 : vector<1x16xf32> to vector<16xf32>
        %swap3A_318 = vector.shape_cast %mul3A_311 : vector<16xf32> to vector<1x16xf32>
        tpu.vector_store %arg10[%swap3A_314, %swap3A_315], %swap3A_318 {strides = array<i32>} : memref<128x128xf32, #tpu.memory_space<vmem>>, vector<1x16xf32>,
        %slice3A_319 = vector.extract_strided_slice %get3A_75 {offsets = [2], sizes = [1], strides = [1]} : vector<16xf32> to vector<1xf32>
        %squeeze3A_320 = vector.extract %slice3A_319[0] : f32 from vector<1xf32>
        %add3A_321 = arith.constant 2 : i32
        %add3A_322 = arith.addi %mul3A_77, %add3A_321 : i32
        %get3A_323 = arith.index_cast %add3A_322 : i32 to index
        %get3A_324 = arith.constant 0 : index
        %get3A_325 = tpu.vector_load %arg10[%get3A_323, %get3A_324] {strides = array<i32>} : memref<128x128xf32, #tpu.memory_space<vmem>>, vector<1x16xf32>,
        %get3A_326 = vector.shape_cast %get3A_325 : vector<1x16xf32> to vector<16xf32>
        %mul3A_327 = vector.broadcast %squeeze3A_320 : f32 to vector<16xf32>
        %mul3A_328 = arith.mulf %get3A_326, %mul3A_327 : vector<16xf32>
        %add3A_329 = arith.constant 2 : i32
        %add3A_330 = arith.addi %mul3A_77, %add3A_329 : i32
        %swap3A_331 = arith.index_cast %add3A_330 : i32 to index
        %swap3A_332 = arith.constant 0 : index
        %swap3A_333 = tpu.vector_load %arg10[%swap3A_331, %swap3A_332] {strides = array<i32>} : memref<128x128xf32, #tpu.memory_space<vmem>>, vector<1x16xf32>,
        %swap3A_334 = vector.shape_cast %swap3A_333 : vector<1x16xf32> to vector<16xf32>
        %swap3A_335 = vector.shape_cast %mul3A_328 : vector<16xf32> to vector<1x16xf32>
        tpu.vector_store %arg10[%swap3A_331, %swap3A_332], %swap3A_335 {strides = array<i32>} : memref<128x128xf32, #tpu.memory_space<vmem>>, vector<1x16xf32>,
        %add3A_336 = arith.constant 2 : i32
        %add3A_337 = arith.addi %mul3A_77, %add3A_336 : i32
        %get3A_338 = arith.index_cast %add3A_337 : i32 to index
        %get3A_339 = arith.constant 16 : index
        %get3A_340 = tpu.vector_load %arg10[%get3A_338, %get3A_339] {strides = array<i32>} : memref<128x128xf32, #tpu.memory_space<vmem>>, vector<1x16xf32>,
        %get3A_341 = vector.shape_cast %get3A_340 : vector<1x16xf32> to vector<16xf32>
        %mul3A_342 = vector.broadcast %squeeze3A_320 : f32 to vector<16xf32>
        %mul3A_343 = arith.mulf %get3A_341, %mul3A_342 : vector<16xf32>
        %add3A_344 = arith.constant 2 : i32
        %add3A_345 = arith.addi %mul3A_77, %add3A_344 : i32
        %swap3A_346 = arith.index_cast %add3A_345 : i32 to index
        %swap3A_347 = arith.constant 16 : index
        %swap3A_348 = tpu.vector_load %arg10[%swap3A_346, %swap3A_347] {strides = array<i32>} : memref<128x128xf32, #tpu.memory_space<vmem>>, vector<1x16xf32>,
        %swap3A_349 = vector.shape_cast %swap3A_348 : vector<1x16xf32> to vector<16xf32>
        %swap3A_350 = vector.shape_cast %mul3A_343 : vector<16xf32> to vector<1x16xf32>
        tpu.vector_store %arg10[%swap3A_346, %swap3A_347], %swap3A_350 {strides = array<i32>} : memref<128x128xf32, #tpu.memory_space<vmem>>, vector<1x16xf32>,
        %add3A_351 = arith.constant 2 : i32
        %add3A_352 = arith.addi %mul3A_77, %add3A_351 : i32
        %get3A_353 = arith.index_cast %add3A_352 : i32 to index
        %get3A_354 = arith.constant 32 : index
        %get3A_355 = tpu.vector_load %arg10[%get3A_353, %get3A_354] {strides = array<i32>} : memref<128x128xf32, #tpu.memory_space<vmem>>, vector<1x16xf32>,
        %get3A_356 = vector.shape_cast %get3A_355 : vector<1x16xf32> to vector<16xf32>
        %mul3A_357 = vector.broadcast %squeeze3A_320 : f32 to vector<16xf32>
        %mul3A_358 = arith.mulf %get3A_356, %mul3A_357 : vector<16xf32>
        %add3A_359 = arith.constant 2 : i32
        %add3A_360 = arith.addi %mul3A_77, %add3A_359 : i32
        %swap3A_361 = arith.index_cast %add3A_360 : i32 to index
        %swap3A_362 = arith.constant 32 : index
        %swap3A_363 = tpu.vector_load %arg10[%swap3A_361, %swap3A_362] {strides = array<i32>} : memref<128x128xf32, #tpu.memory_space<vmem>>, vector<1x16xf32>,
        %swap3A_364 = vector.shape_cast %swap3A_363 : vector<1x16xf32> to vector<16xf32>
        %swap3A_365 = vector.shape_cast %mul3A_358 : vector<16xf32> to vector<1x16xf32>
        tpu.vector_store %arg10[%swap3A_361, %swap3A_362], %swap3A_365 {strides = array<i32>} : memref<128x128xf32, #tpu.memory_space<vmem>>, vector<1x16xf32>,
        %add3A_366 = arith.constant 2 : i32
        %add3A_367 = arith.addi %mul3A_77, %add3A_366 : i32
        %get3A_368 = arith.index_cast %add3A_367 : i32 to index
        %get3A_369 = arith.constant 48 : index
        %get3A_370 = tpu.vector_load %arg10[%get3A_368, %get3A_369] {strides = array<i32>} : memref<128x128xf32, #tpu.memory_space<vmem>>, vector<1x16xf32>,
        %get3A_371 = vector.shape_cast %get3A_370 : vector<1x16xf32> to vector<16xf32>
        %mul3A_372 = vector.broadcast %squeeze3A_320 : f32 to vector<16xf32>
        %mul3A_373 = arith.mulf %get3A_371, %mul3A_372 : vector<16xf32>
        %add3A_374 = arith.constant 2 : i32
        %add3A_375 = arith.addi %mul3A_77, %add3A_374 : i32
        %swap3A_376 = arith.index_cast %add3A_375 : i32 to index
        %swap3A_377 = arith.constant 48 : index
        %swap3A_378 = tpu.vector_load %arg10[%swap3A_376, %swap3A_377] {strides = array<i32>} : memref<128x128xf32, #tpu.memory_space<vmem>>, vector<1x16xf32>,
        %swap3A_379 = vector.shape_cast %swap3A_378 : vector<1x16xf32> to vector<16xf32>
        %swap3A_380 = vector.shape_cast %mul3A_373 : vector<16xf32> to vector<1x16xf32>
        tpu.vector_store %arg10[%swap3A_376, %swap3A_377], %swap3A_380 {strides = array<i32>} : memref<128x128xf32, #tpu.memory_space<vmem>>, vector<1x16xf32>,
        %add3A_381 = arith.constant 2 : i32
        %add3A_382 = arith.addi %mul3A_77, %add3A_381 : i32
        %get3A_383 = arith.index_cast %add3A_382 : i32 to index
        %get3A_384 = arith.constant 64 : index
        %get3A_385 = tpu.vector_load %arg10[%get3A_383, %get3A_384] {strides = array<i32>} : memref<128x128xf32, #tpu.memory_space<vmem>>, vector<1x16xf32>,
        %get3A_386 = vector.shape_cast %get3A_385 : vector<1x16xf32> to vector<16xf32>
        %mul3A_387 = vector.broadcast %squeeze3A_320 : f32 to vector<16xf32>
        %mul3A_388 = arith.mulf %get3A_386, %mul3A_387 : vector<16xf32>
        %add3A_389 = arith.constant 2 : i32
        %add3A_390 = arith.addi %mul3A_77, %add3A_389 : i32
        %swap3A_391 = arith.index_cast %add3A_390 : i32 to index
        %swap3A_392 = arith.constant 64 : index
        %swap3A_393 = tpu.vector_load %arg10[%swap3A_391, %swap3A_392] {strides = array<i32>} : memref<128x128xf32, #tpu.memory_space<vmem>>, vector<1x16xf32>,
        %swap3A_394 = vector.shape_cast %swap3A_393 : vector<1x16xf32> to vector<16xf32>
        %swap3A_395 = vector.shape_cast %mul3A_388 : vector<16xf32> to vector<1x16xf32>
        tpu.vector_store %arg10[%swap3A_391, %swap3A_392], %swap3A_395 {strides = array<i32>} : memref<128x128xf32, #tpu.memory_space<vmem>>, vector<1x16xf32>,
        %add3A_396 = arith.constant 2 : i32
        %add3A_397 = arith.addi %mul3A_77, %add3A_396 : i32
        %get3A_398 = arith.index_cast %add3A_397 : i32 to index
        %get3A_399 = arith.constant 80 : index
        %get3A_400 = tpu.vector_load %arg10[%get3A_398, %get3A_399] {strides = array<i32>} : memref<128x128xf32, #tpu.memory_space<vmem>>, vector<1x16xf32>,
        %get3A_401 = vector.shape_cast %get3A_400 : vector<1x16xf32> to vector<16xf32>
        %mul3A_402 = vector.broadcast %squeeze3A_320 : f32 to vector<16xf32>
        %mul3A_403 = arith.mulf %get3A_401, %mul3A_402 : vector<16xf32>
        %add3A_404 = arith.constant 2 : i32
        %add3A_405 = arith.addi %mul3A_77, %add3A_404 : i32
        %swap3A_406 = arith.index_cast %add3A_405 : i32 to index
        %swap3A_407 = arith.constant 80 : index
        %swap3A_408 = tpu.vector_load %arg10[%swap3A_406, %swap3A_407] {strides = array<i32>} : memref<128x128xf32, #tpu.memory_space<vmem>>, vector<1x16xf32>,
        %swap3A_409 = vector.shape_cast %swap3A_408 : vector<1x16xf32> to vector<16xf32>
        %swap3A_410 = vector.shape_cast %mul3A_403 : vector<16xf32> to vector<1x16xf32>
        tpu.vector_store %arg10[%swap3A_406, %swap3A_407], %swap3A_410 {strides = array<i32>} : memref<128x128xf32, #tpu.memory_space<vmem>>, vector<1x16xf32>,
        %add3A_411 = arith.constant 2 : i32
        %add3A_412 = arith.addi %mul3A_77, %add3A_411 : i32
        %get3A_413 = arith.index_cast %add3A_412 : i32 to index
        %get3A_414 = arith.constant 96 : index
        %get3A_415 = tpu.vector_load %arg10[%get3A_413, %get3A_414] {strides = array<i32>} : memref<128x128xf32, #tpu.memory_space<vmem>>, vector<1x16xf32>,
        %get3A_416 = vector.shape_cast %get3A_415 : vector<1x16xf32> to vector<16xf32>
        %mul3A_417 = vector.broadcast %squeeze3A_320 : f32 to vector<16xf32>
        %mul3A_418 = arith.mulf %get3A_416, %mul3A_417 : vector<16xf32>
        %add3A_419 = arith.constant 2 : i32
        %add3A_420 = arith.addi %mul3A_77, %add3A_419 : i32
        %swap3A_421 = arith.index_cast %add3A_420 : i32 to index
        %swap3A_422 = arith.constant 96 : index
        %swap3A_423 = tpu.vector_load %arg10[%swap3A_421, %swap3A_422] {strides = array<i32>} : memref<128x128xf32, #tpu.memory_space<vmem>>, vector<1x16xf32>,
        %swap3A_424 = vector.shape_cast %swap3A_423 : vector<1x16xf32> to vector<16xf32>
        %swap3A_425 = vector.shape_cast %mul3A_418 : vector<16xf32> to vector<1x16xf32>
        tpu.vector_store %arg10[%swap3A_421, %swap3A_422], %swap3A_425 {strides = array<i32>} : memref<128x128xf32, #tpu.memory_space<vmem>>, vector<1x16xf32>,
        %add3A_426 = arith.constant 2 : i32
        %add3A_427 = arith.addi %mul3A_77, %add3A_426 : i32
        %get3A_428 = arith.index_cast %add3A_427 : i32 to index
        %get3A_429 = arith.constant 112 : index
        %get3A_430 = tpu.vector_load %arg10[%get3A_428, %get3A_429] {strides = array<i32>} : memref<128x128xf32, #tpu.memory_space<vmem>>, vector<1x16xf32>,
        %get3A_431 = vector.shape_cast %get3A_430 : vector<1x16xf32> to vector<16xf32>
        %mul3A_432 = vector.broadcast %squeeze3A_320 : f32 to vector<16xf32>
        %mul3A_433 = arith.mulf %get3A_431, %mul3A_432 : vector<16xf32>
        %add3A_434 = arith.constant 2 : i32
        %add3A_435 = arith.addi %mul3A_77, %add3A_434 : i32
        %swap3A_436 = arith.index_cast %add3A_435 : i32 to index
        %swap3A_437 = arith.constant 112 : index
        %swap3A_438 = tpu.vector_load %arg10[%swap3A_436, %swap3A_437] {strides = array<i32>} : memref<128x128xf32, #tpu.memory_space<vmem>>, vector<1x16xf32>,
        %swap3A_439 = vector.shape_cast %swap3A_438 : vector<1x16xf32> to vector<16xf32>
        %swap3A_440 = vector.shape_cast %mul3A_433 : vector<16xf32> to vector<1x16xf32>
        tpu.vector_store %arg10[%swap3A_436, %swap3A_437], %swap3A_440 {strides = array<i32>} : memref<128x128xf32, #tpu.memory_space<vmem>>, vector<1x16xf32>,
        %slice3A_441 = vector.extract_strided_slice %get3A_75 {offsets = [3], sizes = [1], strides = [1]} : vector<16xf32> to vector<1xf32>
        %squeeze3A_442 = vector.extract %slice3A_441[0] : f32 from vector<1xf32>
        %add3A_443 = arith.constant 3 : i32
        %add3A_444 = arith.addi %mul3A_77, %add3A_443 : i32
        %get3A_445 = arith.index_cast %add3A_444 : i32 to index
        %get3A_446 = arith.constant 0 : index
        %get3A_447 = tpu.vector_load %arg10[%get3A_445, %get3A_446] {strides = array<i32>} : memref<128x128xf32, #tpu.memory_space<vmem>>, vector<1x16xf32>,
        %get3A_448 = vector.shape_cast %get3A_447 : vector<1x16xf32> to vector<16xf32>
        %mul3A_449 = vector.broadcast %squeeze3A_442 : f32 to vector<16xf32>
        %mul3A_450 = arith.mulf %get3A_448, %mul3A_449 : vector<16xf32>
        %add3A_451 = arith.constant 3 : i32
        %add3A_452 = arith.addi %mul3A_77, %add3A_451 : i32
        %swap3A_453 = arith.index_cast %add3A_452 : i32 to index
        %swap3A_454 = arith.constant 0 : index
        %swap3A_455 = tpu.vector_load %arg10[%swap3A_453, %swap3A_454] {strides = array<i32>} : memref<128x128xf32, #tpu.memory_space<vmem>>, vector<1x16xf32>,
        %swap3A_456 = vector.shape_cast %swap3A_455 : vector<1x16xf32> to vector<16xf32>
        %swap3A_457 = vector.shape_cast %mul3A_450 : vector<16xf32> to vector<1x16xf32>
        tpu.vector_store %arg10[%swap3A_453, %swap3A_454], %swap3A_457 {strides = array<i32>} : memref<128x128xf32, #tpu.memory_space<vmem>>, vector<1x16xf32>,
        %add3A_458 = arith.constant 3 : i32
        %add3A_459 = arith.addi %mul3A_77, %add3A_458 : i32
        %get3A_460 = arith.index_cast %add3A_459 : i32 to index
        %get3A_461 = arith.constant 16 : index
        %get3A_462 = tpu.vector_load %arg10[%get3A_460, %get3A_461] {strides = array<i32>} : memref<128x128xf32, #tpu.memory_space<vmem>>, vector<1x16xf32>,
        %get3A_463 = vector.shape_cast %get3A_462 : vector<1x16xf32> to vector<16xf32>
        %mul3A_464 = vector.broadcast %squeeze3A_442 : f32 to vector<16xf32>
        %mul3A_465 = arith.mulf %get3A_463, %mul3A_464 : vector<16xf32>
        %add3A_466 = arith.constant 3 : i32
        %add3A_467 = arith.addi %mul3A_77, %add3A_466 : i32
        %swap3A_468 = arith.index_cast %add3A_467 : i32 to index
        %swap3A_469 = arith.constant 16 : index
        %swap3A_470 = tpu.vector_load %arg10[%swap3A_468, %swap3A_469] {strides = array<i32>} : memref<128x128xf32, #tpu.memory_space<vmem>>, vector<1x16xf32>,
        %swap3A_471 = vector.shape_cast %swap3A_470 : vector<1x16xf32> to vector<16xf32>
        %swap3A_472 = vector.shape_cast %mul3A_465 : vector<16xf32> to vector<1x16xf32>
        tpu.vector_store %arg10[%swap3A_468, %swap3A_469], %swap3A_472 {strides = array<i32>} : memref<128x128xf32, #tpu.memory_space<vmem>>, vector<1x16xf32>,
        %add3A_473 = arith.constant 3 : i32
        %add3A_474 = arith.addi %mul3A_77, %add3A_473 : i32
        %get3A_475 = arith.index_cast %add3A_474 : i32 to index
        %get3A_476 = arith.constant 32 : index
        %get3A_477 = tpu.vector_load %arg10[%get3A_475, %get3A_476] {strides = array<i32>} : memref<128x128xf32, #tpu.memory_space<vmem>>, vector<1x16xf32>,
        %get3A_478 = vector.shape_cast %get3A_477 : vector<1x16xf32> to vector<16xf32>
        %mul3A_479 = vector.broadcast %squeeze3A_442 : f32 to vector<16xf32>
        %mul3A_480 = arith.mulf %get3A_478, %mul3A_479 : vector<16xf32>
        %add3A_481 = arith.constant 3 : i32
        %add3A_482 = arith.addi %mul3A_77, %add3A_481 : i32
        %swap3A_483 = arith.index_cast %add3A_482 : i32 to index
        %swap3A_484 = arith.constant 32 : index
        %swap3A_485 = tpu.vector_load %arg10[%swap3A_483, %swap3A_484] {strides = array<i32>} : memref<128x128xf32, #tpu.memory_space<vmem>>, vector<1x16xf32>,
        %swap3A_486 = vector.shape_cast %swap3A_485 : vector<1x16xf32> to vector<16xf32>
        %swap3A_487 = vector.shape_cast %mul3A_480 : vector<16xf32> to vector<1x16xf32>
        tpu.vector_store %arg10[%swap3A_483, %swap3A_484], %swap3A_487 {strides = array<i32>} : memref<128x128xf32, #tpu.memory_space<vmem>>, vector<1x16xf32>,
        %add3A_488 = arith.constant 3 : i32
        %add3A_489 = arith.addi %mul3A_77, %add3A_488 : i32
        %get3A_490 = arith.index_cast %add3A_489 : i32 to index
        %get3A_491 = arith.constant 48 : index
        %get3A_492 = tpu.vector_load %arg10[%get3A_490, %get3A_491] {strides = array<i32>} : memref<128x128xf32, #tpu.memory_space<vmem>>, vector<1x16xf32>,
        %get3A_493 = vector.shape_cast %get3A_492 : vector<1x16xf32> to vector<16xf32>
        %mul3A_494 = vector.broadcast %squeeze3A_442 : f32 to vector<16xf32>
        %mul3A_495 = arith.mulf %get3A_493, %mul3A_494 : vector<16xf32>
        %add3A_496 = arith.constant 3 : i32
        %add3A_497 = arith.addi %mul3A_77, %add3A_496 : i32
        %swap3A_498 = arith.index_cast %add3A_497 : i32 to index
        %swap3A_499 = arith.constant 48 : index
        %swap3A_500 = tpu.vector_load %arg10[%swap3A_498, %swap3A_499] {strides = array<i32>} : memref<128x128xf32, #tpu.memory_space<vmem>>, vector<1x16xf32>,
        %swap3A_501 = vector.shape_cast %swap3A_500 : vector<1x16xf32> to vector<16xf32>
        %swap3A_502 = vector.shape_cast %mul3A_495 : vector<16xf32> to vector<1x16xf32>
        tpu.vector_store %arg10[%swap3A_498, %swap3A_499], %swap3A_502 {strides = array<i32>} : memref<128x128xf32, #tpu.memory_space<vmem>>, vector<1x16xf32>,
        %add3A_503 = arith.constant 3 : i32
        %add3A_504 = arith.addi %mul3A_77, %add3A_503 : i32
        %get3A_505 = arith.index_cast %add3A_504 : i32 to index
        %get3A_506 = arith.constant 64 : index
        %get3A_507 = tpu.vector_load %arg10[%get3A_505, %get3A_506] {strides = array<i32>} : memref<128x128xf32, #tpu.memory_space<vmem>>, vector<1x16xf32>,
        %get3A_508 = vector.shape_cast %get3A_507 : vector<1x16xf32> to vector<16xf32>
        %mul3A_509 = vector.broadcast %squeeze3A_442 : f32 to vector<16xf32>
        %mul3A_510 = arith.mulf %get3A_508, %mul3A_509 : vector<16xf32>
        %add3A_511 = arith.constant 3 : i32
        %add3A_512 = arith.addi %mul3A_77, %add3A_511 : i32
        %swap3A_513 = arith.index_cast %add3A_512 : i32 to index
        %swap3A_514 = arith.constant 64 : index
        %swap3A_515 = tpu.vector_load %arg10[%swap3A_513, %swap3A_514] {strides = array<i32>} : memref<128x128xf32, #tpu.memory_space<vmem>>, vector<1x16xf32>,
        %swap3A_516 = vector.shape_cast %swap3A_515 : vector<1x16xf32> to vector<16xf32>
        %swap3A_517 = vector.shape_cast %mul3A_510 : vector<16xf32> to vector<1x16xf32>
        tpu.vector_store %arg10[%swap3A_513, %swap3A_514], %swap3A_517 {strides = array<i32>} : memref<128x128xf32, #tpu.memory_space<vmem>>, vector<1x16xf32>,
        %add3A_518 = arith.constant 3 : i32
        %add3A_519 = arith.addi %mul3A_77, %add3A_518 : i32
        %get3A_520 = arith.index_cast %add3A_519 : i32 to index
        %get3A_521 = arith.constant 80 : index
        %get3A_522 = tpu.vector_load %arg10[%get3A_520, %get3A_521] {strides = array<i32>} : memref<128x128xf32, #tpu.memory_space<vmem>>, vector<1x16xf32>,
        %get3A_523 = vector.shape_cast %get3A_522 : vector<1x16xf32> to vector<16xf32>
        %mul3A_524 = vector.broadcast %squeeze3A_442 : f32 to vector<16xf32>
        %mul3A_525 = arith.mulf %get3A_523, %mul3A_524 : vector<16xf32>
        %add3A_526 = arith.constant 3 : i32
        %add3A_527 = arith.addi %mul3A_77, %add3A_526 : i32
        %swap3A_528 = arith.index_cast %add3A_527 : i32 to index
        %swap3A_529 = arith.constant 80 : index
        %swap3A_530 = tpu.vector_load %arg10[%swap3A_528, %swap3A_529] {strides = array<i32>} : memref<128x128xf32, #tpu.memory_space<vmem>>, vector<1x16xf32>,
        %swap3A_531 = vector.shape_cast %swap3A_530 : vector<1x16xf32> to vector<16xf32>
        %swap3A_532 = vector.shape_cast %mul3A_525 : vector<16xf32> to vector<1x16xf32>
        tpu.vector_store %arg10[%swap3A_528, %swap3A_529], %swap3A_532 {strides = array<i32>} : memref<128x128xf32, #tpu.memory_space<vmem>>, vector<1x16xf32>,
        %add3A_533 = arith.constant 3 : i32
        %add3A_534 = arith.addi %mul3A_77, %add3A_533 : i32
        %get3A_535 = arith.index_cast %add3A_534 : i32 to index
        %get3A_536 = arith.constant 96 : index
        %get3A_537 = tpu.vector_load %arg10[%get3A_535, %get3A_536] {strides = array<i32>} : memref<128x128xf32, #tpu.memory_space<vmem>>, vector<1x16xf32>,
        %get3A_538 = vector.shape_cast %get3A_537 : vector<1x16xf32> to vector<16xf32>
        %mul3A_539 = vector.broadcast %squeeze3A_442 : f32 to vector<16xf32>
        %mul3A_540 = arith.mulf %get3A_538, %mul3A_539 : vector<16xf32>
        %add3A_541 = arith.constant 3 : i32
        %add3A_542 = arith.addi %mul3A_77, %add3A_541 : i32
        %swap3A_543 = arith.index_cast %add3A_542 : i32 to index
        %swap3A_544 = arith.constant 96 : index
        %swap3A_545 = tpu.vector_load %arg10[%swap3A_543, %swap3A_544] {strides = array<i32>} : memref<128x128xf32, #tpu.memory_space<vmem>>, vector<1x16xf32>,
        %swap3A_546 = vector.shape_cast %swap3A_545 : vector<1x16xf32> to vector<16xf32>
        %swap3A_547 = vector.shape_cast %mul3A_540 : vector<16xf32> to vector<1x16xf32>
        tpu.vector_store %arg10[%swap3A_543, %swap3A_544], %swap3A_547 {strides = array<i32>} : memref<128x128xf32, #tpu.memory_space<vmem>>, vector<1x16xf32>,
        %add3A_548 = arith.constant 3 : i32
        %add3A_549 = arith.addi %mul3A_77, %add3A_548 : i32
        %get3A_550 = arith.index_cast %add3A_549 : i32 to index
        %get3A_551 = arith.constant 112 : index
        %get3A_552 = tpu.vector_load %arg10[%get3A_550, %get3A_551] {strides = array<i32>} : memref<128x128xf32, #tpu.memory_space<vmem>>, vector<1x16xf32>,
        %get3A_553 = vector.shape_cast %get3A_552 : vector<1x16xf32> to vector<16xf32>
        %mul3A_554 = vector.broadcast %squeeze3A_442 : f32 to vector<16xf32>
        %mul3A_555 = arith.mulf %get3A_553, %mul3A_554 : vector<16xf32>
        %add3A_556 = arith.constant 3 : i32
        %add3A_557 = arith.addi %mul3A_77, %add3A_556 : i32
        %swap3A_558 = arith.index_cast %add3A_557 : i32 to index
        %swap3A_559 = arith.constant 112 : index
        %swap3A_560 = tpu.vector_load %arg10[%swap3A_558, %swap3A_559] {strides = array<i32>} : memref<128x128xf32, #tpu.memory_space<vmem>>, vector<1x16xf32>,
        %swap3A_561 = vector.shape_cast %swap3A_560 : vector<1x16xf32> to vector<16xf32>
        %swap3A_562 = vector.shape_cast %mul3A_555 : vector<16xf32> to vector<1x16xf32>
        tpu.vector_store %arg10[%swap3A_558, %swap3A_559], %swap3A_562 {strides = array<i32>} : memref<128x128xf32, #tpu.memory_space<vmem>>, vector<1x16xf32>,
        %slice3A_563 = vector.extract_strided_slice %get3A_75 {offsets = [4], sizes = [1], strides = [1]} : vector<16xf32> to vector<1xf32>
        %squeeze3A_564 = vector.extract %slice3A_563[0] : f32 from vector<1xf32>
        %add3A_565 = arith.constant 4 : i32
        %add3A_566 = arith.addi %mul3A_77, %add3A_565 : i32
        %get3A_567 = arith.index_cast %add3A_566 : i32 to index
        %get3A_568 = arith.constant 0 : index
        %get3A_569 = tpu.vector_load %arg10[%get3A_567, %get3A_568] {strides = array<i32>} : memref<128x128xf32, #tpu.memory_space<vmem>>, vector<1x16xf32>,
        %get3A_570 = vector.shape_cast %get3A_569 : vector<1x16xf32> to vector<16xf32>
        %mul3A_571 = vector.broadcast %squeeze3A_564 : f32 to vector<16xf32>
        %mul3A_572 = arith.mulf %get3A_570, %mul3A_571 : vector<16xf32>
        %add3A_573 = arith.constant 4 : i32
        %add3A_574 = arith.addi %mul3A_77, %add3A_573 : i32
        %swap3A_575 = arith.index_cast %add3A_574 : i32 to index
        %swap3A_576 = arith.constant 0 : index
        %swap3A_577 = tpu.vector_load %arg10[%swap3A_575, %swap3A_576] {strides = array<i32>} : memref<128x128xf32, #tpu.memory_space<vmem>>, vector<1x16xf32>,
        %swap3A_578 = vector.shape_cast %swap3A_577 : vector<1x16xf32> to vector<16xf32>
        %swap3A_579 = vector.shape_cast %mul3A_572 : vector<16xf32> to vector<1x16xf32>
        tpu.vector_store %arg10[%swap3A_575, %swap3A_576], %swap3A_579 {strides = array<i32>} : memref<128x128xf32, #tpu.memory_space<vmem>>, vector<1x16xf32>,
        %add3A_580 = arith.constant 4 : i32
        %add3A_581 = arith.addi %mul3A_77, %add3A_580 : i32
        %get3A_582 = arith.index_cast %add3A_581 : i32 to index
        %get3A_583 = arith.constant 16 : index
        %get3A_584 = tpu.vector_load %arg10[%get3A_582, %get3A_583] {strides = array<i32>} : memref<128x128xf32, #tpu.memory_space<vmem>>, vector<1x16xf32>,
        %get3A_585 = vector.shape_cast %get3A_584 : vector<1x16xf32> to vector<16xf32>
        %mul3A_586 = vector.broadcast %squeeze3A_564 : f32 to vector<16xf32>
        %mul3A_587 = arith.mulf %get3A_585, %mul3A_586 : vector<16xf32>
        %add3A_588 = arith.constant 4 : i32
        %add3A_589 = arith.addi %mul3A_77, %add3A_588 : i32
        %swap3A_590 = arith.index_cast %add3A_589 : i32 to index
        %swap3A_591 = arith.constant 16 : index
        %swap3A_592 = tpu.vector_load %arg10[%swap3A_590, %swap3A_591] {strides = array<i32>} : memref<128x128xf32, #tpu.memory_space<vmem>>, vector<1x16xf32>,
        %swap3A_593 = vector.shape_cast %swap3A_592 : vector<1x16xf32> to vector<16xf32>
        %swap3A_594 = vector.shape_cast %mul3A_587 : vector<16xf32> to vector<1x16xf32>
        tpu.vector_store %arg10[%swap3A_590, %swap3A_591], %swap3A_594 {strides = array<i32>} : memref<128x128xf32, #tpu.memory_space<vmem>>, vector<1x16xf32>,
        %add3A_595 = arith.constant 4 : i32
        %add3A_596 = arith.addi %mul3A_77, %add3A_595 : i32
        %get3A_597 = arith.index_cast %add3A_596 : i32 to index
        %get3A_598 = arith.constant 32 : index
        %get3A_599 = tpu.vector_load %arg10[%get3A_597, %get3A_598] {strides = array<i32>} : memref<128x128xf32, #tpu.memory_space<vmem>>, vector<1x16xf32>,
        %get3A_600 = vector.shape_cast %get3A_599 : vector<1x16xf32> to vector<16xf32>
        %mul3A_601 = vector.broadcast %squeeze3A_564 : f32 to vector<16xf32>
        %mul3A_602 = arith.mulf %get3A_600, %mul3A_601 : vector<16xf32>
        %add3A_603 = arith.constant 4 : i32
        %add3A_604 = arith.addi %mul3A_77, %add3A_603 : i32
        %swap3A_605 = arith.index_cast %add3A_604 : i32 to index
        %swap3A_606 = arith.constant 32 : index
        %swap3A_607 = tpu.vector_load %arg10[%swap3A_605, %swap3A_606] {strides = array<i32>} : memref<128x128xf32, #tpu.memory_space<vmem>>, vector<1x16xf32>,
        %swap3A_608 = vector.shape_cast %swap3A_607 : vector<1x16xf32> to vector<16xf32>
        %swap3A_609 = vector.shape_cast %mul3A_602 : vector<16xf32> to vector<1x16xf32>
        tpu.vector_store %arg10[%swap3A_605, %swap3A_606], %swap3A_609 {strides = array<i32>} : memref<128x128xf32, #tpu.memory_space<vmem>>, vector<1x16xf32>,
        %add3A_610 = arith.constant 4 : i32
        %add3A_611 = arith.addi %mul3A_77, %add3A_610 : i32
        %get3A_612 = arith.index_cast %add3A_611 : i32 to index
        %get3A_613 = arith.constant 48 : index
        %get3A_614 = tpu.vector_load %arg10[%get3A_612, %get3A_613] {strides = array<i32>} : memref<128x128xf32, #tpu.memory_space<vmem>>, vector<1x16xf32>,
        %get3A_615 = vector.shape_cast %get3A_614 : vector<1x16xf32> to vector<16xf32>
        %mul3A_616 = vector.broadcast %squeeze3A_564 : f32 to vector<16xf32>
        %mul3A_617 = arith.mulf %get3A_615, %mul3A_616 : vector<16xf32>
        %add3A_618 = arith.constant 4 : i32
        %add3A_619 = arith.addi %mul3A_77, %add3A_618 : i32
        %swap3A_620 = arith.index_cast %add3A_619 : i32 to index
        %swap3A_621 = arith.constant 48 : index
        %swap3A_622 = tpu.vector_load %arg10[%swap3A_620, %swap3A_621] {strides = array<i32>} : memref<128x128xf32, #tpu.memory_space<vmem>>, vector<1x16xf32>,
        %swap3A_623 = vector.shape_cast %swap3A_622 : vector<1x16xf32> to vector<16xf32>
        %swap3A_624 = vector.shape_cast %mul3A_617 : vector<16xf32> to vector<1x16xf32>
        tpu.vector_store %arg10[%swap3A_620, %swap3A_621], %swap3A_624 {strides = array<i32>} : memref<128x128xf32, #tpu.memory_space<vmem>>, vector<1x16xf32>,
        %add3A_625 = arith.constant 4 : i32
        %add3A_626 = arith.addi %mul3A_77, %add3A_625 : i32
        %get3A_627 = arith.index_cast %add3A_626 : i32 to index
        %get3A_628 = arith.constant 64 : index
        %get3A_629 = tpu.vector_load %arg10[%get3A_627, %get3A_628] {strides = array<i32>} : memref<128x128xf32, #tpu.memory_space<vmem>>, vector<1x16xf32>,
        %get3A_630 = vector.shape_cast %get3A_629 : vector<1x16xf32> to vector<16xf32>
        %mul3A_631 = vector.broadcast %squeeze3A_564 : f32 to vector<16xf32>
        %mul3A_632 = arith.mulf %get3A_630, %mul3A_631 : vector<16xf32>
        %add3A_633 = arith.constant 4 : i32
        %add3A_634 = arith.addi %mul3A_77, %add3A_633 : i32
        %swap3A_635 = arith.index_cast %add3A_634 : i32 to index
        %swap3A_636 = arith.constant 64 : index
        %swap3A_637 = tpu.vector_load %arg10[%swap3A_635, %swap3A_636] {strides = array<i32>} : memref<128x128xf32, #tpu.memory_space<vmem>>, vector<1x16xf32>,
        %swap3A_638 = vector.shape_cast %swap3A_637 : vector<1x16xf32> to vector<16xf32>
        %swap3A_639 = vector.shape_cast %mul3A_632 : vector<16xf32> to vector<1x16xf32>
        tpu.vector_store %arg10[%swap3A_635, %swap3A_636], %swap3A_639 {strides = array<i32>} : memref<128x128xf32, #tpu.memory_space<vmem>>, vector<1x16xf32>,
        %add3A_640 = arith.constant 4 : i32
        %add3A_641 = arith.addi %mul3A_77, %add3A_640 : i32
        %get3A_642 = arith.index_cast %add3A_641 : i32 to index
        %get3A_643 = arith.constant 80 : index
        %get3A_644 = tpu.vector_load %arg10[%get3A_642, %get3A_643] {strides = array<i32>} : memref<128x128xf32, #tpu.memory_space<vmem>>, vector<1x16xf32>,
        %get3A_645 = vector.shape_cast %get3A_644 : vector<1x16xf32> to vector<16xf32>
        %mul3A_646 = vector.broadcast %squeeze3A_564 : f32 to vector<16xf32>
        %mul3A_647 = arith.mulf %get3A_645, %mul3A_646 : vector<16xf32>
        %add3A_648 = arith.constant 4 : i32
        %add3A_649 = arith.addi %mul3A_77, %add3A_648 : i32
        %swap3A_650 = arith.index_cast %add3A_649 : i32 to index
        %swap3A_651 = arith.constant 80 : index
        %swap3A_652 = tpu.vector_load %arg10[%swap3A_650, %swap3A_651] {strides = array<i32>} : memref<128x128xf32, #tpu.memory_space<vmem>>, vector<1x16xf32>,
        %swap3A_653 = vector.shape_cast %swap3A_652 : vector<1x16xf32> to vector<16xf32>
        %swap3A_654 = vector.shape_cast %mul3A_647 : vector<16xf32> to vector<1x16xf32>
        tpu.vector_store %arg10[%swap3A_650, %swap3A_651], %swap3A_654 {strides = array<i32>} : memref<128x128xf32, #tpu.memory_space<vmem>>, vector<1x16xf32>,
        %add3A_655 = arith.constant 4 : i32
        %add3A_656 = arith.addi %mul3A_77, %add3A_655 : i32
        %get3A_657 = arith.index_cast %add3A_656 : i32 to index
        %get3A_658 = arith.constant 96 : index
        %get3A_659 = tpu.vector_load %arg10[%get3A_657, %get3A_658] {strides = array<i32>} : memref<128x128xf32, #tpu.memory_space<vmem>>, vector<1x16xf32>,
        %get3A_660 = vector.shape_cast %get3A_659 : vector<1x16xf32> to vector<16xf32>
        %mul3A_661 = vector.broadcast %squeeze3A_564 : f32 to vector<16xf32>
        %mul3A_662 = arith.mulf %get3A_660, %mul3A_661 : vector<16xf32>
        %add3A_663 = arith.constant 4 : i32
        %add3A_664 = arith.addi %mul3A_77, %add3A_663 : i32
        %swap3A_665 = arith.index_cast %add3A_664 : i32 to index
        %swap3A_666 = arith.constant 96 : index
        %swap3A_667 = tpu.vector_load %arg10[%swap3A_665, %swap3A_666] {strides = array<i32>} : memref<128x128xf32, #tpu.memory_space<vmem>>, vector<1x16xf32>,
        %swap3A_668 = vector.shape_cast %swap3A_667 : vector<1x16xf32> to vector<16xf32>
        %swap3A_669 = vector.shape_cast %mul3A_662 : vector<16xf32> to vector<1x16xf32>
        tpu.vector_store %arg10[%swap3A_665, %swap3A_666], %swap3A_669 {strides = array<i32>} : memref<128x128xf32, #tpu.memory_space<vmem>>, vector<1x16xf32>,
        %add3A_670 = arith.constant 4 : i32
        %add3A_671 = arith.addi %mul3A_77, %add3A_670 : i32
        %get3A_672 = arith.index_cast %add3A_671 : i32 to index
        %get3A_673 = arith.constant 112 : index
        %get3A_674 = tpu.vector_load %arg10[%get3A_672, %get3A_673] {strides = array<i32>} : memref<128x128xf32, #tpu.memory_space<vmem>>, vector<1x16xf32>,
        %get3A_675 = vector.shape_cast %get3A_674 : vector<1x16xf32> to vector<16xf32>
        %mul3A_676 = vector.broadcast %squeeze3A_564 : f32 to vector<16xf32>
        %mul3A_677 = arith.mulf %get3A_675, %mul3A_676 : vector<16xf32>
        %add3A_678 = arith.constant 4 : i32
        %add3A_679 = arith.addi %mul3A_77, %add3A_678 : i32
        %swap3A_680 = arith.index_cast %add3A_679 : i32 to index
        %swap3A_681 = arith.constant 112 : index
        %swap3A_682 = tpu.vector_load %arg10[%swap3A_680, %swap3A_681] {strides = array<i32>} : memref<128x128xf32, #tpu.memory_space<vmem>>, vector<1x16xf32>,
        %swap3A_683 = vector.shape_cast %swap3A_682 : vector<1x16xf32> to vector<16xf32>
        %swap3A_684 = vector.shape_cast %mul3A_677 : vector<16xf32> to vector<1x16xf32>
        tpu.vector_store %arg10[%swap3A_680, %swap3A_681], %swap3A_684 {strides = array<i32>} : memref<128x128xf32, #tpu.memory_space<vmem>>, vector<1x16xf32>,
        %slice3A_685 = vector.extract_strided_slice %get3A_75 {offsets = [5], sizes = [1], strides = [1]} : vector<16xf32> to vector<1xf32>
        %squeeze3A_686 = vector.extract %slice3A_685[0] : f32 from vector<1xf32>
        %add3A_687 = arith.constant 5 : i32
        %add3A_688 = arith.addi %mul3A_77, %add3A_687 : i32
        %get3A_689 = arith.index_cast %add3A_688 : i32 to index
        %get3A_690 = arith.constant 0 : index
        %get3A_691 = tpu.vector_load %arg10[%get3A_689, %get3A_690] {strides = array<i32>} : memref<128x128xf32, #tpu.memory_space<vmem>>, vector<1x16xf32>,
        %get3A_692 = vector.shape_cast %get3A_691 : vector<1x16xf32> to vector<16xf32>
        %mul3A_693 = vector.broadcast %squeeze3A_686 : f32 to vector<16xf32>
        %mul3A_694 = arith.mulf %get3A_692, %mul3A_693 : vector<16xf32>
        %add3A_695 = arith.constant 5 : i32
        %add3A_696 = arith.addi %mul3A_77, %add3A_695 : i32
        %swap3A_697 = arith.index_cast %add3A_696 : i32 to index
        %swap3A_698 = arith.constant 0 : index
        %swap3A_699 = tpu.vector_load %arg10[%swap3A_697, %swap3A_698] {strides = array<i32>} : memref<128x128xf32, #tpu.memory_space<vmem>>, vector<1x16xf32>,
        %swap3A_700 = vector.shape_cast %swap3A_699 : vector<1x16xf32> to vector<16xf32>
        %swap3A_701 = vector.shape_cast %mul3A_694 : vector<16xf32> to vector<1x16xf32>
        tpu.vector_store %arg10[%swap3A_697, %swap3A_698], %swap3A_701 {strides = array<i32>} : memref<128x128xf32, #tpu.memory_space<vmem>>, vector<1x16xf32>,
        %add3A_702 = arith.constant 5 : i32
        %add3A_703 = arith.addi %mul3A_77, %add3A_702 : i32
        %get3A_704 = arith.index_cast %add3A_703 : i32 to index
        %get3A_705 = arith.constant 16 : index
        %get3A_706 = tpu.vector_load %arg10[%get3A_704, %get3A_705] {strides = array<i32>} : memref<128x128xf32, #tpu.memory_space<vmem>>, vector<1x16xf32>,
        %get3A_707 = vector.shape_cast %get3A_706 : vector<1x16xf32> to vector<16xf32>
        %mul3A_708 = vector.broadcast %squeeze3A_686 : f32 to vector<16xf32>
        %mul3A_709 = arith.mulf %get3A_707, %mul3A_708 : vector<16xf32>
        %add3A_710 = arith.constant 5 : i32
        %add3A_711 = arith.addi %mul3A_77, %add3A_710 : i32
        %swap3A_712 = arith.index_cast %add3A_711 : i32 to index
        %swap3A_713 = arith.constant 16 : index
        %swap3A_714 = tpu.vector_load %arg10[%swap3A_712, %swap3A_713] {strides = array<i32>} : memref<128x128xf32, #tpu.memory_space<vmem>>, vector<1x16xf32>,
        %swap3A_715 = vector.shape_cast %swap3A_714 : vector<1x16xf32> to vector<16xf32>
        %swap3A_716 = vector.shape_cast %mul3A_709 : vector<16xf32> to vector<1x16xf32>
        tpu.vector_store %arg10[%swap3A_712, %swap3A_713], %swap3A_716 {strides = array<i32>} : memref<128x128xf32, #tpu.memory_space<vmem>>, vector<1x16xf32>,
        %add3A_717 = arith.constant 5 : i32
        %add3A_718 = arith.addi %mul3A_77, %add3A_717 : i32
        %get3A_719 = arith.index_cast %add3A_718 : i32 to index
        %get3A_720 = arith.constant 32 : index
        %get3A_721 = tpu.vector_load %arg10[%get3A_719, %get3A_720] {strides = array<i32>} : memref<128x128xf32, #tpu.memory_space<vmem>>, vector<1x16xf32>,
        %get3A_722 = vector.shape_cast %get3A_721 : vector<1x16xf32> to vector<16xf32>
        %mul3A_723 = vector.broadcast %squeeze3A_686 : f32 to vector<16xf32>
        %mul3A_724 = arith.mulf %get3A_722, %mul3A_723 : vector<16xf32>
        %add3A_725 = arith.constant 5 : i32
        %add3A_726 = arith.addi %mul3A_77, %add3A_725 : i32
        %swap3A_727 = arith.index_cast %add3A_726 : i32 to index
        %swap3A_728 = arith.constant 32 : index
        %swap3A_729 = tpu.vector_load %arg10[%swap3A_727, %swap3A_728] {strides = array<i32>} : memref<128x128xf32, #tpu.memory_space<vmem>>, vector<1x16xf32>,
        %swap3A_730 = vector.shape_cast %swap3A_729 : vector<1x16xf32> to vector<16xf32>
        %swap3A_731 = vector.shape_cast %mul3A_724 : vector<16xf32> to vector<1x16xf32>
        tpu.vector_store %arg10[%swap3A_727, %swap3A_728], %swap3A_731 {strides = array<i32>} : memref<128x128xf32, #tpu.memory_space<vmem>>, vector<1x16xf32>,
        %add3A_732 = arith.constant 5 : i32
        %add3A_733 = arith.addi %mul3A_77, %add3A_732 : i32
        %get3A_734 = arith.index_cast %add3A_733 : i32 to index
        %get3A_735 = arith.constant 48 : index
        %get3A_736 = tpu.vector_load %arg10[%get3A_734, %get3A_735] {strides = array<i32>} : memref<128x128xf32, #tpu.memory_space<vmem>>, vector<1x16xf32>,
        %get3A_737 = vector.shape_cast %get3A_736 : vector<1x16xf32> to vector<16xf32>
        %mul3A_738 = vector.broadcast %squeeze3A_686 : f32 to vector<16xf32>
        %mul3A_739 = arith.mulf %get3A_737, %mul3A_738 : vector<16xf32>
        %add3A_740 = arith.constant 5 : i32
        %add3A_741 = arith.addi %mul3A_77, %add3A_740 : i32
        %swap3A_742 = arith.index_cast %add3A_741 : i32 to index
        %swap3A_743 = arith.constant 48 : index
        %swap3A_744 = tpu.vector_load %arg10[%swap3A_742, %swap3A_743] {strides = array<i32>} : memref<128x128xf32, #tpu.memory_space<vmem>>, vector<1x16xf32>,
        %swap3A_745 = vector.shape_cast %swap3A_744 : vector<1x16xf32> to vector<16xf32>
        %swap3A_746 = vector.shape_cast %mul3A_739 : vector<16xf32> to vector<1x16xf32>
        tpu.vector_store %arg10[%swap3A_742, %swap3A_743], %swap3A_746 {strides = array<i32>} : memref<128x128xf32, #tpu.memory_space<vmem>>, vector<1x16xf32>,
        %add3A_747 = arith.constant 5 : i32
        %add3A_748 = arith.addi %mul3A_77, %add3A_747 : i32
        %get3A_749 = arith.index_cast %add3A_748 : i32 to index
        %get3A_750 = arith.constant 64 : index
        %get3A_751 = tpu.vector_load %arg10[%get3A_749, %get3A_750] {strides = array<i32>} : memref<128x128xf32, #tpu.memory_space<vmem>>, vector<1x16xf32>,
        %get3A_752 = vector.shape_cast %get3A_751 : vector<1x16xf32> to vector<16xf32>
        %mul3A_753 = vector.broadcast %squeeze3A_686 : f32 to vector<16xf32>
        %mul3A_754 = arith.mulf %get3A_752, %mul3A_753 : vector<16xf32>
        %add3A_755 = arith.constant 5 : i32
        %add3A_756 = arith.addi %mul3A_77, %add3A_755 : i32
        %swap3A_757 = arith.index_cast %add3A_756 : i32 to index
        %swap3A_758 = arith.constant 64 : index
        %swap3A_759 = tpu.vector_load %arg10[%swap3A_757, %swap3A_758] {strides = array<i32>} : memref<128x128xf32, #tpu.memory_space<vmem>>, vector<1x16xf32>,
        %swap3A_760 = vector.shape_cast %swap3A_759 : vector<1x16xf32> to vector<16xf32>
        %swap3A_761 = vector.shape_cast %mul3A_754 : vector<16xf32> to vector<1x16xf32>
        tpu.vector_store %arg10[%swap3A_757, %swap3A_758], %swap3A_761 {strides = array<i32>} : memref<128x128xf32, #tpu.memory_space<vmem>>, vector<1x16xf32>,
        %add3A_762 = arith.constant 5 : i32
        %add3A_763 = arith.addi %mul3A_77, %add3A_762 : i32
        %get3A_764 = arith.index_cast %add3A_763 : i32 to index
        %get3A_765 = arith.constant 80 : index
        %get3A_766 = tpu.vector_load %arg10[%get3A_764, %get3A_765] {strides = array<i32>} : memref<128x128xf32, #tpu.memory_space<vmem>>, vector<1x16xf32>,
        %get3A_767 = vector.shape_cast %get3A_766 : vector<1x16xf32> to vector<16xf32>
        %mul3A_768 = vector.broadcast %squeeze3A_686 : f32 to vector<16xf32>
        %mul3A_769 = arith.mulf %get3A_767, %mul3A_768 : vector<16xf32>
        %add3A_770 = arith.constant 5 : i32
        %add3A_771 = arith.addi %mul3A_77, %add3A_770 : i32
        %swap3A_772 = arith.index_cast %add3A_771 : i32 to index
        %swap3A_773 = arith.constant 80 : index
        %swap3A_774 = tpu.vector_load %arg10[%swap3A_772, %swap3A_773] {strides = array<i32>} : memref<128x128xf32, #tpu.memory_space<vmem>>, vector<1x16xf32>,
        %swap3A_775 = vector.shape_cast %swap3A_774 : vector<1x16xf32> to vector<16xf32>
        %swap3A_776 = vector.shape_cast %mul3A_769 : vector<16xf32> to vector<1x16xf32>
        tpu.vector_store %arg10[%swap3A_772, %swap3A_773], %swap3A_776 {strides = array<i32>} : memref<128x128xf32, #tpu.memory_space<vmem>>, vector<1x16xf32>,
        %add3A_777 = arith.constant 5 : i32
        %add3A_778 = arith.addi %mul3A_77, %add3A_777 : i32
        %get3A_779 = arith.index_cast %add3A_778 : i32 to index
        %get3A_780 = arith.constant 96 : index
        %get3A_781 = tpu.vector_load %arg10[%get3A_779, %get3A_780] {strides = array<i32>} : memref<128x128xf32, #tpu.memory_space<vmem>>, vector<1x16xf32>,
        %get3A_782 = vector.shape_cast %get3A_781 : vector<1x16xf32> to vector<16xf32>
        %mul3A_783 = vector.broadcast %squeeze3A_686 : f32 to vector<16xf32>
        %mul3A_784 = arith.mulf %get3A_782, %mul3A_783 : vector<16xf32>
        %add3A_785 = arith.constant 5 : i32
        %add3A_786 = arith.addi %mul3A_77, %add3A_785 : i32
        %swap3A_787 = arith.index_cast %add3A_786 : i32 to index
        %swap3A_788 = arith.constant 96 : index
        %swap3A_789 = tpu.vector_load %arg10[%swap3A_787, %swap3A_788] {strides = array<i32>} : memref<128x128xf32, #tpu.memory_space<vmem>>, vector<1x16xf32>,
        %swap3A_790 = vector.shape_cast %swap3A_789 : vector<1x16xf32> to vector<16xf32>
        %swap3A_791 = vector.shape_cast %mul3A_784 : vector<16xf32> to vector<1x16xf32>
        tpu.vector_store %arg10[%swap3A_787, %swap3A_788], %swap3A_791 {strides = array<i32>} : memref<128x128xf32, #tpu.memory_space<vmem>>, vector<1x16xf32>,
        %add3A_792 = arith.constant 5 : i32
        %add3A_793 = arith.addi %mul3A_77, %add3A_792 : i32
        %get3A_794 = arith.index_cast %add3A_793 : i32 to index
        %get3A_795 = arith.constant 112 : index
        %get3A_796 = tpu.vector_load %arg10[%get3A_794, %get3A_795] {strides = array<i32>} : memref<128x128xf32, #tpu.memory_space<vmem>>, vector<1x16xf32>,
        %get3A_797 = vector.shape_cast %get3A_796 : vector<1x16xf32> to vector<16xf32>
        %mul3A_798 = vector.broadcast %squeeze3A_686 : f32 to vector<16xf32>
        %mul3A_799 = arith.mulf %get3A_797, %mul3A_798 : vector<16xf32>
        %add3A_800 = arith.constant 5 : i32
        %add3A_801 = arith.addi %mul3A_77, %add3A_800 : i32
        %swap3A_802 = arith.index_cast %add3A_801 : i32 to index
        %swap3A_803 = arith.constant 112 : index
        %swap3A_804 = tpu.vector_load %arg10[%swap3A_802, %swap3A_803] {strides = array<i32>} : memref<128x128xf32, #tpu.memory_space<vmem>>, vector<1x16xf32>,
        %swap3A_805 = vector.shape_cast %swap3A_804 : vector<1x16xf32> to vector<16xf32>
        %swap3A_806 = vector.shape_cast %mul3A_799 : vector<16xf32> to vector<1x16xf32>
        tpu.vector_store %arg10[%swap3A_802, %swap3A_803], %swap3A_806 {strides = array<i32>} : memref<128x128xf32, #tpu.memory_space<vmem>>, vector<1x16xf32>,
        %slice3A_807 = vector.extract_strided_slice %get3A_75 {offsets = [6], sizes = [1], strides = [1]} : vector<16xf32> to vector<1xf32>
        %squeeze3A_808 = vector.extract %slice3A_807[0] : f32 from vector<1xf32>
        %add3A_809 = arith.constant 6 : i32
        %add3A_810 = arith.addi %mul3A_77, %add3A_809 : i32
        %get3A_811 = arith.index_cast %add3A_810 : i32 to index
        %get3A_812 = arith.constant 0 : index
        %get3A_813 = tpu.vector_load %arg10[%get3A_811, %get3A_812] {strides = array<i32>} : memref<128x128xf32, #tpu.memory_space<vmem>>, vector<1x16xf32>,
        %get3A_814 = vector.shape_cast %get3A_813 : vector<1x16xf32> to vector<16xf32>
        %mul3A_815 = vector.broadcast %squeeze3A_808 : f32 to vector<16xf32>
        %mul3A_816 = arith.mulf %get3A_814, %mul3A_815 : vector<16xf32>
        %add3A_817 = arith.constant 6 : i32
        %add3A_818 = arith.addi %mul3A_77, %add3A_817 : i32
        %swap3A_819 = arith.index_cast %add3A_818 : i32 to index
        %swap3A_820 = arith.constant 0 : index
        %swap3A_821 = tpu.vector_load %arg10[%swap3A_819, %swap3A_820] {strides = array<i32>} : memref<128x128xf32, #tpu.memory_space<vmem>>, vector<1x16xf32>,
        %swap3A_822 = vector.shape_cast %swap3A_821 : vector<1x16xf32> to vector<16xf32>
        %swap3A_823 = vector.shape_cast %mul3A_816 : vector<16xf32> to vector<1x16xf32>
        tpu.vector_store %arg10[%swap3A_819, %swap3A_820], %swap3A_823 {strides = array<i32>} : memref<128x128xf32, #tpu.memory_space<vmem>>, vector<1x16xf32>,
        %add3A_824 = arith.constant 6 : i32
        %add3A_825 = arith.addi %mul3A_77, %add3A_824 : i32
        %get3A_826 = arith.index_cast %add3A_825 : i32 to index
        %get3A_827 = arith.constant 16 : index
        %get3A_828 = tpu.vector_load %arg10[%get3A_826, %get3A_827] {strides = array<i32>} : memref<128x128xf32, #tpu.memory_space<vmem>>, vector<1x16xf32>,
        %get3A_829 = vector.shape_cast %get3A_828 : vector<1x16xf32> to vector<16xf32>
        %mul3A_830 = vector.broadcast %squeeze3A_808 : f32 to vector<16xf32>
        %mul3A_831 = arith.mulf %get3A_829, %mul3A_830 : vector<16xf32>
        %add3A_832 = arith.constant 6 : i32
        %add3A_833 = arith.addi %mul3A_77, %add3A_832 : i32
        %swap3A_834 = arith.index_cast %add3A_833 : i32 to index
        %swap3A_835 = arith.constant 16 : index
        %swap3A_836 = tpu.vector_load %arg10[%swap3A_834, %swap3A_835] {strides = array<i32>} : memref<128x128xf32, #tpu.memory_space<vmem>>, vector<1x16xf32>,
        %swap3A_837 = vector.shape_cast %swap3A_836 : vector<1x16xf32> to vector<16xf32>
        %swap3A_838 = vector.shape_cast %mul3A_831 : vector<16xf32> to vector<1x16xf32>
        tpu.vector_store %arg10[%swap3A_834, %swap3A_835], %swap3A_838 {strides = array<i32>} : memref<128x128xf32, #tpu.memory_space<vmem>>, vector<1x16xf32>,
        %add3A_839 = arith.constant 6 : i32
        %add3A_840 = arith.addi %mul3A_77, %add3A_839 : i32
        %get3A_841 = arith.index_cast %add3A_840 : i32 to index
        %get3A_842 = arith.constant 32 : index
        %get3A_843 = tpu.vector_load %arg10[%get3A_841, %get3A_842] {strides = array<i32>} : memref<128x128xf32, #tpu.memory_space<vmem>>, vector<1x16xf32>,
        %get3A_844 = vector.shape_cast %get3A_843 : vector<1x16xf32> to vector<16xf32>
        %mul3A_845 = vector.broadcast %squeeze3A_808 : f32 to vector<16xf32>
        %mul3A_846 = arith.mulf %get3A_844, %mul3A_845 : vector<16xf32>
        %add3A_847 = arith.constant 6 : i32
        %add3A_848 = arith.addi %mul3A_77, %add3A_847 : i32
        %swap3A_849 = arith.index_cast %add3A_848 : i32 to index
        %swap3A_850 = arith.constant 32 : index
        %swap3A_851 = tpu.vector_load %arg10[%swap3A_849, %swap3A_850] {strides = array<i32>} : memref<128x128xf32, #tpu.memory_space<vmem>>, vector<1x16xf32>,
        %swap3A_852 = vector.shape_cast %swap3A_851 : vector<1x16xf32> to vector<16xf32>
        %swap3A_853 = vector.shape_cast %mul3A_846 : vector<16xf32> to vector<1x16xf32>
        tpu.vector_store %arg10[%swap3A_849, %swap3A_850], %swap3A_853 {strides = array<i32>} : memref<128x128xf32, #tpu.memory_space<vmem>>, vector<1x16xf32>,
        %add3A_854 = arith.constant 6 : i32
        %add3A_855 = arith.addi %mul3A_77, %add3A_854 : i32
        %get3A_856 = arith.index_cast %add3A_855 : i32 to index
        %get3A_857 = arith.constant 48 : index
        %get3A_858 = tpu.vector_load %arg10[%get3A_856, %get3A_857] {strides = array<i32>} : memref<128x128xf32, #tpu.memory_space<vmem>>, vector<1x16xf32>,
        %get3A_859 = vector.shape_cast %get3A_858 : vector<1x16xf32> to vector<16xf32>
        %mul3A_860 = vector.broadcast %squeeze3A_808 : f32 to vector<16xf32>
        %mul3A_861 = arith.mulf %get3A_859, %mul3A_860 : vector<16xf32>
        %add3A_862 = arith.constant 6 : i32
        %add3A_863 = arith.addi %mul3A_77, %add3A_862 : i32
        %swap3A_864 = arith.index_cast %add3A_863 : i32 to index
        %swap3A_865 = arith.constant 48 : index
        %swap3A_866 = tpu.vector_load %arg10[%swap3A_864, %swap3A_865] {strides = array<i32>} : memref<128x128xf32, #tpu.memory_space<vmem>>, vector<1x16xf32>,
        %swap3A_867 = vector.shape_cast %swap3A_866 : vector<1x16xf32> to vector<16xf32>
        %swap3A_868 = vector.shape_cast %mul3A_861 : vector<16xf32> to vector<1x16xf32>
        tpu.vector_store %arg10[%swap3A_864, %swap3A_865], %swap3A_868 {strides = array<i32>} : memref<128x128xf32, #tpu.memory_space<vmem>>, vector<1x16xf32>,
        %add3A_869 = arith.constant 6 : i32
        %add3A_870 = arith.addi %mul3A_77, %add3A_869 : i32
        %get3A_871 = arith.index_cast %add3A_870 : i32 to index
        %get3A_872 = arith.constant 64 : index
        %get3A_873 = tpu.vector_load %arg10[%get3A_871, %get3A_872] {strides = array<i32>} : memref<128x128xf32, #tpu.memory_space<vmem>>, vector<1x16xf32>,
        %get3A_874 = vector.shape_cast %get3A_873 : vector<1x16xf32> to vector<16xf32>
        %mul3A_875 = vector.broadcast %squeeze3A_808 : f32 to vector<16xf32>
        %mul3A_876 = arith.mulf %get3A_874, %mul3A_875 : vector<16xf32>
        %add3A_877 = arith.constant 6 : i32
        %add3A_878 = arith.addi %mul3A_77, %add3A_877 : i32
        %swap3A_879 = arith.index_cast %add3A_878 : i32 to index
        %swap3A_880 = arith.constant 64 : index
        %swap3A_881 = tpu.vector_load %arg10[%swap3A_879, %swap3A_880] {strides = array<i32>} : memref<128x128xf32, #tpu.memory_space<vmem>>, vector<1x16xf32>,
        %swap3A_882 = vector.shape_cast %swap3A_881 : vector<1x16xf32> to vector<16xf32>
        %swap3A_883 = vector.shape_cast %mul3A_876 : vector<16xf32> to vector<1x16xf32>
        tpu.vector_store %arg10[%swap3A_879, %swap3A_880], %swap3A_883 {strides = array<i32>} : memref<128x128xf32, #tpu.memory_space<vmem>>, vector<1x16xf32>,
        %add3A_884 = arith.constant 6 : i32
        %add3A_885 = arith.addi %mul3A_77, %add3A_884 : i32
        %get3A_886 = arith.index_cast %add3A_885 : i32 to index
        %get3A_887 = arith.constant 80 : index
        %get3A_888 = tpu.vector_load %arg10[%get3A_886, %get3A_887] {strides = array<i32>} : memref<128x128xf32, #tpu.memory_space<vmem>>, vector<1x16xf32>,
        %get3A_889 = vector.shape_cast %get3A_888 : vector<1x16xf32> to vector<16xf32>
        %mul3A_890 = vector.broadcast %squeeze3A_808 : f32 to vector<16xf32>
        %mul3A_891 = arith.mulf %get3A_889, %mul3A_890 : vector<16xf32>
        %add3A_892 = arith.constant 6 : i32
        %add3A_893 = arith.addi %mul3A_77, %add3A_892 : i32
        %swap3A_894 = arith.index_cast %add3A_893 : i32 to index
        %swap3A_895 = arith.constant 80 : index
        %swap3A_896 = tpu.vector_load %arg10[%swap3A_894, %swap3A_895] {strides = array<i32>} : memref<128x128xf32, #tpu.memory_space<vmem>>, vector<1x16xf32>,
        %swap3A_897 = vector.shape_cast %swap3A_896 : vector<1x16xf32> to vector<16xf32>
        %swap3A_898 = vector.shape_cast %mul3A_891 : vector<16xf32> to vector<1x16xf32>
        tpu.vector_store %arg10[%swap3A_894, %swap3A_895], %swap3A_898 {strides = array<i32>} : memref<128x128xf32, #tpu.memory_space<vmem>>, vector<1x16xf32>,
        %add3A_899 = arith.constant 6 : i32
        %add3A_900 = arith.addi %mul3A_77, %add3A_899 : i32
        %get3A_901 = arith.index_cast %add3A_900 : i32 to index
        %get3A_902 = arith.constant 96 : index
        %get3A_903 = tpu.vector_load %arg10[%get3A_901, %get3A_902] {strides = array<i32>} : memref<128x128xf32, #tpu.memory_space<vmem>>, vector<1x16xf32>,
        %get3A_904 = vector.shape_cast %get3A_903 : vector<1x16xf32> to vector<16xf32>
        %mul3A_905 = vector.broadcast %squeeze3A_808 : f32 to vector<16xf32>
        %mul3A_906 = arith.mulf %get3A_904, %mul3A_905 : vector<16xf32>
        %add3A_907 = arith.constant 6 : i32
        %add3A_908 = arith.addi %mul3A_77, %add3A_907 : i32
        %swap3A_909 = arith.index_cast %add3A_908 : i32 to index
        %swap3A_910 = arith.constant 96 : index
        %swap3A_911 = tpu.vector_load %arg10[%swap3A_909, %swap3A_910] {strides = array<i32>} : memref<128x128xf32, #tpu.memory_space<vmem>>, vector<1x16xf32>,
        %swap3A_912 = vector.shape_cast %swap3A_911 : vector<1x16xf32> to vector<16xf32>
        %swap3A_913 = vector.shape_cast %mul3A_906 : vector<16xf32> to vector<1x16xf32>
        tpu.vector_store %arg10[%swap3A_909, %swap3A_910], %swap3A_913 {strides = array<i32>} : memref<128x128xf32, #tpu.memory_space<vmem>>, vector<1x16xf32>,
        %add3A_914 = arith.constant 6 : i32
        %add3A_915 = arith.addi %mul3A_77, %add3A_914 : i32
        %get3A_916 = arith.index_cast %add3A_915 : i32 to index
        %get3A_917 = arith.constant 112 : index
        %get3A_918 = tpu.vector_load %arg10[%get3A_916, %get3A_917] {strides = array<i32>} : memref<128x128xf32, #tpu.memory_space<vmem>>, vector<1x16xf32>,
        %get3A_919 = vector.shape_cast %get3A_918 : vector<1x16xf32> to vector<16xf32>
        %mul3A_920 = vector.broadcast %squeeze3A_808 : f32 to vector<16xf32>
        %mul3A_921 = arith.mulf %get3A_919, %mul3A_920 : vector<16xf32>
        %add3A_922 = arith.constant 6 : i32
        %add3A_923 = arith.addi %mul3A_77, %add3A_922 : i32
        %swap3A_924 = arith.index_cast %add3A_923 : i32 to index
        %swap3A_925 = arith.constant 112 : index
        %swap3A_926 = tpu.vector_load %arg10[%swap3A_924, %swap3A_925] {strides = array<i32>} : memref<128x128xf32, #tpu.memory_space<vmem>>, vector<1x16xf32>,
        %swap3A_927 = vector.shape_cast %swap3A_926 : vector<1x16xf32> to vector<16xf32>
        %swap3A_928 = vector.shape_cast %mul3A_921 : vector<16xf32> to vector<1x16xf32>
        tpu.vector_store %arg10[%swap3A_924, %swap3A_925], %swap3A_928 {strides = array<i32>} : memref<128x128xf32, #tpu.memory_space<vmem>>, vector<1x16xf32>,
        %slice3A_929 = vector.extract_strided_slice %get3A_75 {offsets = [7], sizes = [1], strides = [1]} : vector<16xf32> to vector<1xf32>
        %squeeze3A_930 = vector.extract %slice3A_929[0] : f32 from vector<1xf32>
        %add3A_931 = arith.constant 7 : i32
        %add3A_932 = arith.addi %mul3A_77, %add3A_931 : i32
        %get3A_933 = arith.index_cast %add3A_932 : i32 to index
        %get3A_934 = arith.constant 0 : index
        %get3A_935 = tpu.vector_load %arg10[%get3A_933, %get3A_934] {strides = array<i32>} : memref<128x128xf32, #tpu.memory_space<vmem>>, vector<1x16xf32>,
        %get3A_936 = vector.shape_cast %get3A_935 : vector<1x16xf32> to vector<16xf32>
        %mul3A_937 = vector.broadcast %squeeze3A_930 : f32 to vector<16xf32>
        %mul3A_938 = arith.mulf %get3A_936, %mul3A_937 : vector<16xf32>
        %add3A_939 = arith.constant 7 : i32
        %add3A_940 = arith.addi %mul3A_77, %add3A_939 : i32
        %swap3A_941 = arith.index_cast %add3A_940 : i32 to index
        %swap3A_942 = arith.constant 0 : index
        %swap3A_943 = tpu.vector_load %arg10[%swap3A_941, %swap3A_942] {strides = array<i32>} : memref<128x128xf32, #tpu.memory_space<vmem>>, vector<1x16xf32>,
        %swap3A_944 = vector.shape_cast %swap3A_943 : vector<1x16xf32> to vector<16xf32>
        %swap3A_945 = vector.shape_cast %mul3A_938 : vector<16xf32> to vector<1x16xf32>
        tpu.vector_store %arg10[%swap3A_941, %swap3A_942], %swap3A_945 {strides = array<i32>} : memref<128x128xf32, #tpu.memory_space<vmem>>, vector<1x16xf32>,
        %add3A_946 = arith.constant 7 : i32
        %add3A_947 = arith.addi %mul3A_77, %add3A_946 : i32
        %get3A_948 = arith.index_cast %add3A_947 : i32 to index
        %get3A_949 = arith.constant 16 : index
        %get3A_950 = tpu.vector_load %arg10[%get3A_948, %get3A_949] {strides = array<i32>} : memref<128x128xf32, #tpu.memory_space<vmem>>, vector<1x16xf32>,
        %get3A_951 = vector.shape_cast %get3A_950 : vector<1x16xf32> to vector<16xf32>
        %mul3A_952 = vector.broadcast %squeeze3A_930 : f32 to vector<16xf32>
        %mul3A_953 = arith.mulf %get3A_951, %mul3A_952 : vector<16xf32>
        %add3A_954 = arith.constant 7 : i32
        %add3A_955 = arith.addi %mul3A_77, %add3A_954 : i32
        %swap3A_956 = arith.index_cast %add3A_955 : i32 to index
        %swap3A_957 = arith.constant 16 : index
        %swap3A_958 = tpu.vector_load %arg10[%swap3A_956, %swap3A_957] {strides = array<i32>} : memref<128x128xf32, #tpu.memory_space<vmem>>, vector<1x16xf32>,
        %swap3A_959 = vector.shape_cast %swap3A_958 : vector<1x16xf32> to vector<16xf32>
        %swap3A_960 = vector.shape_cast %mul3A_953 : vector<16xf32> to vector<1x16xf32>
        tpu.vector_store %arg10[%swap3A_956, %swap3A_957], %swap3A_960 {strides = array<i32>} : memref<128x128xf32, #tpu.memory_space<vmem>>, vector<1x16xf32>,
        %add3A_961 = arith.constant 7 : i32
        %add3A_962 = arith.addi %mul3A_77, %add3A_961 : i32
        %get3A_963 = arith.index_cast %add3A_962 : i32 to index
        %get3A_964 = arith.constant 32 : index
        %get3A_965 = tpu.vector_load %arg10[%get3A_963, %get3A_964] {strides = array<i32>} : memref<128x128xf32, #tpu.memory_space<vmem>>, vector<1x16xf32>,
        %get3A_966 = vector.shape_cast %get3A_965 : vector<1x16xf32> to vector<16xf32>
        %mul3A_967 = vector.broadcast %squeeze3A_930 : f32 to vector<16xf32>
        %mul3A_968 = arith.mulf %get3A_966, %mul3A_967 : vector<16xf32>
        %add3A_969 = arith.constant 7 : i32
        %add3A_970 = arith.addi %mul3A_77, %add3A_969 : i32
        %swap3A_971 = arith.index_cast %add3A_970 : i32 to index
        %swap3A_972 = arith.constant 32 : index
        %swap3A_973 = tpu.vector_load %arg10[%swap3A_971, %swap3A_972] {strides = array<i32>} : memref<128x128xf32, #tpu.memory_space<vmem>>, vector<1x16xf32>,
        %swap3A_974 = vector.shape_cast %swap3A_973 : vector<1x16xf32> to vector<16xf32>
        %swap3A_975 = vector.shape_cast %mul3A_968 : vector<16xf32> to vector<1x16xf32>
        tpu.vector_store %arg10[%swap3A_971, %swap3A_972], %swap3A_975 {strides = array<i32>} : memref<128x128xf32, #tpu.memory_space<vmem>>, vector<1x16xf32>,
        %add3A_976 = arith.constant 7 : i32
        %add3A_977 = arith.addi %mul3A_77, %add3A_976 : i32
        %get3A_978 = arith.index_cast %add3A_977 : i32 to index
        %get3A_979 = arith.constant 48 : index
        %get3A_980 = tpu.vector_load %arg10[%get3A_978, %get3A_979] {strides = array<i32>} : memref<128x128xf32, #tpu.memory_space<vmem>>, vector<1x16xf32>,
        %get3A_981 = vector.shape_cast %get3A_980 : vector<1x16xf32> to vector<16xf32>
        %mul3A_982 = vector.broadcast %squeeze3A_930 : f32 to vector<16xf32>
        %mul3A_983 = arith.mulf %get3A_981, %mul3A_982 : vector<16xf32>
        %add3A_984 = arith.constant 7 : i32
        %add3A_985 = arith.addi %mul3A_77, %add3A_984 : i32
        %swap3A_986 = arith.index_cast %add3A_985 : i32 to index
        %swap3A_987 = arith.constant 48 : index
        %swap3A_988 = tpu.vector_load %arg10[%swap3A_986, %swap3A_987] {strides = array<i32>} : memref<128x128xf32, #tpu.memory_space<vmem>>, vector<1x16xf32>,
        %swap3A_989 = vector.shape_cast %swap3A_988 : vector<1x16xf32> to vector<16xf32>
        %swap3A_990 = vector.shape_cast %mul3A_983 : vector<16xf32> to vector<1x16xf32>
        tpu.vector_store %arg10[%swap3A_986, %swap3A_987], %swap3A_990 {strides = array<i32>} : memref<128x128xf32, #tpu.memory_space<vmem>>, vector<1x16xf32>,
        %add3A_991 = arith.constant 7 : i32
        %add3A_992 = arith.addi %mul3A_77, %add3A_991 : i32
        %get3A_993 = arith.index_cast %add3A_992 : i32 to index
        %get3A_994 = arith.constant 64 : index
        %get3A_995 = tpu.vector_load %arg10[%get3A_993, %get3A_994] {strides = array<i32>} : memref<128x128xf32, #tpu.memory_space<vmem>>, vector<1x16xf32>,
        %get3A_996 = vector.shape_cast %get3A_995 : vector<1x16xf32> to vector<16xf32>
        %mul3A_997 = vector.broadcast %squeeze3A_930 : f32 to vector<16xf32>
        %mul3A_998 = arith.mulf %get3A_996, %mul3A_997 : vector<16xf32>
        %add3A_999 = arith.constant 7 : i32
        %add3A_1000 = arith.addi %mul3A_77, %add3A_999 : i32
        %swap3A_1001 = arith.index_cast %add3A_1000 : i32 to index
        %swap3A_1002 = arith.constant 64 : index
        %swap3A_1003 = tpu.vector_load %arg10[%swap3A_1001, %swap3A_1002] {strides = array<i32>} : memref<128x128xf32, #tpu.memory_space<vmem>>, vector<1x16xf32>,
        %swap3A_1004 = vector.shape_cast %swap3A_1003 : vector<1x16xf32> to vector<16xf32>
        %swap3A_1005 = vector.shape_cast %mul3A_998 : vector<16xf32> to vector<1x16xf32>
        tpu.vector_store %arg10[%swap3A_1001, %swap3A_1002], %swap3A_1005 {strides = array<i32>} : memref<128x128xf32, #tpu.memory_space<vmem>>, vector<1x16xf32>,
        %add3A_1006 = arith.constant 7 : i32
        %add3A_1007 = arith.addi %mul3A_77, %add3A_1006 : i32
        %get3A_1008 = arith.index_cast %add3A_1007 : i32 to index
        %get3A_1009 = arith.constant 80 : index
        %get3A_1010 = tpu.vector_load %arg10[%get3A_1008, %get3A_1009] {strides = array<i32>} : memref<128x128xf32, #tpu.memory_space<vmem>>, vector<1x16xf32>,
        %get3A_1011 = vector.shape_cast %get3A_1010 : vector<1x16xf32> to vector<16xf32>
        %mul3A_1012 = vector.broadcast %squeeze3A_930 : f32 to vector<16xf32>
        %mul3A_1013 = arith.mulf %get3A_1011, %mul3A_1012 : vector<16xf32>
        %add3A_1014 = arith.constant 7 : i32
        %add3A_1015 = arith.addi %mul3A_77, %add3A_1014 : i32
        %swap3A_1016 = arith.index_cast %add3A_1015 : i32 to index
        %swap3A_1017 = arith.constant 80 : index
        %swap3A_1018 = tpu.vector_load %arg10[%swap3A_1016, %swap3A_1017] {strides = array<i32>} : memref<128x128xf32, #tpu.memory_space<vmem>>, vector<1x16xf32>,
        %swap3A_1019 = vector.shape_cast %swap3A_1018 : vector<1x16xf32> to vector<16xf32>
        %swap3A_1020 = vector.shape_cast %mul3A_1013 : vector<16xf32> to vector<1x16xf32>
        tpu.vector_store %arg10[%swap3A_1016, %swap3A_1017], %swap3A_1020 {strides = array<i32>} : memref<128x128xf32, #tpu.memory_space<vmem>>, vector<1x16xf32>,
        %add3A_1021 = arith.constant 7 : i32
        %add3A_1022 = arith.addi %mul3A_77, %add3A_1021 : i32
        %get3A_1023 = arith.index_cast %add3A_1022 : i32 to index
        %get3A_1024 = arith.constant 96 : index
        %get3A_1025 = tpu.vector_load %arg10[%get3A_1023, %get3A_1024] {strides = array<i32>} : memref<128x128xf32, #tpu.memory_space<vmem>>, vector<1x16xf32>,
        %get3A_1026 = vector.shape_cast %get3A_1025 : vector<1x16xf32> to vector<16xf32>
        %mul3A_1027 = vector.broadcast %squeeze3A_930 : f32 to vector<16xf32>
        %mul3A_1028 = arith.mulf %get3A_1026, %mul3A_1027 : vector<16xf32>
        %add3A_1029 = arith.constant 7 : i32
        %add3A_1030 = arith.addi %mul3A_77, %add3A_1029 : i32
        %swap3A_1031 = arith.index_cast %add3A_1030 : i32 to index
        %swap3A_1032 = arith.constant 96 : index
        %swap3A_1033 = tpu.vector_load %arg10[%swap3A_1031, %swap3A_1032] {strides = array<i32>} : memref<128x128xf32, #tpu.memory_space<vmem>>, vector<1x16xf32>,
        %swap3A_1034 = vector.shape_cast %swap3A_1033 : vector<1x16xf32> to vector<16xf32>
        %swap3A_1035 = vector.shape_cast %mul3A_1028 : vector<16xf32> to vector<1x16xf32>
        tpu.vector_store %arg10[%swap3A_1031, %swap3A_1032], %swap3A_1035 {strides = array<i32>} : memref<128x128xf32, #tpu.memory_space<vmem>>, vector<1x16xf32>,
        %add3A_1036 = arith.constant 7 : i32
        %add3A_1037 = arith.addi %mul3A_77, %add3A_1036 : i32
        %get3A_1038 = arith.index_cast %add3A_1037 : i32 to index
        %get3A_1039 = arith.constant 112 : index
        %get3A_1040 = tpu.vector_load %arg10[%get3A_1038, %get3A_1039] {strides = array<i32>} : memref<128x128xf32, #tpu.memory_space<vmem>>, vector<1x16xf32>,
        %get3A_1041 = vector.shape_cast %get3A_1040 : vector<1x16xf32> to vector<16xf32>
        %mul3A_1042 = vector.broadcast %squeeze3A_930 : f32 to vector<16xf32>
        %mul3A_1043 = arith.mulf %get3A_1041, %mul3A_1042 : vector<16xf32>
        %add3A_1044 = arith.constant 7 : i32
        %add3A_1045 = arith.addi %mul3A_77, %add3A_1044 : i32
        %swap3A_1046 = arith.index_cast %add3A_1045 : i32 to index
        %swap3A_1047 = arith.constant 112 : index
        %swap3A_1048 = tpu.vector_load %arg10[%swap3A_1046, %swap3A_1047] {strides = array<i32>} : memref<128x128xf32, #tpu.memory_space<vmem>>, vector<1x16xf32>,
        %swap3A_1049 = vector.shape_cast %swap3A_1048 : vector<1x16xf32> to vector<16xf32>
        %swap3A_1050 = vector.shape_cast %mul3A_1043 : vector<16xf32> to vector<1x16xf32>
        tpu.vector_store %arg10[%swap3A_1046, %swap3A_1047], %swap3A_1050 {strides = array<i32>} : memref<128x128xf32, #tpu.memory_space<vmem>>, vector<1x16xf32>,
        %slice3A_1051 = vector.extract_strided_slice %get3A_75 {offsets = [8], sizes = [1], strides = [1]} : vector<16xf32> to vector<1xf32>
        %squeeze3A_1052 = vector.extract %slice3A_1051[0] : f32 from vector<1xf32>
        %add3A_1053 = arith.constant 8 : i32
        %add3A_1054 = arith.addi %mul3A_77, %add3A_1053 : i32
        %get3A_1055 = arith.index_cast %add3A_1054 : i32 to index
        %get3A_1056 = arith.constant 0 : index
        %get3A_1057 = tpu.vector_load %arg10[%get3A_1055, %get3A_1056] {strides = array<i32>} : memref<128x128xf32, #tpu.memory_space<vmem>>, vector<1x16xf32>,
        %get3A_1058 = vector.shape_cast %get3A_1057 : vector<1x16xf32> to vector<16xf32>
        %mul3A_1059 = vector.broadcast %squeeze3A_1052 : f32 to vector<16xf32>
        %mul3A_1060 = arith.mulf %get3A_1058, %mul3A_1059 : vector<16xf32>
        %add3A_1061 = arith.constant 8 : i32
        %add3A_1062 = arith.addi %mul3A_77, %add3A_1061 : i32
        %swap3A_1063 = arith.index_cast %add3A_1062 : i32 to index
        %swap3A_1064 = arith.constant 0 : index
        %swap3A_1065 = tpu.vector_load %arg10[%swap3A_1063, %swap3A_1064] {strides = array<i32>} : memref<128x128xf32, #tpu.memory_space<vmem>>, vector<1x16xf32>,
        %swap3A_1066 = vector.shape_cast %swap3A_1065 : vector<1x16xf32> to vector<16xf32>
        %swap3A_1067 = vector.shape_cast %mul3A_1060 : vector<16xf32> to vector<1x16xf32>
        tpu.vector_store %arg10[%swap3A_1063, %swap3A_1064], %swap3A_1067 {strides = array<i32>} : memref<128x128xf32, #tpu.memory_space<vmem>>, vector<1x16xf32>,
        %add3A_1068 = arith.constant 8 : i32
        %add3A_1069 = arith.addi %mul3A_77, %add3A_1068 : i32
        %get3A_1070 = arith.index_cast %add3A_1069 : i32 to index
        %get3A_1071 = arith.constant 16 : index
        %get3A_1072 = tpu.vector_load %arg10[%get3A_1070, %get3A_1071] {strides = array<i32>} : memref<128x128xf32, #tpu.memory_space<vmem>>, vector<1x16xf32>,
        %get3A_1073 = vector.shape_cast %get3A_1072 : vector<1x16xf32> to vector<16xf32>
        %mul3A_1074 = vector.broadcast %squeeze3A_1052 : f32 to vector<16xf32>
        %mul3A_1075 = arith.mulf %get3A_1073, %mul3A_1074 : vector<16xf32>
        %add3A_1076 = arith.constant 8 : i32
        %add3A_1077 = arith.addi %mul3A_77, %add3A_1076 : i32
        %swap3A_1078 = arith.index_cast %add3A_1077 : i32 to index
        %swap3A_1079 = arith.constant 16 : index
        %swap3A_1080 = tpu.vector_load %arg10[%swap3A_1078, %swap3A_1079] {strides = array<i32>} : memref<128x128xf32, #tpu.memory_space<vmem>>, vector<1x16xf32>,
        %swap3A_1081 = vector.shape_cast %swap3A_1080 : vector<1x16xf32> to vector<16xf32>
        %swap3A_1082 = vector.shape_cast %mul3A_1075 : vector<16xf32> to vector<1x16xf32>
        tpu.vector_store %arg10[%swap3A_1078, %swap3A_1079], %swap3A_1082 {strides = array<i32>} : memref<128x128xf32, #tpu.memory_space<vmem>>, vector<1x16xf32>,
        %add3A_1083 = arith.constant 8 : i32
        %add3A_1084 = arith.addi %mul3A_77, %add3A_1083 : i32
        %get3A_1085 = arith.index_cast %add3A_1084 : i32 to index
        %get3A_1086 = arith.constant 32 : index
        %get3A_1087 = tpu.vector_load %arg10[%get3A_1085, %get3A_1086] {strides = array<i32>} : memref<128x128xf32, #tpu.memory_space<vmem>>, vector<1x16xf32>,
        %get3A_1088 = vector.shape_cast %get3A_1087 : vector<1x16xf32> to vector<16xf32>
        %mul3A_1089 = vector.broadcast %squeeze3A_1052 : f32 to vector<16xf32>
        %mul3A_1090 = arith.mulf %get3A_1088, %mul3A_1089 : vector<16xf32>
        %add3A_1091 = arith.constant 8 : i32
        %add3A_1092 = arith.addi %mul3A_77, %add3A_1091 : i32
        %swap3A_1093 = arith.index_cast %add3A_1092 : i32 to index
        %swap3A_1094 = arith.constant 32 : index
        %swap3A_1095 = tpu.vector_load %arg10[%swap3A_1093, %swap3A_1094] {strides = array<i32>} : memref<128x128xf32, #tpu.memory_space<vmem>>, vector<1x16xf32>,
        %swap3A_1096 = vector.shape_cast %swap3A_1095 : vector<1x16xf32> to vector<16xf32>
        %swap3A_1097 = vector.shape_cast %mul3A_1090 : vector<16xf32> to vector<1x16xf32>
        tpu.vector_store %arg10[%swap3A_1093, %swap3A_1094], %swap3A_1097 {strides = array<i32>} : memref<128x128xf32, #tpu.memory_space<vmem>>, vector<1x16xf32>,
        %add3A_1098 = arith.constant 8 : i32
        %add3A_1099 = arith.addi %mul3A_77, %add3A_1098 : i32
        %get3A_1100 = arith.index_cast %add3A_1099 : i32 to index
        %get3A_1101 = arith.constant 48 : index
        %get3A_1102 = tpu.vector_load %arg10[%get3A_1100, %get3A_1101] {strides = array<i32>} : memref<128x128xf32, #tpu.memory_space<vmem>>, vector<1x16xf32>,
        %get3A_1103 = vector.shape_cast %get3A_1102 : vector<1x16xf32> to vector<16xf32>
        %mul3A_1104 = vector.broadcast %squeeze3A_1052 : f32 to vector<16xf32>
        %mul3A_1105 = arith.mulf %get3A_1103, %mul3A_1104 : vector<16xf32>
        %add3A_1106 = arith.constant 8 : i32
        %add3A_1107 = arith.addi %mul3A_77, %add3A_1106 : i32
        %swap3A_1108 = arith.index_cast %add3A_1107 : i32 to index
        %swap3A_1109 = arith.constant 48 : index
        %swap3A_1110 = tpu.vector_load %arg10[%swap3A_1108, %swap3A_1109] {strides = array<i32>} : memref<128x128xf32, #tpu.memory_space<vmem>>, vector<1x16xf32>,
        %swap3A_1111 = vector.shape_cast %swap3A_1110 : vector<1x16xf32> to vector<16xf32>
        %swap3A_1112 = vector.shape_cast %mul3A_1105 : vector<16xf32> to vector<1x16xf32>
        tpu.vector_store %arg10[%swap3A_1108, %swap3A_1109], %swap3A_1112 {strides = array<i32>} : memref<128x128xf32, #tpu.memory_space<vmem>>, vector<1x16xf32>,
        %add3A_1113 = arith.constant 8 : i32
        %add3A_1114 = arith.addi %mul3A_77, %add3A_1113 : i32
        %get3A_1115 = arith.index_cast %add3A_1114 : i32 to index
        %get3A_1116 = arith.constant 64 : index
        %get3A_1117 = tpu.vector_load %arg10[%get3A_1115, %get3A_1116] {strides = array<i32>} : memref<128x128xf32, #tpu.memory_space<vmem>>, vector<1x16xf32>,
        %get3A_1118 = vector.shape_cast %get3A_1117 : vector<1x16xf32> to vector<16xf32>
        %mul3A_1119 = vector.broadcast %squeeze3A_1052 : f32 to vector<16xf32>
        %mul3A_1120 = arith.mulf %get3A_1118, %mul3A_1119 : vector<16xf32>
        %add3A_1121 = arith.constant 8 : i32
        %add3A_1122 = arith.addi %mul3A_77, %add3A_1121 : i32
        %swap3A_1123 = arith.index_cast %add3A_1122 : i32 to index
        %swap3A_1124 = arith.constant 64 : index
        %swap3A_1125 = tpu.vector_load %arg10[%swap3A_1123, %swap3A_1124] {strides = array<i32>} : memref<128x128xf32, #tpu.memory_space<vmem>>, vector<1x16xf32>,
        %swap3A_1126 = vector.shape_cast %swap3A_1125 : vector<1x16xf32> to vector<16xf32>
        %swap3A_1127 = vector.shape_cast %mul3A_1120 : vector<16xf32> to vector<1x16xf32>
        tpu.vector_store %arg10[%swap3A_1123, %swap3A_1124], %swap3A_1127 {strides = array<i32>} : memref<128x128xf32, #tpu.memory_space<vmem>>, vector<1x16xf32>,
        %add3A_1128 = arith.constant 8 : i32
        %add3A_1129 = arith.addi %mul3A_77, %add3A_1128 : i32
        %get3A_1130 = arith.index_cast %add3A_1129 : i32 to index
        %get3A_1131 = arith.constant 80 : index
        %get3A_1132 = tpu.vector_load %arg10[%get3A_1130, %get3A_1131] {strides = array<i32>} : memref<128x128xf32, #tpu.memory_space<vmem>>, vector<1x16xf32>,
        %get3A_1133 = vector.shape_cast %get3A_1132 : vector<1x16xf32> to vector<16xf32>
        %mul3A_1134 = vector.broadcast %squeeze3A_1052 : f32 to vector<16xf32>
        %mul3A_1135 = arith.mulf %get3A_1133, %mul3A_1134 : vector<16xf32>
        %add3A_1136 = arith.constant 8 : i32
        %add3A_1137 = arith.addi %mul3A_77, %add3A_1136 : i32
        %swap3A_1138 = arith.index_cast %add3A_1137 : i32 to index
        %swap3A_1139 = arith.constant 80 : index
        %swap3A_1140 = tpu.vector_load %arg10[%swap3A_1138, %swap3A_1139] {strides = array<i32>} : memref<128x128xf32, #tpu.memory_space<vmem>>, vector<1x16xf32>,
        %swap3A_1141 = vector.shape_cast %swap3A_1140 : vector<1x16xf32> to vector<16xf32>
        %swap3A_1142 = vector.shape_cast %mul3A_1135 : vector<16xf32> to vector<1x16xf32>
        tpu.vector_store %arg10[%swap3A_1138, %swap3A_1139], %swap3A_1142 {strides = array<i32>} : memref<128x128xf32, #tpu.memory_space<vmem>>, vector<1x16xf32>,
        %add3A_1143 = arith.constant 8 : i32
        %add3A_1144 = arith.addi %mul3A_77, %add3A_1143 : i32
        %get3A_1145 = arith.index_cast %add3A_1144 : i32 to index
        %get3A_1146 = arith.constant 96 : index
        %get3A_1147 = tpu.vector_load %arg10[%get3A_1145, %get3A_1146] {strides = array<i32>} : memref<128x128xf32, #tpu.memory_space<vmem>>, vector<1x16xf32>,
        %get3A_1148 = vector.shape_cast %get3A_1147 : vector<1x16xf32> to vector<16xf32>
        %mul3A_1149 = vector.broadcast %squeeze3A_1052 : f32 to vector<16xf32>
        %mul3A_1150 = arith.mulf %get3A_1148, %mul3A_1149 : vector<16xf32>
        %add3A_1151 = arith.constant 8 : i32
        %add3A_1152 = arith.addi %mul3A_77, %add3A_1151 : i32
        %swap3A_1153 = arith.index_cast %add3A_1152 : i32 to index
        %swap3A_1154 = arith.constant 96 : index
        %swap3A_1155 = tpu.vector_load %arg10[%swap3A_1153, %swap3A_1154] {strides = array<i32>} : memref<128x128xf32, #tpu.memory_space<vmem>>, vector<1x16xf32>,
        %swap3A_1156 = vector.shape_cast %swap3A_1155 : vector<1x16xf32> to vector<16xf32>
        %swap3A_1157 = vector.shape_cast %mul3A_1150 : vector<16xf32> to vector<1x16xf32>
        tpu.vector_store %arg10[%swap3A_1153, %swap3A_1154], %swap3A_1157 {strides = array<i32>} : memref<128x128xf32, #tpu.memory_space<vmem>>, vector<1x16xf32>,
        %add3A_1158 = arith.constant 8 : i32
        %add3A_1159 = arith.addi %mul3A_77, %add3A_1158 : i32
        %get3A_1160 = arith.index_cast %add3A_1159 : i32 to index
        %get3A_1161 = arith.constant 112 : index
        %get3A_1162 = tpu.vector_load %arg10[%get3A_1160, %get3A_1161] {strides = array<i32>} : memref<128x128xf32, #tpu.memory_space<vmem>>, vector<1x16xf32>,
        %get3A_1163 = vector.shape_cast %get3A_1162 : vector<1x16xf32> to vector<16xf32>
        %mul3A_1164 = vector.broadcast %squeeze3A_1052 : f32 to vector<16xf32>
        %mul3A_1165 = arith.mulf %get3A_1163, %mul3A_1164 : vector<16xf32>
        %add3A_1166 = arith.constant 8 : i32
        %add3A_1167 = arith.addi %mul3A_77, %add3A_1166 : i32
        %swap3A_1168 = arith.index_cast %add3A_1167 : i32 to index
        %swap3A_1169 = arith.constant 112 : index
        %swap3A_1170 = tpu.vector_load %arg10[%swap3A_1168, %swap3A_1169] {strides = array<i32>} : memref<128x128xf32, #tpu.memory_space<vmem>>, vector<1x16xf32>,
        %swap3A_1171 = vector.shape_cast %swap3A_1170 : vector<1x16xf32> to vector<16xf32>
        %swap3A_1172 = vector.shape_cast %mul3A_1165 : vector<16xf32> to vector<1x16xf32>
        tpu.vector_store %arg10[%swap3A_1168, %swap3A_1169], %swap3A_1172 {strides = array<i32>} : memref<128x128xf32, #tpu.memory_space<vmem>>, vector<1x16xf32>,
        %slice3A_1173 = vector.extract_strided_slice %get3A_75 {offsets = [9], sizes = [1], strides = [1]} : vector<16xf32> to vector<1xf32>
        %squeeze3A_1174 = vector.extract %slice3A_1173[0] : f32 from vector<1xf32>
        %add3A_1175 = arith.constant 9 : i32
        %add3A_1176 = arith.addi %mul3A_77, %add3A_1175 : i32
        %get3A_1177 = arith.index_cast %add3A_1176 : i32 to index
        %get3A_1178 = arith.constant 0 : index
        %get3A_1179 = tpu.vector_load %arg10[%get3A_1177, %get3A_1178] {strides = array<i32>} : memref<128x128xf32, #tpu.memory_space<vmem>>, vector<1x16xf32>,
        %get3A_1180 = vector.shape_cast %get3A_1179 : vector<1x16xf32> to vector<16xf32>
        %mul3A_1181 = vector.broadcast %squeeze3A_1174 : f32 to vector<16xf32>
        %mul3A_1182 = arith.mulf %get3A_1180, %mul3A_1181 : vector<16xf32>
        %add3A_1183 = arith.constant 9 : i32
        %add3A_1184 = arith.addi %mul3A_77, %add3A_1183 : i32
        %swap3A_1185 = arith.index_cast %add3A_1184 : i32 to index
        %swap3A_1186 = arith.constant 0 : index
        %swap3A_1187 = tpu.vector_load %arg10[%swap3A_1185, %swap3A_1186] {strides = array<i32>} : memref<128x128xf32, #tpu.memory_space<vmem>>, vector<1x16xf32>,
        %swap3A_1188 = vector.shape_cast %swap3A_1187 : vector<1x16xf32> to vector<16xf32>
        %swap3A_1189 = vector.shape_cast %mul3A_1182 : vector<16xf32> to vector<1x16xf32>
        tpu.vector_store %arg10[%swap3A_1185, %swap3A_1186], %swap3A_1189 {strides = array<i32>} : memref<128x128xf32, #tpu.memory_space<vmem>>, vector<1x16xf32>,
        %add3A_1190 = arith.constant 9 : i32
        %add3A_1191 = arith.addi %mul3A_77, %add3A_1190 : i32
        %get3A_1192 = arith.index_cast %add3A_1191 : i32 to index
        %get3A_1193 = arith.constant 16 : index
        %get3A_1194 = tpu.vector_load %arg10[%get3A_1192, %get3A_1193] {strides = array<i32>} : memref<128x128xf32, #tpu.memory_space<vmem>>, vector<1x16xf32>,
        %get3A_1195 = vector.shape_cast %get3A_1194 : vector<1x16xf32> to vector<16xf32>
        %mul3A_1196 = vector.broadcast %squeeze3A_1174 : f32 to vector<16xf32>
        %mul3A_1197 = arith.mulf %get3A_1195, %mul3A_1196 : vector<16xf32>
        %add3A_1198 = arith.constant 9 : i32
        %add3A_1199 = arith.addi %mul3A_77, %add3A_1198 : i32
        %swap3A_1200 = arith.index_cast %add3A_1199 : i32 to index
        %swap3A_1201 = arith.constant 16 : index
        %swap3A_1202 = tpu.vector_load %arg10[%swap3A_1200, %swap3A_1201] {strides = array<i32>} : memref<128x128xf32, #tpu.memory_space<vmem>>, vector<1x16xf32>,
        %swap3A_1203 = vector.shape_cast %swap3A_1202 : vector<1x16xf32> to vector<16xf32>
        %swap3A_1204 = vector.shape_cast %mul3A_1197 : vector<16xf32> to vector<1x16xf32>
        tpu.vector_store %arg10[%swap3A_1200, %swap3A_1201], %swap3A_1204 {strides = array<i32>} : memref<128x128xf32, #tpu.memory_space<vmem>>, vector<1x16xf32>,
        %add3A_1205 = arith.constant 9 : i32
        %add3A_1206 = arith.addi %mul3A_77, %add3A_1205 : i32
        %get3A_1207 = arith.index_cast %add3A_1206 : i32 to index
        %get3A_1208 = arith.constant 32 : index
        %get3A_1209 = tpu.vector_load %arg10[%get3A_1207, %get3A_1208] {strides = array<i32>} : memref<128x128xf32, #tpu.memory_space<vmem>>, vector<1x16xf32>,
        %get3A_1210 = vector.shape_cast %get3A_1209 : vector<1x16xf32> to vector<16xf32>
        %mul3A_1211 = vector.broadcast %squeeze3A_1174 : f32 to vector<16xf32>
        %mul3A_1212 = arith.mulf %get3A_1210, %mul3A_1211 : vector<16xf32>
        %add3A_1213 = arith.constant 9 : i32
        %add3A_1214 = arith.addi %mul3A_77, %add3A_1213 : i32
        %swap3A_1215 = arith.index_cast %add3A_1214 : i32 to index
        %swap3A_1216 = arith.constant 32 : index
        %swap3A_1217 = tpu.vector_load %arg10[%swap3A_1215, %swap3A_1216] {strides = array<i32>} : memref<128x128xf32, #tpu.memory_space<vmem>>, vector<1x16xf32>,
        %swap3A_1218 = vector.shape_cast %swap3A_1217 : vector<1x16xf32> to vector<16xf32>
        %swap3A_1219 = vector.shape_cast %mul3A_1212 : vector<16xf32> to vector<1x16xf32>
        tpu.vector_store %arg10[%swap3A_1215, %swap3A_1216], %swap3A_1219 {strides = array<i32>} : memref<128x128xf32, #tpu.memory_space<vmem>>, vector<1x16xf32>,
        %add3A_1220 = arith.constant 9 : i32
        %add3A_1221 = arith.addi %mul3A_77, %add3A_1220 : i32
        %get3A_1222 = arith.index_cast %add3A_1221 : i32 to index
        %get3A_1223 = arith.constant 48 : index
        %get3A_1224 = tpu.vector_load %arg10[%get3A_1222, %get3A_1223] {strides = array<i32>} : memref<128x128xf32, #tpu.memory_space<vmem>>, vector<1x16xf32>,
        %get3A_1225 = vector.shape_cast %get3A_1224 : vector<1x16xf32> to vector<16xf32>
        %mul3A_1226 = vector.broadcast %squeeze3A_1174 : f32 to vector<16xf32>
        %mul3A_1227 = arith.mulf %get3A_1225, %mul3A_1226 : vector<16xf32>
        %add3A_1228 = arith.constant 9 : i32
        %add3A_1229 = arith.addi %mul3A_77, %add3A_1228 : i32
        %swap3A_1230 = arith.index_cast %add3A_1229 : i32 to index
        %swap3A_1231 = arith.constant 48 : index
        %swap3A_1232 = tpu.vector_load %arg10[%swap3A_1230, %swap3A_1231] {strides = array<i32>} : memref<128x128xf32, #tpu.memory_space<vmem>>, vector<1x16xf32>,
        %swap3A_1233 = vector.shape_cast %swap3A_1232 : vector<1x16xf32> to vector<16xf32>
        %swap3A_1234 = vector.shape_cast %mul3A_1227 : vector<16xf32> to vector<1x16xf32>
        tpu.vector_store %arg10[%swap3A_1230, %swap3A_1231], %swap3A_1234 {strides = array<i32>} : memref<128x128xf32, #tpu.memory_space<vmem>>, vector<1x16xf32>,
        %add3A_1235 = arith.constant 9 : i32
        %add3A_1236 = arith.addi %mul3A_77, %add3A_1235 : i32
        %get3A_1237 = arith.index_cast %add3A_1236 : i32 to index
        %get3A_1238 = arith.constant 64 : index
        %get3A_1239 = tpu.vector_load %arg10[%get3A_1237, %get3A_1238] {strides = array<i32>} : memref<128x128xf32, #tpu.memory_space<vmem>>, vector<1x16xf32>,
        %get3A_1240 = vector.shape_cast %get3A_1239 : vector<1x16xf32> to vector<16xf32>
        %mul3A_1241 = vector.broadcast %squeeze3A_1174 : f32 to vector<16xf32>
        %mul3A_1242 = arith.mulf %get3A_1240, %mul3A_1241 : vector<16xf32>
        %add3A_1243 = arith.constant 9 : i32
        %add3A_1244 = arith.addi %mul3A_77, %add3A_1243 : i32
        %swap3A_1245 = arith.index_cast %add3A_1244 : i32 to index
        %swap3A_1246 = arith.constant 64 : index
        %swap3A_1247 = tpu.vector_load %arg10[%swap3A_1245, %swap3A_1246] {strides = array<i32>} : memref<128x128xf32, #tpu.memory_space<vmem>>, vector<1x16xf32>,
        %swap3A_1248 = vector.shape_cast %swap3A_1247 : vector<1x16xf32> to vector<16xf32>
        %swap3A_1249 = vector.shape_cast %mul3A_1242 : vector<16xf32> to vector<1x16xf32>
        tpu.vector_store %arg10[%swap3A_1245, %swap3A_1246], %swap3A_1249 {strides = array<i32>} : memref<128x128xf32, #tpu.memory_space<vmem>>, vector<1x16xf32>,
        %add3A_1250 = arith.constant 9 : i32
        %add3A_1251 = arith.addi %mul3A_77, %add3A_1250 : i32
        %get3A_1252 = arith.index_cast %add3A_1251 : i32 to index
        %get3A_1253 = arith.constant 80 : index
        %get3A_1254 = tpu.vector_load %arg10[%get3A_1252, %get3A_1253] {strides = array<i32>} : memref<128x128xf32, #tpu.memory_space<vmem>>, vector<1x16xf32>,
        %get3A_1255 = vector.shape_cast %get3A_1254 : vector<1x16xf32> to vector<16xf32>
        %mul3A_1256 = vector.broadcast %squeeze3A_1174 : f32 to vector<16xf32>
        %mul3A_1257 = arith.mulf %get3A_1255, %mul3A_1256 : vector<16xf32>
        %add3A_1258 = arith.constant 9 : i32
        %add3A_1259 = arith.addi %mul3A_77, %add3A_1258 : i32
        %swap3A_1260 = arith.index_cast %add3A_1259 : i32 to index
        %swap3A_1261 = arith.constant 80 : index
        %swap3A_1262 = tpu.vector_load %arg10[%swap3A_1260, %swap3A_1261] {strides = array<i32>} : memref<128x128xf32, #tpu.memory_space<vmem>>, vector<1x16xf32>,
        %swap3A_1263 = vector.shape_cast %swap3A_1262 : vector<1x16xf32> to vector<16xf32>
        %swap3A_1264 = vector.shape_cast %mul3A_1257 : vector<16xf32> to vector<1x16xf32>
        tpu.vector_store %arg10[%swap3A_1260, %swap3A_1261], %swap3A_1264 {strides = array<i32>} : memref<128x128xf32, #tpu.memory_space<vmem>>, vector<1x16xf32>,
        %add3A_1265 = arith.constant 9 : i32
        %add3A_1266 = arith.addi %mul3A_77, %add3A_1265 : i32
        %get3A_1267 = arith.index_cast %add3A_1266 : i32 to index
        %get3A_1268 = arith.constant 96 : index
        %get3A_1269 = tpu.vector_load %arg10[%get3A_1267, %get3A_1268] {strides = array<i32>} : memref<128x128xf32, #tpu.memory_space<vmem>>, vector<1x16xf32>,
        %get3A_1270 = vector.shape_cast %get3A_1269 : vector<1x16xf32> to vector<16xf32>
        %mul3A_1271 = vector.broadcast %squeeze3A_1174 : f32 to vector<16xf32>
        %mul3A_1272 = arith.mulf %get3A_1270, %mul3A_1271 : vector<16xf32>
        %add3A_1273 = arith.constant 9 : i32
        %add3A_1274 = arith.addi %mul3A_77, %add3A_1273 : i32
        %swap3A_1275 = arith.index_cast %add3A_1274 : i32 to index
        %swap3A_1276 = arith.constant 96 : index
        %swap3A_1277 = tpu.vector_load %arg10[%swap3A_1275, %swap3A_1276] {strides = array<i32>} : memref<128x128xf32, #tpu.memory_space<vmem>>, vector<1x16xf32>,
        %swap3A_1278 = vector.shape_cast %swap3A_1277 : vector<1x16xf32> to vector<16xf32>
        %swap3A_1279 = vector.shape_cast %mul3A_1272 : vector<16xf32> to vector<1x16xf32>
        tpu.vector_store %arg10[%swap3A_1275, %swap3A_1276], %swap3A_1279 {strides = array<i32>} : memref<128x128xf32, #tpu.memory_space<vmem>>, vector<1x16xf32>,
        %add3A_1280 = arith.constant 9 : i32
        %add3A_1281 = arith.addi %mul3A_77, %add3A_1280 : i32
        %get3A_1282 = arith.index_cast %add3A_1281 : i32 to index
        %get3A_1283 = arith.constant 112 : index
        %get3A_1284 = tpu.vector_load %arg10[%get3A_1282, %get3A_1283] {strides = array<i32>} : memref<128x128xf32, #tpu.memory_space<vmem>>, vector<1x16xf32>,
        %get3A_1285 = vector.shape_cast %get3A_1284 : vector<1x16xf32> to vector<16xf32>
        %mul3A_1286 = vector.broadcast %squeeze3A_1174 : f32 to vector<16xf32>
        %mul3A_1287 = arith.mulf %get3A_1285, %mul3A_1286 : vector<16xf32>
        %add3A_1288 = arith.constant 9 : i32
        %add3A_1289 = arith.addi %mul3A_77, %add3A_1288 : i32
        %swap3A_1290 = arith.index_cast %add3A_1289 : i32 to index
        %swap3A_1291 = arith.constant 112 : index
        %swap3A_1292 = tpu.vector_load %arg10[%swap3A_1290, %swap3A_1291] {strides = array<i32>} : memref<128x128xf32, #tpu.memory_space<vmem>>, vector<1x16xf32>,
        %swap3A_1293 = vector.shape_cast %swap3A_1292 : vector<1x16xf32> to vector<16xf32>
        %swap3A_1294 = vector.shape_cast %mul3A_1287 : vector<16xf32> to vector<1x16xf32>
        tpu.vector_store %arg10[%swap3A_1290, %swap3A_1291], %swap3A_1294 {strides = array<i32>} : memref<128x128xf32, #tpu.memory_space<vmem>>, vector<1x16xf32>,
        %slice3A_1295 = vector.extract_strided_slice %get3A_75 {offsets = [10], sizes = [1], strides = [1]} : vector<16xf32> to vector<1xf32>
        %squeeze3A_1296 = vector.extract %slice3A_1295[0] : f32 from vector<1xf32>
        %add3A_1297 = arith.constant 10 : i32
        %add3A_1298 = arith.addi %mul3A_77, %add3A_1297 : i32
        %get3A_1299 = arith.index_cast %add3A_1298 : i32 to index
        %get3A_1300 = arith.constant 0 : index
        %get3A_1301 = tpu.vector_load %arg10[%get3A_1299, %get3A_1300] {strides = array<i32>} : memref<128x128xf32, #tpu.memory_space<vmem>>, vector<1x16xf32>,
        %get3A_1302 = vector.shape_cast %get3A_1301 : vector<1x16xf32> to vector<16xf32>
        %mul3A_1303 = vector.broadcast %squeeze3A_1296 : f32 to vector<16xf32>
        %mul3A_1304 = arith.mulf %get3A_1302, %mul3A_1303 : vector<16xf32>
        %add3A_1305 = arith.constant 10 : i32
        %add3A_1306 = arith.addi %mul3A_77, %add3A_1305 : i32
        %swap3A_1307 = arith.index_cast %add3A_1306 : i32 to index
        %swap3A_1308 = arith.constant 0 : index
        %swap3A_1309 = tpu.vector_load %arg10[%swap3A_1307, %swap3A_1308] {strides = array<i32>} : memref<128x128xf32, #tpu.memory_space<vmem>>, vector<1x16xf32>,
        %swap3A_1310 = vector.shape_cast %swap3A_1309 : vector<1x16xf32> to vector<16xf32>
        %swap3A_1311 = vector.shape_cast %mul3A_1304 : vector<16xf32> to vector<1x16xf32>
        tpu.vector_store %arg10[%swap3A_1307, %swap3A_1308], %swap3A_1311 {strides = array<i32>} : memref<128x128xf32, #tpu.memory_space<vmem>>, vector<1x16xf32>,
        %add3A_1312 = arith.constant 10 : i32
        %add3A_1313 = arith.addi %mul3A_77, %add3A_1312 : i32
        %get3A_1314 = arith.index_cast %add3A_1313 : i32 to index
        %get3A_1315 = arith.constant 16 : index
        %get3A_1316 = tpu.vector_load %arg10[%get3A_1314, %get3A_1315] {strides = array<i32>} : memref<128x128xf32, #tpu.memory_space<vmem>>, vector<1x16xf32>,
        %get3A_1317 = vector.shape_cast %get3A_1316 : vector<1x16xf32> to vector<16xf32>
        %mul3A_1318 = vector.broadcast %squeeze3A_1296 : f32 to vector<16xf32>
        %mul3A_1319 = arith.mulf %get3A_1317, %mul3A_1318 : vector<16xf32>
        %add3A_1320 = arith.constant 10 : i32
        %add3A_1321 = arith.addi %mul3A_77, %add3A_1320 : i32
        %swap3A_1322 = arith.index_cast %add3A_1321 : i32 to index
        %swap3A_1323 = arith.constant 16 : index
        %swap3A_1324 = tpu.vector_load %arg10[%swap3A_1322, %swap3A_1323] {strides = array<i32>} : memref<128x128xf32, #tpu.memory_space<vmem>>, vector<1x16xf32>,
        %swap3A_1325 = vector.shape_cast %swap3A_1324 : vector<1x16xf32> to vector<16xf32>
        %swap3A_1326 = vector.shape_cast %mul3A_1319 : vector<16xf32> to vector<1x16xf32>
        tpu.vector_store %arg10[%swap3A_1322, %swap3A_1323], %swap3A_1326 {strides = array<i32>} : memref<128x128xf32, #tpu.memory_space<vmem>>, vector<1x16xf32>,
        %add3A_1327 = arith.constant 10 : i32
        %add3A_1328 = arith.addi %mul3A_77, %add3A_1327 : i32
        %get3A_1329 = arith.index_cast %add3A_1328 : i32 to index
        %get3A_1330 = arith.constant 32 : index
        %get3A_1331 = tpu.vector_load %arg10[%get3A_1329, %get3A_1330] {strides = array<i32>} : memref<128x128xf32, #tpu.memory_space<vmem>>, vector<1x16xf32>,
        %get3A_1332 = vector.shape_cast %get3A_1331 : vector<1x16xf32> to vector<16xf32>
        %mul3A_1333 = vector.broadcast %squeeze3A_1296 : f32 to vector<16xf32>
        %mul3A_1334 = arith.mulf %get3A_1332, %mul3A_1333 : vector<16xf32>
        %add3A_1335 = arith.constant 10 : i32
        %add3A_1336 = arith.addi %mul3A_77, %add3A_1335 : i32
        %swap3A_1337 = arith.index_cast %add3A_1336 : i32 to index
        %swap3A_1338 = arith.constant 32 : index
        %swap3A_1339 = tpu.vector_load %arg10[%swap3A_1337, %swap3A_1338] {strides = array<i32>} : memref<128x128xf32, #tpu.memory_space<vmem>>, vector<1x16xf32>,
        %swap3A_1340 = vector.shape_cast %swap3A_1339 : vector<1x16xf32> to vector<16xf32>
        %swap3A_1341 = vector.shape_cast %mul3A_1334 : vector<16xf32> to vector<1x16xf32>
        tpu.vector_store %arg10[%swap3A_1337, %swap3A_1338], %swap3A_1341 {strides = array<i32>} : memref<128x128xf32, #tpu.memory_space<vmem>>, vector<1x16xf32>,
        %add3A_1342 = arith.constant 10 : i32
        %add3A_1343 = arith.addi %mul3A_77, %add3A_1342 : i32
        %get3A_1344 = arith.index_cast %add3A_1343 : i32 to index
        %get3A_1345 = arith.constant 48 : index
        %get3A_1346 = tpu.vector_load %arg10[%get3A_1344, %get3A_1345] {strides = array<i32>} : memref<128x128xf32, #tpu.memory_space<vmem>>, vector<1x16xf32>,
        %get3A_1347 = vector.shape_cast %get3A_1346 : vector<1x16xf32> to vector<16xf32>
        %mul3A_1348 = vector.broadcast %squeeze3A_1296 : f32 to vector<16xf32>
        %mul3A_1349 = arith.mulf %get3A_1347, %mul3A_1348 : vector<16xf32>
        %add3A_1350 = arith.constant 10 : i32
        %add3A_1351 = arith.addi %mul3A_77, %add3A_1350 : i32
        %swap3A_1352 = arith.index_cast %add3A_1351 : i32 to index
        %swap3A_1353 = arith.constant 48 : index
        %swap3A_1354 = tpu.vector_load %arg10[%swap3A_1352, %swap3A_1353] {strides = array<i32>} : memref<128x128xf32, #tpu.memory_space<vmem>>, vector<1x16xf32>,
        %swap3A_1355 = vector.shape_cast %swap3A_1354 : vector<1x16xf32> to vector<16xf32>
        %swap3A_1356 = vector.shape_cast %mul3A_1349 : vector<16xf32> to vector<1x16xf32>
        tpu.vector_store %arg10[%swap3A_1352, %swap3A_1353], %swap3A_1356 {strides = array<i32>} : memref<128x128xf32, #tpu.memory_space<vmem>>, vector<1x16xf32>,
        %add3A_1357 = arith.constant 10 : i32
        %add3A_1358 = arith.addi %mul3A_77, %add3A_1357 : i32
        %get3A_1359 = arith.index_cast %add3A_1358 : i32 to index
        %get3A_1360 = arith.constant 64 : index
        %get3A_1361 = tpu.vector_load %arg10[%get3A_1359, %get3A_1360] {strides = array<i32>} : memref<128x128xf32, #tpu.memory_space<vmem>>, vector<1x16xf32>,
        %get3A_1362 = vector.shape_cast %get3A_1361 : vector<1x16xf32> to vector<16xf32>
        %mul3A_1363 = vector.broadcast %squeeze3A_1296 : f32 to vector<16xf32>
        %mul3A_1364 = arith.mulf %get3A_1362, %mul3A_1363 : vector<16xf32>
        %add3A_1365 = arith.constant 10 : i32
        %add3A_1366 = arith.addi %mul3A_77, %add3A_1365 : i32
        %swap3A_1367 = arith.index_cast %add3A_1366 : i32 to index
        %swap3A_1368 = arith.constant 64 : index
        %swap3A_1369 = tpu.vector_load %arg10[%swap3A_1367, %swap3A_1368] {strides = array<i32>} : memref<128x128xf32, #tpu.memory_space<vmem>>, vector<1x16xf32>,
        %swap3A_1370 = vector.shape_cast %swap3A_1369 : vector<1x16xf32> to vector<16xf32>
        %swap3A_1371 = vector.shape_cast %mul3A_1364 : vector<16xf32> to vector<1x16xf32>
        tpu.vector_store %arg10[%swap3A_1367, %swap3A_1368], %swap3A_1371 {strides = array<i32>} : memref<128x128xf32, #tpu.memory_space<vmem>>, vector<1x16xf32>,
        %add3A_1372 = arith.constant 10 : i32
        %add3A_1373 = arith.addi %mul3A_77, %add3A_1372 : i32
        %get3A_1374 = arith.index_cast %add3A_1373 : i32 to index
        %get3A_1375 = arith.constant 80 : index
        %get3A_1376 = tpu.vector_load %arg10[%get3A_1374, %get3A_1375] {strides = array<i32>} : memref<128x128xf32, #tpu.memory_space<vmem>>, vector<1x16xf32>,
        %get3A_1377 = vector.shape_cast %get3A_1376 : vector<1x16xf32> to vector<16xf32>
        %mul3A_1378 = vector.broadcast %squeeze3A_1296 : f32 to vector<16xf32>
        %mul3A_1379 = arith.mulf %get3A_1377, %mul3A_1378 : vector<16xf32>
        %add3A_1380 = arith.constant 10 : i32
        %add3A_1381 = arith.addi %mul3A_77, %add3A_1380 : i32
        %swap3A_1382 = arith.index_cast %add3A_1381 : i32 to index
        %swap3A_1383 = arith.constant 80 : index
        %swap3A_1384 = tpu.vector_load %arg10[%swap3A_1382, %swap3A_1383] {strides = array<i32>} : memref<128x128xf32, #tpu.memory_space<vmem>>, vector<1x16xf32>,
        %swap3A_1385 = vector.shape_cast %swap3A_1384 : vector<1x16xf32> to vector<16xf32>
        %swap3A_1386 = vector.shape_cast %mul3A_1379 : vector<16xf32> to vector<1x16xf32>
        tpu.vector_store %arg10[%swap3A_1382, %swap3A_1383], %swap3A_1386 {strides = array<i32>} : memref<128x128xf32, #tpu.memory_space<vmem>>, vector<1x16xf32>,
        %add3A_1387 = arith.constant 10 : i32
        %add3A_1388 = arith.addi %mul3A_77, %add3A_1387 : i32
        %get3A_1389 = arith.index_cast %add3A_1388 : i32 to index
        %get3A_1390 = arith.constant 96 : index
        %get3A_1391 = tpu.vector_load %arg10[%get3A_1389, %get3A_1390] {strides = array<i32>} : memref<128x128xf32, #tpu.memory_space<vmem>>, vector<1x16xf32>,
        %get3A_1392 = vector.shape_cast %get3A_1391 : vector<1x16xf32> to vector<16xf32>
        %mul3A_1393 = vector.broadcast %squeeze3A_1296 : f32 to vector<16xf32>
        %mul3A_1394 = arith.mulf %get3A_1392, %mul3A_1393 : vector<16xf32>
        %add3A_1395 = arith.constant 10 : i32
        %add3A_1396 = arith.addi %mul3A_77, %add3A_1395 : i32
        %swap3A_1397 = arith.index_cast %add3A_1396 : i32 to index
        %swap3A_1398 = arith.constant 96 : index
        %swap3A_1399 = tpu.vector_load %arg10[%swap3A_1397, %swap3A_1398] {strides = array<i32>} : memref<128x128xf32, #tpu.memory_space<vmem>>, vector<1x16xf32>,
        %swap3A_1400 = vector.shape_cast %swap3A_1399 : vector<1x16xf32> to vector<16xf32>
        %swap3A_1401 = vector.shape_cast %mul3A_1394 : vector<16xf32> to vector<1x16xf32>
        tpu.vector_store %arg10[%swap3A_1397, %swap3A_1398], %swap3A_1401 {strides = array<i32>} : memref<128x128xf32, #tpu.memory_space<vmem>>, vector<1x16xf32>,
        %add3A_1402 = arith.constant 10 : i32
        %add3A_1403 = arith.addi %mul3A_77, %add3A_1402 : i32
        %get3A_1404 = arith.index_cast %add3A_1403 : i32 to index
        %get3A_1405 = arith.constant 112 : index
        %get3A_1406 = tpu.vector_load %arg10[%get3A_1404, %get3A_1405] {strides = array<i32>} : memref<128x128xf32, #tpu.memory_space<vmem>>, vector<1x16xf32>,
        %get3A_1407 = vector.shape_cast %get3A_1406 : vector<1x16xf32> to vector<16xf32>
        %mul3A_1408 = vector.broadcast %squeeze3A_1296 : f32 to vector<16xf32>
        %mul3A_1409 = arith.mulf %get3A_1407, %mul3A_1408 : vector<16xf32>
        %add3A_1410 = arith.constant 10 : i32
        %add3A_1411 = arith.addi %mul3A_77, %add3A_1410 : i32
        %swap3A_1412 = arith.index_cast %add3A_1411 : i32 to index
        %swap3A_1413 = arith.constant 112 : index
        %swap3A_1414 = tpu.vector_load %arg10[%swap3A_1412, %swap3A_1413] {strides = array<i32>} : memref<128x128xf32, #tpu.memory_space<vmem>>, vector<1x16xf32>,
        %swap3A_1415 = vector.shape_cast %swap3A_1414 : vector<1x16xf32> to vector<16xf32>
        %swap3A_1416 = vector.shape_cast %mul3A_1409 : vector<16xf32> to vector<1x16xf32>
        tpu.vector_store %arg10[%swap3A_1412, %swap3A_1413], %swap3A_1416 {strides = array<i32>} : memref<128x128xf32, #tpu.memory_space<vmem>>, vector<1x16xf32>,
        %slice3A_1417 = vector.extract_strided_slice %get3A_75 {offsets = [11], sizes = [1], strides = [1]} : vector<16xf32> to vector<1xf32>
        %squeeze3A_1418 = vector.extract %slice3A_1417[0] : f32 from vector<1xf32>
        %add3A_1419 = arith.constant 11 : i32
        %add3A_1420 = arith.addi %mul3A_77, %add3A_1419 : i32
        %get3A_1421 = arith.index_cast %add3A_1420 : i32 to index
        %get3A_1422 = arith.constant 0 : index
        %get3A_1423 = tpu.vector_load %arg10[%get3A_1421, %get3A_1422] {strides = array<i32>} : memref<128x128xf32, #tpu.memory_space<vmem>>, vector<1x16xf32>,
        %get3A_1424 = vector.shape_cast %get3A_1423 : vector<1x16xf32> to vector<16xf32>
        %mul3A_1425 = vector.broadcast %squeeze3A_1418 : f32 to vector<16xf32>
        %mul3A_1426 = arith.mulf %get3A_1424, %mul3A_1425 : vector<16xf32>
        %add3A_1427 = arith.constant 11 : i32
        %add3A_1428 = arith.addi %mul3A_77, %add3A_1427 : i32
        %swap3A_1429 = arith.index_cast %add3A_1428 : i32 to index
        %swap3A_1430 = arith.constant 0 : index
        %swap3A_1431 = tpu.vector_load %arg10[%swap3A_1429, %swap3A_1430] {strides = array<i32>} : memref<128x128xf32, #tpu.memory_space<vmem>>, vector<1x16xf32>,
        %swap3A_1432 = vector.shape_cast %swap3A_1431 : vector<1x16xf32> to vector<16xf32>
        %swap3A_1433 = vector.shape_cast %mul3A_1426 : vector<16xf32> to vector<1x16xf32>
        tpu.vector_store %arg10[%swap3A_1429, %swap3A_1430], %swap3A_1433 {strides = array<i32>} : memref<128x128xf32, #tpu.memory_space<vmem>>, vector<1x16xf32>,
        %add3A_1434 = arith.constant 11 : i32
        %add3A_1435 = arith.addi %mul3A_77, %add3A_1434 : i32
        %get3A_1436 = arith.index_cast %add3A_1435 : i32 to index
        %get3A_1437 = arith.constant 16 : index
        %get3A_1438 = tpu.vector_load %arg10[%get3A_1436, %get3A_1437] {strides = array<i32>} : memref<128x128xf32, #tpu.memory_space<vmem>>, vector<1x16xf32>,
        %get3A_1439 = vector.shape_cast %get3A_1438 : vector<1x16xf32> to vector<16xf32>
        %mul3A_1440 = vector.broadcast %squeeze3A_1418 : f32 to vector<16xf32>
        %mul3A_1441 = arith.mulf %get3A_1439, %mul3A_1440 : vector<16xf32>
        %add3A_1442 = arith.constant 11 : i32
        %add3A_1443 = arith.addi %mul3A_77, %add3A_1442 : i32
        %swap3A_1444 = arith.index_cast %add3A_1443 : i32 to index
        %swap3A_1445 = arith.constant 16 : index
        %swap3A_1446 = tpu.vector_load %arg10[%swap3A_1444, %swap3A_1445] {strides = array<i32>} : memref<128x128xf32, #tpu.memory_space<vmem>>, vector<1x16xf32>,
        %swap3A_1447 = vector.shape_cast %swap3A_1446 : vector<1x16xf32> to vector<16xf32>
        %swap3A_1448 = vector.shape_cast %mul3A_1441 : vector<16xf32> to vector<1x16xf32>
        tpu.vector_store %arg10[%swap3A_1444, %swap3A_1445], %swap3A_1448 {strides = array<i32>} : memref<128x128xf32, #tpu.memory_space<vmem>>, vector<1x16xf32>,
        %add3A_1449 = arith.constant 11 : i32
        %add3A_1450 = arith.addi %mul3A_77, %add3A_1449 : i32
        %get3A_1451 = arith.index_cast %add3A_1450 : i32 to index
        %get3A_1452 = arith.constant 32 : index
        %get3A_1453 = tpu.vector_load %arg10[%get3A_1451, %get3A_1452] {strides = array<i32>} : memref<128x128xf32, #tpu.memory_space<vmem>>, vector<1x16xf32>,
        %get3A_1454 = vector.shape_cast %get3A_1453 : vector<1x16xf32> to vector<16xf32>
        %mul3A_1455 = vector.broadcast %squeeze3A_1418 : f32 to vector<16xf32>
        %mul3A_1456 = arith.mulf %get3A_1454, %mul3A_1455 : vector<16xf32>
        %add3A_1457 = arith.constant 11 : i32
        %add3A_1458 = arith.addi %mul3A_77, %add3A_1457 : i32
        %swap3A_1459 = arith.index_cast %add3A_1458 : i32 to index
        %swap3A_1460 = arith.constant 32 : index
        %swap3A_1461 = tpu.vector_load %arg10[%swap3A_1459, %swap3A_1460] {strides = array<i32>} : memref<128x128xf32, #tpu.memory_space<vmem>>, vector<1x16xf32>,
        %swap3A_1462 = vector.shape_cast %swap3A_1461 : vector<1x16xf32> to vector<16xf32>
        %swap3A_1463 = vector.shape_cast %mul3A_1456 : vector<16xf32> to vector<1x16xf32>
        tpu.vector_store %arg10[%swap3A_1459, %swap3A_1460], %swap3A_1463 {strides = array<i32>} : memref<128x128xf32, #tpu.memory_space<vmem>>, vector<1x16xf32>,
        %add3A_1464 = arith.constant 11 : i32
        %add3A_1465 = arith.addi %mul3A_77, %add3A_1464 : i32
        %get3A_1466 = arith.index_cast %add3A_1465 : i32 to index
        %get3A_1467 = arith.constant 48 : index
        %get3A_1468 = tpu.vector_load %arg10[%get3A_1466, %get3A_1467] {strides = array<i32>} : memref<128x128xf32, #tpu.memory_space<vmem>>, vector<1x16xf32>,
        %get3A_1469 = vector.shape_cast %get3A_1468 : vector<1x16xf32> to vector<16xf32>
        %mul3A_1470 = vector.broadcast %squeeze3A_1418 : f32 to vector<16xf32>
        %mul3A_1471 = arith.mulf %get3A_1469, %mul3A_1470 : vector<16xf32>
        %add3A_1472 = arith.constant 11 : i32
        %add3A_1473 = arith.addi %mul3A_77, %add3A_1472 : i32
        %swap3A_1474 = arith.index_cast %add3A_1473 : i32 to index
        %swap3A_1475 = arith.constant 48 : index
        %swap3A_1476 = tpu.vector_load %arg10[%swap3A_1474, %swap3A_1475] {strides = array<i32>} : memref<128x128xf32, #tpu.memory_space<vmem>>, vector<1x16xf32>,
        %swap3A_1477 = vector.shape_cast %swap3A_1476 : vector<1x16xf32> to vector<16xf32>
        %swap3A_1478 = vector.shape_cast %mul3A_1471 : vector<16xf32> to vector<1x16xf32>
        tpu.vector_store %arg10[%swap3A_1474, %swap3A_1475], %swap3A_1478 {strides = array<i32>} : memref<128x128xf32, #tpu.memory_space<vmem>>, vector<1x16xf32>,
        %add3A_1479 = arith.constant 11 : i32
        %add3A_1480 = arith.addi %mul3A_77, %add3A_1479 : i32
        %get3A_1481 = arith.index_cast %add3A_1480 : i32 to index
        %get3A_1482 = arith.constant 64 : index
        %get3A_1483 = tpu.vector_load %arg10[%get3A_1481, %get3A_1482] {strides = array<i32>} : memref<128x128xf32, #tpu.memory_space<vmem>>, vector<1x16xf32>,
        %get3A_1484 = vector.shape_cast %get3A_1483 : vector<1x16xf32> to vector<16xf32>
        %mul3A_1485 = vector.broadcast %squeeze3A_1418 : f32 to vector<16xf32>
        %mul3A_1486 = arith.mulf %get3A_1484, %mul3A_1485 : vector<16xf32>
        %add3A_1487 = arith.constant 11 : i32
        %add3A_1488 = arith.addi %mul3A_77, %add3A_1487 : i32
        %swap3A_1489 = arith.index_cast %add3A_1488 : i32 to index
        %swap3A_1490 = arith.constant 64 : index
        %swap3A_1491 = tpu.vector_load %arg10[%swap3A_1489, %swap3A_1490] {strides = array<i32>} : memref<128x128xf32, #tpu.memory_space<vmem>>, vector<1x16xf32>,
        %swap3A_1492 = vector.shape_cast %swap3A_1491 : vector<1x16xf32> to vector<16xf32>
        %swap3A_1493 = vector.shape_cast %mul3A_1486 : vector<16xf32> to vector<1x16xf32>
        tpu.vector_store %arg10[%swap3A_1489, %swap3A_1490], %swap3A_1493 {strides = array<i32>} : memref<128x128xf32, #tpu.memory_space<vmem>>, vector<1x16xf32>,
        %add3A_1494 = arith.constant 11 : i32
        %add3A_1495 = arith.addi %mul3A_77, %add3A_1494 : i32
        %get3A_1496 = arith.index_cast %add3A_1495 : i32 to index
        %get3A_1497 = arith.constant 80 : index
        %get3A_1498 = tpu.vector_load %arg10[%get3A_1496, %get3A_1497] {strides = array<i32>} : memref<128x128xf32, #tpu.memory_space<vmem>>, vector<1x16xf32>,
        %get3A_1499 = vector.shape_cast %get3A_1498 : vector<1x16xf32> to vector<16xf32>
        %mul3A_1500 = vector.broadcast %squeeze3A_1418 : f32 to vector<16xf32>
        %mul3A_1501 = arith.mulf %get3A_1499, %mul3A_1500 : vector<16xf32>
        %add3A_1502 = arith.constant 11 : i32
        %add3A_1503 = arith.addi %mul3A_77, %add3A_1502 : i32
        %swap3A_1504 = arith.index_cast %add3A_1503 : i32 to index
        %swap3A_1505 = arith.constant 80 : index
        %swap3A_1506 = tpu.vector_load %arg10[%swap3A_1504, %swap3A_1505] {strides = array<i32>} : memref<128x128xf32, #tpu.memory_space<vmem>>, vector<1x16xf32>,
        %swap3A_1507 = vector.shape_cast %swap3A_1506 : vector<1x16xf32> to vector<16xf32>
        %swap3A_1508 = vector.shape_cast %mul3A_1501 : vector<16xf32> to vector<1x16xf32>
        tpu.vector_store %arg10[%swap3A_1504, %swap3A_1505], %swap3A_1508 {strides = array<i32>} : memref<128x128xf32, #tpu.memory_space<vmem>>, vector<1x16xf32>,
        %add3A_1509 = arith.constant 11 : i32
        %add3A_1510 = arith.addi %mul3A_77, %add3A_1509 : i32
        %get3A_1511 = arith.index_cast %add3A_1510 : i32 to index
        %get3A_1512 = arith.constant 96 : index
        %get3A_1513 = tpu.vector_load %arg10[%get3A_1511, %get3A_1512] {strides = array<i32>} : memref<128x128xf32, #tpu.memory_space<vmem>>, vector<1x16xf32>,
        %get3A_1514 = vector.shape_cast %get3A_1513 : vector<1x16xf32> to vector<16xf32>
        %mul3A_1515 = vector.broadcast %squeeze3A_1418 : f32 to vector<16xf32>
        %mul3A_1516 = arith.mulf %get3A_1514, %mul3A_1515 : vector<16xf32>
        %add3A_1517 = arith.constant 11 : i32
        %add3A_1518 = arith.addi %mul3A_77, %add3A_1517 : i32
        %swap3A_1519 = arith.index_cast %add3A_1518 : i32 to index
        %swap3A_1520 = arith.constant 96 : index
        %swap3A_1521 = tpu.vector_load %arg10[%swap3A_1519, %swap3A_1520] {strides = array<i32>} : memref<128x128xf32, #tpu.memory_space<vmem>>, vector<1x16xf32>,
        %swap3A_1522 = vector.shape_cast %swap3A_1521 : vector<1x16xf32> to vector<16xf32>
        %swap3A_1523 = vector.shape_cast %mul3A_1516 : vector<16xf32> to vector<1x16xf32>
        tpu.vector_store %arg10[%swap3A_1519, %swap3A_1520], %swap3A_1523 {strides = array<i32>} : memref<128x128xf32, #tpu.memory_space<vmem>>, vector<1x16xf32>,
        %add3A_1524 = arith.constant 11 : i32
        %add3A_1525 = arith.addi %mul3A_77, %add3A_1524 : i32
        %get3A_1526 = arith.index_cast %add3A_1525 : i32 to index
        %get3A_1527 = arith.constant 112 : index
        %get3A_1528 = tpu.vector_load %arg10[%get3A_1526, %get3A_1527] {strides = array<i32>} : memref<128x128xf32, #tpu.memory_space<vmem>>, vector<1x16xf32>,
        %get3A_1529 = vector.shape_cast %get3A_1528 : vector<1x16xf32> to vector<16xf32>
        %mul3A_1530 = vector.broadcast %squeeze3A_1418 : f32 to vector<16xf32>
        %mul3A_1531 = arith.mulf %get3A_1529, %mul3A_1530 : vector<16xf32>
        %add3A_1532 = arith.constant 11 : i32
        %add3A_1533 = arith.addi %mul3A_77, %add3A_1532 : i32
        %swap3A_1534 = arith.index_cast %add3A_1533 : i32 to index
        %swap3A_1535 = arith.constant 112 : index
        %swap3A_1536 = tpu.vector_load %arg10[%swap3A_1534, %swap3A_1535] {strides = array<i32>} : memref<128x128xf32, #tpu.memory_space<vmem>>, vector<1x16xf32>,
        %swap3A_1537 = vector.shape_cast %swap3A_1536 : vector<1x16xf32> to vector<16xf32>
        %swap3A_1538 = vector.shape_cast %mul3A_1531 : vector<16xf32> to vector<1x16xf32>
        tpu.vector_store %arg10[%swap3A_1534, %swap3A_1535], %swap3A_1538 {strides = array<i32>} : memref<128x128xf32, #tpu.memory_space<vmem>>, vector<1x16xf32>,
        %slice3A_1539 = vector.extract_strided_slice %get3A_75 {offsets = [12], sizes = [1], strides = [1]} : vector<16xf32> to vector<1xf32>
        %squeeze3A_1540 = vector.extract %slice3A_1539[0] : f32 from vector<1xf32>
        %add3A_1541 = arith.constant 12 : i32
        %add3A_1542 = arith.addi %mul3A_77, %add3A_1541 : i32
        %get3A_1543 = arith.index_cast %add3A_1542 : i32 to index
        %get3A_1544 = arith.constant 0 : index
        %get3A_1545 = tpu.vector_load %arg10[%get3A_1543, %get3A_1544] {strides = array<i32>} : memref<128x128xf32, #tpu.memory_space<vmem>>, vector<1x16xf32>,
        %get3A_1546 = vector.shape_cast %get3A_1545 : vector<1x16xf32> to vector<16xf32>
        %mul3A_1547 = vector.broadcast %squeeze3A_1540 : f32 to vector<16xf32>
        %mul3A_1548 = arith.mulf %get3A_1546, %mul3A_1547 : vector<16xf32>
        %add3A_1549 = arith.constant 12 : i32
        %add3A_1550 = arith.addi %mul3A_77, %add3A_1549 : i32
        %swap3A_1551 = arith.index_cast %add3A_1550 : i32 to index
        %swap3A_1552 = arith.constant 0 : index
        %swap3A_1553 = tpu.vector_load %arg10[%swap3A_1551, %swap3A_1552] {strides = array<i32>} : memref<128x128xf32, #tpu.memory_space<vmem>>, vector<1x16xf32>,
        %swap3A_1554 = vector.shape_cast %swap3A_1553 : vector<1x16xf32> to vector<16xf32>
        %swap3A_1555 = vector.shape_cast %mul3A_1548 : vector<16xf32> to vector<1x16xf32>
        tpu.vector_store %arg10[%swap3A_1551, %swap3A_1552], %swap3A_1555 {strides = array<i32>} : memref<128x128xf32, #tpu.memory_space<vmem>>, vector<1x16xf32>,
        %add3A_1556 = arith.constant 12 : i32
        %add3A_1557 = arith.addi %mul3A_77, %add3A_1556 : i32
        %get3A_1558 = arith.index_cast %add3A_1557 : i32 to index
        %get3A_1559 = arith.constant 16 : index
        %get3A_1560 = tpu.vector_load %arg10[%get3A_1558, %get3A_1559] {strides = array<i32>} : memref<128x128xf32, #tpu.memory_space<vmem>>, vector<1x16xf32>,
        %get3A_1561 = vector.shape_cast %get3A_1560 : vector<1x16xf32> to vector<16xf32>
        %mul3A_1562 = vector.broadcast %squeeze3A_1540 : f32 to vector<16xf32>
        %mul3A_1563 = arith.mulf %get3A_1561, %mul3A_1562 : vector<16xf32>
        %add3A_1564 = arith.constant 12 : i32
        %add3A_1565 = arith.addi %mul3A_77, %add3A_1564 : i32
        %swap3A_1566 = arith.index_cast %add3A_1565 : i32 to index
        %swap3A_1567 = arith.constant 16 : index
        %swap3A_1568 = tpu.vector_load %arg10[%swap3A_1566, %swap3A_1567] {strides = array<i32>} : memref<128x128xf32, #tpu.memory_space<vmem>>, vector<1x16xf32>,
        %swap3A_1569 = vector.shape_cast %swap3A_1568 : vector<1x16xf32> to vector<16xf32>
        %swap3A_1570 = vector.shape_cast %mul3A_1563 : vector<16xf32> to vector<1x16xf32>
        tpu.vector_store %arg10[%swap3A_1566, %swap3A_1567], %swap3A_1570 {strides = array<i32>} : memref<128x128xf32, #tpu.memory_space<vmem>>, vector<1x16xf32>,
        %add3A_1571 = arith.constant 12 : i32
        %add3A_1572 = arith.addi %mul3A_77, %add3A_1571 : i32
        %get3A_1573 = arith.index_cast %add3A_1572 : i32 to index
        %get3A_1574 = arith.constant 32 : index
        %get3A_1575 = tpu.vector_load %arg10[%get3A_1573, %get3A_1574] {strides = array<i32>} : memref<128x128xf32, #tpu.memory_space<vmem>>, vector<1x16xf32>,
        %get3A_1576 = vector.shape_cast %get3A_1575 : vector<1x16xf32> to vector<16xf32>
        %mul3A_1577 = vector.broadcast %squeeze3A_1540 : f32 to vector<16xf32>
        %mul3A_1578 = arith.mulf %get3A_1576, %mul3A_1577 : vector<16xf32>
        %add3A_1579 = arith.constant 12 : i32
        %add3A_1580 = arith.addi %mul3A_77, %add3A_1579 : i32
        %swap3A_1581 = arith.index_cast %add3A_1580 : i32 to index
        %swap3A_1582 = arith.constant 32 : index
        %swap3A_1583 = tpu.vector_load %arg10[%swap3A_1581, %swap3A_1582] {strides = array<i32>} : memref<128x128xf32, #tpu.memory_space<vmem>>, vector<1x16xf32>,
        %swap3A_1584 = vector.shape_cast %swap3A_1583 : vector<1x16xf32> to vector<16xf32>
        %swap3A_1585 = vector.shape_cast %mul3A_1578 : vector<16xf32> to vector<1x16xf32>
        tpu.vector_store %arg10[%swap3A_1581, %swap3A_1582], %swap3A_1585 {strides = array<i32>} : memref<128x128xf32, #tpu.memory_space<vmem>>, vector<1x16xf32>,
        %add3A_1586 = arith.constant 12 : i32
        %add3A_1587 = arith.addi %mul3A_77, %add3A_1586 : i32
        %get3A_1588 = arith.index_cast %add3A_1587 : i32 to index
        %get3A_1589 = arith.constant 48 : index
        %get3A_1590 = tpu.vector_load %arg10[%get3A_1588, %get3A_1589] {strides = array<i32>} : memref<128x128xf32, #tpu.memory_space<vmem>>, vector<1x16xf32>,
        %get3A_1591 = vector.shape_cast %get3A_1590 : vector<1x16xf32> to vector<16xf32>
        %mul3A_1592 = vector.broadcast %squeeze3A_1540 : f32 to vector<16xf32>
        %mul3A_1593 = arith.mulf %get3A_1591, %mul3A_1592 : vector<16xf32>
        %add3A_1594 = arith.constant 12 : i32
        %add3A_1595 = arith.addi %mul3A_77, %add3A_1594 : i32
        %swap3A_1596 = arith.index_cast %add3A_1595 : i32 to index
        %swap3A_1597 = arith.constant 48 : index
        %swap3A_1598 = tpu.vector_load %arg10[%swap3A_1596, %swap3A_1597] {strides = array<i32>} : memref<128x128xf32, #tpu.memory_space<vmem>>, vector<1x16xf32>,
        %swap3A_1599 = vector.shape_cast %swap3A_1598 : vector<1x16xf32> to vector<16xf32>
        %swap3A_1600 = vector.shape_cast %mul3A_1593 : vector<16xf32> to vector<1x16xf32>
        tpu.vector_store %arg10[%swap3A_1596, %swap3A_1597], %swap3A_1600 {strides = array<i32>} : memref<128x128xf32, #tpu.memory_space<vmem>>, vector<1x16xf32>,
        %add3A_1601 = arith.constant 12 : i32
        %add3A_1602 = arith.addi %mul3A_77, %add3A_1601 : i32
        %get3A_1603 = arith.index_cast %add3A_1602 : i32 to index
        %get3A_1604 = arith.constant 64 : index
        %get3A_1605 = tpu.vector_load %arg10[%get3A_1603, %get3A_1604] {strides = array<i32>} : memref<128x128xf32, #tpu.memory_space<vmem>>, vector<1x16xf32>,
        %get3A_1606 = vector.shape_cast %get3A_1605 : vector<1x16xf32> to vector<16xf32>
        %mul3A_1607 = vector.broadcast %squeeze3A_1540 : f32 to vector<16xf32>
        %mul3A_1608 = arith.mulf %get3A_1606, %mul3A_1607 : vector<16xf32>
        %add3A_1609 = arith.constant 12 : i32
        %add3A_1610 = arith.addi %mul3A_77, %add3A_1609 : i32
        %swap3A_1611 = arith.index_cast %add3A_1610 : i32 to index
        %swap3A_1612 = arith.constant 64 : index
        %swap3A_1613 = tpu.vector_load %arg10[%swap3A_1611, %swap3A_1612] {strides = array<i32>} : memref<128x128xf32, #tpu.memory_space<vmem>>, vector<1x16xf32>,
        %swap3A_1614 = vector.shape_cast %swap3A_1613 : vector<1x16xf32> to vector<16xf32>
        %swap3A_1615 = vector.shape_cast %mul3A_1608 : vector<16xf32> to vector<1x16xf32>
        tpu.vector_store %arg10[%swap3A_1611, %swap3A_1612], %swap3A_1615 {strides = array<i32>} : memref<128x128xf32, #tpu.memory_space<vmem>>, vector<1x16xf32>,
        %add3A_1616 = arith.constant 12 : i32
        %add3A_1617 = arith.addi %mul3A_77, %add3A_1616 : i32
        %get3A_1618 = arith.index_cast %add3A_1617 : i32 to index
        %get3A_1619 = arith.constant 80 : index
        %get3A_1620 = tpu.vector_load %arg10[%get3A_1618, %get3A_1619] {strides = array<i32>} : memref<128x128xf32, #tpu.memory_space<vmem>>, vector<1x16xf32>,
        %get3A_1621 = vector.shape_cast %get3A_1620 : vector<1x16xf32> to vector<16xf32>
        %mul3A_1622 = vector.broadcast %squeeze3A_1540 : f32 to vector<16xf32>
        %mul3A_1623 = arith.mulf %get3A_1621, %mul3A_1622 : vector<16xf32>
        %add3A_1624 = arith.constant 12 : i32
        %add3A_1625 = arith.addi %mul3A_77, %add3A_1624 : i32
        %swap3A_1626 = arith.index_cast %add3A_1625 : i32 to index
        %swap3A_1627 = arith.constant 80 : index
        %swap3A_1628 = tpu.vector_load %arg10[%swap3A_1626, %swap3A_1627] {strides = array<i32>} : memref<128x128xf32, #tpu.memory_space<vmem>>, vector<1x16xf32>,
        %swap3A_1629 = vector.shape_cast %swap3A_1628 : vector<1x16xf32> to vector<16xf32>
        %swap3A_1630 = vector.shape_cast %mul3A_1623 : vector<16xf32> to vector<1x16xf32>
        tpu.vector_store %arg10[%swap3A_1626, %swap3A_1627], %swap3A_1630 {strides = array<i32>} : memref<128x128xf32, #tpu.memory_space<vmem>>, vector<1x16xf32>,
        %add3A_1631 = arith.constant 12 : i32
        %add3A_1632 = arith.addi %mul3A_77, %add3A_1631 : i32
        %get3A_1633 = arith.index_cast %add3A_1632 : i32 to index
        %get3A_1634 = arith.constant 96 : index
        %get3A_1635 = tpu.vector_load %arg10[%get3A_1633, %get3A_1634] {strides = array<i32>} : memref<128x128xf32, #tpu.memory_space<vmem>>, vector<1x16xf32>,
        %get3A_1636 = vector.shape_cast %get3A_1635 : vector<1x16xf32> to vector<16xf32>
        %mul3A_1637 = vector.broadcast %squeeze3A_1540 : f32 to vector<16xf32>
        %mul3A_1638 = arith.mulf %get3A_1636, %mul3A_1637 : vector<16xf32>
        %add3A_1639 = arith.constant 12 : i32
        %add3A_1640 = arith.addi %mul3A_77, %add3A_1639 : i32
        %swap3A_1641 = arith.index_cast %add3A_1640 : i32 to index
        %swap3A_1642 = arith.constant 96 : index
        %swap3A_1643 = tpu.vector_load %arg10[%swap3A_1641, %swap3A_1642] {strides = array<i32>} : memref<128x128xf32, #tpu.memory_space<vmem>>, vector<1x16xf32>,
        %swap3A_1644 = vector.shape_cast %swap3A_1643 : vector<1x16xf32> to vector<16xf32>
        %swap3A_1645 = vector.shape_cast %mul3A_1638 : vector<16xf32> to vector<1x16xf32>
        tpu.vector_store %arg10[%swap3A_1641, %swap3A_1642], %swap3A_1645 {strides = array<i32>} : memref<128x128xf32, #tpu.memory_space<vmem>>, vector<1x16xf32>,
        %add3A_1646 = arith.constant 12 : i32
        %add3A_1647 = arith.addi %mul3A_77, %add3A_1646 : i32
        %get3A_1648 = arith.index_cast %add3A_1647 : i32 to index
        %get3A_1649 = arith.constant 112 : index
        %get3A_1650 = tpu.vector_load %arg10[%get3A_1648, %get3A_1649] {strides = array<i32>} : memref<128x128xf32, #tpu.memory_space<vmem>>, vector<1x16xf32>,
        %get3A_1651 = vector.shape_cast %get3A_1650 : vector<1x16xf32> to vector<16xf32>
        %mul3A_1652 = vector.broadcast %squeeze3A_1540 : f32 to vector<16xf32>
        %mul3A_1653 = arith.mulf %get3A_1651, %mul3A_1652 : vector<16xf32>
        %add3A_1654 = arith.constant 12 : i32
        %add3A_1655 = arith.addi %mul3A_77, %add3A_1654 : i32
        %swap3A_1656 = arith.index_cast %add3A_1655 : i32 to index
        %swap3A_1657 = arith.constant 112 : index
        %swap3A_1658 = tpu.vector_load %arg10[%swap3A_1656, %swap3A_1657] {strides = array<i32>} : memref<128x128xf32, #tpu.memory_space<vmem>>, vector<1x16xf32>,
        %swap3A_1659 = vector.shape_cast %swap3A_1658 : vector<1x16xf32> to vector<16xf32>
        %swap3A_1660 = vector.shape_cast %mul3A_1653 : vector<16xf32> to vector<1x16xf32>
        tpu.vector_store %arg10[%swap3A_1656, %swap3A_1657], %swap3A_1660 {strides = array<i32>} : memref<128x128xf32, #tpu.memory_space<vmem>>, vector<1x16xf32>,
        %slice3A_1661 = vector.extract_strided_slice %get3A_75 {offsets = [13], sizes = [1], strides = [1]} : vector<16xf32> to vector<1xf32>
        %squeeze3A_1662 = vector.extract %slice3A_1661[0] : f32 from vector<1xf32>
        %add3A_1663 = arith.constant 13 : i32
        %add3A_1664 = arith.addi %mul3A_77, %add3A_1663 : i32
        %get3A_1665 = arith.index_cast %add3A_1664 : i32 to index
        %get3A_1666 = arith.constant 0 : index
        %get3A_1667 = tpu.vector_load %arg10[%get3A_1665, %get3A_1666] {strides = array<i32>} : memref<128x128xf32, #tpu.memory_space<vmem>>, vector<1x16xf32>,
        %get3A_1668 = vector.shape_cast %get3A_1667 : vector<1x16xf32> to vector<16xf32>
        %mul3A_1669 = vector.broadcast %squeeze3A_1662 : f32 to vector<16xf32>
        %mul3A_1670 = arith.mulf %get3A_1668, %mul3A_1669 : vector<16xf32>
        %add3A_1671 = arith.constant 13 : i32
        %add3A_1672 = arith.addi %mul3A_77, %add3A_1671 : i32
        %swap3A_1673 = arith.index_cast %add3A_1672 : i32 to index
        %swap3A_1674 = arith.constant 0 : index
        %swap3A_1675 = tpu.vector_load %arg10[%swap3A_1673, %swap3A_1674] {strides = array<i32>} : memref<128x128xf32, #tpu.memory_space<vmem>>, vector<1x16xf32>,
        %swap3A_1676 = vector.shape_cast %swap3A_1675 : vector<1x16xf32> to vector<16xf32>
        %swap3A_1677 = vector.shape_cast %mul3A_1670 : vector<16xf32> to vector<1x16xf32>
        tpu.vector_store %arg10[%swap3A_1673, %swap3A_1674], %swap3A_1677 {strides = array<i32>} : memref<128x128xf32, #tpu.memory_space<vmem>>, vector<1x16xf32>,
        %add3A_1678 = arith.constant 13 : i32
        %add3A_1679 = arith.addi %mul3A_77, %add3A_1678 : i32
        %get3A_1680 = arith.index_cast %add3A_1679 : i32 to index
        %get3A_1681 = arith.constant 16 : index
        %get3A_1682 = tpu.vector_load %arg10[%get3A_1680, %get3A_1681] {strides = array<i32>} : memref<128x128xf32, #tpu.memory_space<vmem>>, vector<1x16xf32>,
        %get3A_1683 = vector.shape_cast %get3A_1682 : vector<1x16xf32> to vector<16xf32>
        %mul3A_1684 = vector.broadcast %squeeze3A_1662 : f32 to vector<16xf32>
        %mul3A_1685 = arith.mulf %get3A_1683, %mul3A_1684 : vector<16xf32>
        %add3A_1686 = arith.constant 13 : i32
        %add3A_1687 = arith.addi %mul3A_77, %add3A_1686 : i32
        %swap3A_1688 = arith.index_cast %add3A_1687 : i32 to index
        %swap3A_1689 = arith.constant 16 : index
        %swap3A_1690 = tpu.vector_load %arg10[%swap3A_1688, %swap3A_1689] {strides = array<i32>} : memref<128x128xf32, #tpu.memory_space<vmem>>, vector<1x16xf32>,
        %swap3A_1691 = vector.shape_cast %swap3A_1690 : vector<1x16xf32> to vector<16xf32>
        %swap3A_1692 = vector.shape_cast %mul3A_1685 : vector<16xf32> to vector<1x16xf32>
        tpu.vector_store %arg10[%swap3A_1688, %swap3A_1689], %swap3A_1692 {strides = array<i32>} : memref<128x128xf32, #tpu.memory_space<vmem>>, vector<1x16xf32>,
        %add3A_1693 = arith.constant 13 : i32
        %add3A_1694 = arith.addi %mul3A_77, %add3A_1693 : i32
        %get3A_1695 = arith.index_cast %add3A_1694 : i32 to index
        %get3A_1696 = arith.constant 32 : index
        %get3A_1697 = tpu.vector_load %arg10[%get3A_1695, %get3A_1696] {strides = array<i32>} : memref<128x128xf32, #tpu.memory_space<vmem>>, vector<1x16xf32>,
        %get3A_1698 = vector.shape_cast %get3A_1697 : vector<1x16xf32> to vector<16xf32>
        %mul3A_1699 = vector.broadcast %squeeze3A_1662 : f32 to vector<16xf32>
        %mul3A_1700 = arith.mulf %get3A_1698, %mul3A_1699 : vector<16xf32>
        %add3A_1701 = arith.constant 13 : i32
        %add3A_1702 = arith.addi %mul3A_77, %add3A_1701 : i32
        %swap3A_1703 = arith.index_cast %add3A_1702 : i32 to index
        %swap3A_1704 = arith.constant 32 : index
        %swap3A_1705 = tpu.vector_load %arg10[%swap3A_1703, %swap3A_1704] {strides = array<i32>} : memref<128x128xf32, #tpu.memory_space<vmem>>, vector<1x16xf32>,
        %swap3A_1706 = vector.shape_cast %swap3A_1705 : vector<1x16xf32> to vector<16xf32>
        %swap3A_1707 = vector.shape_cast %mul3A_1700 : vector<16xf32> to vector<1x16xf32>
        tpu.vector_store %arg10[%swap3A_1703, %swap3A_1704], %swap3A_1707 {strides = array<i32>} : memref<128x128xf32, #tpu.memory_space<vmem>>, vector<1x16xf32>,
        %add3A_1708 = arith.constant 13 : i32
        %add3A_1709 = arith.addi %mul3A_77, %add3A_1708 : i32
        %get3A_1710 = arith.index_cast %add3A_1709 : i32 to index
        %get3A_1711 = arith.constant 48 : index
        %get3A_1712 = tpu.vector_load %arg10[%get3A_1710, %get3A_1711] {strides = array<i32>} : memref<128x128xf32, #tpu.memory_space<vmem>>, vector<1x16xf32>,
        %get3A_1713 = vector.shape_cast %get3A_1712 : vector<1x16xf32> to vector<16xf32>
        %mul3A_1714 = vector.broadcast %squeeze3A_1662 : f32 to vector<16xf32>
        %mul3A_1715 = arith.mulf %get3A_1713, %mul3A_1714 : vector<16xf32>
        %add3A_1716 = arith.constant 13 : i32
        %add3A_1717 = arith.addi %mul3A_77, %add3A_1716 : i32
        %swap3A_1718 = arith.index_cast %add3A_1717 : i32 to index
        %swap3A_1719 = arith.constant 48 : index
        %swap3A_1720 = tpu.vector_load %arg10[%swap3A_1718, %swap3A_1719] {strides = array<i32>} : memref<128x128xf32, #tpu.memory_space<vmem>>, vector<1x16xf32>,
        %swap3A_1721 = vector.shape_cast %swap3A_1720 : vector<1x16xf32> to vector<16xf32>
        %swap3A_1722 = vector.shape_cast %mul3A_1715 : vector<16xf32> to vector<1x16xf32>
        tpu.vector_store %arg10[%swap3A_1718, %swap3A_1719], %swap3A_1722 {strides = array<i32>} : memref<128x128xf32, #tpu.memory_space<vmem>>, vector<1x16xf32>,
        %add3A_1723 = arith.constant 13 : i32
        %add3A_1724 = arith.addi %mul3A_77, %add3A_1723 : i32
        %get3A_1725 = arith.index_cast %add3A_1724 : i32 to index
        %get3A_1726 = arith.constant 64 : index
        %get3A_1727 = tpu.vector_load %arg10[%get3A_1725, %get3A_1726] {strides = array<i32>} : memref<128x128xf32, #tpu.memory_space<vmem>>, vector<1x16xf32>,
        %get3A_1728 = vector.shape_cast %get3A_1727 : vector<1x16xf32> to vector<16xf32>
        %mul3A_1729 = vector.broadcast %squeeze3A_1662 : f32 to vector<16xf32>
        %mul3A_1730 = arith.mulf %get3A_1728, %mul3A_1729 : vector<16xf32>
        %add3A_1731 = arith.constant 13 : i32
        %add3A_1732 = arith.addi %mul3A_77, %add3A_1731 : i32
        %swap3A_1733 = arith.index_cast %add3A_1732 : i32 to index
        %swap3A_1734 = arith.constant 64 : index
        %swap3A_1735 = tpu.vector_load %arg10[%swap3A_1733, %swap3A_1734] {strides = array<i32>} : memref<128x128xf32, #tpu.memory_space<vmem>>, vector<1x16xf32>,
        %swap3A_1736 = vector.shape_cast %swap3A_1735 : vector<1x16xf32> to vector<16xf32>
        %swap3A_1737 = vector.shape_cast %mul3A_1730 : vector<16xf32> to vector<1x16xf32>
        tpu.vector_store %arg10[%swap3A_1733, %swap3A_1734], %swap3A_1737 {strides = array<i32>} : memref<128x128xf32, #tpu.memory_space<vmem>>, vector<1x16xf32>,
        %add3A_1738 = arith.constant 13 : i32
        %add3A_1739 = arith.addi %mul3A_77, %add3A_1738 : i32
        %get3A_1740 = arith.index_cast %add3A_1739 : i32 to index
        %get3A_1741 = arith.constant 80 : index
        %get3A_1742 = tpu.vector_load %arg10[%get3A_1740, %get3A_1741] {strides = array<i32>} : memref<128x128xf32, #tpu.memory_space<vmem>>, vector<1x16xf32>,
        %get3A_1743 = vector.shape_cast %get3A_1742 : vector<1x16xf32> to vector<16xf32>
        %mul3A_1744 = vector.broadcast %squeeze3A_1662 : f32 to vector<16xf32>
        %mul3A_1745 = arith.mulf %get3A_1743, %mul3A_1744 : vector<16xf32>
        %add3A_1746 = arith.constant 13 : i32
        %add3A_1747 = arith.addi %mul3A_77, %add3A_1746 : i32
        %swap3A_1748 = arith.index_cast %add3A_1747 : i32 to index
        %swap3A_1749 = arith.constant 80 : index
        %swap3A_1750 = tpu.vector_load %arg10[%swap3A_1748, %swap3A_1749] {strides = array<i32>} : memref<128x128xf32, #tpu.memory_space<vmem>>, vector<1x16xf32>,
        %swap3A_1751 = vector.shape_cast %swap3A_1750 : vector<1x16xf32> to vector<16xf32>
        %swap3A_1752 = vector.shape_cast %mul3A_1745 : vector<16xf32> to vector<1x16xf32>
        tpu.vector_store %arg10[%swap3A_1748, %swap3A_1749], %swap3A_1752 {strides = array<i32>} : memref<128x128xf32, #tpu.memory_space<vmem>>, vector<1x16xf32>,
        %add3A_1753 = arith.constant 13 : i32
        %add3A_1754 = arith.addi %mul3A_77, %add3A_1753 : i32
        %get3A_1755 = arith.index_cast %add3A_1754 : i32 to index
        %get3A_1756 = arith.constant 96 : index
        %get3A_1757 = tpu.vector_load %arg10[%get3A_1755, %get3A_1756] {strides = array<i32>} : memref<128x128xf32, #tpu.memory_space<vmem>>, vector<1x16xf32>,
        %get3A_1758 = vector.shape_cast %get3A_1757 : vector<1x16xf32> to vector<16xf32>
        %mul3A_1759 = vector.broadcast %squeeze3A_1662 : f32 to vector<16xf32>
        %mul3A_1760 = arith.mulf %get3A_1758, %mul3A_1759 : vector<16xf32>
        %add3A_1761 = arith.constant 13 : i32
        %add3A_1762 = arith.addi %mul3A_77, %add3A_1761 : i32
        %swap3A_1763 = arith.index_cast %add3A_1762 : i32 to index
        %swap3A_1764 = arith.constant 96 : index
        %swap3A_1765 = tpu.vector_load %arg10[%swap3A_1763, %swap3A_1764] {strides = array<i32>} : memref<128x128xf32, #tpu.memory_space<vmem>>, vector<1x16xf32>,
        %swap3A_1766 = vector.shape_cast %swap3A_1765 : vector<1x16xf32> to vector<16xf32>
        %swap3A_1767 = vector.shape_cast %mul3A_1760 : vector<16xf32> to vector<1x16xf32>
        tpu.vector_store %arg10[%swap3A_1763, %swap3A_1764], %swap3A_1767 {strides = array<i32>} : memref<128x128xf32, #tpu.memory_space<vmem>>, vector<1x16xf32>,
        %add3A_1768 = arith.constant 13 : i32
        %add3A_1769 = arith.addi %mul3A_77, %add3A_1768 : i32
        %get3A_1770 = arith.index_cast %add3A_1769 : i32 to index
        %get3A_1771 = arith.constant 112 : index
        %get3A_1772 = tpu.vector_load %arg10[%get3A_1770, %get3A_1771] {strides = array<i32>} : memref<128x128xf32, #tpu.memory_space<vmem>>, vector<1x16xf32>,
        %get3A_1773 = vector.shape_cast %get3A_1772 : vector<1x16xf32> to vector<16xf32>
        %mul3A_1774 = vector.broadcast %squeeze3A_1662 : f32 to vector<16xf32>
        %mul3A_1775 = arith.mulf %get3A_1773, %mul3A_1774 : vector<16xf32>
        %add3A_1776 = arith.constant 13 : i32
        %add3A_1777 = arith.addi %mul3A_77, %add3A_1776 : i32
        %swap3A_1778 = arith.index_cast %add3A_1777 : i32 to index
        %swap3A_1779 = arith.constant 112 : index
        %swap3A_1780 = tpu.vector_load %arg10[%swap3A_1778, %swap3A_1779] {strides = array<i32>} : memref<128x128xf32, #tpu.memory_space<vmem>>, vector<1x16xf32>,
        %swap3A_1781 = vector.shape_cast %swap3A_1780 : vector<1x16xf32> to vector<16xf32>
        %swap3A_1782 = vector.shape_cast %mul3A_1775 : vector<16xf32> to vector<1x16xf32>
        tpu.vector_store %arg10[%swap3A_1778, %swap3A_1779], %swap3A_1782 {strides = array<i32>} : memref<128x128xf32, #tpu.memory_space<vmem>>, vector<1x16xf32>,
        %slice3A_1783 = vector.extract_strided_slice %get3A_75 {offsets = [14], sizes = [1], strides = [1]} : vector<16xf32> to vector<1xf32>
        %squeeze3A_1784 = vector.extract %slice3A_1783[0] : f32 from vector<1xf32>
        %add3A_1785 = arith.constant 14 : i32
        %add3A_1786 = arith.addi %mul3A_77, %add3A_1785 : i32
        %get3A_1787 = arith.index_cast %add3A_1786 : i32 to index
        %get3A_1788 = arith.constant 0 : index
        %get3A_1789 = tpu.vector_load %arg10[%get3A_1787, %get3A_1788] {strides = array<i32>} : memref<128x128xf32, #tpu.memory_space<vmem>>, vector<1x16xf32>,
        %get3A_1790 = vector.shape_cast %get3A_1789 : vector<1x16xf32> to vector<16xf32>
        %mul3A_1791 = vector.broadcast %squeeze3A_1784 : f32 to vector<16xf32>
        %mul3A_1792 = arith.mulf %get3A_1790, %mul3A_1791 : vector<16xf32>
        %add3A_1793 = arith.constant 14 : i32
        %add3A_1794 = arith.addi %mul3A_77, %add3A_1793 : i32
        %swap3A_1795 = arith.index_cast %add3A_1794 : i32 to index
        %swap3A_1796 = arith.constant 0 : index
        %swap3A_1797 = tpu.vector_load %arg10[%swap3A_1795, %swap3A_1796] {strides = array<i32>} : memref<128x128xf32, #tpu.memory_space<vmem>>, vector<1x16xf32>,
        %swap3A_1798 = vector.shape_cast %swap3A_1797 : vector<1x16xf32> to vector<16xf32>
        %swap3A_1799 = vector.shape_cast %mul3A_1792 : vector<16xf32> to vector<1x16xf32>
        tpu.vector_store %arg10[%swap3A_1795, %swap3A_1796], %swap3A_1799 {strides = array<i32>} : memref<128x128xf32, #tpu.memory_space<vmem>>, vector<1x16xf32>,
        %add3A_1800 = arith.constant 14 : i32
        %add3A_1801 = arith.addi %mul3A_77, %add3A_1800 : i32
        %get3A_1802 = arith.index_cast %add3A_1801 : i32 to index
        %get3A_1803 = arith.constant 16 : index
        %get3A_1804 = tpu.vector_load %arg10[%get3A_1802, %get3A_1803] {strides = array<i32>} : memref<128x128xf32, #tpu.memory_space<vmem>>, vector<1x16xf32>,
        %get3A_1805 = vector.shape_cast %get3A_1804 : vector<1x16xf32> to vector<16xf32>
        %mul3A_1806 = vector.broadcast %squeeze3A_1784 : f32 to vector<16xf32>
        %mul3A_1807 = arith.mulf %get3A_1805, %mul3A_1806 : vector<16xf32>
        %add3A_1808 = arith.constant 14 : i32
        %add3A_1809 = arith.addi %mul3A_77, %add3A_1808 : i32
        %swap3A_1810 = arith.index_cast %add3A_1809 : i32 to index
        %swap3A_1811 = arith.constant 16 : index
        %swap3A_1812 = tpu.vector_load %arg10[%swap3A_1810, %swap3A_1811] {strides = array<i32>} : memref<128x128xf32, #tpu.memory_space<vmem>>, vector<1x16xf32>,
        %swap3A_1813 = vector.shape_cast %swap3A_1812 : vector<1x16xf32> to vector<16xf32>
        %swap3A_1814 = vector.shape_cast %mul3A_1807 : vector<16xf32> to vector<1x16xf32>
        tpu.vector_store %arg10[%swap3A_1810, %swap3A_1811], %swap3A_1814 {strides = array<i32>} : memref<128x128xf32, #tpu.memory_space<vmem>>, vector<1x16xf32>,
        %add3A_1815 = arith.constant 14 : i32
        %add3A_1816 = arith.addi %mul3A_77, %add3A_1815 : i32
        %get3A_1817 = arith.index_cast %add3A_1816 : i32 to index
        %get3A_1818 = arith.constant 32 : index
        %get3A_1819 = tpu.vector_load %arg10[%get3A_1817, %get3A_1818] {strides = array<i32>} : memref<128x128xf32, #tpu.memory_space<vmem>>, vector<1x16xf32>,
        %get3A_1820 = vector.shape_cast %get3A_1819 : vector<1x16xf32> to vector<16xf32>
        %mul3A_1821 = vector.broadcast %squeeze3A_1784 : f32 to vector<16xf32>
        %mul3A_1822 = arith.mulf %get3A_1820, %mul3A_1821 : vector<16xf32>
        %add3A_1823 = arith.constant 14 : i32
        %add3A_1824 = arith.addi %mul3A_77, %add3A_1823 : i32
        %swap3A_1825 = arith.index_cast %add3A_1824 : i32 to index
        %swap3A_1826 = arith.constant 32 : index
        %swap3A_1827 = tpu.vector_load %arg10[%swap3A_1825, %swap3A_1826] {strides = array<i32>} : memref<128x128xf32, #tpu.memory_space<vmem>>, vector<1x16xf32>,
        %swap3A_1828 = vector.shape_cast %swap3A_1827 : vector<1x16xf32> to vector<16xf32>
        %swap3A_1829 = vector.shape_cast %mul3A_1822 : vector<16xf32> to vector<1x16xf32>
        tpu.vector_store %arg10[%swap3A_1825, %swap3A_1826], %swap3A_1829 {strides = array<i32>} : memref<128x128xf32, #tpu.memory_space<vmem>>, vector<1x16xf32>,
        %add3A_1830 = arith.constant 14 : i32
        %add3A_1831 = arith.addi %mul3A_77, %add3A_1830 : i32
        %get3A_1832 = arith.index_cast %add3A_1831 : i32 to index
        %get3A_1833 = arith.constant 48 : index
        %get3A_1834 = tpu.vector_load %arg10[%get3A_1832, %get3A_1833] {strides = array<i32>} : memref<128x128xf32, #tpu.memory_space<vmem>>, vector<1x16xf32>,
        %get3A_1835 = vector.shape_cast %get3A_1834 : vector<1x16xf32> to vector<16xf32>
        %mul3A_1836 = vector.broadcast %squeeze3A_1784 : f32 to vector<16xf32>
        %mul3A_1837 = arith.mulf %get3A_1835, %mul3A_1836 : vector<16xf32>
        %add3A_1838 = arith.constant 14 : i32
        %add3A_1839 = arith.addi %mul3A_77, %add3A_1838 : i32
        %swap3A_1840 = arith.index_cast %add3A_1839 : i32 to index
        %swap3A_1841 = arith.constant 48 : index
        %swap3A_1842 = tpu.vector_load %arg10[%swap3A_1840, %swap3A_1841] {strides = array<i32>} : memref<128x128xf32, #tpu.memory_space<vmem>>, vector<1x16xf32>,
        %swap3A_1843 = vector.shape_cast %swap3A_1842 : vector<1x16xf32> to vector<16xf32>
        %swap3A_1844 = vector.shape_cast %mul3A_1837 : vector<16xf32> to vector<1x16xf32>
        tpu.vector_store %arg10[%swap3A_1840, %swap3A_1841], %swap3A_1844 {strides = array<i32>} : memref<128x128xf32, #tpu.memory_space<vmem>>, vector<1x16xf32>,
        %add3A_1845 = arith.constant 14 : i32
        %add3A_1846 = arith.addi %mul3A_77, %add3A_1845 : i32
        %get3A_1847 = arith.index_cast %add3A_1846 : i32 to index
        %get3A_1848 = arith.constant 64 : index
        %get3A_1849 = tpu.vector_load %arg10[%get3A_1847, %get3A_1848] {strides = array<i32>} : memref<128x128xf32, #tpu.memory_space<vmem>>, vector<1x16xf32>,
        %get3A_1850 = vector.shape_cast %get3A_1849 : vector<1x16xf32> to vector<16xf32>
        %mul3A_1851 = vector.broadcast %squeeze3A_1784 : f32 to vector<16xf32>
        %mul3A_1852 = arith.mulf %get3A_1850, %mul3A_1851 : vector<16xf32>
        %add3A_1853 = arith.constant 14 : i32
        %add3A_1854 = arith.addi %mul3A_77, %add3A_1853 : i32
        %swap3A_1855 = arith.index_cast %add3A_1854 : i32 to index
        %swap3A_1856 = arith.constant 64 : index
        %swap3A_1857 = tpu.vector_load %arg10[%swap3A_1855, %swap3A_1856] {strides = array<i32>} : memref<128x128xf32, #tpu.memory_space<vmem>>, vector<1x16xf32>,
        %swap3A_1858 = vector.shape_cast %swap3A_1857 : vector<1x16xf32> to vector<16xf32>
        %swap3A_1859 = vector.shape_cast %mul3A_1852 : vector<16xf32> to vector<1x16xf32>
        tpu.vector_store %arg10[%swap3A_1855, %swap3A_1856], %swap3A_1859 {strides = array<i32>} : memref<128x128xf32, #tpu.memory_space<vmem>>, vector<1x16xf32>,
        %add3A_1860 = arith.constant 14 : i32
        %add3A_1861 = arith.addi %mul3A_77, %add3A_1860 : i32
        %get3A_1862 = arith.index_cast %add3A_1861 : i32 to index
        %get3A_1863 = arith.constant 80 : index
        %get3A_1864 = tpu.vector_load %arg10[%get3A_1862, %get3A_1863] {strides = array<i32>} : memref<128x128xf32, #tpu.memory_space<vmem>>, vector<1x16xf32>,
        %get3A_1865 = vector.shape_cast %get3A_1864 : vector<1x16xf32> to vector<16xf32>
        %mul3A_1866 = vector.broadcast %squeeze3A_1784 : f32 to vector<16xf32>
        %mul3A_1867 = arith.mulf %get3A_1865, %mul3A_1866 : vector<16xf32>
        %add3A_1868 = arith.constant 14 : i32
        %add3A_1869 = arith.addi %mul3A_77, %add3A_1868 : i32
        %swap3A_1870 = arith.index_cast %add3A_1869 : i32 to index
        %swap3A_1871 = arith.constant 80 : index
        %swap3A_1872 = tpu.vector_load %arg10[%swap3A_1870, %swap3A_1871] {strides = array<i32>} : memref<128x128xf32, #tpu.memory_space<vmem>>, vector<1x16xf32>,
        %swap3A_1873 = vector.shape_cast %swap3A_1872 : vector<1x16xf32> to vector<16xf32>
        %swap3A_1874 = vector.shape_cast %mul3A_1867 : vector<16xf32> to vector<1x16xf32>
        tpu.vector_store %arg10[%swap3A_1870, %swap3A_1871], %swap3A_1874 {strides = array<i32>} : memref<128x128xf32, #tpu.memory_space<vmem>>, vector<1x16xf32>,
        %add3A_1875 = arith.constant 14 : i32
        %add3A_1876 = arith.addi %mul3A_77, %add3A_1875 : i32
        %get3A_1877 = arith.index_cast %add3A_1876 : i32 to index
        %get3A_1878 = arith.constant 96 : index
        %get3A_1879 = tpu.vector_load %arg10[%get3A_1877, %get3A_1878] {strides = array<i32>} : memref<128x128xf32, #tpu.memory_space<vmem>>, vector<1x16xf32>,
        %get3A_1880 = vector.shape_cast %get3A_1879 : vector<1x16xf32> to vector<16xf32>
        %mul3A_1881 = vector.broadcast %squeeze3A_1784 : f32 to vector<16xf32>
        %mul3A_1882 = arith.mulf %get3A_1880, %mul3A_1881 : vector<16xf32>
        %add3A_1883 = arith.constant 14 : i32
        %add3A_1884 = arith.addi %mul3A_77, %add3A_1883 : i32
        %swap3A_1885 = arith.index_cast %add3A_1884 : i32 to index
        %swap3A_1886 = arith.constant 96 : index
        %swap3A_1887 = tpu.vector_load %arg10[%swap3A_1885, %swap3A_1886] {strides = array<i32>} : memref<128x128xf32, #tpu.memory_space<vmem>>, vector<1x16xf32>,
        %swap3A_1888 = vector.shape_cast %swap3A_1887 : vector<1x16xf32> to vector<16xf32>
        %swap3A_1889 = vector.shape_cast %mul3A_1882 : vector<16xf32> to vector<1x16xf32>
        tpu.vector_store %arg10[%swap3A_1885, %swap3A_1886], %swap3A_1889 {strides = array<i32>} : memref<128x128xf32, #tpu.memory_space<vmem>>, vector<1x16xf32>,
        %add3A_1890 = arith.constant 14 : i32
        %add3A_1891 = arith.addi %mul3A_77, %add3A_1890 : i32
        %get3A_1892 = arith.index_cast %add3A_1891 : i32 to index
        %get3A_1893 = arith.constant 112 : index
        %get3A_1894 = tpu.vector_load %arg10[%get3A_1892, %get3A_1893] {strides = array<i32>} : memref<128x128xf32, #tpu.memory_space<vmem>>, vector<1x16xf32>,
        %get3A_1895 = vector.shape_cast %get3A_1894 : vector<1x16xf32> to vector<16xf32>
        %mul3A_1896 = vector.broadcast %squeeze3A_1784 : f32 to vector<16xf32>
        %mul3A_1897 = arith.mulf %get3A_1895, %mul3A_1896 : vector<16xf32>
        %add3A_1898 = arith.constant 14 : i32
        %add3A_1899 = arith.addi %mul3A_77, %add3A_1898 : i32
        %swap3A_1900 = arith.index_cast %add3A_1899 : i32 to index
        %swap3A_1901 = arith.constant 112 : index
        %swap3A_1902 = tpu.vector_load %arg10[%swap3A_1900, %swap3A_1901] {strides = array<i32>} : memref<128x128xf32, #tpu.memory_space<vmem>>, vector<1x16xf32>,
        %swap3A_1903 = vector.shape_cast %swap3A_1902 : vector<1x16xf32> to vector<16xf32>
        %swap3A_1904 = vector.shape_cast %mul3A_1897 : vector<16xf32> to vector<1x16xf32>
        tpu.vector_store %arg10[%swap3A_1900, %swap3A_1901], %swap3A_1904 {strides = array<i32>} : memref<128x128xf32, #tpu.memory_space<vmem>>, vector<1x16xf32>,
        %slice3A_1905 = vector.extract_strided_slice %get3A_75 {offsets = [15], sizes = [1], strides = [1]} : vector<16xf32> to vector<1xf32>
        %squeeze3A_1906 = vector.extract %slice3A_1905[0] : f32 from vector<1xf32>
        %add3A_1907 = arith.constant 15 : i32
        %add3A_1908 = arith.addi %mul3A_77, %add3A_1907 : i32
        %get3A_1909 = arith.index_cast %add3A_1908 : i32 to index
        %get3A_1910 = arith.constant 0 : index
        %get3A_1911 = tpu.vector_load %arg10[%get3A_1909, %get3A_1910] {strides = array<i32>} : memref<128x128xf32, #tpu.memory_space<vmem>>, vector<1x16xf32>,
        %get3A_1912 = vector.shape_cast %get3A_1911 : vector<1x16xf32> to vector<16xf32>
        %mul3A_1913 = vector.broadcast %squeeze3A_1906 : f32 to vector<16xf32>
        %mul3A_1914 = arith.mulf %get3A_1912, %mul3A_1913 : vector<16xf32>
        %add3A_1915 = arith.constant 15 : i32
        %add3A_1916 = arith.addi %mul3A_77, %add3A_1915 : i32
        %swap3A_1917 = arith.index_cast %add3A_1916 : i32 to index
        %swap3A_1918 = arith.constant 0 : index
        %swap3A_1919 = tpu.vector_load %arg10[%swap3A_1917, %swap3A_1918] {strides = array<i32>} : memref<128x128xf32, #tpu.memory_space<vmem>>, vector<1x16xf32>,
        %swap3A_1920 = vector.shape_cast %swap3A_1919 : vector<1x16xf32> to vector<16xf32>
        %swap3A_1921 = vector.shape_cast %mul3A_1914 : vector<16xf32> to vector<1x16xf32>
        tpu.vector_store %arg10[%swap3A_1917, %swap3A_1918], %swap3A_1921 {strides = array<i32>} : memref<128x128xf32, #tpu.memory_space<vmem>>, vector<1x16xf32>,
        %add3A_1922 = arith.constant 15 : i32
        %add3A_1923 = arith.addi %mul3A_77, %add3A_1922 : i32
        %get3A_1924 = arith.index_cast %add3A_1923 : i32 to index
        %get3A_1925 = arith.constant 16 : index
        %get3A_1926 = tpu.vector_load %arg10[%get3A_1924, %get3A_1925] {strides = array<i32>} : memref<128x128xf32, #tpu.memory_space<vmem>>, vector<1x16xf32>,
        %get3A_1927 = vector.shape_cast %get3A_1926 : vector<1x16xf32> to vector<16xf32>
        %mul3A_1928 = vector.broadcast %squeeze3A_1906 : f32 to vector<16xf32>
        %mul3A_1929 = arith.mulf %get3A_1927, %mul3A_1928 : vector<16xf32>
        %add3A_1930 = arith.constant 15 : i32
        %add3A_1931 = arith.addi %mul3A_77, %add3A_1930 : i32
        %swap3A_1932 = arith.index_cast %add3A_1931 : i32 to index
        %swap3A_1933 = arith.constant 16 : index
        %swap3A_1934 = tpu.vector_load %arg10[%swap3A_1932, %swap3A_1933] {strides = array<i32>} : memref<128x128xf32, #tpu.memory_space<vmem>>, vector<1x16xf32>,
        %swap3A_1935 = vector.shape_cast %swap3A_1934 : vector<1x16xf32> to vector<16xf32>
        %swap3A_1936 = vector.shape_cast %mul3A_1929 : vector<16xf32> to vector<1x16xf32>
        tpu.vector_store %arg10[%swap3A_1932, %swap3A_1933], %swap3A_1936 {strides = array<i32>} : memref<128x128xf32, #tpu.memory_space<vmem>>, vector<1x16xf32>,
        %add3A_1937 = arith.constant 15 : i32
        %add3A_1938 = arith.addi %mul3A_77, %add3A_1937 : i32
        %get3A_1939 = arith.index_cast %add3A_1938 : i32 to index
        %get3A_1940 = arith.constant 32 : index
        %get3A_1941 = tpu.vector_load %arg10[%get3A_1939, %get3A_1940] {strides = array<i32>} : memref<128x128xf32, #tpu.memory_space<vmem>>, vector<1x16xf32>,
        %get3A_1942 = vector.shape_cast %get3A_1941 : vector<1x16xf32> to vector<16xf32>
        %mul3A_1943 = vector.broadcast %squeeze3A_1906 : f32 to vector<16xf32>
        %mul3A_1944 = arith.mulf %get3A_1942, %mul3A_1943 : vector<16xf32>
        %add3A_1945 = arith.constant 15 : i32
        %add3A_1946 = arith.addi %mul3A_77, %add3A_1945 : i32
        %swap3A_1947 = arith.index_cast %add3A_1946 : i32 to index
        %swap3A_1948 = arith.constant 32 : index
        %swap3A_1949 = tpu.vector_load %arg10[%swap3A_1947, %swap3A_1948] {strides = array<i32>} : memref<128x128xf32, #tpu.memory_space<vmem>>, vector<1x16xf32>,
        %swap3A_1950 = vector.shape_cast %swap3A_1949 : vector<1x16xf32> to vector<16xf32>
        %swap3A_1951 = vector.shape_cast %mul3A_1944 : vector<16xf32> to vector<1x16xf32>
        tpu.vector_store %arg10[%swap3A_1947, %swap3A_1948], %swap3A_1951 {strides = array<i32>} : memref<128x128xf32, #tpu.memory_space<vmem>>, vector<1x16xf32>,
        %add3A_1952 = arith.constant 15 : i32
        %add3A_1953 = arith.addi %mul3A_77, %add3A_1952 : i32
        %get3A_1954 = arith.index_cast %add3A_1953 : i32 to index
        %get3A_1955 = arith.constant 48 : index
        %get3A_1956 = tpu.vector_load %arg10[%get3A_1954, %get3A_1955] {strides = array<i32>} : memref<128x128xf32, #tpu.memory_space<vmem>>, vector<1x16xf32>,
        %get3A_1957 = vector.shape_cast %get3A_1956 : vector<1x16xf32> to vector<16xf32>
        %mul3A_1958 = vector.broadcast %squeeze3A_1906 : f32 to vector<16xf32>
        %mul3A_1959 = arith.mulf %get3A_1957, %mul3A_1958 : vector<16xf32>
        %add3A_1960 = arith.constant 15 : i32
        %add3A_1961 = arith.addi %mul3A_77, %add3A_1960 : i32
        %swap3A_1962 = arith.index_cast %add3A_1961 : i32 to index
        %swap3A_1963 = arith.constant 48 : index
        %swap3A_1964 = tpu.vector_load %arg10[%swap3A_1962, %swap3A_1963] {strides = array<i32>} : memref<128x128xf32, #tpu.memory_space<vmem>>, vector<1x16xf32>,
        %swap3A_1965 = vector.shape_cast %swap3A_1964 : vector<1x16xf32> to vector<16xf32>
        %swap3A_1966 = vector.shape_cast %mul3A_1959 : vector<16xf32> to vector<1x16xf32>
        tpu.vector_store %arg10[%swap3A_1962, %swap3A_1963], %swap3A_1966 {strides = array<i32>} : memref<128x128xf32, #tpu.memory_space<vmem>>, vector<1x16xf32>,
        %add3A_1967 = arith.constant 15 : i32
        %add3A_1968 = arith.addi %mul3A_77, %add3A_1967 : i32
        %get3A_1969 = arith.index_cast %add3A_1968 : i32 to index
        %get3A_1970 = arith.constant 64 : index
        %get3A_1971 = tpu.vector_load %arg10[%get3A_1969, %get3A_1970] {strides = array<i32>} : memref<128x128xf32, #tpu.memory_space<vmem>>, vector<1x16xf32>,
        %get3A_1972 = vector.shape_cast %get3A_1971 : vector<1x16xf32> to vector<16xf32>
        %mul3A_1973 = vector.broadcast %squeeze3A_1906 : f32 to vector<16xf32>
        %mul3A_1974 = arith.mulf %get3A_1972, %mul3A_1973 : vector<16xf32>
        %add3A_1975 = arith.constant 15 : i32
        %add3A_1976 = arith.addi %mul3A_77, %add3A_1975 : i32
        %swap3A_1977 = arith.index_cast %add3A_1976 : i32 to index
        %swap3A_1978 = arith.constant 64 : index
        %swap3A_1979 = tpu.vector_load %arg10[%swap3A_1977, %swap3A_1978] {strides = array<i32>} : memref<128x128xf32, #tpu.memory_space<vmem>>, vector<1x16xf32>,
        %swap3A_1980 = vector.shape_cast %swap3A_1979 : vector<1x16xf32> to vector<16xf32>
        %swap3A_1981 = vector.shape_cast %mul3A_1974 : vector<16xf32> to vector<1x16xf32>
        tpu.vector_store %arg10[%swap3A_1977, %swap3A_1978], %swap3A_1981 {strides = array<i32>} : memref<128x128xf32, #tpu.memory_space<vmem>>, vector<1x16xf32>,
        %add3A_1982 = arith.constant 15 : i32
        %add3A_1983 = arith.addi %mul3A_77, %add3A_1982 : i32
        %get3A_1984 = arith.index_cast %add3A_1983 : i32 to index
        %get3A_1985 = arith.constant 80 : index
        %get3A_1986 = tpu.vector_load %arg10[%get3A_1984, %get3A_1985] {strides = array<i32>} : memref<128x128xf32, #tpu.memory_space<vmem>>, vector<1x16xf32>,
        %get3A_1987 = vector.shape_cast %get3A_1986 : vector<1x16xf32> to vector<16xf32>
        %mul3A_1988 = vector.broadcast %squeeze3A_1906 : f32 to vector<16xf32>
        %mul3A_1989 = arith.mulf %get3A_1987, %mul3A_1988 : vector<16xf32>
        %add3A_1990 = arith.constant 15 : i32
        %add3A_1991 = arith.addi %mul3A_77, %add3A_1990 : i32
        %swap3A_1992 = arith.index_cast %add3A_1991 : i32 to index
        %swap3A_1993 = arith.constant 80 : index
        %swap3A_1994 = tpu.vector_load %arg10[%swap3A_1992, %swap3A_1993] {strides = array<i32>} : memref<128x128xf32, #tpu.memory_space<vmem>>, vector<1x16xf32>,
        %swap3A_1995 = vector.shape_cast %swap3A_1994 : vector<1x16xf32> to vector<16xf32>
        %swap3A_1996 = vector.shape_cast %mul3A_1989 : vector<16xf32> to vector<1x16xf32>
        tpu.vector_store %arg10[%swap3A_1992, %swap3A_1993], %swap3A_1996 {strides = array<i32>} : memref<128x128xf32, #tpu.memory_space<vmem>>, vector<1x16xf32>,
        %add3A_1997 = arith.constant 15 : i32
        %add3A_1998 = arith.addi %mul3A_77, %add3A_1997 : i32
        %get3A_1999 = arith.index_cast %add3A_1998 : i32 to index
        %get3A_2000 = arith.constant 96 : index
        %get3A_2001 = tpu.vector_load %arg10[%get3A_1999, %get3A_2000] {strides = array<i32>} : memref<128x128xf32, #tpu.memory_space<vmem>>, vector<1x16xf32>,
        %get3A_2002 = vector.shape_cast %get3A_2001 : vector<1x16xf32> to vector<16xf32>
        %mul3A_2003 = vector.broadcast %squeeze3A_1906 : f32 to vector<16xf32>
        %mul3A_2004 = arith.mulf %get3A_2002, %mul3A_2003 : vector<16xf32>
        %add3A_2005 = arith.constant 15 : i32
        %add3A_2006 = arith.addi %mul3A_77, %add3A_2005 : i32
        %swap3A_2007 = arith.index_cast %add3A_2006 : i32 to index
        %swap3A_2008 = arith.constant 96 : index
        %swap3A_2009 = tpu.vector_load %arg10[%swap3A_2007, %swap3A_2008] {strides = array<i32>} : memref<128x128xf32, #tpu.memory_space<vmem>>, vector<1x16xf32>,
        %swap3A_2010 = vector.shape_cast %swap3A_2009 : vector<1x16xf32> to vector<16xf32>
        %swap3A_2011 = vector.shape_cast %mul3A_2004 : vector<16xf32> to vector<1x16xf32>
        tpu.vector_store %arg10[%swap3A_2007, %swap3A_2008], %swap3A_2011 {strides = array<i32>} : memref<128x128xf32, #tpu.memory_space<vmem>>, vector<1x16xf32>,
        %add3A_2012 = arith.constant 15 : i32
        %add3A_2013 = arith.addi %mul3A_77, %add3A_2012 : i32
        %get3A_2014 = arith.index_cast %add3A_2013 : i32 to index
        %get3A_2015 = arith.constant 112 : index
        %get3A_2016 = tpu.vector_load %arg10[%get3A_2014, %get3A_2015] {strides = array<i32>} : memref<128x128xf32, #tpu.memory_space<vmem>>, vector<1x16xf32>,
        %get3A_2017 = vector.shape_cast %get3A_2016 : vector<1x16xf32> to vector<16xf32>
        %mul3A_2018 = vector.broadcast %squeeze3A_1906 : f32 to vector<16xf32>
        %mul3A_2019 = arith.mulf %get3A_2017, %mul3A_2018 : vector<16xf32>
        %add3A_2020 = arith.constant 15 : i32
        %add3A_2021 = arith.addi %mul3A_77, %add3A_2020 : i32
        %swap3A_2022 = arith.index_cast %add3A_2021 : i32 to index
        %swap3A_2023 = arith.constant 112 : index
        %swap3A_2024 = tpu.vector_load %arg10[%swap3A_2022, %swap3A_2023] {strides = array<i32>} : memref<128x128xf32, #tpu.memory_space<vmem>>, vector<1x16xf32>,
        %swap3A_2025 = vector.shape_cast %swap3A_2024 : vector<1x16xf32> to vector<16xf32>
        %swap3A_2026 = vector.shape_cast %mul3A_2019 : vector<16xf32> to vector<1x16xf32>
        tpu.vector_store %arg10[%swap3A_2022, %swap3A_2023], %swap3A_2026 {strides = array<i32>} : memref<128x128xf32, #tpu.memory_space<vmem>>, vector<1x16xf32>,
      }
      %scan3A_69 = arith.constant 8 : i32
      %run_scoped3A_70 = arith.constant 0 : i32
      "tpu.region"() ({
        %run_scoped3A_71 = tpu.sem_alloc : memref<!tpu.dma_semaphore, #tpu.memory_space<semaphore_mem>>
        %dma_start3A_72 = arith.constant 0 : i32
        %dma_start3A_73 = tpu.memref_slice %arg8[%run_scoped3A_70, %dma_start3A_72] : memref<1x128xi32, #tpu.memory_space<vmem>> -> memref<1x128xi32, #tpu.memory_space<vmem>>
        %dma_start3A_74 = tpu.memref_squeeze %dma_start3A_73 : memref<1x128xi32, #tpu.memory_space<vmem>> -> memref<128xi32, #tpu.memory_space<vmem>>
        %dma_start3A_75 = arith.constant 0 : i32
        %dma_start3A_76 = arith.constant 0 : i32
        %dma_start3A_77 = tpu.memref_slice %arg12[%dma_start3A_75, %dma_start3A_76] : memref<10112x128xf32, #tpu.memory_space<vmem_shared>> -> memref<10112x128xf32, #tpu.memory_space<vmem_shared>>
        tpu.enqueue_indirect_dma source(%arg10 : memref<128x128xf32, #tpu.memory_space<vmem>>) target(%dma_start3A_77 : memref<10112x128xf32, #tpu.memory_space<vmem_shared>>) offsets(%dma_start3A_74 : memref<128xi32, #tpu.memory_space<vmem>>) semaphore(%run_scoped3A_71 : memref<!tpu.dma_semaphore, #tpu.memory_space<semaphore_mem>>) {add = true}
        %dma_wait3A_78 = arith.constant 0 : i32
        %dma_wait3A_79 = tpu.memref_slice %arg8[%run_scoped3A_70, %dma_wait3A_78] : memref<1x128xi32, #tpu.memory_space<vmem>> -> memref<1x128xi32, #tpu.memory_space<vmem>>
        %dma_wait3A_80 = tpu.memref_squeeze %dma_wait3A_79 : memref<1x128xi32, #tpu.memory_space<vmem>> -> memref<128xi32, #tpu.memory_space<vmem>>
        %dma_wait3A_81 = arith.constant 0 : i32
        %dma_wait3A_82 = arith.constant 0 : i32
        %dma_wait3A_83 = tpu.memref_slice %arg12[%dma_wait3A_81, %dma_wait3A_82] : memref<10112x128xf32, #tpu.memory_space<vmem_shared>> -> memref<10112x128xf32, #tpu.memory_space<vmem_shared>>
        tpu.wait_indirect_dma semaphore(%run_scoped3A_71 : memref<!tpu.dma_semaphore, #tpu.memory_space<semaphore_mem>>) src(%arg10 : memref<128x128xf32, #tpu.memory_space<vmem>>) dst(%dma_wait3A_83 : memref<10112x128xf32, #tpu.memory_space<vmem_shared>>)
        tpu.yield
      }) : () -> ()
    }
    %scan3A_48 = arith.constant 79 : i32
    %barrier3A_49 = arith.constant 0 : index
    tpu.barrier barrier_id(%barrier3A_49)
    %mul3A_50 = arith.constant 632 : i32
    %mul3A_51 = arith.muli %arg1, %mul3A_50 : i32
    %mul3A_52 = arith.constant 632 : i32
    %mul3A_53 = arith.muli %arg1, %mul3A_52 : i32
    "tpu.region"() ({
      %run_scoped3A = tpu.sem_alloc : memref<!tpu.dma_semaphore, #tpu.memory_space<semaphore_mem>>
      %dma_start3A = arith.constant 0 : i32
      %dma_start3A_54 = tpu.memref_slice %arg6[%arg0, %mul3A_53, %dma_start3A] : memref<2x10112x128xf32, #tpu.memory_space<hbm>> -> memref<1x632x128xf32, #tpu.memory_space<hbm>>
      %dma_start3A_55 = tpu.memref_squeeze %dma_start3A_54 : memref<1x632x128xf32, #tpu.memory_space<hbm>> -> memref<632x128xf32, #tpu.memory_space<hbm>>
      %dma_start3A_56 = arith.constant 0 : i32
      %dma_start3A_57 = tpu.memref_slice %arg12[%mul3A_51, %dma_start3A_56] : memref<10112x128xf32, #tpu.memory_space<vmem_shared>> -> memref<632x128xf32, #tpu.memory_space<vmem_shared>>
      tpu.enqueue_dma source(%dma_start3A_57 : memref<632x128xf32, #tpu.memory_space<vmem_shared>>) target(%dma_start3A_55 : memref<632x128xf32, #tpu.memory_space<hbm>>) target_semaphore(%run_scoped3A : memref<!tpu.dma_semaphore, #tpu.memory_space<semaphore_mem>>)
      %dma_wait3A = arith.constant 0 : i32
      %dma_wait3A_58 = tpu.memref_slice %arg6[%arg0, %mul3A_53, %dma_wait3A] : memref<2x10112x128xf32, #tpu.memory_space<hbm>> -> memref<1x632x128xf32, #tpu.memory_space<hbm>>
      %dma_wait3A_59 = tpu.memref_squeeze %dma_wait3A_58 : memref<1x632x128xf32, #tpu.memory_space<hbm>> -> memref<632x128xf32, #tpu.memory_space<hbm>>
      %dma_wait3A_60 = arith.constant 0 : i32
      %dma_wait3A_61 = tpu.memref_slice %arg12[%mul3A_51, %dma_wait3A_60] : memref<10112x128xf32, #tpu.memory_space<vmem_shared>> -> memref<632x128xf32, #tpu.memory_space<vmem_shared>>
      tpu.wait_dma2 semaphore(%run_scoped3A : memref<!tpu.dma_semaphore, #tpu.memory_space<semaphore_mem>>) src(%dma_wait3A_61 : memref<632x128xf32, #tpu.memory_space<vmem_shared>>) dst(%dma_wait3A_59 : memref<632x128xf32, #tpu.memory_space<hbm>>)
      tpu.yield
    }) : () -> ()
    return
  }
}

#map = affine_map<(d0, d1) -> (0)>
#map1 = affine_map<(d0, d1) -> (0, 0)>
module attributes {stable_mosaic.version = 14 : i64} {
  func.func @seg_kernel(%arg0: i32, %arg1: i32, %arg2: memref<10000xf32, #tpu.memory_space<hbm>>, %arg3: memref<323584xi32, #tpu.memory_space<hbm>>, %arg4: memref<323584xi32, #tpu.memory_space<hbm>>, %arg5: memref<323584xf32, #tpu.memory_space<hbm>>, %arg6: memref<2x10240xf32, #tpu.memory_space<hbm>>, %arg7: memref<128xf32, #tpu.memory_space<vmem>>, %arg8: memref<128xi32, #tpu.memory_space<vmem>>, %arg9: memref<1x128xi32, #tpu.memory_space<vmem>>, %arg10: memref<128xf32, #tpu.memory_space<vmem>>, %arg11: memref<128xf32, #tpu.memory_space<vmem>>, %arg12: memref<640xf32, #tpu.memory_space<vmem>>, %arg13: memref<10240xf32, #tpu.memory_space<vmem_shared>>) attributes {dimension_semantics = [#tpu.dimension_semantics<core_parallel>, #tpu.dimension_semantics<subcore_parallel>], iteration_bounds = array<i64: 2, 16>, scalar_prefetch = 0 : i64, scratch_operands = 7 : i64, tpu.core_type = #tpu.core_type<sc_vector_subcore>, window_params = [{transform_indices = #map}, {transform_indices = #map}, {transform_indices = #map}, {transform_indices = #map}, {transform_indices = #map1}]} {
    %mul3A = arith.constant 16 : i32
    %mul3A_0 = arith.muli %arg0, %mul3A : i32
    %add3A = arith.addi %mul3A_0, %arg1 : i32
    %broadcast_in_dim3A = arith.constant 0.000000e+00 : f32
    %broadcast_in_dim3A_1 = vector.broadcast %broadcast_in_dim3A : f32 to vector<16xf32>
    %scan3A = arith.constant 0 : i32
    %scan3A_2 = arith.constant 0 : i32
    %scan3A_3 = arith.constant 40 : i32
    %scan3A_4 = arith.addi %scan3A_2, %scan3A_3 : i32
    %scan3A_5 = arith.constant 1 : i32
    scf.for %scan3A_20 = %scan3A_2 to %scan3A_4 step %scan3A_5  : i32 {
      %mul3A_21 = arith.constant 16 : i32
      %mul3A_22 = arith.muli %scan3A_20, %mul3A_21 : i32
      %swap3A = arith.index_cast %mul3A_22 : i32 to index
      %swap3A_23 = tpu.vector_load %arg12[%swap3A] {strides = array<i32>} : memref<640xf32, #tpu.memory_space<vmem>>, vector<16xf32>,
      %swap3A_24 = vector.shape_cast %swap3A_23 : vector<16xf32> to vector<16xf32>
      %swap3A_25 = vector.shape_cast %broadcast_in_dim3A_1 : vector<16xf32> to vector<16xf32>
      tpu.vector_store %arg12[%swap3A], %swap3A_25 {strides = array<i32>} : memref<640xf32, #tpu.memory_space<vmem>>, vector<16xf32>,
    }
    %scan3A_6 = arith.constant 40 : i32
    %mul3A_7 = arith.constant 640 : i32
    %mul3A_8 = arith.muli %arg1, %mul3A_7 : i32
    "tpu.region"() ({
      %run_scoped3A = tpu.sem_alloc : memref<!tpu.dma_semaphore, #tpu.memory_space<semaphore_mem>>
      %dma_start3A = tpu.memref_slice %arg13[%mul3A_8] : memref<10240xf32, #tpu.memory_space<vmem_shared>> -> memref<640xf32, #tpu.memory_space<vmem_shared>>
      %dma_start3A_20 = tpu.memref_slice %arg13[%mul3A_8] : memref<10240xf32, #tpu.memory_space<vmem_shared>> -> memref<640xf32, #tpu.memory_space<vmem_shared>>
      tpu.enqueue_dma source(%arg12 : memref<640xf32, #tpu.memory_space<vmem>>) target(%dma_start3A_20 : memref<640xf32, #tpu.memory_space<vmem_shared>>) target_semaphore(%run_scoped3A : memref<!tpu.dma_semaphore, #tpu.memory_space<semaphore_mem>>)
      %dma_wait3A = tpu.memref_slice %arg13[%mul3A_8] : memref<10240xf32, #tpu.memory_space<vmem_shared>> -> memref<640xf32, #tpu.memory_space<vmem_shared>>
      %dma_wait3A_21 = tpu.memref_slice %arg13[%mul3A_8] : memref<10240xf32, #tpu.memory_space<vmem_shared>> -> memref<640xf32, #tpu.memory_space<vmem_shared>>
      tpu.wait_dma2 semaphore(%run_scoped3A : memref<!tpu.dma_semaphore, #tpu.memory_space<semaphore_mem>>) src(%arg12 : memref<640xf32, #tpu.memory_space<vmem>>) dst(%dma_wait3A_21 : memref<640xf32, #tpu.memory_space<vmem_shared>>)
      tpu.yield
    }) : () -> ()
    %barrier3A = arith.constant 0 : index
    tpu.barrier barrier_id(%barrier3A)
    %scan3A_9 = arith.constant 0 : i32
    %scan3A_10 = arith.constant 0 : i32
    %scan3A_11 = arith.constant 79 : i32
    %scan3A_12 = arith.addi %scan3A_10, %scan3A_11 : i32
    %scan3A_13 = arith.constant 1 : i32
    scf.for %scan3A_20 = %scan3A_10 to %scan3A_12 step %scan3A_13  : i32 {
      %mul3A_21 = arith.constant 10112 : i32
      %mul3A_22 = arith.muli %add3A, %mul3A_21 : i32
      %mul3A_23 = arith.constant 128 : i32
      %mul3A_24 = arith.muli %scan3A_20, %mul3A_23 : i32
      %add3A_25 = arith.addi %mul3A_22, %mul3A_24 : i32
      %run_scoped3A = arith.constant 0 : i32
      "tpu.region"() ({
        %run_scoped3A_113 = tpu.sem_alloc : memref<!tpu.dma_semaphore, #tpu.memory_space<semaphore_mem>>
        %dma_start3A = arith.constant 0 : i32
        %dma_start3A_114 = tpu.memref_slice %arg9[%run_scoped3A, %dma_start3A] : memref<1x128xi32, #tpu.memory_space<vmem>> -> memref<1x128xi32, #tpu.memory_space<vmem>>
        %dma_start3A_115 = tpu.memref_squeeze %dma_start3A_114 : memref<1x128xi32, #tpu.memory_space<vmem>> -> memref<128xi32, #tpu.memory_space<vmem>>
        %dma_start3A_116 = tpu.memref_slice %arg4[%add3A_25] : memref<323584xi32, #tpu.memory_space<hbm>> -> memref<128xi32, #tpu.memory_space<hbm>>
        %dma_start3A_117 = arith.constant 0 : i32
        %dma_start3A_118 = tpu.memref_slice %arg9[%run_scoped3A, %dma_start3A_117] : memref<1x128xi32, #tpu.memory_space<vmem>> -> memref<1x128xi32, #tpu.memory_space<vmem>>
        %dma_start3A_119 = tpu.memref_squeeze %dma_start3A_118 : memref<1x128xi32, #tpu.memory_space<vmem>> -> memref<128xi32, #tpu.memory_space<vmem>>
        %dma_start3A_120 = tpu.memref_slice %arg4[%add3A_25] : memref<323584xi32, #tpu.memory_space<hbm>> -> memref<128xi32, #tpu.memory_space<hbm>>
        tpu.enqueue_dma source(%dma_start3A_120 : memref<128xi32, #tpu.memory_space<hbm>>) target(%dma_start3A_119 : memref<128xi32, #tpu.memory_space<vmem>>) target_semaphore(%run_scoped3A_113 : memref<!tpu.dma_semaphore, #tpu.memory_space<semaphore_mem>>)
        %dma_wait3A = arith.constant 0 : i32
        %dma_wait3A_121 = tpu.memref_slice %arg9[%run_scoped3A, %dma_wait3A] : memref<1x128xi32, #tpu.memory_space<vmem>> -> memref<1x128xi32, #tpu.memory_space<vmem>>
        %dma_wait3A_122 = tpu.memref_squeeze %dma_wait3A_121 : memref<1x128xi32, #tpu.memory_space<vmem>> -> memref<128xi32, #tpu.memory_space<vmem>>
        %dma_wait3A_123 = tpu.memref_slice %arg4[%add3A_25] : memref<323584xi32, #tpu.memory_space<hbm>> -> memref<128xi32, #tpu.memory_space<hbm>>
        %dma_wait3A_124 = arith.constant 0 : i32
        %dma_wait3A_125 = tpu.memref_slice %arg9[%run_scoped3A, %dma_wait3A_124] : memref<1x128xi32, #tpu.memory_space<vmem>> -> memref<1x128xi32, #tpu.memory_space<vmem>>
        %dma_wait3A_126 = tpu.memref_squeeze %dma_wait3A_125 : memref<1x128xi32, #tpu.memory_space<vmem>> -> memref<128xi32, #tpu.memory_space<vmem>>
        %dma_wait3A_127 = tpu.memref_slice %arg4[%add3A_25] : memref<323584xi32, #tpu.memory_space<hbm>> -> memref<128xi32, #tpu.memory_space<hbm>>
        tpu.wait_dma2 semaphore(%run_scoped3A_113 : memref<!tpu.dma_semaphore, #tpu.memory_space<semaphore_mem>>) src(%dma_wait3A_127 : memref<128xi32, #tpu.memory_space<hbm>>) dst(%dma_wait3A_126 : memref<128xi32, #tpu.memory_space<vmem>>)
        tpu.yield
      }) : () -> ()
      "tpu.region"() ({
        %run_scoped3A_113 = tpu.sem_alloc : memref<!tpu.dma_semaphore, #tpu.memory_space<semaphore_mem>>
        %dma_start3A = tpu.memref_slice %arg5[%add3A_25] : memref<323584xf32, #tpu.memory_space<hbm>> -> memref<128xf32, #tpu.memory_space<hbm>>
        %dma_start3A_114 = tpu.memref_slice %arg5[%add3A_25] : memref<323584xf32, #tpu.memory_space<hbm>> -> memref<128xf32, #tpu.memory_space<hbm>>
        tpu.enqueue_dma source(%dma_start3A_114 : memref<128xf32, #tpu.memory_space<hbm>>) target(%arg10 : memref<128xf32, #tpu.memory_space<vmem>>) target_semaphore(%run_scoped3A_113 : memref<!tpu.dma_semaphore, #tpu.memory_space<semaphore_mem>>)
        %dma_wait3A = tpu.memref_slice %arg5[%add3A_25] : memref<323584xf32, #tpu.memory_space<hbm>> -> memref<128xf32, #tpu.memory_space<hbm>>
        %dma_wait3A_115 = tpu.memref_slice %arg5[%add3A_25] : memref<323584xf32, #tpu.memory_space<hbm>> -> memref<128xf32, #tpu.memory_space<hbm>>
        tpu.wait_dma2 semaphore(%run_scoped3A_113 : memref<!tpu.dma_semaphore, #tpu.memory_space<semaphore_mem>>) src(%dma_wait3A_115 : memref<128xf32, #tpu.memory_space<hbm>>) dst(%arg10 : memref<128xf32, #tpu.memory_space<vmem>>)
        tpu.yield
      }) : () -> ()
      "tpu.region"() ({
        %run_scoped3A_113 = tpu.sem_alloc : memref<!tpu.dma_semaphore, #tpu.memory_space<semaphore_mem>>
        %dma_start3A = tpu.memref_slice %arg3[%add3A_25] : memref<323584xi32, #tpu.memory_space<hbm>> -> memref<128xi32, #tpu.memory_space<hbm>>
        %dma_start3A_114 = tpu.memref_slice %arg3[%add3A_25] : memref<323584xi32, #tpu.memory_space<hbm>> -> memref<128xi32, #tpu.memory_space<hbm>>
        tpu.enqueue_dma source(%dma_start3A_114 : memref<128xi32, #tpu.memory_space<hbm>>) target(%arg8 : memref<128xi32, #tpu.memory_space<vmem>>) target_semaphore(%run_scoped3A_113 : memref<!tpu.dma_semaphore, #tpu.memory_space<semaphore_mem>>)
        %dma_wait3A = tpu.memref_slice %arg3[%add3A_25] : memref<323584xi32, #tpu.memory_space<hbm>> -> memref<128xi32, #tpu.memory_space<hbm>>
        %dma_wait3A_115 = tpu.memref_slice %arg3[%add3A_25] : memref<323584xi32, #tpu.memory_space<hbm>> -> memref<128xi32, #tpu.memory_space<hbm>>
        tpu.wait_dma2 semaphore(%run_scoped3A_113 : memref<!tpu.dma_semaphore, #tpu.memory_space<semaphore_mem>>) src(%dma_wait3A_115 : memref<128xi32, #tpu.memory_space<hbm>>) dst(%arg8 : memref<128xi32, #tpu.memory_space<vmem>>)
        tpu.yield
      }) : () -> ()
      "tpu.region"() ({
        %run_scoped3A_113 = tpu.sem_alloc : memref<!tpu.dma_semaphore, #tpu.memory_space<semaphore_mem>>
        %dma_start3A = arith.constant 0 : i32
        %dma_start3A_114 = tpu.memref_slice %arg2[%dma_start3A] : memref<10000xf32, #tpu.memory_space<hbm>> -> memref<10000xf32, #tpu.memory_space<hbm>>
        tpu.enqueue_indirect_dma source(%dma_start3A_114 : memref<10000xf32, #tpu.memory_space<hbm>>) target(%arg7 : memref<128xf32, #tpu.memory_space<vmem>>) offsets(%arg8 : memref<128xi32, #tpu.memory_space<vmem>>) semaphore(%run_scoped3A_113 : memref<!tpu.dma_semaphore, #tpu.memory_space<semaphore_mem>>)
        %dma_wait3A = arith.constant 0 : i32
        %dma_wait3A_115 = tpu.memref_slice %arg2[%dma_wait3A] : memref<10000xf32, #tpu.memory_space<hbm>> -> memref<10000xf32, #tpu.memory_space<hbm>>
        tpu.wait_indirect_dma semaphore(%run_scoped3A_113 : memref<!tpu.dma_semaphore, #tpu.memory_space<semaphore_mem>>) src(%dma_wait3A_115 : memref<10000xf32, #tpu.memory_space<hbm>>) dst(%arg7 : memref<128xf32, #tpu.memory_space<vmem>>)
        tpu.yield
      }) : () -> ()
      %get3A = arith.constant 0 : index
      %get3A_26 = tpu.vector_load %arg10[%get3A] {strides = array<i32>} : memref<128xf32, #tpu.memory_space<vmem>>, vector<16xf32>,
      %get3A_27 = vector.shape_cast %get3A_26 : vector<16xf32> to vector<16xf32>
      %get3A_28 = arith.constant 0 : index
      %get3A_29 = tpu.vector_load %arg7[%get3A_28] {strides = array<i32>} : memref<128xf32, #tpu.memory_space<vmem>>, vector<16xf32>,
      %get3A_30 = vector.shape_cast %get3A_29 : vector<16xf32> to vector<16xf32>
      %mul3A_31 = arith.mulf %get3A_27, %get3A_30 : vector<16xf32>
      %swap3A = arith.constant 0 : index
      %swap3A_32 = tpu.vector_load %arg11[%swap3A] {strides = array<i32>} : memref<128xf32, #tpu.memory_space<vmem>>, vector<16xf32>,
      %swap3A_33 = vector.shape_cast %swap3A_32 : vector<16xf32> to vector<16xf32>
      %swap3A_34 = vector.shape_cast %mul3A_31 : vector<16xf32> to vector<16xf32>
      tpu.vector_store %arg11[%swap3A], %swap3A_34 {strides = array<i32>} : memref<128xf32, #tpu.memory_space<vmem>>, vector<16xf32>,
      %get3A_35 = arith.constant 16 : index
      %get3A_36 = tpu.vector_load %arg10[%get3A_35] {strides = array<i32>} : memref<128xf32, #tpu.memory_space<vmem>>, vector<16xf32>,
      %get3A_37 = vector.shape_cast %get3A_36 : vector<16xf32> to vector<16xf32>
      %get3A_38 = arith.constant 16 : index
      %get3A_39 = tpu.vector_load %arg7[%get3A_38] {strides = array<i32>} : memref<128xf32, #tpu.memory_space<vmem>>, vector<16xf32>,
      %get3A_40 = vector.shape_cast %get3A_39 : vector<16xf32> to vector<16xf32>
      %mul3A_41 = arith.mulf %get3A_37, %get3A_40 : vector<16xf32>
      %swap3A_42 = arith.constant 16 : index
      %swap3A_43 = tpu.vector_load %arg11[%swap3A_42] {strides = array<i32>} : memref<128xf32, #tpu.memory_space<vmem>>, vector<16xf32>,
      %swap3A_44 = vector.shape_cast %swap3A_43 : vector<16xf32> to vector<16xf32>
      %swap3A_45 = vector.shape_cast %mul3A_41 : vector<16xf32> to vector<16xf32>
      tpu.vector_store %arg11[%swap3A_42], %swap3A_45 {strides = array<i32>} : memref<128xf32, #tpu.memory_space<vmem>>, vector<16xf32>,
      %get3A_46 = arith.constant 32 : index
      %get3A_47 = tpu.vector_load %arg10[%get3A_46] {strides = array<i32>} : memref<128xf32, #tpu.memory_space<vmem>>, vector<16xf32>,
      %get3A_48 = vector.shape_cast %get3A_47 : vector<16xf32> to vector<16xf32>
      %get3A_49 = arith.constant 32 : index
      %get3A_50 = tpu.vector_load %arg7[%get3A_49] {strides = array<i32>} : memref<128xf32, #tpu.memory_space<vmem>>, vector<16xf32>,
      %get3A_51 = vector.shape_cast %get3A_50 : vector<16xf32> to vector<16xf32>
      %mul3A_52 = arith.mulf %get3A_48, %get3A_51 : vector<16xf32>
      %swap3A_53 = arith.constant 32 : index
      %swap3A_54 = tpu.vector_load %arg11[%swap3A_53] {strides = array<i32>} : memref<128xf32, #tpu.memory_space<vmem>>, vector<16xf32>,
      %swap3A_55 = vector.shape_cast %swap3A_54 : vector<16xf32> to vector<16xf32>
      %swap3A_56 = vector.shape_cast %mul3A_52 : vector<16xf32> to vector<16xf32>
      tpu.vector_store %arg11[%swap3A_53], %swap3A_56 {strides = array<i32>} : memref<128xf32, #tpu.memory_space<vmem>>, vector<16xf32>,
      %get3A_57 = arith.constant 48 : index
      %get3A_58 = tpu.vector_load %arg10[%get3A_57] {strides = array<i32>} : memref<128xf32, #tpu.memory_space<vmem>>, vector<16xf32>,
      %get3A_59 = vector.shape_cast %get3A_58 : vector<16xf32> to vector<16xf32>
      %get3A_60 = arith.constant 48 : index
      %get3A_61 = tpu.vector_load %arg7[%get3A_60] {strides = array<i32>} : memref<128xf32, #tpu.memory_space<vmem>>, vector<16xf32>,
      %get3A_62 = vector.shape_cast %get3A_61 : vector<16xf32> to vector<16xf32>
      %mul3A_63 = arith.mulf %get3A_59, %get3A_62 : vector<16xf32>
      %swap3A_64 = arith.constant 48 : index
      %swap3A_65 = tpu.vector_load %arg11[%swap3A_64] {strides = array<i32>} : memref<128xf32, #tpu.memory_space<vmem>>, vector<16xf32>,
      %swap3A_66 = vector.shape_cast %swap3A_65 : vector<16xf32> to vector<16xf32>
      %swap3A_67 = vector.shape_cast %mul3A_63 : vector<16xf32> to vector<16xf32>
      tpu.vector_store %arg11[%swap3A_64], %swap3A_67 {strides = array<i32>} : memref<128xf32, #tpu.memory_space<vmem>>, vector<16xf32>,
      %get3A_68 = arith.constant 64 : index
      %get3A_69 = tpu.vector_load %arg10[%get3A_68] {strides = array<i32>} : memref<128xf32, #tpu.memory_space<vmem>>, vector<16xf32>,
      %get3A_70 = vector.shape_cast %get3A_69 : vector<16xf32> to vector<16xf32>
      %get3A_71 = arith.constant 64 : index
      %get3A_72 = tpu.vector_load %arg7[%get3A_71] {strides = array<i32>} : memref<128xf32, #tpu.memory_space<vmem>>, vector<16xf32>,
      %get3A_73 = vector.shape_cast %get3A_72 : vector<16xf32> to vector<16xf32>
      %mul3A_74 = arith.mulf %get3A_70, %get3A_73 : vector<16xf32>
      %swap3A_75 = arith.constant 64 : index
      %swap3A_76 = tpu.vector_load %arg11[%swap3A_75] {strides = array<i32>} : memref<128xf32, #tpu.memory_space<vmem>>, vector<16xf32>,
      %swap3A_77 = vector.shape_cast %swap3A_76 : vector<16xf32> to vector<16xf32>
      %swap3A_78 = vector.shape_cast %mul3A_74 : vector<16xf32> to vector<16xf32>
      tpu.vector_store %arg11[%swap3A_75], %swap3A_78 {strides = array<i32>} : memref<128xf32, #tpu.memory_space<vmem>>, vector<16xf32>,
      %get3A_79 = arith.constant 80 : index
      %get3A_80 = tpu.vector_load %arg10[%get3A_79] {strides = array<i32>} : memref<128xf32, #tpu.memory_space<vmem>>, vector<16xf32>,
      %get3A_81 = vector.shape_cast %get3A_80 : vector<16xf32> to vector<16xf32>
      %get3A_82 = arith.constant 80 : index
      %get3A_83 = tpu.vector_load %arg7[%get3A_82] {strides = array<i32>} : memref<128xf32, #tpu.memory_space<vmem>>, vector<16xf32>,
      %get3A_84 = vector.shape_cast %get3A_83 : vector<16xf32> to vector<16xf32>
      %mul3A_85 = arith.mulf %get3A_81, %get3A_84 : vector<16xf32>
      %swap3A_86 = arith.constant 80 : index
      %swap3A_87 = tpu.vector_load %arg11[%swap3A_86] {strides = array<i32>} : memref<128xf32, #tpu.memory_space<vmem>>, vector<16xf32>,
      %swap3A_88 = vector.shape_cast %swap3A_87 : vector<16xf32> to vector<16xf32>
      %swap3A_89 = vector.shape_cast %mul3A_85 : vector<16xf32> to vector<16xf32>
      tpu.vector_store %arg11[%swap3A_86], %swap3A_89 {strides = array<i32>} : memref<128xf32, #tpu.memory_space<vmem>>, vector<16xf32>,
      %get3A_90 = arith.constant 96 : index
      %get3A_91 = tpu.vector_load %arg10[%get3A_90] {strides = array<i32>} : memref<128xf32, #tpu.memory_space<vmem>>, vector<16xf32>,
      %get3A_92 = vector.shape_cast %get3A_91 : vector<16xf32> to vector<16xf32>
      %get3A_93 = arith.constant 96 : index
      %get3A_94 = tpu.vector_load %arg7[%get3A_93] {strides = array<i32>} : memref<128xf32, #tpu.memory_space<vmem>>, vector<16xf32>,
      %get3A_95 = vector.shape_cast %get3A_94 : vector<16xf32> to vector<16xf32>
      %mul3A_96 = arith.mulf %get3A_92, %get3A_95 : vector<16xf32>
      %swap3A_97 = arith.constant 96 : index
      %swap3A_98 = tpu.vector_load %arg11[%swap3A_97] {strides = array<i32>} : memref<128xf32, #tpu.memory_space<vmem>>, vector<16xf32>,
      %swap3A_99 = vector.shape_cast %swap3A_98 : vector<16xf32> to vector<16xf32>
      %swap3A_100 = vector.shape_cast %mul3A_96 : vector<16xf32> to vector<16xf32>
      tpu.vector_store %arg11[%swap3A_97], %swap3A_100 {strides = array<i32>} : memref<128xf32, #tpu.memory_space<vmem>>, vector<16xf32>,
      %get3A_101 = arith.constant 112 : index
      %get3A_102 = tpu.vector_load %arg10[%get3A_101] {strides = array<i32>} : memref<128xf32, #tpu.memory_space<vmem>>, vector<16xf32>,
      %get3A_103 = vector.shape_cast %get3A_102 : vector<16xf32> to vector<16xf32>
      %get3A_104 = arith.constant 112 : index
      %get3A_105 = tpu.vector_load %arg7[%get3A_104] {strides = array<i32>} : memref<128xf32, #tpu.memory_space<vmem>>, vector<16xf32>,
      %get3A_106 = vector.shape_cast %get3A_105 : vector<16xf32> to vector<16xf32>
      %mul3A_107 = arith.mulf %get3A_103, %get3A_106 : vector<16xf32>
      %swap3A_108 = arith.constant 112 : index
      %swap3A_109 = tpu.vector_load %arg11[%swap3A_108] {strides = array<i32>} : memref<128xf32, #tpu.memory_space<vmem>>, vector<16xf32>,
      %swap3A_110 = vector.shape_cast %swap3A_109 : vector<16xf32> to vector<16xf32>
      %swap3A_111 = vector.shape_cast %mul3A_107 : vector<16xf32> to vector<16xf32>
      tpu.vector_store %arg11[%swap3A_108], %swap3A_111 {strides = array<i32>} : memref<128xf32, #tpu.memory_space<vmem>>, vector<16xf32>,
      %run_scoped3A_112 = arith.constant 0 : i32
      "tpu.region"() ({
        %run_scoped3A_113 = tpu.sem_alloc : memref<!tpu.dma_semaphore, #tpu.memory_space<semaphore_mem>>
        %dma_start3A = arith.constant 0 : i32
        %dma_start3A_114 = tpu.memref_slice %arg9[%run_scoped3A_112, %dma_start3A] : memref<1x128xi32, #tpu.memory_space<vmem>> -> memref<1x128xi32, #tpu.memory_space<vmem>>
        %dma_start3A_115 = tpu.memref_squeeze %dma_start3A_114 : memref<1x128xi32, #tpu.memory_space<vmem>> -> memref<128xi32, #tpu.memory_space<vmem>>
        %dma_start3A_116 = arith.constant 0 : i32
        %dma_start3A_117 = tpu.memref_slice %arg13[%dma_start3A_116] : memref<10240xf32, #tpu.memory_space<vmem_shared>> -> memref<10240xf32, #tpu.memory_space<vmem_shared>>
        tpu.enqueue_indirect_dma source(%arg11 : memref<128xf32, #tpu.memory_space<vmem>>) target(%dma_start3A_117 : memref<10240xf32, #tpu.memory_space<vmem_shared>>) offsets(%dma_start3A_115 : memref<128xi32, #tpu.memory_space<vmem>>) semaphore(%run_scoped3A_113 : memref<!tpu.dma_semaphore, #tpu.memory_space<semaphore_mem>>) {add = true}
        %dma_wait3A = arith.constant 0 : i32
        %dma_wait3A_118 = tpu.memref_slice %arg9[%run_scoped3A_112, %dma_wait3A] : memref<1x128xi32, #tpu.memory_space<vmem>> -> memref<1x128xi32, #tpu.memory_space<vmem>>
        %dma_wait3A_119 = tpu.memref_squeeze %dma_wait3A_118 : memref<1x128xi32, #tpu.memory_space<vmem>> -> memref<128xi32, #tpu.memory_space<vmem>>
        %dma_wait3A_120 = arith.constant 0 : i32
        %dma_wait3A_121 = tpu.memref_slice %arg13[%dma_wait3A_120] : memref<10240xf32, #tpu.memory_space<vmem_shared>> -> memref<10240xf32, #tpu.memory_space<vmem_shared>>
        tpu.wait_indirect_dma semaphore(%run_scoped3A_113 : memref<!tpu.dma_semaphore, #tpu.memory_space<semaphore_mem>>) src(%arg11 : memref<128xf32, #tpu.memory_space<vmem>>) dst(%dma_wait3A_121 : memref<10240xf32, #tpu.memory_space<vmem_shared>>)
        tpu.yield
      }) : () -> ()
    }
    %scan3A_14 = arith.constant 79 : i32
    %barrier3A_15 = arith.constant 0 : index
    tpu.barrier barrier_id(%barrier3A_15)
    %mul3A_16 = arith.constant 640 : i32
    %mul3A_17 = arith.muli %arg1, %mul3A_16 : i32
    %mul3A_18 = arith.constant 640 : i32
    %mul3A_19 = arith.muli %arg1, %mul3A_18 : i32
    "tpu.region"() ({
      %run_scoped3A = tpu.sem_alloc : memref<!tpu.dma_semaphore, #tpu.memory_space<semaphore_mem>>
      %dma_start3A = tpu.memref_slice %arg6[%arg0, %mul3A_19] : memref<2x10240xf32, #tpu.memory_space<hbm>> -> memref<1x640xf32, #tpu.memory_space<hbm>>
      %dma_start3A_20 = tpu.memref_squeeze %dma_start3A : memref<1x640xf32, #tpu.memory_space<hbm>> -> memref<640xf32, #tpu.memory_space<hbm>>
      %dma_start3A_21 = tpu.memref_slice %arg13[%mul3A_17] : memref<10240xf32, #tpu.memory_space<vmem_shared>> -> memref<640xf32, #tpu.memory_space<vmem_shared>>
      tpu.enqueue_dma source(%dma_start3A_21 : memref<640xf32, #tpu.memory_space<vmem_shared>>) target(%dma_start3A_20 : memref<640xf32, #tpu.memory_space<hbm>>) target_semaphore(%run_scoped3A : memref<!tpu.dma_semaphore, #tpu.memory_space<semaphore_mem>>)
      %dma_wait3A = tpu.memref_slice %arg6[%arg0, %mul3A_19] : memref<2x10240xf32, #tpu.memory_space<hbm>> -> memref<1x640xf32, #tpu.memory_space<hbm>>
      %dma_wait3A_22 = tpu.memref_squeeze %dma_wait3A : memref<1x640xf32, #tpu.memory_space<hbm>> -> memref<640xf32, #tpu.memory_space<hbm>>
      %dma_wait3A_23 = tpu.memref_slice %arg13[%mul3A_17] : memref<10240xf32, #tpu.memory_space<vmem_shared>> -> memref<640xf32, #tpu.memory_space<vmem_shared>>
      tpu.wait_dma2 semaphore(%run_scoped3A : memref<!tpu.dma_semaphore, #tpu.memory_space<semaphore_mem>>) src(%dma_wait3A_23 : memref<640xf32, #tpu.memory_space<vmem_shared>>) dst(%dma_wait3A_22 : memref<640xf32, #tpu.memory_space<hbm>>)
      tpu.yield
    }) : () -> ()
    return
  }
}

module attributes {stable_mosaic.version = 14 : i64} {
  func.func @_tc1_body(%arg0: i32, %arg1: memref<1000x128xf32, #tpu.memory_space<vmem>>, %arg2: memref<128x128xf32, #tpu.memory_space<vmem>>, %arg3: memref<1000x2xf32, #tpu.memory_space<vmem>>, %arg4: memref<1000x128xf32, #tpu.memory_space<vmem>>, %arg5: memref<1000x1xf32, #tpu.memory_space<vmem>>) attributes {dimension_semantics = [#tpu.dimension_semantics<arbitrary>], iteration_bounds = array<i64: 10>, scalar_prefetch = 0 : i64, scratch_operands = 0 : i64, tpu.core_type = #tpu.core_type<tc>, window_params = [{transform_indices = @transform_0, window_bounds = array<i64: 1000, 128>}, {pipeline_mode = #tpu.pipeline_mode<synchronous>, transform_indices = @transform_1, window_bounds = array<i64: 128, 128>}, {transform_indices = @transform_2, window_bounds = array<i64: 1000, 2>}, {transform_indices = @transform_3, window_bounds = array<i64: 1000, 128>}, {transform_indices = @transform_4, window_bounds = array<i64: 1000, 1>}]} {
    %get3A = arith.constant 0 : index
    %get3A_0 = arith.constant 0 : index
    %get3A_1 = vector.load %arg1[%get3A, %get3A_0] : memref<1000x128xf32, #tpu.memory_space<vmem>>, vector<1000x128xf32>
    %get3A_2 = arith.constant 0 : index
    %get3A_3 = arith.constant 0 : index
    %get3A_4 = vector.load %arg2[%get3A_2, %get3A_3] : memref<128x128xf32, #tpu.memory_space<vmem>>, vector<128x128xf32>
    %dot_general3A = arith.constant dense<0.000000e+00> : vector<1000x128xf32>
    %dot_general3A_5 = tpu.matmul %get3A_1, %get3A_4, %dot_general3A {dimension_numbers = #tpu.dot_dimension_numbers<[1], [0], [0], [1], [0, 0, 1, 1], [], []>, transpose_lhs_hint = false} : vector<1000x128xf32>, vector<128x128xf32>, vector<1000x128xf32> -> vector<1000x128xf32>
    %get3A_6 = arith.constant 0 : index
    %get3A_7 = arith.constant 0 : index
    %get3A_8 = vector.load %arg3[%get3A_6, %get3A_7] : memref<1000x2xf32, #tpu.memory_space<vmem>>, vector<1000x1xf32>
    %get3A_9 = vector.shape_cast %get3A_8 : vector<1000x1xf32> to vector<1000xf32>
    %get3A_10 = arith.constant 0 : index
    %get3A_11 = arith.constant 1 : index
    %get3A_12 = vector.load %arg3[%get3A_10, %get3A_11] : memref<1000x2xf32, #tpu.memory_space<vmem>>, vector<1000x1xf32>
    %get3A_13 = vector.shape_cast %get3A_12 : vector<1000x1xf32> to vector<1000xf32>
    %add3A = arith.addf %get3A_9, %get3A_13 : vector<1000xf32>
    %add3A_14 = arith.constant 1.000000e+00 : f32
    %add3A_15 = vector.broadcast %add3A_14 : f32 to vector<1000xf32>
    %add3A_16 = arith.addf %add3A, %add3A_15 : vector<1000xf32>
    %gt3A = arith.constant 0.000000e+00 : f32
    %gt3A_17 = vector.broadcast %gt3A : f32 to vector<1000xf32>
    %gt3A_18 = arith.cmpf ogt, %add3A_16, %gt3A_17 : vector<1000xf32>
    %max3A = arith.constant 9.99999996E-13 : f32
    %max3A_19 = vector.broadcast %max3A : f32 to vector<1000xf32>
    %max3A_20 = arith.maximumf %add3A_16, %max3A_19 : vector<1000xf32>
    %rsqrt3A = math.rsqrt %max3A_20 : vector<1000xf32>
    %jit3A = arith.constant 0.000000e+00 : f32
    %broadcast_in_dim3A = vector.broadcast %jit3A : f32 to vector<1000xf32>
    %select_n3A = arith.select %gt3A_18, %rsqrt3A, %broadcast_in_dim3A : vector<1000xi1>, vector<1000xf32>
    %broadcast_in_dim3A_21 = vector.shape_cast %select_n3A : vector<1000xf32> to vector<1000x1xf32>
    %mul3A = vector.broadcast %broadcast_in_dim3A_21 : vector<1000x1xf32> to vector<1000x128xf32>
    %mul3A_22 = arith.mulf %dot_general3A_5, %mul3A : vector<1000x128xf32>
    %swap3A = arith.constant 0 : index
    %swap3A_23 = arith.constant 0 : index
    %swap3A_24 = vector.load %arg4[%swap3A, %swap3A_23] : memref<1000x128xf32, #tpu.memory_space<vmem>>, vector<1000x128xf32>
    tpu.vector_store %arg4[%swap3A, %swap3A_23], %mul3A_22 {strides = array<i32>} : memref<1000x128xf32, #tpu.memory_space<vmem>>, vector<1000x128xf32>,
    %swap3A_25 = arith.constant 0 : index
    %swap3A_26 = arith.constant 0 : index
    %swap3A_27 = vector.load %arg5[%swap3A_25, %swap3A_26] : memref<1000x1xf32, #tpu.memory_space<vmem>>, vector<1000x1xf32>
    tpu.vector_store %arg5[%swap3A_25, %swap3A_26], %broadcast_in_dim3A_21 {strides = array<i32>} : memref<1000x1xf32, #tpu.memory_space<vmem>>, vector<1000x1xf32>,
    return
  }
  func.func @transform_0(%arg0: i32) -> (i32, i32) {
    %c0_i32 = arith.constant 0 : i32
    %c0_i32_0 = arith.constant 0 : i32
    return %arg0, %c0_i32 : i32, i32
  }
  func.func @transform_1(%arg0: i32) -> (i32, i32) {
    %c0_i32 = arith.constant 0 : i32
    %c0_i32_0 = arith.constant 0 : i32
    %c0_i32_1 = arith.constant 0 : i32
    return %c0_i32, %c0_i32_0 : i32, i32
  }
  func.func @transform_2(%arg0: i32) -> (i32, i32) {
    %c0_i32 = arith.constant 0 : i32
    %c0_i32_0 = arith.constant 0 : i32
    return %arg0, %c0_i32 : i32, i32
  }
  func.func @transform_3(%arg0: i32) -> (i32, i32) {
    %c0_i32 = arith.constant 0 : i32
    %c0_i32_0 = arith.constant 0 : i32
    return %arg0, %c0_i32 : i32, i32
  }
  func.func @transform_4(%arg0: i32) -> (i32, i32) {
    %c0_i32 = arith.constant 0 : i32
    %c0_i32_0 = arith.constant 0 : i32
    return %arg0, %c0_i32 : i32, i32
  }
}

module attributes {stable_mosaic.version = 14 : i64} {
  func.func @_tc2_body(%arg0: i32, %arg1: memref<2x1000x128xf32, #tpu.memory_space<vmem>>, %arg2: memref<1000x128xf32, #tpu.memory_space<vmem>>, %arg3: memref<1000x1xf32, #tpu.memory_space<vmem>>, %arg4: memref<128x1xf32, #tpu.memory_space<vmem>>, %arg5: memref<1x128xf32, #tpu.memory_space<vmem>>, %arg6: memref<1000x1xf32, #tpu.memory_space<vmem>>) attributes {dimension_semantics = [#tpu.dimension_semantics<arbitrary>], iteration_bounds = array<i64: 10>, scalar_prefetch = 0 : i64, scratch_operands = 0 : i64, tpu.core_type = #tpu.core_type<tc>, window_params = [{transform_indices = @transform_0, window_bounds = array<i64: 2, 1000, 128>}, {transform_indices = @transform_1, window_bounds = array<i64: 1000, 128>}, {transform_indices = @transform_2, window_bounds = array<i64: 1000, 1>}, {pipeline_mode = #tpu.pipeline_mode<synchronous>, transform_indices = @transform_3, window_bounds = array<i64: 128, 1>}, {pipeline_mode = #tpu.pipeline_mode<synchronous>, transform_indices = @transform_4, window_bounds = array<i64: 1, 128>}, {transform_indices = @transform_5, window_bounds = array<i64: 1000, 1>}]} {
    %get3A = arith.constant 0 : index
    %get3A_0 = arith.constant 0 : index
    %get3A_1 = arith.constant 0 : index
    %get3A_2 = vector.load %arg1[%get3A, %get3A_0, %get3A_1] : memref<2x1000x128xf32, #tpu.memory_space<vmem>>, vector<1x1000x128xf32>
    %get3A_3 = vector.shape_cast %get3A_2 : vector<1x1000x128xf32> to vector<1000x128xf32>
    %get3A_4 = arith.constant 1 : index
    %get3A_5 = arith.constant 0 : index
    %get3A_6 = arith.constant 0 : index
    %get3A_7 = vector.load %arg1[%get3A_4, %get3A_5, %get3A_6] : memref<2x1000x128xf32, #tpu.memory_space<vmem>>, vector<1x1000x128xf32>
    %get3A_8 = vector.shape_cast %get3A_7 : vector<1x1000x128xf32> to vector<1000x128xf32>
    %add3A = arith.addf %get3A_3, %get3A_8 : vector<1000x128xf32>
    %get3A_9 = arith.constant 0 : index
    %get3A_10 = arith.constant 0 : index
    %get3A_11 = vector.load %arg2[%get3A_9, %get3A_10] : memref<1000x128xf32, #tpu.memory_space<vmem>>, vector<1000x128xf32>
    %add3A_12 = arith.addf %add3A, %get3A_11 : vector<1000x128xf32>
    %get3A_13 = arith.constant 0 : index
    %get3A_14 = arith.constant 0 : index
    %get3A_15 = vector.load %arg3[%get3A_13, %get3A_14] : memref<1000x1xf32, #tpu.memory_space<vmem>>, vector<1000x1xf32>
    %mul3A = vector.broadcast %get3A_15 : vector<1000x1xf32> to vector<1000x128xf32>
    %mul3A_16 = arith.mulf %mul3A, %add3A_12 : vector<1000x128xf32>
    %get3A_17 = arith.constant 0 : index
    %get3A_18 = arith.constant 0 : index
    %get3A_19 = vector.load %arg5[%get3A_17, %get3A_18] : memref<1x128xf32, #tpu.memory_space<vmem>>, vector<1x128xf32>
    %add3A_20 = vector.broadcast %get3A_19 : vector<1x128xf32> to vector<1000x128xf32>
    %add3A_21 = arith.addf %mul3A_16, %add3A_20 : vector<1000x128xf32>
    %max3A = arith.constant 0.000000e+00 : f32
    %max3A_22 = vector.broadcast %max3A : f32 to vector<1000x128xf32>
    %max3A_23 = arith.maximumf %add3A_21, %max3A_22 : vector<1000x128xf32>
    %get3A_24 = arith.constant 0 : index
    %get3A_25 = arith.constant 0 : index
    %get3A_26 = vector.load %arg4[%get3A_24, %get3A_25] : memref<128x1xf32, #tpu.memory_space<vmem>>, vector<128x1xf32>
    %dot_general3A = arith.constant dense<0.000000e+00> : vector<1000x1xf32>
    %dot_general3A_27 = tpu.matmul %max3A_23, %get3A_26, %dot_general3A {dimension_numbers = #tpu.dot_dimension_numbers<[1], [0], [0], [1], [0, 0, 1, 1], [], []>, transpose_lhs_hint = false} : vector<1000x128xf32>, vector<128x1xf32>, vector<1000x1xf32> -> vector<1000x1xf32>
    %mul3A_28 = arith.mulf %get3A_15, %dot_general3A_27 : vector<1000x1xf32>
    %swap3A = arith.constant 0 : index
    %swap3A_29 = arith.constant 0 : index
    %swap3A_30 = vector.load %arg6[%swap3A, %swap3A_29] : memref<1000x1xf32, #tpu.memory_space<vmem>>, vector<1000x1xf32>
    tpu.vector_store %arg6[%swap3A, %swap3A_29], %mul3A_28 {strides = array<i32>} : memref<1000x1xf32, #tpu.memory_space<vmem>>, vector<1000x1xf32>,
    return
  }
  func.func @transform_0(%arg0: i32) -> (i32, i32, i32) {
    %c0_i32 = arith.constant 0 : i32
    %c0_i32_0 = arith.constant 0 : i32
    %c0_i32_1 = arith.constant 0 : i32
    return %c0_i32, %arg0, %c0_i32_0 : i32, i32, i32
  }
  func.func @transform_1(%arg0: i32) -> (i32, i32) {
    %c0_i32 = arith.constant 0 : i32
    %c0_i32_0 = arith.constant 0 : i32
    return %arg0, %c0_i32 : i32, i32
  }
  func.func @transform_2(%arg0: i32) -> (i32, i32) {
    %c0_i32 = arith.constant 0 : i32
    %c0_i32_0 = arith.constant 0 : i32
    return %arg0, %c0_i32 : i32, i32
  }
  func.func @transform_3(%arg0: i32) -> (i32, i32) {
    %c0_i32 = arith.constant 0 : i32
    %c0_i32_0 = arith.constant 0 : i32
    %c0_i32_1 = arith.constant 0 : i32
    return %c0_i32, %c0_i32_0 : i32, i32
  }
  func.func @transform_4(%arg0: i32) -> (i32, i32) {
    %c0_i32 = arith.constant 0 : i32
    %c0_i32_0 = arith.constant 0 : i32
    %c0_i32_1 = arith.constant 0 : i32
    return %c0_i32, %c0_i32_0 : i32, i32
  }
  func.func @transform_5(%arg0: i32) -> (i32, i32) {
    %c0_i32 = arith.constant 0 : i32
    %c0_i32_0 = arith.constant 0 : i32
    return %arg0, %c0_i32 : i32, i32
  }
}

module attributes {stable_mosaic.version = 14 : i64} {
  func.func @_tc3_body(%arg0: i32, %arg1: memref<1000x2xf32, #tpu.memory_space<vmem>>, %arg2: memref<1000x1xf32, #tpu.memory_space<vmem>>, %arg3: memref<1000x1xf32, #tpu.memory_space<vmem>>, %arg4: memref<1x1xf32, #tpu.memory_space<vmem>>, %arg5: memref<1000x1xf32, #tpu.memory_space<vmem>>) attributes {dimension_semantics = [#tpu.dimension_semantics<arbitrary>], iteration_bounds = array<i64: 10>, scalar_prefetch = 0 : i64, scratch_operands = 0 : i64, tpu.core_type = #tpu.core_type<tc>, window_params = [{transform_indices = @transform_0, window_bounds = array<i64: 1000, 2>}, {transform_indices = @transform_1, window_bounds = array<i64: 1000, 1>}, {transform_indices = @transform_2, window_bounds = array<i64: 1000, 1>}, {pipeline_mode = #tpu.pipeline_mode<synchronous>, transform_indices = @transform_3, window_bounds = array<i64: 1, 1>}, {transform_indices = @transform_4, window_bounds = array<i64: 1000, 1>}]} {
    %get3A = arith.constant 0 : index
    %get3A_0 = arith.constant 0 : index
    %get3A_1 = vector.load %arg1[%get3A, %get3A_0] : memref<1000x2xf32, #tpu.memory_space<vmem>>, vector<1000x1xf32>
    %get3A_2 = vector.shape_cast %get3A_1 : vector<1000x1xf32> to vector<1000xf32>
    %get3A_3 = arith.constant 0 : index
    %get3A_4 = arith.constant 1 : index
    %get3A_5 = vector.load %arg1[%get3A_3, %get3A_4] : memref<1000x2xf32, #tpu.memory_space<vmem>>, vector<1000x1xf32>
    %get3A_6 = vector.shape_cast %get3A_5 : vector<1000x1xf32> to vector<1000xf32>
    %add3A = arith.addf %get3A_2, %get3A_6 : vector<1000xf32>
    %broadcast_in_dim3A = vector.shape_cast %add3A : vector<1000xf32> to vector<1000x1xf32>
    %get3A_7 = arith.constant 0 : index
    %get3A_8 = arith.constant 0 : index
    %get3A_9 = vector.load %arg2[%get3A_7, %get3A_8] : memref<1000x1xf32, #tpu.memory_space<vmem>>, vector<1000x1xf32>
    %add3A_10 = arith.addf %broadcast_in_dim3A, %get3A_9 : vector<1000x1xf32>
    %get3A_11 = arith.constant 0 : index
    %get3A_12 = arith.constant 0 : index
    %get3A_13 = vector.load %arg3[%get3A_11, %get3A_12] : memref<1000x1xf32, #tpu.memory_space<vmem>>, vector<1000x1xf32>
    %mul3A = arith.mulf %get3A_13, %add3A_10 : vector<1000x1xf32>
    %get3A_14 = arith.constant 0 : index
    %get3A_15 = arith.constant 0 : index
    %get3A_16 = vector.load %arg4[%get3A_14, %get3A_15] : memref<1x1xf32, #tpu.memory_space<vmem>>, vector<1x1xf32>
    %get3A_17 = vector.extract %get3A_16[0, 0] : f32 from vector<1x1xf32>
    %add3A_18 = vector.broadcast %get3A_17 : f32 to vector<1000x1xf32>
    %add3A_19 = arith.addf %mul3A, %add3A_18 : vector<1000x1xf32>
    %swap3A = arith.constant 0 : index
    %swap3A_20 = arith.constant 0 : index
    %swap3A_21 = vector.load %arg5[%swap3A, %swap3A_20] : memref<1000x1xf32, #tpu.memory_space<vmem>>, vector<1000x1xf32>
    tpu.vector_store %arg5[%swap3A, %swap3A_20], %add3A_19 {strides = array<i32>} : memref<1000x1xf32, #tpu.memory_space<vmem>>, vector<1000x1xf32>,
    return
  }
  func.func @transform_0(%arg0: i32) -> (i32, i32) {
    %c0_i32 = arith.constant 0 : i32
    %c0_i32_0 = arith.constant 0 : i32
    return %arg0, %c0_i32 : i32, i32
  }
  func.func @transform_1(%arg0: i32) -> (i32, i32) {
    %c0_i32 = arith.constant 0 : i32
    %c0_i32_0 = arith.constant 0 : i32
    return %arg0, %c0_i32 : i32, i32
  }
  func.func @transform_2(%arg0: i32) -> (i32, i32) {
    %c0_i32 = arith.constant 0 : i32
    %c0_i32_0 = arith.constant 0 : i32
    return %arg0, %c0_i32 : i32, i32
  }
  func.func @transform_3(%arg0: i32) -> (i32, i32) {
    %c0_i32 = arith.constant 0 : i32
    %c0_i32_0 = arith.constant 0 : i32
    %c0_i32_1 = arith.constant 0 : i32
    return %c0_i32, %c0_i32_0 : i32, i32
  }
  func.func @transform_4(%arg0: i32) -> (i32, i32) {
    %c0_i32 = arith.constant 0 : i32
    %c0_i32_0 = arith.constant 0 : i32
    return %arg0, %c0_i32 : i32, i32
  }
}

</mosaic_0001>

<sc_bundles>
// kernel: kernel.11.cloned.1.call-start
scs
__scs_entry_jumppad:
0x0: {  	(pc) =	sbr.rel $0x88, $3  }
0x1: {  	(tag) =	ssettag $0x0;
	lr =	simm.s32 $0x1  }
0x2: {  	[smem:$0x3F9A] =	sst lr;
	_ =	strace $0xD0000000  }
0x3: {  	_ = 	snop  }
0x4: {  	_ = 	snop  }
0x5: {  	_ = 	snop  }
0x6: {  	_ = 	snop  }
0x7: {  	_ = 	snop  }
__scs_overlays_trampoline_lowered:
0x8: {  	[smem:$0x3FA9] =	sst s0  }
0x9: {  	[smem:$0x3FAA] =	sst s1  }
0xa: {  	[smem:$0x3FAB] =	sst s2  }
0xb: {  	[smem:$0x3FAC] =	sst s3  }
0xc: {  	[smem:$0x3FAD] =	sst s4  }
0xd: {  	[smem:$0x3FAE] =	sst s5  }
0xe: {  	[smem:$0x3FAF] =	sst s6  }
0xf: {  	[smem:$0x3FB0] =	sst s7  }
0x10: {  	[smem:$0x3FB1] =	sst s8  }
0x11: {  	[smem:$0x3FB2] =	sst s9;
	s0 =	simm.s32 @!p0 $0x0  }
0x12: {  	s1 =	sld [smem:$0x3F98];
	s0 =	simm.s32 @p0 $0x1  }
0x13: {  	[smem:$0x3FB3] =	sst s0;
	s0 =	simm.s32 @!p1 $0x0  }
0x14: {  	s2 =	sld [smem:$0x3F97];
	s0 =	simm.s32 @p1 $0x1  }
0x15: {  	[smem:$0x3FB4] =	sst s0;
	s0 =	simm.s32 @!p2 $0x0  }
0x16: {  	s3 =	sld [smem:$0x3FDB];
	s0 =	simm.s32 @p2 $0x1  }
0x17: {  	s4 =	simm.s32 $0x1BF5;
	[smem:$0x3FB6] =	sst s0  }
0x18: {  	s0 =	sld [smem:$0x3F99];
	_ =	swait.ge [sflag:s4], $0x0  }
0x19: {  	s7 =	sld [smem:$0x3F9A]  }
0x1a: {  	s8 =	sadd.s32 $0xFFFFE003, lr  }
0x1b: {  	s9 =	sadd.s32 $0xFFFFFEF7, lr;
	s5 =	simm.s32 $0xFFFFFFFF;
	p2 =	slt.u32 s8, $0xFFFFF086  }
0x1c: {  	p1 =	slt.u32 s9, $0xF7A;
	s5 =	simm.s32 @!p2 $0x0  }
0x1d: {  	s5 =	simm.s32 @p1 $0x1;
	p0 =	seq.s32 s7, s2  }
0x1e: {  	s7 =	smul.u32 @!p0 $0xF7A, s2;
	p2 =	seq.s32 @!p0 s5, $0x0  }
0x1f: {  	s9 =	smul.u32 $0xF7A, s1;
	s8 =	simm.s32 @!p0 $0x1BF5;
	p2 =	por !p2, p0  }
0x20: {  	[sflag:s8] =	ssyncset.s32 @!p0 $0xFFFFF086;
	s6 =	sadd.s32 @!p0 s3, s7;
	s7 =	simm.s32 @!p0 $0x108  }
0x21: {  	s3 =	sadd.s32 s3, s9;
	s6 =	sadd.s32 @!p0 $0x88, s6;
	s7 =	simm.s32 @p2 $0x1082  }
0x22: {  	[simem:s7], [sflag:s8] =	dma.local @!p0 [hbm:s6], $0xF7A  }
0x23: {  	s9 =	sor.u32 $0xD0000000, s2;
	s6 =	simm.s32 $0x108;
	_ =	swait.ge @!p0 [sflag:s8], $0x0  }
0x24: {  	s3 =	sadd.s32 $0x88, s3;
	s6 =	simm.s32 @!p1 $0x1082;
	[sflag:s4] =	ssyncset.s32 $0xFFFFF086  }
0x25: {  	[simem:s6], [sflag:s4] =	dma.local [hbm:s3], $0xF7A  }
0x26: {  	[smem:$0x3F9A] =	sst s1;
	(tag) =	ssettag s2;
	_ =	strace s9  }
0x27: {  	s1 =	sld [smem:$0x3FAA]  }
0x28: {  	s2 =	sld [smem:$0x3FAB]  }
0x29: {  	s4 =	sld [smem:$0x3FAD]  }
0x2a: {  	p0 =	seq.s32 s5, $0x0;
	s5 =	sld [smem:$0x3FAE]  }
0x2b: {  	s6 =	sld [smem:$0x3FAF]  }
0x2c: {  	s7 =	sld [smem:$0x3FB0]  }
0x2d: {  	s3 =	simm.s32 $0x108;
	s8 =	sld [smem:$0x3FB1]  }
0x2e: {  	s3 =	simm.s32 @!p0 $0x1082;
	s9 =	sld [smem:$0x3FB2]  }
0x2f: {  	lr =	sadd.s32 s0, s3;
	s0 =	sld [smem:$0x3FA9]  }
0x30: {  	s3 =	sld [smem:$0x3FAC]  }
0x31: {  	[smem:$0x3FB5] =	sst s10  }
0x32: {  	s10 =	sld [smem:$0x3FB3];
	_ =	sdelay $0x3  }
0x33: {  	p0 =	seq.s32 s10, $0x1;
	s10 =	sld [smem:$0x3FB5];
	_ =	sdelay $0x3  }
0x34: {  	[smem:$0x3FB5] =	sst s10  }
0x35: {  	s10 =	sld [smem:$0x3FB4];
	_ =	sdelay $0x3  }
0x36: {  	p1 =	seq.s32 s10, $0x1;
	s10 =	sld [smem:$0x3FB5];
	_ =	sdelay $0x3  }
0x37: {  	[smem:$0x3FB5] =	sst s10  }
0x38: {  	s10 =	sld [smem:$0x3FB6]  }
0x39: {  	_ = 	snop;
	(pc) =	sbr.ind lr, $3  }
0x3a: {  	_ = 	snop  }
0x3b: {  	_ = 	snop  }
0x3c: {  	p2 =	seq.s32 s10, $0x1;
	s10 =	sld [smem:$0x3FB5]  }
0x3d: {  	_ =	shalt  }
0x3e: {  	_ =	shalt  }
0x3f: {  	_ =	shalt  }
0x40: {  	_ =	shalt  }
0x41: {  	_ =	shalt  }
0x42: {  	_ =	shalt  }
0x43: {  	_ =	shalt  }
0x44: {  	_ =	shalt  }
0x45: {  	_ =	shalt  }
0x46: {  	_ =	shalt  }
0x47: {  	_ =	shalt  }
0x48: {  	_ =	shalt  }
0x49: {  	_ =	shalt  }
0x4a: {  	_ =	shalt  }
0x4b: {  	_ =	shalt  }
0x4c: {  	_ =	shalt  }
0x4d: {  	_ =	shalt  }
0x4e: {  	_ =	shalt  }
0x4f: {  	_ =	shalt  }
0x50: {  	_ =	shalt  }
0x51: {  	_ =	shalt  }
0x52: {  	_ =	shalt  }
0x53: {  	_ =	shalt  }
0x54: {  	_ =	shalt  }
0x55: {  	_ =	shalt  }
0x56: {  	_ =	shalt  }
0x57: {  	_ =	shalt  }
0x58: {  	_ =	shalt  }
0x59: {  	_ =	shalt  }
0x5a: {  	_ =	shalt  }
0x5b: {  	_ =	shalt  }
0x5c: {  	_ =	shalt  }
0x5d: {  	_ =	shalt  }
0x5e: {  	_ =	shalt  }
0x5f: {  	_ =	shalt  }
0x60: {  	_ =	shalt  }
0x61: {  	_ =	shalt  }
0x62: {  	_ =	shalt  }
0x63: {  	_ =	shalt  }
0x64: {  	_ =	shalt  }
0x65: {  	_ =	shalt  }
0x66: {  	_ =	shalt  }
0x67: {  	_ =	shalt  }
0x68: {  	_ =	shalt  }
0x69: {  	_ =	shalt  }
0x6a: {  	_ =	shalt  }
0x6b: {  	_ =	shalt  }
0x6c: {  	_ =	shalt  }
0x6d: {  	_ =	shalt  }
0x6e: {  	_ =	shalt  }
0x6f: {  	_ =	shalt  }
0x70: {  	_ =	shalt  }
0x71: {  	_ =	shalt  }
0x72: {  	_ =	shalt  }
0x73: {  	_ =	shalt  }
0x74: {  	_ =	shalt  }
0x75: {  	_ =	shalt  }
0x76: {  	_ =	shalt  }
0x77: {  	_ =	shalt  }
0x78: {  	_ =	shalt  }
0x79: {  	_ =	shalt  }
0x7a: {  	_ =	shalt  }
0x7b: {  	_ =	shalt  }
0x7c: {  	_ =	shalt  }
0x7d: {  	_ =	shalt  }
0x7e: {  	_ =	shalt  }
0x7f: {  	_ =	shalt  }
0x80: {  	_ =	shalt  }
0x81: {  	_ =	shalt  }
0x82: {  	_ =	shalt  }
0x83: {  	_ =	shalt  }
0x84: {  	_ =	shalt  }
0x85: {  	_ =	shalt  }
0x86: {  	_ =	shalt  }
0x87: {  	_ =	shalt  }
.Lfunc_end0:
.L_simem_size_0:
called_computation.1_lowered:
.L_overlay_start_0:
0x88: {  	s2 =	sld [smem:$0x3FD9]  }
0x89: {  	s3 =	sld [smem:$0x3FFE];
	_ =	sdelay $0x1  }
0x8a: {  	s1 =	srdreg.scid  }
0x8b: {  	s0 =	sand.u32 $0x1, s1  }
0x8c: {  	s16 =	sshll.u32 s0, $0xA;
	s2 =	sadd.s32 s3, s2  }
0x8d: {  	s2 =	sadd.s32 s2, s16  }
0x8e: {  	[smem:$0x3FC1] =	sst s2  }
0x8f: {  	_ = 	snop  }
0x90: {  	(tm) =	ssettm $0x1  }
0x91: {  	s17 =	sld [smem:$0x3FFB];
	_ =	sdelay $0x3  }
0x92: {  	_ =	strace s17  }
0x93: {  	s2 =	sld [smem:$0x3FFC];
	_ =	sdelay $0x3  }
0x94: {  	_ =	strace s2  }
0x95: {  	s2 =	sld [smem:$0x3FFD];
	_ =	sdelay $0x3  }
0x96: {  	_ =	strace s2  }
0x97: {  	_ =	strace $0x8FFFFFFF  }
0x98: {  	s18 =	sld [smem:$0x3FDB];
	_ =	sdelay $0x1  }
0x99: {  	s19 =	simm.s32 $_scs_section_size  }
0x9a: {  	s4 =	simm.s32 $_size__tile_overlayer_lowered;
	s5 =	simm.s32 $_tile_overlayer_lowered  }
0x9b: {  	s22 =	simm.s32 $0x1BFF;
	s21 =	sshll.u32 s5, $0x1;
	s2 =	sadd.s32 s19, s18  }
0x9c: {  	s6 =	simm.s32 $0x0;
	s20 =	sshll.u32 s4, $0x1;
	s4 =	sadd.s32 s21, s2  }
0x9d: {  	[timem:s6], [sflag:s22] =	dma.local [hbm:s4], s20  }
0x9e: {  	_ =	swait.ge [sflag:s22], s20  }
0x9f: {  	s3 =	ssub.s32 $0x0, s20;
	[sflag:s22] =	ssyncset.done $0x0  }
0xa0: {  	[sflag:s22] =	ssyncadd.s32 s3;
	_ =	sdelay $0x1  }
0xa1: {  	s23 =	simm.s32 $0x1B8B  }
0xa2: {  	_ =	swait.ge [sflag:s23], $0x1  }
0xa3: {  	[sflag:s23] =	ssyncset.done $0x0  }
0xa4: {  	s25 =	simm.s32 $0x1B8E;
	s24 =	sld [smem:$0x3FFE];
	[sflag:s23] =	ssyncadd.s32 $0xFFFFFFFF  }
0xa5: {  	s26 =	simm.s32 $execute0_lowered;
	[smem:$0x3FD2] =	sst s25  }
0xa6: {  	s4 =	sshll.u32 s26, $0x1;
	_ =	strace $0x80000049;
	[dreg:$0x1] =	wrdreg $0xFFFFFFFF  }
0xa7: {  	s28 =	simm.s32 $_size_execute0_lowered;
	s2 =	sadd.s32 s2, s4;
	[dreg:$0x0] =	wrdreg $0x0  }
0xa8: {  	s4 =	sshll.u32 s28, $0x1;
	[dreg:$0x2] =	wrdreg s2  }
0xa9: {  	[dreg:$0x3] =	wrdreg s4  }
0xaa: {  	[dreg:$0x4] =	wrdreg $0xC0  }
0xab: {  	_ =	task [dreg:s6], $0x5FFFF  }
0xac: {  	[dreg:$0x1] =	wrdreg $0xFFFFFFFF  }
0xad: {  	[dreg:$0x0] =	wrdreg $0x60  }
0xae: {  	[dreg:$0x2] =	wrdreg s24  }
0xaf: {  	[dreg:$0x3] =	wrdreg $0x61800  }
0xb0: {  	[dreg:$0x4] =	wrdreg $0x9  }
0xb1: {  	_ =	task.clear_ibuf [dreg:s6], $0x5FFFF;
	_ =	strace $0x90000049  }
0xb2: {  	s29 =	simm.s32 $0x9;
	_ =	strace $0x8000004B  }
0xb3: {  	_ =	swait.ge [sflag:s29], $0x1  }
0xb4: {  	[sflag:s29] =	ssyncadd.s32 $0xFFFFFFFF  }
0xb5: {  	_ =	strace $0x9000004B  }
0xb6: {  	_ =	sfence  }
0xb7: {  	s30 =	sld [smem:$0x0];
	_ =	sdelay $0x2  }
0xb8: {  	s31 =	sshll.u32 s1, $0xD;
	s1 =	sshrl.u32 s1, $0x2  }
0xb9: {  	s3 =	sand.u32 $0x4000, s31;
	s1 =	sadd.s32 s1, s30  }
0xba: {  	s0 =	sor.u32 s3, s0;
	s1 =	sshll.u32 s1, $0x11  }
0xbb: {  	s0 =	sor.u32 s1, s0  }
0xbc: {  	s0 =	sadd.s32 $0x8F2B, s0  }
0xbd: {  	[sflag:s0] =	ssyncadd.remote.s32 $0x1  }
0xbe: {  	_ =	sfence.sel $0xFFFF  }
0xbf: {  	[dreg:$0x0] =	wrdreg $0xFFFFFFFF;
	(pc) =	sbr.abs _section_cstart, $3  }
0xc0: {  	[dreg:$0x1] =	wrdreg $0xFFFFFFFF  }
0xc1: {  	_ =	task.clear_ibuf [dreg:s6], $0x2FFFF;
	_ =	strace $0x9FFFFFFF  }
0xc2: {  	(tm) =	ssettm $0x7FFFFFFF  }
0xc3: {  	_ =	shalt  }
tec
execute0_lowered:
.L_overlay_start_1:
0x0: {  	(tag) =	ssettag $0x1  }
0x1: {  	s8 =	rddreg [dreg:$0x0]  }
0x2: {  	s1 =	rddreg [dreg:$0x1]  }
0x3: {  	s2 =	srdreg.scid;
	s0 =	rddreg [dreg:$0x2]  }
0x4: {  	s3 =	simm.s32 $0x0;
	s20 =	simm.s32 $0x4180;
	s21 =	simm.s32 $0x2  }
0x5: {  	s22 =	simm.s32 $0x80;
	s23 =	simm.s32 $0x100;
	s24 =	simm.s32 $0x180  }
0x6: {  	s25 =	simm.s32 $0x1;
	s9 =	sand.u32 $0x1, s2;
	s2 =	stileid.u32  }
0x7: {  	[smem:$0x7FF] =	sst s3;
	s4 =	sadd.s32 $0x1FE00, s8;
	s7 =	smul.u32 $0x13C000, s9  }
0x8: {  	s5 =	sadd.s32 $0x16000, s8;
	s6 =	sadd.s32 $0x1A00, s8;
	s10 =	smul.u32 $0x13C00, s2  }
0x9: {  	s11 =	smul.u32 $0x4F000, s2;
	s12 =	ssub.s32 $0x2, s9;
	s9 =	sshll.u32 s9, $0x4  }
0xa: {  	_ =	strace $0x8000004A;
	s30 =	sshrl.u32 s12, $0x1;
	s17 =	sor.u32 s2, s9  }
0xb: {  	s10 =	sadd.s32 s10, s7;
	s7 =	sadd.s32 $0xB800, s8;
	s31 =	sshrl.u32 s11, $0x2  }
0xc: {  	s19 =	ssub.s32 s12, s30;
	s17 =	smul.u32 $0x4F, s17;
	s10 =	sshrl.u32 s10, $0x3  }
0xd: {  	s19 =	smax.u32 s19, $0x1;
	s18 =	sadd.s32 s10, s8;
	s8 =	sadd.s32 s31, s1  }
0xe: {  	s9 =	sadd.s32 $0x2000, s8;
	s10 =	sadd.s32 $0x4000, s8;
	s11 =	sadd.s32 $0x6000, s8  }
0xf: {  	s12 =	sadd.s32 $0x8000, s8;
	s13 =	sadd.s32 $0xA000, s8;
	s14 =	sadd.s32 $0xC000, s8  }
0x10: {  	v0 =	vimm.f32 $0.0e+00;
	s15 =	sadd.s32 $0xE000, s8;
	s16 =	sadd.s32 $0x10000, s8;
	s18 =	sadd.s32 $0x47000, s18  }
.LBB2_1:
0x11: {  	s26 =	simm.s32 $0x0;
	s28 =	simm.s32 $0x200  }
.LBB2_2:
0x12: {  	p0 =	sne.s32 s28, $0x7E00;
	[tilespmem:s26+$0x41F0] =	vst v0  }
0x13: {  	[tilespmem:s26+$0x4180] =	vst v0  }
0x14: {  	[tilespmem:s26+$0x4190] =	vst v0  }
.Ltmp0:
0x15: {  	[tilespmem:s26+$0x41A0] =	vst v0;
	(pc) =	sbr.rel @p0 .LBB2_2-.Ltmp0, $4  }
0x16: {  	[tilespmem:s26+$0x41B0] =	vst v0  }
0x17: {  	[tilespmem:s26+$0x41C0] =	vst v0  }
0x18: {  	[tilespmem:s26+$0x41D0] =	vst v0  }
0x19: {  	[tilespmem:s26+$0x41E0] =	vst v0;
	s26 =	sshra.s32 s28, $0x2;
	s28 =	sadd.s32 $0x200, s28  }
0x1a: {  	[tilespmem:s26+$0x41F0] =	vst v0  }
0x1b: {  	[tilespmem:s26+$0x4180] =	vst v0  }
0x1c: {  	[tilespmem:s26+$0x4190] =	vst v0  }
0x1d: {  	[tilespmem:s26+$0x41A0] =	vst v0  }
0x1e: {  	[tilespmem:s26+$0x41B0] =	vst v0  }
0x1f: {  	[tilespmem:s26+$0x41C0] =	vst v0  }
0x20: {  	[tilespmem:s26+$0x41D0] =	vst v0  }
0x21: {  	[tilespmem:s26+$0x41E0] =	vst v0  }
0x22: {  	[spmem:s8] =	stream.linear.scatter [tilespmem:s20], [sflag:$0x2], $0x2000, $0x38;
	[tilespmem:$0x19D80] =	vst v63  }
0x23: {  	_ =	swait.ge [sflag:s21], $0x2000  }
0x24: {  	[sflag:s21] =	ssyncset.done $0x0  }
0x25: {  	[sflag:s21] =	ssyncadd.s32 $0xFFFFE000  }
0x26: {  	[spmem:s9] =	stream.linear.scatter [tilespmem:s20], [sflag:$0x2], $0x2000, $0x38;
	[tilespmem:$0x19D80] =	vst v63  }
0x27: {  	_ =	swait.ge [sflag:s21], $0x2000  }
0x28: {  	[sflag:s21] =	ssyncset.done $0x0  }
0x29: {  	[sflag:s21] =	ssyncadd.s32 $0xFFFFE000  }
0x2a: {  	[spmem:s10] =	stream.linear.scatter [tilespmem:s20], [sflag:$0x2], $0x2000, $0x38;
	[tilespmem:$0x19D80] =	vst v63  }
0x2b: {  	_ =	swait.ge [sflag:s21], $0x2000  }
0x2c: {  	[sflag:s21] =	ssyncset.done $0x0  }
0x2d: {  	[sflag:s21] =	ssyncadd.s32 $0xFFFFE000  }
0x2e: {  	[spmem:s11] =	stream.linear.scatter [tilespmem:s20], [sflag:$0x2], $0x2000, $0x38;
	[tilespmem:$0x19D80] =	vst v63  }
0x2f: {  	_ =	swait.ge [sflag:s21], $0x2000  }
0x30: {  	[sflag:s21] =	ssyncset.done $0x0  }
0x31: {  	[sflag:s21] =	ssyncadd.s32 $0xFFFFE000  }
0x32: {  	[spmem:s12] =	stream.linear.scatter [tilespmem:s20], [sflag:$0x2], $0x2000, $0x38;
	[tilespmem:$0x19D80] =	vst v63  }
0x33: {  	_ =	swait.ge [sflag:s21], $0x2000  }
0x34: {  	[sflag:s21] =	ssyncset.done $0x0  }
0x35: {  	[sflag:s21] =	ssyncadd.s32 $0xFFFFE000  }
0x36: {  	[spmem:s13] =	stream.linear.scatter [tilespmem:s20], [sflag:$0x2], $0x2000, $0x38;
	[tilespmem:$0x19D80] =	vst v63  }
0x37: {  	_ =	swait.ge [sflag:s21], $0x2000  }
0x38: {  	[sflag:s21] =	ssyncset.done $0x0  }
0x39: {  	[sflag:s21] =	ssyncadd.s32 $0xFFFFE000  }
0x3a: {  	[spmem:s14] =	stream.linear.scatter [tilespmem:s20], [sflag:$0x2], $0x2000, $0x38;
	[tilespmem:$0x19D80] =	vst v63  }
0x3b: {  	_ =	swait.ge [sflag:s21], $0x2000  }
0x3c: {  	[sflag:s21] =	ssyncset.done $0x0  }
0x3d: {  	[sflag:s21] =	ssyncadd.s32 $0xFFFFE000  }
0x3e: {  	[spmem:s15] =	stream.linear.scatter [tilespmem:s20], [sflag:$0x2], $0x2000, $0x38;
	[tilespmem:$0x19D80] =	vst v63  }
0x3f: {  	_ =	swait.ge [sflag:s21], $0x2000  }
0x40: {  	[sflag:s21] =	ssyncset.done $0x0  }
0x41: {  	[sflag:s21] =	ssyncadd.s32 $0xFFFFE000  }
0x42: {  	[spmem:s16] =	stream.linear.scatter [tilespmem:s20], [sflag:$0x2], $0x2000, $0x38;
	[tilespmem:$0x19D80] =	vst v63  }
0x43: {  	_ =	swait.ge [sflag:s21], $0x2000  }
0x44: {  	[sflag:s21] =	ssyncset.done $0x0  }
0x45: {  	[sflag:s21] =	ssyncadd.s32 $0xFFFFE000  }
0x46: {  	s26 =	simm.s32 $0x0;
	s28 =	simm.s32 $0x0;
	[bflag:$0x0] =	sbarrier.arrive $0xFFFF  }
.LBB2_4:
0x47: {  	s29 =	sadd.s32 s17, s28  }
0x48: {  	s29 =	sshll.u32 s29, $0x4  }
0x49: {  	s30 =	sadd.s32 s5, s29  }
0x4a: {  	[tilespmem:s26], [sflag:$0x2] =	stream.linear.gather [hbm4b:s30+s26], $0x80, $0x38;
	[tilespmem:$0x19D80] =	vst v63  }
0x4b: {  	_ =	swait.ge [sflag:s21], $0x80  }
0x4c: {  	[sflag:s21] =	ssyncset.done $0x0  }
0x4d: {  	s30 =	sadd.s32 s6, s29;
	[sflag:s21] =	ssyncadd.s32 $0xFFFFFF80  }
0x4e: {  	[tilespmem:s22], [sflag:$0x2] =	stream.linear.gather [hbm4b:s30+s26], $0x80, $0x38;
	[tilespmem:$0x19D80] =	vst v63  }
0x4f: {  	_ =	swait.ge [sflag:s21], $0x80  }
0x50: {  	[sflag:s21] =	ssyncset.done $0x0  }
0x51: {  	s29 =	sadd.s32 s7, s29;
	[sflag:s21] =	ssyncadd.s32 $0xFFFFFF80  }
0x52: {  	[tilespmem:s23], [sflag:$0x2] =	stream.linear.gather [hbm4b:s29+s26], $0x80, $0x38;
	[tilespmem:$0x19D80] =	vst v63  }
0x53: {  	_ =	swait.ge [sflag:s21], $0x80  }
0x54: {  	[sflag:s21] =	ssyncset.done $0x0  }
0x55: {  	[sflag:s21] =	ssyncadd.s32 $0xFFFFFF80  }
0x56: {  	[tilespmem:s24], [sflag:$0x1] =	stream.indirect.gather [hbm4b:s4+s22], $0x80, s26, s22, $0xb8;
	[tilespmem:$0x19D80] =	vst v63  }
0x57: {  	_ =	swait.ge [sflag:s25], $0x4000  }
0x58: {  	s29 =	simm.s32 $0x0;
	[sflag:s25] =	ssyncset.done $0x0  }
0x59: {  	s29 =	sand.u32 $0x3FFFFFF0, s29;
	[sflag:s25] =	ssyncadd.s32 $0xFFFFC000  }
0x5a: {  	s30 =	simm.s32 $0x0;
	v1 =	vld [tilespmem:s29+$0x100]  }
0x5b: {  	s29 =	sand.u32 $0x3FFFF800, s30  }
0x5c: {  	v3 =	vld [tilespmem:s29+$0x1A0]  }
0x5d: {  	v4 =	vld [tilespmem:s29+$0x1B0]  }
0x5e: {  	v10 =	vld [tilespmem:s29+$0x1E0]  }
0x5f: {  	v11 =	vld [tilespmem:s29+$0x1F0];
	v2 =	vbroadcast v1, $0x0  }
0x60: {  	v12 =	vld [tilespmem:s29+$0x200]  }
0x61: {  	v13 =	vld [tilespmem:s29+$0x210];
	v3 =	vmul.f32 v3, v2  }
0x62: {  	v14 =	vld [tilespmem:s29+$0x220];
	v4 =	vmul.f32 v4, v2  }
0x63: {  	v9 =	vld [tilespmem:s29+$0x230];
	v23 =	vbroadcast v1, $0x1;
	v22 =	vmul.f32 v10, v2;
	[tilespmem:s29+$0x1A0] =	vst v3  }
0x64: {  	v7 =	vld [tilespmem:s29+$0x240];
	v11 =	vmul.f32 v11, v2;
	[tilespmem:s29+$0x1B0] =	vst v4  }
0x65: {  	v8 =	vld [tilespmem:s29+$0x250];
	v12 =	vmul.f32 v12, v23;
	[tilespmem:s29+$0x1E0] =	vst v22  }
0x66: {  	v25 =	vld [tilespmem:s29+$0x270];
	v13 =	vmul.f32 v13, v23;
	[tilespmem:s29+$0x1F0] =	vst v11  }
0x67: {  	v26 =	vld [tilespmem:s29+$0x280];
	v14 =	vmul.f32 v14, v23;
	[tilespmem:s29+$0x200] =	vst v12  }
0x68: {  	v27 =	vld [tilespmem:s29+$0x290];
	v9 =	vmul.f32 v9, v23;
	[tilespmem:s29+$0x210] =	vst v13  }
0x69: {  	v6 =	vld [tilespmem:s29+$0x6F0];
	v7 =	vmul.f32 v7, v23;
	[tilespmem:s29+$0x220] =	vst v14  }
0x6a: {  	v24 =	vld [tilespmem:s29+$0x260];
	v15 =	vbroadcast v1, $0x2;
	v8 =	vmul.f32 v8, v23;
	[tilespmem:s29+$0x230] =	vst v9  }
0x6b: {  	v28 =	vld [tilespmem:s29+$0x2A0];
	v10 =	vmul.f32 v25, v23;
	[tilespmem:s29+$0x240] =	vst v7  }
0x6c: {  	v29 =	vld [tilespmem:s29+$0x2B0];
	v5 =	vbroadcast v1, $0xA;
	v32 =	vmul.f32 v26, v15;
	[tilespmem:s29+$0x250] =	vst v8  }
0x6d: {  	v30 =	vld [tilespmem:s29+$0x2C0];
	v34 =	vmul.f32 v27, v15;
	[tilespmem:s29+$0x270] =	vst v10  }
0x6e: {  	v33 =	vld [tilespmem:s29+$0x2E0];
	v3 =	vmul.f32 v6, v5;
	[tilespmem:s29+$0x280] =	vst v32  }
0x6f: {  	v35 =	vld [tilespmem:s29+$0x2F0];
	v11 =	vmul.f32 v24, v23;
	[tilespmem:s29+$0x290] =	vst v34  }
0x70: {  	v36 =	vld [tilespmem:s29+$0x300];
	v9 =	vmul.f32 v28, v15;
	[tilespmem:s29+$0x6F0] =	vst v3  }
0x71: {  	v31 =	vld [tilespmem:s29+$0x2D0];
	v7 =	vmul.f32 v29, v15;
	[tilespmem:s29+$0x260] =	vst v11  }
0x72: {  	v37 =	vld [tilespmem:s29+$0x310];
	v8 =	vmul.f32 v30, v15;
	[tilespmem:s29+$0x2A0] =	vst v9  }
0x73: {  	v38 =	vld [tilespmem:s29+$0x320];
	v41 =	vbroadcast v1, $0x3;
	v10 =	vmul.f32 v33, v15;
	[tilespmem:s29+$0x2B0] =	vst v7  }
0x74: {  	v39 =	vld [tilespmem:s29+$0x330];
	v12 =	vmul.f32 v35, v15;
	[tilespmem:s29+$0x2C0] =	vst v8  }
0x75: {  	v42 =	vld [tilespmem:s29+$0x350];
	v13 =	vmul.f32 v36, v41;
	[tilespmem:s29+$0x2E0] =	vst v10  }
0x76: {  	v43 =	vld [tilespmem:s29+$0x360];
	v11 =	vmul.f32 v31, v15;
	[tilespmem:s29+$0x2F0] =	vst v12  }
0x77: {  	v44 =	vld [tilespmem:s29+$0x370];
	v9 =	vmul.f32 v37, v41;
	[tilespmem:s29+$0x300] =	vst v13  }
0x78: {  	v40 =	vld [tilespmem:s29+$0x340];
	v7 =	vmul.f32 v38, v41;
	[tilespmem:s29+$0x2D0] =	vst v11  }
0x79: {  	v45 =	vld [tilespmem:s29+$0x380];
	v8 =	vmul.f32 v39, v41;
	[tilespmem:s29+$0x310] =	vst v9  }
0x7a: {  	v46 =	vld [tilespmem:s29+$0x390];
	v10 =	vmul.f32 v42, v41;
	[tilespmem:s29+$0x320] =	vst v7  }
0x7b: {  	v47 =	vld [tilespmem:s29+$0x3A0];
	v12 =	vmul.f32 v43, v41;
	[tilespmem:s29+$0x330] =	vst v8  }
0x7c: {  	v49 =	vld [tilespmem:s29+$0x3C0];
	v50 =	vbroadcast v1, $0x4;
	v13 =	vmul.f32 v44, v41;
	[tilespmem:s29+$0x350] =	vst v10  }
0x7d: {  	v51 =	vld [tilespmem:s29+$0x3D0];
	v11 =	vmul.f32 v40, v41;
	[tilespmem:s29+$0x360] =	vst v12  }
0x7e: {  	v52 =	vld [tilespmem:s29+$0x3E0];
	v9 =	vmul.f32 v45, v50;
	[tilespmem:s29+$0x370] =	vst v13  }
0x7f: {  	v48 =	vld [tilespmem:s29+$0x3B0];
	v7 =	vmul.f32 v46, v50;
	[tilespmem:s29+$0x340] =	vst v11  }
0x80: {  	v53 =	vld [tilespmem:s29+$0x3F0];
	v8 =	vmul.f32 v47, v50;
	[tilespmem:s29+$0x380] =	vst v9  }
0x81: {  	v54 =	vld [tilespmem:s29+$0x400];
	v10 =	vmul.f32 v49, v50;
	[tilespmem:s29+$0x390] =	vst v7  }
0x82: {  	v55 =	vld [tilespmem:s29+$0x410];
	v12 =	vmul.f32 v51, v50;
	[tilespmem:s29+$0x3A0] =	vst v8  }
0x83: {  	v57 =	vld [tilespmem:s29+$0x430];
	v13 =	vmul.f32 v52, v50;
	[tilespmem:s29+$0x3C0] =	vst v10  }
0x84: {  	v58 =	vld [tilespmem:s29+$0x440];
	v59 =	vbroadcast v1, $0x5;
	v11 =	vmul.f32 v48, v50;
	[tilespmem:s29+$0x3D0] =	vst v12  }
0x85: {  	v60 =	vld [tilespmem:s29+$0x450];
	v9 =	vmul.f32 v53, v50;
	[tilespmem:s29+$0x3E0] =	vst v13  }
0x86: {  	v56 =	vld [tilespmem:s29+$0x420];
	v7 =	vmul.f32 v54, v59;
	[tilespmem:s29+$0x3B0] =	vst v11  }
0x87: {  	v61 =	vld [tilespmem:s29+$0x460];
	v8 =	vmul.f32 v55, v59;
	[tilespmem:s29+$0x3F0] =	vst v9  }
0x88: {  	v62 =	vld [tilespmem:s29+$0x470];
	v10 =	vmul.f32 v57, v59;
	[tilespmem:s29+$0x400] =	vst v7  }
0x89: {  	v63 =	vld [tilespmem:s29+$0x480];
	v12 =	vmul.f32 v58, v59;
	[tilespmem:s29+$0x410] =	vst v8  }
0x8a: {  	v19 =	vld [tilespmem:s29+$0x4A0];
	v13 =	vmul.f32 v60, v59;
	[tilespmem:s29+$0x430] =	vst v10  }
0x8b: {  	v20 =	vld [tilespmem:s29+$0x4B0];
	v11 =	vmul.f32 v56, v59;
	[tilespmem:s29+$0x440] =	vst v12  }
0x8c: {  	v21 =	vld [tilespmem:s29+$0x4C0];
	v22 =	vbroadcast v1, $0x6;
	v9 =	vmul.f32 v61, v59;
	[tilespmem:s29+$0x450] =	vst v13  }
0x8d: {  	v18 =	vld [tilespmem:s29+$0x490];
	v7 =	vmul.f32 v62, v59;
	[tilespmem:s29+$0x420] =	vst v11  }
0x8e: {  	v23 =	vld [tilespmem:s29+$0x4D0];
	v8 =	vmul.f32 v63, v22;
	[tilespmem:s29+$0x460] =	vst v9  }
0x8f: {  	v24 =	vld [tilespmem:s29+$0x4E0];
	v10 =	vmul.f32 v19, v22;
	[tilespmem:s29+$0x470] =	vst v7  }
0x90: {  	v25 =	vld [tilespmem:s29+$0x4F0];
	v12 =	vmul.f32 v20, v22;
	[tilespmem:s29+$0x480] =	vst v8  }
0x91: {  	v27 =	vld [tilespmem:s29+$0x510];
	v13 =	vmul.f32 v21, v22;
	[tilespmem:s29+$0x4A0] =	vst v10  }
0x92: {  	v28 =	vld [tilespmem:s29+$0x520];
	v11 =	vmul.f32 v18, v22;
	[tilespmem:s29+$0x4B0] =	vst v12  }
0x93: {  	v29 =	vld [tilespmem:s29+$0x530];
	v9 =	vmul.f32 v23, v22;
	[tilespmem:s29+$0x4C0] =	vst v13  }
0x94: {  	v31 =	vbroadcast v1, $0x7;
	v53 =	vld [tilespmem:s29+$0x680];
	v7 =	vmul.f32 v24, v22;
	[tilespmem:s29+$0x490] =	vst v11  }
0x95: {  	v57 =	vld [tilespmem:s29+$0x6C0];
	v8 =	vmul.f32 v25, v22;
	[tilespmem:s29+$0x4D0] =	vst v9  }
0x96: {  	v58 =	vld [tilespmem:s29+$0x6D0];
	v10 =	vmul.f32 v27, v31;
	[tilespmem:s29+$0x4E0] =	vst v7  }
0x97: {  	v26 =	vld [tilespmem:s29+$0x500];
	v12 =	vmul.f32 v28, v31;
	[tilespmem:s29+$0x4F0] =	vst v8  }
0x98: {  	v30 =	vld [tilespmem:s29+$0x540];
	v13 =	vmul.f32 v29, v31;
	[tilespmem:s29+$0x510] =	vst v10  }
0x99: {  	v32 =	vld [tilespmem:s29+$0x550];
	v59 =	vmul.f32 v53, v5;
	[tilespmem:s29+$0x520] =	vst v12  }
0x9a: {  	v33 =	vld [tilespmem:s29+$0x560];
	v18 =	vmul.f32 v57, v5;
	[tilespmem:s29+$0x530] =	vst v13  }
0x9b: {  	v35 =	vld [tilespmem:s29+$0x580];
	v20 =	vmul.f32 v58, v5;
	[tilespmem:s29+$0x680] =	vst v59  }
0x9c: {  	v36 =	vld [tilespmem:s29+$0x590];
	v11 =	vmul.f32 v26, v31;
	[tilespmem:s29+$0x6C0] =	vst v18  }
0x9d: {  	v37 =	vld [tilespmem:s29+$0x5A0];
	v9 =	vmul.f32 v30, v31;
	[tilespmem:s29+$0x6D0] =	vst v20  }
0x9e: {  	v4 =	vld [tilespmem:s29+$0x700];
	v40 =	vbroadcast v1, $0x8;
	v7 =	vmul.f32 v32, v31;
	[tilespmem:s29+$0x500] =	vst v11  }
0x9f: {  	v6 =	vld [tilespmem:s29+$0x710];
	v8 =	vmul.f32 v33, v31;
	[tilespmem:s29+$0x540] =	vst v9  }
0xa0: {  	v3 =	vld [tilespmem:s29+$0x950];
	v10 =	vmul.f32 v35, v40;
	[tilespmem:s29+$0x550] =	vst v7  }
0xa1: {  	v61 =	vld [tilespmem:s29+$0x180];
	v23 =	vbroadcast v1, $0xB;
	v12 =	vmul.f32 v36, v40;
	[tilespmem:s29+$0x560] =	vst v8  }
0xa2: {  	v34 =	vld [tilespmem:s29+$0x570];
	v13 =	vmul.f32 v37, v40;
	[tilespmem:s29+$0x580] =	vst v10  }
0xa3: {  	v38 =	vld [tilespmem:s29+$0x5B0];
	v27 =	vbroadcast v1, $0xF;
	v4 =	vmul.f32 v4, v23;
	[tilespmem:s29+$0x590] =	vst v12  }
0xa4: {  	v39 =	vld [tilespmem:s29+$0x5C0];
	v6 =	vmul.f32 v6, v23;
	[tilespmem:s29+$0x5A0] =	vst v13  }
0xa5: {  	v41 =	vld [tilespmem:s29+$0x5D0];
	v3 =	vmul.f32 v3, v27;
	[tilespmem:s29+$0x700] =	vst v4  }
0xa6: {  	v43 =	vld [tilespmem:s29+$0x5F0];
	v24 =	vmul.f32 v2, v61;
	[tilespmem:s29+$0x710] =	vst v6  }
0xa7: {  	v44 =	vld [tilespmem:s29+$0x600];
	v11 =	vmul.f32 v34, v31;
	[tilespmem:s29+$0x950] =	vst v3  }
0xa8: {  	v45 =	vld [tilespmem:s29+$0x610];
	v9 =	vmul.f32 v38, v40;
	[tilespmem:s29+$0x180] =	vst v24  }
0xa9: {  	v63 =	vld [tilespmem:s29+$0x1C0];
	v7 =	vmul.f32 v39, v40;
	[tilespmem:s29+$0x570] =	vst v11  }
0xaa: {  	v49 =	vbroadcast v1, $0x9;
	v29 =	vld [tilespmem:s29+$0x770];
	v8 =	vmul.f32 v41, v40;
	[tilespmem:s29+$0x5B0] =	vst v9  }
0xab: {  	v42 =	vld [tilespmem:s29+$0x5E0];
	v10 =	vmul.f32 v43, v40;
	[tilespmem:s29+$0x5C0] =	vst v7  }
0xac: {  	v46 =	vld [tilespmem:s29+$0x620];
	v12 =	vmul.f32 v44, v49;
	[tilespmem:s29+$0x5D0] =	vst v8  }
0xad: {  	v47 =	vld [tilespmem:s29+$0x630];
	v13 =	vmul.f32 v45, v49;
	[tilespmem:s29+$0x5F0] =	vst v10  }
0xae: {  	v48 =	vld [tilespmem:s29+$0x640];
	v3 =	vmul.f32 v63, v2;
	[tilespmem:s29+$0x600] =	vst v12  }
0xaf: {  	v51 =	vld [tilespmem:s29+$0x660];
	v6 =	vmul.f32 v29, v23;
	[tilespmem:s29+$0x610] =	vst v13  }
0xb0: {  	v52 =	vld [tilespmem:s29+$0x670];
	v11 =	vmul.f32 v42, v40;
	[tilespmem:s29+$0x1C0] =	vst v3  }
0xb1: {  	v28 =	vld [tilespmem:s29+$0x760];
	v9 =	vmul.f32 v46, v49;
	[tilespmem:s29+$0x770] =	vst v6  }
0xb2: {  	v26 =	vld [tilespmem:s29+$0x750];
	v7 =	vmul.f32 v47, v49;
	[tilespmem:s29+$0x5E0] =	vst v11  }
0xb3: {  	v30 =	vld [tilespmem:s29+$0x780];
	v8 =	vmul.f32 v48, v49;
	[tilespmem:s29+$0x620] =	vst v9  }
0xb4: {  	v50 =	vld [tilespmem:s29+$0x650];
	v10 =	vmul.f32 v51, v49;
	[tilespmem:s29+$0x630] =	vst v7  }
0xb5: {  	v54 =	vld [tilespmem:s29+$0x690];
	v12 =	vmul.f32 v52, v49;
	[tilespmem:s29+$0x640] =	vst v8  }
0xb6: {  	v55 =	vld [tilespmem:s29+$0x6A0];
	v35 =	vbroadcast v1, $0xC;
	v40 =	vmul.f32 v28, v23;
	[tilespmem:s29+$0x660] =	vst v10  }
0xb7: {  	v56 =	vld [tilespmem:s29+$0x6B0];
	v32 =	vmul.f32 v26, v23;
	[tilespmem:s29+$0x670] =	vst v12  }
0xb8: {  	v60 =	vld [tilespmem:s29+$0x6E0];
	v15 =	vmul.f32 v30, v35;
	[tilespmem:s29+$0x760] =	vst v40  }
0xb9: {  	v62 =	vld [tilespmem:s29+$0x190];
	v11 =	vmul.f32 v50, v49;
	[tilespmem:s29+$0x750] =	vst v32  }
0xba: {  	v19 =	vld [tilespmem:s29+$0x1D0];
	v9 =	vmul.f32 v54, v5;
	[tilespmem:s29+$0x780] =	vst v15  }
0xbb: {  	v33 =	vld [tilespmem:s29+$0x7B0];
	v7 =	vmul.f32 v55, v5;
	[tilespmem:s29+$0x650] =	vst v11  }
0xbc: {  	v61 =	vld [tilespmem:s29+$0x970];
	v8 =	vmul.f32 v56, v5;
	[tilespmem:s29+$0x690] =	vst v9  }
0xbd: {  	v38 =	vld [tilespmem:s29+$0x7F0];
	v5 =	vmul.f32 v60, v5;
	[tilespmem:s29+$0x6A0] =	vst v7  }
0xbe: {  	v21 =	vld [tilespmem:s29+$0x720];
	v12 =	vmul.f32 v62, v2;
	[tilespmem:s29+$0x6B0] =	vst v8  }
0xbf: {  	v22 =	vld [tilespmem:s29+$0x730];
	v2 =	vmul.f32 v19, v2;
	[tilespmem:s29+$0x6E0] =	vst v5  }
0xc0: {  	v25 =	vld [tilespmem:s29+$0x740];
	v62 =	vmul.f32 v33, v35;
	[tilespmem:s29+$0x190] =	vst v12  }
0xc1: {  	v31 =	vld [tilespmem:s29+$0x790];
	v63 =	vmul.f32 v61, v27;
	[tilespmem:s29+$0x1D0] =	vst v2  }
0xc2: {  	v34 =	vld [tilespmem:s29+$0x7C0];
	v15 =	vmul.f32 v38, v35;
	[tilespmem:s29+$0x7B0] =	vst v62  }
0xc3: {  	v41 =	vld [tilespmem:s29+$0x820];
	v7 =	vmul.f32 v21, v23;
	[tilespmem:s29+$0x970] =	vst v63  }
0xc4: {  	v46 =	vld [tilespmem:s29+$0x860];
	v8 =	vmul.f32 v22, v23;
	[tilespmem:s29+$0x7F0] =	vst v15  }
0xc5: {  	v36 =	vld [tilespmem:s29+$0x7D0];
	v5 =	vmul.f32 v25, v23;
	[tilespmem:s29+$0x720] =	vst v7  }
0xc6: {  	v44 =	vbroadcast v1, $0xD;
	v9 =	vmul.f32 v31, v35;
	v2 =	vld [tilespmem:s29+$0x810];
	[tilespmem:s29+$0x730] =	vst v8  }
0xc7: {  	v37 =	vld [tilespmem:s29+$0x7E0];
	v12 =	vmul.f32 v34, v35;
	[tilespmem:s29+$0x740] =	vst v5  }
0xc8: {  	v39 =	vld [tilespmem:s29+$0x800];
	v11 =	vmul.f32 v41, v44;
	[tilespmem:s29+$0x790] =	vst v9  }
0xc9: {  	v42 =	vld [tilespmem:s29+$0x830];
	v51 =	vmul.f32 v46, v44;
	[tilespmem:s29+$0x7C0] =	vst v12  }
0xca: {  	v48 =	vld [tilespmem:s29+$0x890];
	v8 =	vmul.f32 v36, v35;
	[tilespmem:s29+$0x820] =	vst v11  }
0xcb: {  	v49 =	vld [tilespmem:s29+$0x8A0];
	[tilespmem:s29+$0x860] =	vst v51;
	v2 =	vmul.f32 v2, v44  }
0xcc: {  	v50 =	vld [tilespmem:s29+$0x8B0];
	v5 =	vmul.f32 v37, v35;
	[tilespmem:s29+$0x7D0] =	vst v8  }
0xcd: {  	v1 =	vbroadcast v1, $0xE;
	v9 =	vmul.f32 v39, v44;
	[tilespmem:s29+$0x810] =	vst v2;
	v2 =	vld [tilespmem:s29+$0x880]  }
0xce: {  	v60 =	vld [tilespmem:s29+$0x960];
	v12 =	vmul.f32 v42, v44;
	[tilespmem:s29+$0x7E0] =	vst v5  }
0xcf: {  	v45 =	vld [tilespmem:s29+$0x850];
	v11 =	vmul.f32 v48, v1;
	[tilespmem:s29+$0x800] =	vst v9  }
0xd0: {  	v47 =	vld [tilespmem:s29+$0x870];
	v10 =	vmul.f32 v49, v1;
	[tilespmem:s29+$0x830] =	vst v12  }
0xd1: {  	v43 =	vld [tilespmem:s29+$0x840];
	v6 =	vmul.f32 v50, v1;
	[tilespmem:s29+$0x890] =	vst v11  }
0xd2: {  	v55 =	vld [tilespmem:s29+$0x900];
	[tilespmem:s29+$0x8A0] =	vst v10;
	v2 =	vmul.f32 v2, v1  }
0xd3: {  	v57 =	vld [tilespmem:s29+$0x920];
	v4 =	vmul.f32 v60, v27;
	[tilespmem:s29+$0x8B0] =	vst v6  }
0xd4: {  	v5 =	vmul.f32 v45, v44;
	[tilespmem:s29+$0x880] =	vst v2;
	v2 =	vld [tilespmem:s29+$0x8F0]  }
0xd5: {  	v52 =	vld [tilespmem:s29+$0x8C0];
	v9 =	vmul.f32 v47, v44;
	[tilespmem:s29+$0x960] =	vst v4  }
0xd6: {  	v56 =	vld [tilespmem:s29+$0x910];
	v8 =	vmul.f32 v43, v44;
	[tilespmem:s29+$0x850] =	vst v5  }
0xd7: {  	v54 =	vld [tilespmem:s29+$0x8E0];
	v11 =	vmul.f32 v55, v27;
	[tilespmem:s29+$0x870] =	vst v9  }
0xd8: {  	v58 =	vld [tilespmem:s29+$0x930];
	v6 =	vmul.f32 v57, v27;
	[tilespmem:s29+$0x840] =	vst v8  }
0xd9: {  	v53 =	vld [tilespmem:s29+$0x8D0];
	[tilespmem:s29+$0x900] =	vst v11;
	v2 =	vmul.f32 v2, v1  }
0xda: {  	v59 =	vld [tilespmem:s29+$0x940];
	v5 =	vmul.f32 v52, v1;
	[tilespmem:s29+$0x920] =	vst v6  }
0xdb: {  	[tilespmem:s29+$0x8F0] =	vst v2;
	v2 =	vmul.f32 v56, v27  }
0xdc: {  	v3 =	vld [tilespmem:s29+$0x7A0];
	v9 =	vmul.f32 v54, v1;
	[tilespmem:s29+$0x8C0] =	vst v5  }
0xdd: {  	[tilespmem:s29+$0x910] =	vst v2;
	v2 =	vmul.f32 v58, v27  }
0xde: {  	[tilespmem:s29+$0x8E0] =	vst v9;
	v1 =	vmul.f32 v53, v1  }
0xdf: {  	[tilespmem:s29+$0x930] =	vst v2;
	v2 =	vmul.f32 v59, v27  }
0xe0: {  	[tilespmem:s29+$0x8D0] =	vst v1  }
0xe1: {  	s30 =	simm.s32 $0x1;
	[tilespmem:s29+$0x940] =	vst v2;
	v2 =	vmul.f32 v3, v35  }
.LBB2_5:
0xe2: {  	s31 =	sshll.u32 s30, $0x4  }
0xe3: {  	p0 =	sne.s32 s30, $0x7;
	[tilespmem:s29+$0x7A0] =	vst v2;
	s29 =	smov.u32 s30;
	s30 =	sadd.s32 $0x1, s30  }
0xe4: {  	s31 =	sand.u32 $0x3FFFFFF0, s31  }
0xe5: {  	s29 =	sshll.u32 s29, $0xB;
	v1 =	vld [tilespmem:s31+$0x100]  }
0xe6: {  	s29 =	sand.u32 $0x3FFFF800, s29  }
0xe7: {  	v8 =	vld [tilespmem:s29+$0x240]  }
0xe8: {  	v9 =	vld [tilespmem:s29+$0x250]  }
0xe9: {  	v10 =	vld [tilespmem:s29+$0x230]  }
0xea: {  	v2 =	vbroadcast v1, $0x0;
	v3 =	vld [tilespmem:s29+$0x1A0];
	v7 =	vbroadcast v1, $0x4  }
0xeb: {  	v5 =	vld [tilespmem:s29+$0x1B0]  }
0xec: {  	v6 =	vld [tilespmem:s29+$0x6F0]  }
0xed: {  	v11 =	vld [tilespmem:s29+$0x1E0]  }
0xee: {  	v12 =	vld [tilespmem:s29+$0x1F0]  }
0xef: {  	v4 =	vbroadcast v1, $0xA;
	v3 =	vmul.f32 v3, v2;
	v13 =	vld [tilespmem:s29+$0x200]  }
0xf0: {  	v5 =	vmul.f32 v5, v2;
	v14 =	vld [tilespmem:s29+$0x210]  }
0xf1: {  	[tilespmem:s29+$0x1A0] =	vst v3;
	v15 =	vld [tilespmem:s29+$0x220];
	v3 =	vmul.f32 v6, v4  }
0xf2: {  	[tilespmem:s29+$0x1B0] =	vst v5;
	v6 =	vmul.f32 v11, v2;
	v11 =	vbroadcast v1, $0x1;
	v5 =	vld [tilespmem:s29+$0x700]  }
0xf3: {  	v12 =	vmul.f32 v12, v2;
	[tilespmem:s29+$0x6F0] =	vst v3;
	v3 =	vld [tilespmem:s29+$0x950]  }
0xf4: {  	[tilespmem:s29+$0x1E0] =	vst v6;
	v13 =	vmul.f32 v13, v11;
	v6 =	vld [tilespmem:s29+$0x710]  }
0xf5: {  	[tilespmem:s29+$0x1F0] =	vst v12;
	v12 =	vmul.f32 v14, v11;
	v14 =	vld [tilespmem:s29+$0x260]  }
0xf6: {  	[tilespmem:s29+$0x200] =	vst v13;
	v13 =	vmul.f32 v15, v11;
	v15 =	vld [tilespmem:s29+$0x270]  }
0xf7: {  	v10 =	vmul.f32 v10, v11;
	[tilespmem:s29+$0x210] =	vst v12;
	v12 =	vld [tilespmem:s29+$0x280]  }
0xf8: {  	v8 =	vmul.f32 v8, v11;
	[tilespmem:s29+$0x220] =	vst v13;
	v13 =	vld [tilespmem:s29+$0x290]  }
0xf9: {  	v9 =	vmul.f32 v9, v11;
	[tilespmem:s29+$0x230] =	vst v10;
	v10 =	vld [tilespmem:s29+$0x2A0]  }
0xfa: {  	[tilespmem:s29+$0x240] =	vst v8;
	v8 =	vmul.f32 v14, v11;
	v14 =	vbroadcast v1, $0x2;
	v16 =	vld [tilespmem:s29+$0x2B0]  }
0xfb: {  	[tilespmem:s29+$0x250] =	vst v9;
	v9 =	vmul.f32 v15, v11;
	v11 =	vld [tilespmem:s29+$0x2C0]  }
0xfc: {  	[tilespmem:s29+$0x260] =	vst v8;
	v8 =	vmul.f32 v12, v14;
	v12 =	vld [tilespmem:s29+$0x2D0]  }
0xfd: {  	[tilespmem:s29+$0x270] =	vst v9;
	v9 =	vmul.f32 v13, v14;
	v13 =	vld [tilespmem:s29+$0x2E0]  }
0xfe: {  	[tilespmem:s29+$0x280] =	vst v8;
	v8 =	vmul.f32 v10, v14;
	v10 =	vld [tilespmem:s29+$0x2F0]  }
0xff: {  	[tilespmem:s29+$0x290] =	vst v9;
	v9 =	vmul.f32 v16, v14;
	v15 =	vld [tilespmem:s29+$0x300]  }
0x100: {  	[tilespmem:s29+$0x2A0] =	vst v8;
	v8 =	vmul.f32 v11, v14;
	v11 =	vld [tilespmem:s29+$0x310]  }
0x101: {  	[tilespmem:s29+$0x2B0] =	vst v9;
	v9 =	vmul.f32 v12, v14;
	v12 =	vld [tilespmem:s29+$0x320]  }
0x102: {  	[tilespmem:s29+$0x2C0] =	vst v8;
	v8 =	vmul.f32 v13, v14;
	v13 =	vbroadcast v1, $0x3;
	v16 =	vld [tilespmem:s29+$0x330]  }
0x103: {  	[tilespmem:s29+$0x2D0] =	vst v9;
	v9 =	vmul.f32 v10, v14;
	v10 =	vld [tilespmem:s29+$0x340]  }
0x104: {  	[tilespmem:s29+$0x2E0] =	vst v8;
	v8 =	vmul.f32 v15, v13;
	v14 =	vld [tilespmem:s29+$0x350]  }
0x105: {  	[tilespmem:s29+$0x2F0] =	vst v9;
	v9 =	vmul.f32 v11, v13;
	v11 =	vld [tilespmem:s29+$0x360]  }
0x106: {  	[tilespmem:s29+$0x300] =	vst v8;
	v8 =	vmul.f32 v12, v13;
	v12 =	vld [tilespmem:s29+$0x370]  }
0x107: {  	[tilespmem:s29+$0x310] =	vst v9;
	v9 =	vmul.f32 v16, v13;
	v15 =	vld [tilespmem:s29+$0x380]  }
0x108: {  	[tilespmem:s29+$0x320] =	vst v8;
	v8 =	vmul.f32 v10, v13;
	v10 =	vld [tilespmem:s29+$0x390]  }
0x109: {  	[tilespmem:s29+$0x330] =	vst v9;
	v9 =	vmul.f32 v14, v13;
	v14 =	vld [tilespmem:s29+$0x3A0]  }
0x10a: {  	[tilespmem:s29+$0x340] =	vst v8;
	v8 =	vmul.f32 v11, v13;
	v11 =	vld [tilespmem:s29+$0x3B0]  }
0x10b: {  	[tilespmem:s29+$0x350] =	vst v9;
	v9 =	vmul.f32 v12, v13;
	v12 =	vld [tilespmem:s29+$0x3C0]  }
0x10c: {  	[tilespmem:s29+$0x360] =	vst v8;
	v8 =	vmul.f32 v15, v7;
	v13 =	vld [tilespmem:s29+$0x3D0]  }
0x10d: {  	[tilespmem:s29+$0x370] =	vst v9;
	v9 =	vmul.f32 v10, v7;
	v10 =	vld [tilespmem:s29+$0x3E0]  }
0x10e: {  	[tilespmem:s29+$0x380] =	vst v8;
	v8 =	vmul.f32 v14, v7;
	v14 =	vld [tilespmem:s29+$0x3F0]  }
0x10f: {  	[tilespmem:s29+$0x390] =	vst v9;
	v9 =	vmul.f32 v11, v7;
	v11 =	vld [tilespmem:s29+$0x400]  }
0x110: {  	[tilespmem:s29+$0x3A0] =	vst v8;
	v8 =	vmul.f32 v12, v7;
	v12 =	vld [tilespmem:s29+$0x410]  }
0x111: {  	[tilespmem:s29+$0x3B0] =	vst v9;
	v9 =	vmul.f32 v13, v7;
	v13 =	vld [tilespmem:s29+$0x420]  }
0x112: {  	[tilespmem:s29+$0x3C0] =	vst v8;
	v8 =	vmul.f32 v10, v7;
	v10 =	vbroadcast v1, $0x5;
	v15 =	vld [tilespmem:s29+$0x430]  }
0x113: {  	[tilespmem:s29+$0x3D0] =	vst v9;
	v7 =	vmul.f32 v14, v7;
	v9 =	vld [tilespmem:s29+$0x440]  }
0x114: {  	[tilespmem:s29+$0x3E0] =	vst v8;
	v8 =	vmul.f32 v11, v10;
	v11 =	vld [tilespmem:s29+$0x450]  }
0x115: {  	[tilespmem:s29+$0x3F0] =	vst v7;
	v7 =	vmul.f32 v12, v10;
	v12 =	vld [tilespmem:s29+$0x460]  }
0x116: {  	[tilespmem:s29+$0x400] =	vst v8;
	v8 =	vmul.f32 v13, v10;
	v13 =	vld [tilespmem:s29+$0x470]  }
0x117: {  	[tilespmem:s29+$0x410] =	vst v7;
	v7 =	vmul.f32 v15, v10;
	v14 =	vld [tilespmem:s29+$0x480]  }
0x118: {  	[tilespmem:s29+$0x420] =	vst v8;
	v8 =	vmul.f32 v9, v10;
	v9 =	vld [tilespmem:s29+$0x490]  }
0x119: {  	[tilespmem:s29+$0x430] =	vst v7;
	v7 =	vmul.f32 v11, v10;
	v11 =	vld [tilespmem:s29+$0x4A0]  }
0x11a: {  	[tilespmem:s29+$0x440] =	vst v8;
	v8 =	vmul.f32 v12, v10;
	v12 =	vbroadcast v1, $0x6;
	v15 =	vld [tilespmem:s29+$0x4B0]  }
0x11b: {  	[tilespmem:s29+$0x450] =	vst v7;
	v7 =	vmul.f32 v13, v10;
	v10 =	vld [tilespmem:s29+$0x4C0]  }
0x11c: {  	[tilespmem:s29+$0x460] =	vst v8;
	v8 =	vmul.f32 v14, v12;
	v13 =	vld [tilespmem:s29+$0x4D0]  }
0x11d: {  	[tilespmem:s29+$0x470] =	vst v7;
	v7 =	vmul.f32 v9, v12;
	v9 =	vld [tilespmem:s29+$0x4E0]  }
0x11e: {  	[tilespmem:s29+$0x480] =	vst v8;
	v8 =	vmul.f32 v11, v12;
	v11 =	vld [tilespmem:s29+$0x4F0]  }
0x11f: {  	[tilespmem:s29+$0x490] =	vst v7;
	v7 =	vmul.f32 v15, v12;
	v14 =	vld [tilespmem:s29+$0x500]  }
0x120: {  	[tilespmem:s29+$0x4A0] =	vst v8;
	v8 =	vmul.f32 v10, v12;
	v10 =	vld [tilespmem:s29+$0x510]  }
0x121: {  	[tilespmem:s29+$0x4B0] =	vst v7;
	v7 =	vmul.f32 v13, v12;
	v13 =	vld [tilespmem:s29+$0x520]  }
0x122: {  	[tilespmem:s29+$0x4C0] =	vst v8;
	v8 =	vmul.f32 v9, v12;
	v9 =	vbroadcast v1, $0x7;
	v15 =	vld [tilespmem:s29+$0x530]  }
0x123: {  	[tilespmem:s29+$0x4D0] =	vst v7;
	v7 =	vmul.f32 v11, v12;
	v11 =	vld [tilespmem:s29+$0x540]  }
0x124: {  	[tilespmem:s29+$0x4E0] =	vst v8;
	v8 =	vmul.f32 v14, v9;
	v12 =	vld [tilespmem:s29+$0x550]  }
0x125: {  	[tilespmem:s29+$0x4F0] =	vst v7;
	v7 =	vmul.f32 v10, v9;
	v10 =	vld [tilespmem:s29+$0x560]  }
0x126: {  	[tilespmem:s29+$0x500] =	vst v8;
	v8 =	vmul.f32 v13, v9;
	v13 =	vld [tilespmem:s29+$0x570]  }
0x127: {  	[tilespmem:s29+$0x510] =	vst v7;
	v7 =	vmul.f32 v15, v9;
	v14 =	vld [tilespmem:s29+$0x580]  }
0x128: {  	[tilespmem:s29+$0x520] =	vst v8;
	v8 =	vmul.f32 v11, v9;
	v11 =	vld [tilespmem:s29+$0x590]  }
0x129: {  	[tilespmem:s29+$0x530] =	vst v7;
	v7 =	vmul.f32 v12, v9;
	v12 =	vld [tilespmem:s29+$0x5A0]  }
0x12a: {  	[tilespmem:s29+$0x540] =	vst v8;
	v8 =	vmul.f32 v10, v9;
	v10 =	vbroadcast v1, $0x8;
	v15 =	vld [tilespmem:s29+$0x5B0]  }
0x12b: {  	[tilespmem:s29+$0x550] =	vst v7;
	v7 =	vmul.f32 v13, v9;
	v9 =	vld [tilespmem:s29+$0x5C0]  }
0x12c: {  	[tilespmem:s29+$0x560] =	vst v8;
	v8 =	vmul.f32 v14, v10;
	v13 =	vld [tilespmem:s29+$0x5D0]  }
0x12d: {  	[tilespmem:s29+$0x570] =	vst v7;
	v7 =	vmul.f32 v11, v10;
	v11 =	vld [tilespmem:s29+$0x5E0]  }
0x12e: {  	[tilespmem:s29+$0x580] =	vst v8;
	v8 =	vmul.f32 v12, v10;
	v12 =	vld [tilespmem:s29+$0x5F0]  }
0x12f: {  	[tilespmem:s29+$0x590] =	vst v7;
	v7 =	vmul.f32 v15, v10;
	v14 =	vld [tilespmem:s29+$0x600]  }
0x130: {  	[tilespmem:s29+$0x5A0] =	vst v8;
	v8 =	vmul.f32 v9, v10;
	v9 =	vld [tilespmem:s29+$0x610]  }
0x131: {  	[tilespmem:s29+$0x5B0] =	vst v7;
	v7 =	vmul.f32 v13, v10;
	v13 =	vld [tilespmem:s29+$0x620]  }
0x132: {  	[tilespmem:s29+$0x5C0] =	vst v8;
	v8 =	vmul.f32 v11, v10;
	v11 =	vbroadcast v1, $0x9;
	v15 =	vld [tilespmem:s29+$0x630]  }
0x133: {  	[tilespmem:s29+$0x5D0] =	vst v7;
	v7 =	vmul.f32 v12, v10;
	v10 =	vld [tilespmem:s29+$0x640]  }
0x134: {  	[tilespmem:s29+$0x5E0] =	vst v8;
	v8 =	vmul.f32 v14, v11;
	v12 =	vld [tilespmem:s29+$0x650]  }
0x135: {  	[tilespmem:s29+$0x5F0] =	vst v7;
	v7 =	vmul.f32 v9, v11;
	v9 =	vld [tilespmem:s29+$0x660]  }
0x136: {  	[tilespmem:s29+$0x600] =	vst v8;
	v8 =	vmul.f32 v13, v11;
	v13 =	vld [tilespmem:s29+$0x670]  }
0x137: {  	[tilespmem:s29+$0x610] =	vst v7;
	v7 =	vmul.f32 v15, v11;
	v14 =	vld [tilespmem:s29+$0x680]  }
0x138: {  	[tilespmem:s29+$0x620] =	vst v8;
	v8 =	vmul.f32 v10, v11;
	v10 =	vld [tilespmem:s29+$0x690]  }
0x139: {  	[tilespmem:s29+$0x630] =	vst v7;
	v7 =	vmul.f32 v12, v11;
	v12 =	vld [tilespmem:s29+$0x6A0]  }
0x13a: {  	[tilespmem:s29+$0x640] =	vst v8;
	v8 =	vmul.f32 v9, v11;
	v9 =	vld [tilespmem:s29+$0x6B0]  }
0x13b: {  	[tilespmem:s29+$0x650] =	vst v7;
	v7 =	vmul.f32 v13, v11;
	v11 =	vld [tilespmem:s29+$0x6C0]  }
0x13c: {  	[tilespmem:s29+$0x660] =	vst v8;
	v8 =	vmul.f32 v14, v4;
	v13 =	vld [tilespmem:s29+$0x6D0]  }
0x13d: {  	[tilespmem:s29+$0x670] =	vst v7;
	v7 =	vmul.f32 v10, v4;
	v10 =	vld [tilespmem:s29+$0x6E0]  }
0x13e: {  	v14 =	vld [tilespmem:s29+$0x180];
	[tilespmem:s29+$0x680] =	vst v8;
	v8 =	vmul.f32 v12, v4  }
0x13f: {  	v12 =	vld [tilespmem:s29+$0x190];
	[tilespmem:s29+$0x690] =	vst v7;
	v7 =	vmul.f32 v9, v4  }
0x140: {  	v9 =	vld [tilespmem:s29+$0x1C0];
	[tilespmem:s29+$0x6A0] =	vst v8;
	v8 =	vmul.f32 v11, v4  }
0x141: {  	v11 =	vld [tilespmem:s29+$0x1D0];
	[tilespmem:s29+$0x6B0] =	vst v7;
	v7 =	vmul.f32 v13, v4  }
0x142: {  	[tilespmem:s29+$0x6C0] =	vst v8;
	v8 =	vmul.f32 v10, v4;
	v10 =	vbroadcast v1, $0xB;
	v13 =	vld [tilespmem:s29+$0x720]  }
0x143: {  	v4 =	vbroadcast v1, $0xF;
	v14 =	vmul.f32 v2, v14;
	[tilespmem:s29+$0x6D0] =	vst v7;
	v7 =	vld [tilespmem:s29+$0x730]  }
0x144: {  	v12 =	vmul.f32 v12, v2;
	[tilespmem:s29+$0x6E0] =	vst v8;
	v5 =	vmul.f32 v5, v10;
	v8 =	vld [tilespmem:s29+$0x740]  }
0x145: {  	v6 =	vmul.f32 v6, v10;
	[tilespmem:s29+$0x180] =	vst v14;
	v9 =	vmul.f32 v9, v2;
	v14 =	vld [tilespmem:s29+$0x750]  }
0x146: {  	v3 =	vmul.f32 v3, v4;
	v11 =	vmul.f32 v11, v2;
	[tilespmem:s29+$0x700] =	vst v5;
	v2 =	vld [tilespmem:s29+$0x760]  }
0x147: {  	[tilespmem:s29+$0x710] =	vst v6;
	v5 =	vmul.f32 v13, v10;
	v6 =	vld [tilespmem:s29+$0x770]  }
0x148: {  	v7 =	vmul.f32 v7, v10;
	v13 =	vld [tilespmem:s29+$0x780];
	[tilespmem:s29+$0x950] =	vst v3  }
0x149: {  	[tilespmem:s29+$0x190] =	vst v12;
	v3 =	vmul.f32 v8, v10;
	v8 =	vld [tilespmem:s29+$0x790]  }
0x14a: {  	[tilespmem:s29+$0x1C0] =	vst v9;
	v9 =	vmul.f32 v14, v10;
	v12 =	vld [tilespmem:s29+$0x7A0]  }
0x14b: {  	v14 =	vbroadcast v1, $0xC;
	[tilespmem:s29+$0x720] =	vst v5;
	v5 =	vmul.f32 v2, v10;
	v15 =	vld [tilespmem:s29+$0x7B0]  }
0x14c: {  	[tilespmem:s29+$0x750] =	vst v9;
	v6 =	vmul.f32 v6, v10;
	v9 =	vld [tilespmem:s29+$0x7C0]  }
0x14d: {  	[tilespmem:s29+$0x730] =	vst v7;
	v2 =	vmul.f32 v13, v14;
	v7 =	vld [tilespmem:s29+$0x7D0]  }
0x14e: {  	[tilespmem:s29+$0x740] =	vst v3;
	v3 =	vmul.f32 v8, v14;
	v8 =	vld [tilespmem:s29+$0x7E0]  }
0x14f: {  	[tilespmem:s29+$0x780] =	vst v2;
	v2 =	vmul.f32 v12, v14;
	v10 =	vld [tilespmem:s29+$0x7F0]  }
0x150: {  	[tilespmem:s29+$0x790] =	vst v3;
	v3 =	vld [tilespmem:s29+$0x800]  }
0x151: {  	[tilespmem:s29+$0x1D0] =	vst v11;
	v9 =	vmul.f32 v9, v14;
	v11 =	vld [tilespmem:s29+$0x810]  }
0x152: {  	[tilespmem:s29+$0x760] =	vst v5;
	v5 =	vmul.f32 v7, v14;
	v7 =	vld [tilespmem:s29+$0x820]  }
0x153: {  	[tilespmem:s29+$0x7C0] =	vst v9;
	v8 =	vmul.f32 v8, v14;
	v9 =	vbroadcast v1, $0xD;
	v12 =	vld [tilespmem:s29+$0x830]  }
0x154: {  	[tilespmem:s29+$0x7D0] =	vst v5;
	v5 =	vmul.f32 v10, v14;
	v10 =	vld [tilespmem:s29+$0x840]  }
0x155: {  	[tilespmem:s29+$0x7E0] =	vst v8;
	v3 =	vmul.f32 v3, v9;
	v8 =	vld [tilespmem:s29+$0x850]  }
0x156: {  	[tilespmem:s29+$0x7F0] =	vst v5;
	v5 =	vmul.f32 v11, v9;
	v11 =	vld [tilespmem:s29+$0x860]  }
0x157: {  	[tilespmem:s29+$0x800] =	vst v3;
	v3 =	vmul.f32 v7, v9;
	v7 =	vld [tilespmem:s29+$0x870]  }
0x158: {  	[tilespmem:s29+$0x810] =	vst v5;
	v5 =	vmul.f32 v12, v9;
	v12 =	vld [tilespmem:s29+$0x880]  }
0x159: {  	[tilespmem:s29+$0x820] =	vst v3;
	v3 =	vmul.f32 v10, v9;
	v10 =	vld [tilespmem:s29+$0x890]  }
0x15a: {  	[tilespmem:s29+$0x830] =	vst v5;
	v5 =	vmul.f32 v8, v9;
	v8 =	vld [tilespmem:s29+$0x8A0]  }
0x15b: {  	v1 =	vbroadcast v1, $0xE;
	[tilespmem:s29+$0x770] =	vst v6;
	v6 =	vmul.f32 v11, v9;
	v11 =	vld [tilespmem:s29+$0x8B0]  }
0x15c: {  	[tilespmem:s29+$0x850] =	vst v5;
	v5 =	vmul.f32 v7, v9;
	v7 =	vld [tilespmem:s29+$0x8C0]  }
0x15d: {  	[tilespmem:s29+$0x860] =	vst v6;
	v6 =	vmul.f32 v12, v1;
	v9 =	vld [tilespmem:s29+$0x8D0]  }
0x15e: {  	[tilespmem:s29+$0x870] =	vst v5;
	v5 =	vmul.f32 v10, v1;
	v10 =	vld [tilespmem:s29+$0x8E0]  }
0x15f: {  	[tilespmem:s29+$0x880] =	vst v6;
	v6 =	vmul.f32 v8, v1;
	v8 =	vld [tilespmem:s29+$0x8F0]  }
0x160: {  	[tilespmem:s29+$0x890] =	vst v5;
	v5 =	vmul.f32 v11, v1;
	v11 =	vld [tilespmem:s29+$0x900]  }
0x161: {  	[tilespmem:s29+$0x8A0] =	vst v6;
	v6 =	vmul.f32 v7, v1;
	v7 =	vld [tilespmem:s29+$0x910]  }
0x162: {  	[tilespmem:s29+$0x8B0] =	vst v5;
	v5 =	vmul.f32 v9, v1;
	v9 =	vld [tilespmem:s29+$0x920]  }
0x163: {  	[tilespmem:s29+$0x8C0] =	vst v6;
	v6 =	vmul.f32 v10, v1;
	v10 =	vld [tilespmem:s29+$0x930]  }
0x164: {  	[tilespmem:s29+$0x840] =	vst v3;
	v1 =	vmul.f32 v8, v1;
	v3 =	vld [tilespmem:s29+$0x940]  }
0x165: {  	[tilespmem:s29+$0x8E0] =	vst v6;
	v6 =	vmul.f32 v11, v4;
	v8 =	vld [tilespmem:s29+$0x960]  }
0x166: {  	[tilespmem:s29+$0x8F0] =	vst v1;
	v1 =	vmul.f32 v7, v4;
	v7 =	vld [tilespmem:s29+$0x970]  }
0x167: {  	[tilespmem:s29+$0x900] =	vst v6;
	v6 =	vmul.f32 v9, v4  }
0x168: {  	[tilespmem:s29+$0x910] =	vst v1;
	v1 =	vmul.f32 v10, v4  }
0x169: {  	v9 =	vmul.f32 v15, v14;
	[tilespmem:s29+$0x920] =	vst v6  }
0x16a: {  	[tilespmem:s29+$0x930] =	vst v1;
	v1 =	vmul.f32 v3, v4  }
.Ltmp1:
0x16b: {  	[tilespmem:s29+$0x7B0] =	vst v9;
	v3 =	vmul.f32 v7, v4;
	(pc) =	sbr.rel @p0 .LBB2_5-.Ltmp1, $4  }
0x16c: {  	[tilespmem:s29+$0x940] =	vst v1  }
0x16d: {  	v1 =	vmul.f32 v8, v4;
	[tilespmem:s29+$0x970] =	vst v3  }
0x16e: {  	[tilespmem:s29+$0x8D0] =	vst v5  }
0x16f: {  	[tilespmem:s29+$0x960] =	vst v1  }
0x170: {  	s28 =	sadd.s32 $0x1, s28  }
0x171: {  	p0 =	sne.s32 s28, $0x4F  }
.Ltmp2:
0x172: {  	[tilespmem:s29+$0x7A0] =	vst v2;
	(pc) =	sbr.rel @p0 .LBB2_4-.Ltmp2, $4  }
0x173: {  	[spmem:s1] =	stream.indirect.scatter.add.f32 [tilespmem:s24], [sflag:$0x2], $0x80, s22, s22, $0xb8;
	[tilespmem:$0x19D80] =	vst v63  }
0x174: {  	_ =	swait.ge [sflag:s21], $0x4000  }
0x175: {  	[sflag:s21] =	ssyncset.done $0x0  }
0x176: {  	[sflag:s21] =	ssyncadd.s32 $0xFFFFC000  }
0x177: {  	s3 =	sadd.s32 $0x1, s3  }
0x178: {  	s26 =	sshll.u32 s2, $0x6;
	[bflag:$0x0] =	sbarrier.arrive $0xFFFF;
	p0 =	sne.s32 s3, s19  }
.Ltmp3:
0x179: {  	s28 =	sshrl.u32 s8, $0x3;
	s26 =	sor.u32 $0x1C02, s26;
	(pc) =	sbr.rel @p0 .LBB2_1-.Ltmp3, $4  }
0x17a: {  	[hbm:s18], [sflag:s26] =	dma.local [spmem:s28], $0x2780  }
0x17b: {  	_ =	swait.ge [sflag:s21], $0x2780  }
0x17c: {  	[sflag:s21] =	ssyncset.done $0x0  }
0x17d: {  	[sflag:s21] =	ssyncadd.s32 $0xFFFFD880  }
0x17e: {  	_ =	sfence.sel $0x180000  }
0x17f: {  	[bflag:$0x0] =	sbarrier.arrive $0xFFFF  }
0x180: {  	p0 =	sne.s32 s2, $0x0;
	_ =	strace $0x9000004A  }
0x181: {  	s0 =	sadd.s32 @!p0 $0x100000, s0;
	[bflag:$0x2] =	sbarrier.arrive $0xFFFF  }
0x182: {  	[sflag:s0] =	ssyncadd.tile.s32 @!p0 $0x1;
	_ =	shalt  }
.Lfunc_end2:
_tile_overlayer_lowered:
.L_overlay_start_2:
0x183: {  	(tag) =	ssettag $0x2  }
0x184: {  	s0 =	rddreg [dreg:$0x0];
	s2 =	stileid.u32  }
0x185: {  	s1 =	rddreg [dreg:$0x1];
	p0 =	sne.s32 s2, $0x0  }
0x186: {  	s3 =	rddreg [dreg:$0x2];
	[bflag:$0x3] =	sbarrier.arrive $0xFFFF;
	s2 =	simm.s32 @!p0 $0x1C02  }
0x187: {  	[timem:s3], [sflag:s2] =	dma.local @!p0 [hbm:s0], s1  }
0x188: {  	s0 =	simm.s32 @!p0 $0x2  }
0x189: {  	_ =	swait.ge @!p0 [sflag:s0], s1  }
0x18a: {  	s1 =	ssub.s32 @!p0 $0x0, s1;
	[sflag:s0] =	ssyncset.done @!p0 $0x0  }
0x18b: {  	[sflag:s0] =	ssyncadd.s32 @!p0 s1  }
0x18c: {  	[bflag:$0x3] =	sbarrier.arrive $0xFFFF  }
0x18d: {  	_ =	shalt  }

// kernel: kernel.14.cloned.1.call-start
scs
__scs_entry_jumppad:
0x0: {  	(pc) =	sbr.rel $0x88, $3  }
0x1: {  	(tag) =	ssettag $0x0;
	lr =	simm.s32 $0x1  }
0x2: {  	[smem:$0x3F9A] =	sst lr;
	_ =	strace $0xD0000000  }
0x3: {  	_ = 	snop  }
0x4: {  	_ = 	snop  }
0x5: {  	_ = 	snop  }
0x6: {  	_ = 	snop  }
0x7: {  	_ = 	snop  }
__scs_overlays_trampoline_lowered:
0x8: {  	[smem:$0x3FA9] =	sst s0  }
0x9: {  	[smem:$0x3FAA] =	sst s1  }
0xa: {  	[smem:$0x3FAB] =	sst s2  }
0xb: {  	[smem:$0x3FAC] =	sst s3  }
0xc: {  	[smem:$0x3FAD] =	sst s4  }
0xd: {  	[smem:$0x3FAE] =	sst s5  }
0xe: {  	[smem:$0x3FAF] =	sst s6  }
0xf: {  	[smem:$0x3FB0] =	sst s7  }
0x10: {  	[smem:$0x3FB1] =	sst s8  }
0x11: {  	[smem:$0x3FB2] =	sst s9;
	s0 =	simm.s32 @!p0 $0x0  }
0x12: {  	s1 =	sld [smem:$0x3F98];
	s0 =	simm.s32 @p0 $0x1  }
0x13: {  	[smem:$0x3FB3] =	sst s0;
	s0 =	simm.s32 @!p1 $0x0  }
0x14: {  	s2 =	sld [smem:$0x3F97];
	s0 =	simm.s32 @p1 $0x1  }
0x15: {  	[smem:$0x3FB4] =	sst s0;
	s0 =	simm.s32 @!p2 $0x0  }
0x16: {  	s3 =	sld [smem:$0x3FDB];
	s0 =	simm.s32 @p2 $0x1  }
0x17: {  	s4 =	simm.s32 $0x1BF5;
	[smem:$0x3FB6] =	sst s0  }
0x18: {  	s0 =	sld [smem:$0x3F99];
	_ =	swait.ge [sflag:s4], $0x0  }
0x19: {  	s7 =	sld [smem:$0x3F9A]  }
0x1a: {  	s8 =	sadd.s32 $0xFFFFE003, lr  }
0x1b: {  	s9 =	sadd.s32 $0xFFFFFEF7, lr;
	s5 =	simm.s32 $0xFFFFFFFF;
	p2 =	slt.u32 s8, $0xFFFFF086  }
0x1c: {  	p1 =	slt.u32 s9, $0xF7A;
	s5 =	simm.s32 @!p2 $0x0  }
0x1d: {  	s5 =	simm.s32 @p1 $0x1;
	p0 =	seq.s32 s7, s2  }
0x1e: {  	s7 =	smul.u32 @!p0 $0xF7A, s2;
	p2 =	seq.s32 @!p0 s5, $0x0  }
0x1f: {  	s9 =	smul.u32 $0xF7A, s1;
	s8 =	simm.s32 @!p0 $0x1BF5;
	p2 =	por !p2, p0  }
0x20: {  	[sflag:s8] =	ssyncset.s32 @!p0 $0xFFFFF086;
	s6 =	sadd.s32 @!p0 s3, s7;
	s7 =	simm.s32 @!p0 $0x108  }
0x21: {  	s3 =	sadd.s32 s3, s9;
	s6 =	sadd.s32 @!p0 $0x88, s6;
	s7 =	simm.s32 @p2 $0x1082  }
0x22: {  	[simem:s7], [sflag:s8] =	dma.local @!p0 [hbm:s6], $0xF7A  }
0x23: {  	s9 =	sor.u32 $0xD0000000, s2;
	s6 =	simm.s32 $0x108;
	_ =	swait.ge @!p0 [sflag:s8], $0x0  }
0x24: {  	s3 =	sadd.s32 $0x88, s3;
	s6 =	simm.s32 @!p1 $0x1082;
	[sflag:s4] =	ssyncset.s32 $0xFFFFF086  }
0x25: {  	[simem:s6], [sflag:s4] =	dma.local [hbm:s3], $0xF7A  }
0x26: {  	[smem:$0x3F9A] =	sst s1;
	(tag) =	ssettag s2;
	_ =	strace s9  }
0x27: {  	s1 =	sld [smem:$0x3FAA]  }
0x28: {  	s2 =	sld [smem:$0x3FAB]  }
0x29: {  	s4 =	sld [smem:$0x3FAD]  }
0x2a: {  	p0 =	seq.s32 s5, $0x0;
	s5 =	sld [smem:$0x3FAE]  }
0x2b: {  	s6 =	sld [smem:$0x3FAF]  }
0x2c: {  	s7 =	sld [smem:$0x3FB0]  }
0x2d: {  	s3 =	simm.s32 $0x108;
	s8 =	sld [smem:$0x3FB1]  }
0x2e: {  	s3 =	simm.s32 @!p0 $0x1082;
	s9 =	sld [smem:$0x3FB2]  }
0x2f: {  	lr =	sadd.s32 s0, s3;
	s0 =	sld [smem:$0x3FA9]  }
0x30: {  	s3 =	sld [smem:$0x3FAC]  }
0x31: {  	[smem:$0x3FB5] =	sst s10  }
0x32: {  	s10 =	sld [smem:$0x3FB3];
	_ =	sdelay $0x3  }
0x33: {  	p0 =	seq.s32 s10, $0x1;
	s10 =	sld [smem:$0x3FB5];
	_ =	sdelay $0x3  }
0x34: {  	[smem:$0x3FB5] =	sst s10  }
0x35: {  	s10 =	sld [smem:$0x3FB4];
	_ =	sdelay $0x3  }
0x36: {  	p1 =	seq.s32 s10, $0x1;
	s10 =	sld [smem:$0x3FB5];
	_ =	sdelay $0x3  }
0x37: {  	[smem:$0x3FB5] =	sst s10  }
0x38: {  	s10 =	sld [smem:$0x3FB6]  }
0x39: {  	_ = 	snop;
	(pc) =	sbr.ind lr, $3  }
0x3a: {  	_ = 	snop  }
0x3b: {  	_ = 	snop  }
0x3c: {  	p2 =	seq.s32 s10, $0x1;
	s10 =	sld [smem:$0x3FB5]  }
0x3d: {  	_ =	shalt  }
0x3e: {  	_ =	shalt  }
0x3f: {  	_ =	shalt  }
0x40: {  	_ =	shalt  }
0x41: {  	_ =	shalt  }
0x42: {  	_ =	shalt  }
0x43: {  	_ =	shalt  }
0x44: {  	_ =	shalt  }
0x45: {  	_ =	shalt  }
0x46: {  	_ =	shalt  }
0x47: {  	_ =	shalt  }
0x48: {  	_ =	shalt  }
0x49: {  	_ =	shalt  }
0x4a: {  	_ =	shalt  }
0x4b: {  	_ =	shalt  }
0x4c: {  	_ =	shalt  }
0x4d: {  	_ =	shalt  }
0x4e: {  	_ =	shalt  }
0x4f: {  	_ =	shalt  }
0x50: {  	_ =	shalt  }
0x51: {  	_ =	shalt  }
0x52: {  	_ =	shalt  }
0x53: {  	_ =	shalt  }
0x54: {  	_ =	shalt  }
0x55: {  	_ =	shalt  }
0x56: {  	_ =	shalt  }
0x57: {  	_ =	shalt  }
0x58: {  	_ =	shalt  }
0x59: {  	_ =	shalt  }
0x5a: {  	_ =	shalt  }
0x5b: {  	_ =	shalt  }
0x5c: {  	_ =	shalt  }
0x5d: {  	_ =	shalt  }
0x5e: {  	_ =	shalt  }
0x5f: {  	_ =	shalt  }
0x60: {  	_ =	shalt  }
0x61: {  	_ =	shalt  }
0x62: {  	_ =	shalt  }
0x63: {  	_ =	shalt  }
0x64: {  	_ =	shalt  }
0x65: {  	_ =	shalt  }
0x66: {  	_ =	shalt  }
0x67: {  	_ =	shalt  }
0x68: {  	_ =	shalt  }
0x69: {  	_ =	shalt  }
0x6a: {  	_ =	shalt  }
0x6b: {  	_ =	shalt  }
0x6c: {  	_ =	shalt  }
0x6d: {  	_ =	shalt  }
0x6e: {  	_ =	shalt  }
0x6f: {  	_ =	shalt  }
0x70: {  	_ =	shalt  }
0x71: {  	_ =	shalt  }
0x72: {  	_ =	shalt  }
0x73: {  	_ =	shalt  }
0x74: {  	_ =	shalt  }
0x75: {  	_ =	shalt  }
0x76: {  	_ =	shalt  }
0x77: {  	_ =	shalt  }
0x78: {  	_ =	shalt  }
0x79: {  	_ =	shalt  }
0x7a: {  	_ =	shalt  }
0x7b: {  	_ =	shalt  }
0x7c: {  	_ =	shalt  }
0x7d: {  	_ =	shalt  }
0x7e: {  	_ =	shalt  }
0x7f: {  	_ =	shalt  }
0x80: {  	_ =	shalt  }
0x81: {  	_ =	shalt  }
0x82: {  	_ =	shalt  }
0x83: {  	_ =	shalt  }
0x84: {  	_ =	shalt  }
0x85: {  	_ =	shalt  }
0x86: {  	_ =	shalt  }
0x87: {  	_ =	shalt  }
.Lfunc_end0:
.L_simem_size_0:
called_computation.2_lowered:
.L_overlay_start_0:
0x88: {  	s2 =	sld [smem:$0x3FD9]  }
0x89: {  	s3 =	sld [smem:$0x3FFE];
	_ =	sdelay $0x1  }
0x8a: {  	s1 =	srdreg.scid  }
0x8b: {  	s0 =	sand.u32 $0x1, s1  }
0x8c: {  	s16 =	sshll.u32 s0, $0xA;
	s2 =	sadd.s32 s3, s2  }
0x8d: {  	s2 =	sadd.s32 s2, s16  }
0x8e: {  	[smem:$0x3FC1] =	sst s2  }
0x8f: {  	_ = 	snop  }
0x90: {  	(tm) =	ssettm $0x1  }
0x91: {  	s17 =	sld [smem:$0x3FFB];
	_ =	sdelay $0x3  }
0x92: {  	_ =	strace s17  }
0x93: {  	s2 =	sld [smem:$0x3FFC];
	_ =	sdelay $0x3  }
0x94: {  	_ =	strace s2  }
0x95: {  	s2 =	sld [smem:$0x3FFD];
	_ =	sdelay $0x3  }
0x96: {  	_ =	strace s2  }
0x97: {  	_ =	strace $0x8FFFFFFF  }
0x98: {  	s18 =	sld [smem:$0x3FDB];
	_ =	sdelay $0x1  }
0x99: {  	s19 =	simm.s32 $_scs_section_size  }
0x9a: {  	s4 =	simm.s32 $_size__tile_overlayer_lowered;
	s5 =	simm.s32 $_tile_overlayer_lowered  }
0x9b: {  	s22 =	simm.s32 $0x1BFF;
	s21 =	sshll.u32 s5, $0x1;
	s2 =	sadd.s32 s19, s18  }
0x9c: {  	s6 =	simm.s32 $0x0;
	s20 =	sshll.u32 s4, $0x1;
	s4 =	sadd.s32 s21, s2  }
0x9d: {  	[timem:s6], [sflag:s22] =	dma.local [hbm:s4], s20  }
0x9e: {  	_ =	swait.ge [sflag:s22], s20  }
0x9f: {  	s3 =	ssub.s32 $0x0, s20;
	[sflag:s22] =	ssyncset.done $0x0  }
0xa0: {  	[sflag:s22] =	ssyncadd.s32 s3;
	_ =	sdelay $0x1  }
0xa1: {  	s23 =	simm.s32 $0x1B8B  }
0xa2: {  	_ =	swait.ge [sflag:s23], $0x1  }
0xa3: {  	[sflag:s23] =	ssyncset.done $0x0  }
0xa4: {  	s25 =	simm.s32 $0x1B8E;
	s24 =	sld [smem:$0x3FFE];
	[sflag:s23] =	ssyncadd.s32 $0xFFFFFFFF  }
0xa5: {  	s26 =	simm.s32 $execute0_lowered;
	[smem:$0x3FD2] =	sst s25  }
0xa6: {  	s4 =	sshll.u32 s26, $0x1;
	_ =	strace $0x8000004C;
	[dreg:$0x1] =	wrdreg $0xFFFFFFFF  }
0xa7: {  	s28 =	simm.s32 $_size_execute0_lowered;
	s2 =	sadd.s32 s2, s4;
	[dreg:$0x0] =	wrdreg $0x0  }
0xa8: {  	s4 =	sshll.u32 s28, $0x1;
	[dreg:$0x2] =	wrdreg s2  }
0xa9: {  	[dreg:$0x3] =	wrdreg s4  }
0xaa: {  	[dreg:$0x4] =	wrdreg $0xC0  }
0xab: {  	_ =	task [dreg:s6], $0x5FFFF  }
0xac: {  	[dreg:$0x1] =	wrdreg $0xFFFFFFFF  }
0xad: {  	[dreg:$0x0] =	wrdreg $0x60  }
0xae: {  	[dreg:$0x2] =	wrdreg s24  }
0xaf: {  	[dreg:$0x3] =	wrdreg $0x5000  }
0xb0: {  	[dreg:$0x4] =	wrdreg $0x9  }
0xb1: {  	_ =	task.clear_ibuf [dreg:s6], $0x5FFFF;
	_ =	strace $0x9000004C  }
0xb2: {  	s29 =	simm.s32 $0x9;
	_ =	strace $0x8000004E  }
0xb3: {  	_ =	swait.ge [sflag:s29], $0x1  }
0xb4: {  	[sflag:s29] =	ssyncadd.s32 $0xFFFFFFFF  }
0xb5: {  	_ =	strace $0x9000004E  }
0xb6: {  	_ =	sfence  }
0xb7: {  	s30 =	sld [smem:$0x0];
	_ =	sdelay $0x2  }
0xb8: {  	s31 =	sshll.u32 s1, $0xD;
	s1 =	sshrl.u32 s1, $0x2  }
0xb9: {  	s3 =	sand.u32 $0x4000, s31;
	s1 =	sadd.s32 s1, s30  }
0xba: {  	s0 =	sor.u32 s3, s0;
	s1 =	sshll.u32 s1, $0x11  }
0xbb: {  	s0 =	sor.u32 s1, s0  }
0xbc: {  	s0 =	sadd.s32 $0x8F2B, s0  }
0xbd: {  	[sflag:s0] =	ssyncadd.remote.s32 $0x1  }
0xbe: {  	_ =	sfence.sel $0xFFFF  }
0xbf: {  	[dreg:$0x0] =	wrdreg $0xFFFFFFFF;
	(pc) =	sbr.abs _section_cstart, $3  }
0xc0: {  	[dreg:$0x1] =	wrdreg $0xFFFFFFFF  }
0xc1: {  	_ =	task.clear_ibuf [dreg:s6], $0x2FFFF;
	_ =	strace $0x9FFFFFFF  }
0xc2: {  	(tm) =	ssettm $0x7FFFFFFF  }
0xc3: {  	_ =	shalt  }
tec
execute0_lowered:
.L_overlay_start_1:
0x0: {  	(tag) =	ssettag $0x1  }
0x1: {  	s5 =	rddreg [dreg:$0x0]  }
0x2: {  	s2 =	rddreg [dreg:$0x1]  }
0x3: {  	s0 =	rddreg [dreg:$0x2]  }
0x4: {  	s3 =	simm.s32 $0x0;
	s4 =	srdreg.scid;
	s1 =	stileid.u32  }
0x5: {  	s12 =	simm.s32 $0x1;
	s13 =	simm.s32 $0x100;
	s14 =	simm.s32 $0x180  }
0x6: {  	s15 =	simm.s32 $0x80;
	s16 =	simm.s32 $0x200;
	s19 =	simm.s32 $0x20  }
0x7: {  	s20 =	simm.s32 $0x10;
	s21 =	simm.s32 $0x0;
	s7 =	smul.u32 $0x500, s1  }
0x8: {  	[smem:$0x7FF] =	sst s3;
	s6 =	sand.u32 $0x1, s4;
	s30 =	smul.u32 $0xA00, s1  }
0x9: {  	s4 =	sadd.s32 $0x15600, s5;
	s11 =	smul.u32 $0x4F0, s1;
	s17 =	sshll.u32 s1, $0x6  }
0xa: {  	_ =	strace $0x8000004D;
	s8 =	smul.u32 $0x4F00, s6;
	s9 =	sshll.u32 s6, $0x7  }
0xb: {  	s6 =	ssub.s32 $0x2, s6;
	s17 =	sor.u32 $0x1C01, s17;
	s7 =	sor.u32 s9, s7  }
0xc: {  	s10 =	sshrl.u32 s6, $0x1;
	s9 =	sshrl.u32 s30, $0x2;
	s7 =	sshrl.u32 s7, $0x3  }
0xd: {  	s8 =	sadd.s32 s8, s5;
	s10 =	ssub.s32 s6, s10;
	s7 =	sadd.s32 s7, s5  }
0xe: {  	s5 =	sadd.s32 s9, s2;
	s31 =	sadd.s32 s11, s8;
	s11 =	simm.s32 $0x280  }
0xf: {  	s6 =	sadd.s32 $0x1FE00, s7;
	s7 =	smax.u32 s10, $0x1;
	s8 =	sadd.s32 $0x16000, s31  }
0x10: {  	v0 =	vimm.f32 $0.0e+00;
	s9 =	sadd.s32 $0xB800, s31;
	s10 =	sadd.s32 $0x1A00, s31;
	s18 =	sshrl.u32 s5, $0x3  }
.LBB2_1:
0x11: {  	[tilespmem:$0x280] =	vst v0  }
0x12: {  	[tilespmem:$0x290] =	vst v0  }
0x13: {  	[tilespmem:$0x2A0] =	vst v0  }
0x14: {  	[tilespmem:$0x2B0] =	vst v0  }
0x15: {  	[tilespmem:$0x2C0] =	vst v0  }
0x16: {  	[tilespmem:$0x2D0] =	vst v0  }
0x17: {  	[tilespmem:$0x2E0] =	vst v0  }
0x18: {  	[tilespmem:$0x2F0] =	vst v0  }
0x19: {  	[tilespmem:$0x300] =	vst v0  }
0x1a: {  	[tilespmem:$0x310] =	vst v0  }
0x1b: {  	[tilespmem:$0x320] =	vst v0  }
0x1c: {  	[tilespmem:$0x330] =	vst v0  }
0x1d: {  	[tilespmem:$0x340] =	vst v0  }
0x1e: {  	[tilespmem:$0x350] =	vst v0  }
0x1f: {  	[tilespmem:$0x360] =	vst v0  }
0x20: {  	[tilespmem:$0x370] =	vst v0  }
0x21: {  	[tilespmem:$0x380] =	vst v0  }
0x22: {  	[tilespmem:$0x390] =	vst v0  }
0x23: {  	[tilespmem:$0x3A0] =	vst v0  }
0x24: {  	[tilespmem:$0x3B0] =	vst v0  }
0x25: {  	[tilespmem:$0x3C0] =	vst v0  }
0x26: {  	[tilespmem:$0x3D0] =	vst v0  }
0x27: {  	[tilespmem:$0x3E0] =	vst v0  }
0x28: {  	[tilespmem:$0x3F0] =	vst v0  }
0x29: {  	[tilespmem:$0x400] =	vst v0  }
0x2a: {  	[tilespmem:$0x410] =	vst v0  }
0x2b: {  	[tilespmem:$0x420] =	vst v0  }
0x2c: {  	[tilespmem:$0x430] =	vst v0  }
0x2d: {  	[tilespmem:$0x440] =	vst v0  }
0x2e: {  	[tilespmem:$0x450] =	vst v0  }
0x2f: {  	[tilespmem:$0x460] =	vst v0  }
0x30: {  	[tilespmem:$0x470] =	vst v0  }
0x31: {  	[tilespmem:$0x480] =	vst v0  }
0x32: {  	[tilespmem:$0x490] =	vst v0  }
0x33: {  	[tilespmem:$0x4A0] =	vst v0  }
0x34: {  	[tilespmem:$0x4B0] =	vst v0  }
0x35: {  	[tilespmem:$0x4C0] =	vst v0  }
0x36: {  	[tilespmem:$0x4D0] =	vst v0  }
0x37: {  	[tilespmem:$0x4E0] =	vst v0  }
0x38: {  	[tilespmem:$0x4F0] =	vst v0  }
0x39: {  	[spmem:s5] =	stream.linear.scatter [tilespmem:s11], [sflag:$0x1], $0x280, $0x38;
	[tilespmem:$0x780] =	vst v63  }
0x3a: {  	_ =	swait.ge [sflag:s12], $0x280  }
0x3b: {  	[sflag:s12] =	ssyncset.done $0x0  }
0x3c: {  	[sflag:s12] =	ssyncadd.s32 $0xFFFFFD80  }
0x3d: {  	s22 =	sadd.s32 $0x0, s10;
	[bflag:$0x0] =	sbarrier.arrive $0xFFFF  }
0x3e: {  	[tilespmem:s13], [sflag:$0x1] =	stream.linear.gather [hbm4b:s22+s3], $0x80, $0x38;
	[tilespmem:$0x780] =	vst v63  }
0x3f: {  	_ =	swait.ge [sflag:s12], $0x80  }
0x40: {  	[sflag:s12] =	ssyncset.done $0x0  }
0x41: {  	s30 =	sadd.s32 $0x0, s9;
	[sflag:s12] =	ssyncadd.s32 $0xFFFFFF80  }
0x42: {  	[tilespmem:s14], [sflag:$0x1] =	stream.linear.gather [hbm4b:s30+s3], $0x80, $0x38;
	[tilespmem:$0x780] =	vst v63  }
0x43: {  	_ =	swait.ge [sflag:s12], $0x80  }
0x44: {  	[sflag:s12] =	ssyncset.done $0x0  }
0x45: {  	s31 =	sadd.s32 $0x0, s8;
	[sflag:s12] =	ssyncadd.s32 $0xFFFFFF80  }
0x46: {  	[tilespmem:s15], [sflag:$0x1] =	stream.linear.gather [hbm4b:s31+s3], $0x80, $0x38;
	[tilespmem:$0x780] =	vst v63  }
0x47: {  	_ =	swait.ge [sflag:s12], $0x80  }
0x48: {  	[sflag:s12] =	ssyncset.done $0x0  }
0x49: {  	s22 =	simm.s32 $0x10;
	[sflag:s12] =	ssyncadd.s32 $0xFFFFFF80  }
0x4a: {  	[tilespmem:s3], [sflag:$0x1] =	stream.indirect.gather [hbm4b:s4+s15], $0x1, s15, s15, $0xb8;
	[tilespmem:$0x780] =	vst v63  }
.LBB2_2:
0x4b: {  	p0 =	sne.s32 s22, $0x4E0  }
0x4c: {  	_ =	swait.ge [sflag:s12], $0x80;
	s23 =	smov.u32 s22;
	s22 =	sadd.s32 $0x10, s22  }
0x4d: {  	[sflag:s12] =	ssyncset.done $0x0  }
0x4e: {  	[sflag:s12] =	ssyncadd.s32 $0xFFFFFF80  }
0x4f: {  	v1 =	vld [tilespmem:$0x50]  }
0x50: {  	v2 =	vld [tilespmem:$0x1D0]  }
0x51: {  	v3 =	vld [tilespmem:$0x60]  }
0x52: {  	v4 =	vld [tilespmem:$0x40]  }
0x53: {  	v5 =	vld [tilespmem:$0x70]  }
0x54: {  	v6 =	vld [tilespmem:$0x1F0]  }
0x55: {  	v7 =	vld [tilespmem:$0x30]  }
0x56: {  	v8 =	vld [tilespmem:$0x10]  }
0x57: {  	v9 =	vld [tilespmem:$0x1C0]  }
0x58: {  	v1 =	vmul.f32 v1, v2;
	v10 =	vld [tilespmem:$0x20]  }
0x59: {  	v2 =	vld [tilespmem:$0x1B0];
	v5 =	vmul.f32 v5, v6  }
0x5a: {  	v6 =	vld [tilespmem:$0x180];
	[tilespmem:$0x250] =	vst v1  }
0x5b: {  	v1 =	vld [tilespmem:$0x1A0];
	[tilespmem:$0x270] =	vst v5  }
0x5c: {  	v4 =	vmul.f32 v4, v9;
	v5 =	vld [tilespmem:$0x1E0]  }
0x5d: {  	v9 =	vld [tilespmem:$0x0]  }
0x5e: {  	v11 =	vld [tilespmem:$0x190];
	v2 =	vmul.f32 v7, v2;
	[tilespmem:$0x240] =	vst v4;
	_ =	sdelay $0x1  }
0x5f: {  	v1 =	vmul.f32 v10, v1;
	[tilespmem:$0x230] =	vst v2  }
0x60: {  	v2 =	vmul.f32 v3, v5  }
0x61: {  	v3 =	vmul.f32 v9, v6;
	[tilespmem:$0x220] =	vst v1  }
0x62: {  	v1 =	vmul.f32 v8, v11;
	[tilespmem:$0x260] =	vst v2  }
0x63: {  	[tilespmem:$0x200] =	vst v3  }
0x64: {  	[tilespmem:$0x210] =	vst v1  }
0x65: {  	[spmem:s2] =	stream.indirect.scatter.add.f32 [tilespmem:s16], [sflag:$0x1], $0x1, s13, s15, $0xb8;
	[tilespmem:$0x780] =	vst v63  }
0x66: {  	_ =	swait.ge [sflag:s12], $0x80  }
0x67: {  	[sflag:s12] =	ssyncset.done $0x0  }
0x68: {  	s24 =	sadd.s32 s23, s10;
	[sflag:s12] =	ssyncadd.s32 $0xFFFFFF80  }
0x69: {  	[tilespmem:s13], [sflag:$0x1] =	stream.linear.gather [hbm4b:s24+s3], $0x80, $0x38;
	[tilespmem:$0x780] =	vst v63  }
0x6a: {  	_ =	swait.ge [sflag:s12], $0x80  }
0x6b: {  	[sflag:s12] =	ssyncset.done $0x0  }
0x6c: {  	s24 =	sadd.s32 s23, s9;
	[sflag:s12] =	ssyncadd.s32 $0xFFFFFF80  }
0x6d: {  	[tilespmem:s14], [sflag:$0x1] =	stream.linear.gather [hbm4b:s24+s3], $0x80, $0x38;
	[tilespmem:$0x780] =	vst v63  }
0x6e: {  	_ =	swait.ge [sflag:s12], $0x80  }
0x6f: {  	[sflag:s12] =	ssyncset.done $0x0  }
0x70: {  	s23 =	sadd.s32 s23, s8;
	[sflag:s12] =	ssyncadd.s32 $0xFFFFFF80  }
0x71: {  	[tilespmem:s15], [sflag:$0x1] =	stream.linear.gather [hbm4b:s23+s3], $0x80, $0x38;
	[tilespmem:$0x780] =	vst v63  }
.Ltmp0:
0x72: {  	_ = 	snop;
	(pc) =	sbr.rel @p0 .LBB2_2-.Ltmp0, $4  }
0x73: {  	_ =	swait.ge [sflag:s12], $0x80  }
0x74: {  	[sflag:s12] =	ssyncset.done $0x0  }
0x75: {  	[sflag:s12] =	ssyncadd.s32 $0xFFFFFF80  }
0x76: {  	[tilespmem:s3], [sflag:$0x1] =	stream.indirect.gather [hbm4b:s4+s15], $0x1, s15, s15, $0xb8;
	[tilespmem:$0x780] =	vst v63  }
0x77: {  	_ =	swait.ge [sflag:s12], $0x80  }
0x78: {  	[sflag:s12] =	ssyncset.done $0x0  }
0x79: {  	[sflag:s12] =	ssyncadd.s32 $0xFFFFFF80  }
0x7a: {  	v1 =	vld [tilespmem:$0x50]  }
0x7b: {  	v2 =	vld [tilespmem:$0x1D0]  }
0x7c: {  	v3 =	vld [tilespmem:$0x60]  }
0x7d: {  	v4 =	vld [tilespmem:$0x40]  }
0x7e: {  	v5 =	vld [tilespmem:$0x70]  }
0x7f: {  	v6 =	vld [tilespmem:$0x1F0]  }
0x80: {  	v7 =	vld [tilespmem:$0x30]  }
0x81: {  	v8 =	vld [tilespmem:$0x10]  }
0x82: {  	v9 =	vld [tilespmem:$0x1C0]  }
0x83: {  	v10 =	vld [tilespmem:$0x20]  }
0x84: {  	v11 =	vld [tilespmem:$0x1B0]  }
0x85: {  	v12 =	vld [tilespmem:$0x180]  }
0x86: {  	v13 =	vld [tilespmem:$0x1A0]  }
0x87: {  	v1 =	vmul.f32 v1, v2;
	v2 =	vld [tilespmem:$0x1E0]  }
0x88: {  	v61 =	vld [tilespmem:$0x0];
	v5 =	vmul.f32 v5, v6  }
0x89: {  	v62 =	vld [tilespmem:$0x190];
	[tilespmem:$0x250] =	vst v1;
	v1 =	vmul.f32 v4, v9  }
0x8a: {  	v63 =	vmul.f32 v7, v11;
	[tilespmem:$0x270] =	vst v5  }
0x8b: {  	[tilespmem:$0x240] =	vst v1;
	v1 =	vmul.f32 v10, v13  }
0x8c: {  	[tilespmem:$0x230] =	vst v63;
	v2 =	vmul.f32 v3, v2  }
0x8d: {  	v3 =	vmul.f32 v61, v12;
	[tilespmem:$0x220] =	vst v1  }
0x8e: {  	v1 =	vmul.f32 v8, v62;
	[tilespmem:$0x260] =	vst v2  }
0x8f: {  	[tilespmem:$0x200] =	vst v3  }
0x90: {  	[tilespmem:$0x210] =	vst v1  }
0x91: {  	[spmem:s2] =	stream.indirect.scatter.add.f32 [tilespmem:s16], [sflag:$0x1], $0x1, s13, s15, $0xb8;
	[tilespmem:$0x780] =	vst v63  }
0x92: {  	_ =	swait.ge [sflag:s12], $0x80  }
0x93: {  	s21 =	sadd.s32 $0x1, s21;
	[sflag:s12] =	ssyncset.done $0x0  }
0x94: {  	p0 =	sne.s32 s21, s7;
	[sflag:s12] =	ssyncadd.s32 $0xFFFFFF80  }
.Ltmp1:
0x95: {  	[bflag:$0x0] =	sbarrier.arrive $0xFFFF;
	(pc) =	sbr.rel @p0 .LBB2_1-.Ltmp1, $4  }
0x96: {  	[hbm:s6@s19], [sflag:s17] =	dma.strided [spmem:s18@s20], $0x50, s12, $0x10   }
0x97: {  	_ =	swait.ge [sflag:s12], $0x50  }
0x98: {  	[sflag:s12] =	ssyncset.done $0x0  }
0x99: {  	[sflag:s12] =	ssyncadd.s32 $0xFFFFFFB0  }
0x9a: {  	_ =	sfence.sel $0x180000  }
0x9b: {  	[bflag:$0x0] =	sbarrier.arrive $0xFFFF  }
0x9c: {  	p0 =	sne.s32 s1, $0x0;
	_ =	strace $0x9000004D  }
0x9d: {  	s0 =	sadd.s32 @!p0 $0x100000, s0;
	[bflag:$0x2] =	sbarrier.arrive $0xFFFF  }
0x9e: {  	[sflag:s0] =	ssyncadd.tile.s32 @!p0 $0x1;
	_ =	shalt  }
.Lfunc_end2:
_tile_overlayer_lowered:
.L_overlay_start_2:
0x9f: {  	(tag) =	ssettag $0x2  }
0xa0: {  	s0 =	rddreg [dreg:$0x0];
	s2 =	stileid.u32  }
0xa1: {  	s1 =	rddreg [dreg:$0x1];
	p0 =	sne.s32 s2, $0x0  }
0xa2: {  	s3 =	rddreg [dreg:$0x2];
	[bflag:$0x3] =	sbarrier.arrive $0xFFFF;
	s2 =	simm.s32 @!p0 $0x1C01  }
0xa3: {  	[timem:s3], [sflag:s2] =	dma.local @!p0 [hbm:s0], s1  }
0xa4: {  	s0 =	simm.s32 @!p0 $0x1  }
0xa5: {  	_ =	swait.ge @!p0 [sflag:s0], s1  }
0xa6: {  	s1 =	ssub.s32 @!p0 $0x0, s1;
	[sflag:s0] =	ssyncset.done @!p0 $0x0  }
0xa7: {  	[sflag:s0] =	ssyncadd.s32 @!p0 s1  }
0xa8: {  	[bflag:$0x3] =	sbarrier.arrive $0xFFFF  }
0xa9: {  	_ =	shalt  }

// kernel: kernel.8.cloned.1.call-start
scs
__scs_entry_jumppad:
0x0: {  	(pc) =	sbr.rel $0x88, $3  }
0x1: {  	(tag) =	ssettag $0x0;
	lr =	simm.s32 $0x1  }
0x2: {  	[smem:$0x3F9A] =	sst lr;
	_ =	strace $0xD0000000  }
0x3: {  	_ = 	snop  }
0x4: {  	_ = 	snop  }
0x5: {  	_ = 	snop  }
0x6: {  	_ = 	snop  }
0x7: {  	_ = 	snop  }
__scs_overlays_trampoline_lowered:
0x8: {  	[smem:$0x3FA9] =	sst s0  }
0x9: {  	[smem:$0x3FAA] =	sst s1  }
0xa: {  	[smem:$0x3FAB] =	sst s2  }
0xb: {  	[smem:$0x3FAC] =	sst s3  }
0xc: {  	[smem:$0x3FAD] =	sst s4  }
0xd: {  	[smem:$0x3FAE] =	sst s5  }
0xe: {  	[smem:$0x3FAF] =	sst s6  }
0xf: {  	[smem:$0x3FB0] =	sst s7  }
0x10: {  	[smem:$0x3FB1] =	sst s8  }
0x11: {  	[smem:$0x3FB2] =	sst s9;
	s0 =	simm.s32 @!p0 $0x0  }
0x12: {  	s1 =	sld [smem:$0x3F98];
	s0 =	simm.s32 @p0 $0x1  }
0x13: {  	[smem:$0x3FB3] =	sst s0;
	s0 =	simm.s32 @!p1 $0x0  }
0x14: {  	s2 =	sld [smem:$0x3F97];
	s0 =	simm.s32 @p1 $0x1  }
0x15: {  	[smem:$0x3FB4] =	sst s0;
	s0 =	simm.s32 @!p2 $0x0  }
0x16: {  	s3 =	sld [smem:$0x3FDB];
	s0 =	simm.s32 @p2 $0x1  }
0x17: {  	s4 =	simm.s32 $0x1BF5;
	[smem:$0x3FB6] =	sst s0  }
0x18: {  	s0 =	sld [smem:$0x3F99];
	_ =	swait.ge [sflag:s4], $0x0  }
0x19: {  	s7 =	sld [smem:$0x3F9A]  }
0x1a: {  	s8 =	sadd.s32 $0xFFFFE003, lr  }
0x1b: {  	s9 =	sadd.s32 $0xFFFFFEF7, lr;
	s5 =	simm.s32 $0xFFFFFFFF;
	p2 =	slt.u32 s8, $0xFFFFF086  }
0x1c: {  	p1 =	slt.u32 s9, $0xF7A;
	s5 =	simm.s32 @!p2 $0x0  }
0x1d: {  	s5 =	simm.s32 @p1 $0x1;
	p0 =	seq.s32 s7, s2  }
0x1e: {  	s7 =	smul.u32 @!p0 $0xF7A, s2;
	p2 =	seq.s32 @!p0 s5, $0x0  }
0x1f: {  	s9 =	smul.u32 $0xF7A, s1;
	s8 =	simm.s32 @!p0 $0x1BF5;
	p2 =	por !p2, p0  }
0x20: {  	[sflag:s8] =	ssyncset.s32 @!p0 $0xFFFFF086;
	s6 =	sadd.s32 @!p0 s3, s7;
	s7 =	simm.s32 @!p0 $0x108  }
0x21: {  	s3 =	sadd.s32 s3, s9;
	s6 =	sadd.s32 @!p0 $0x88, s6;
	s7 =	simm.s32 @p2 $0x1082  }
0x22: {  	[simem:s7], [sflag:s8] =	dma.local @!p0 [hbm:s6], $0xF7A  }
0x23: {  	s9 =	sor.u32 $0xD0000000, s2;
	s6 =	simm.s32 $0x108;
	_ =	swait.ge @!p0 [sflag:s8], $0x0  }
0x24: {  	s3 =	sadd.s32 $0x88, s3;
	s6 =	simm.s32 @!p1 $0x1082;
	[sflag:s4] =	ssyncset.s32 $0xFFFFF086  }
0x25: {  	[simem:s6], [sflag:s4] =	dma.local [hbm:s3], $0xF7A  }
0x26: {  	[smem:$0x3F9A] =	sst s1;
	(tag) =	ssettag s2;
	_ =	strace s9  }
0x27: {  	s1 =	sld [smem:$0x3FAA]  }
0x28: {  	s2 =	sld [smem:$0x3FAB]  }
0x29: {  	s4 =	sld [smem:$0x3FAD]  }
0x2a: {  	p0 =	seq.s32 s5, $0x0;
	s5 =	sld [smem:$0x3FAE]  }
0x2b: {  	s6 =	sld [smem:$0x3FAF]  }
0x2c: {  	s7 =	sld [smem:$0x3FB0]  }
0x2d: {  	s3 =	simm.s32 $0x108;
	s8 =	sld [smem:$0x3FB1]  }
0x2e: {  	s3 =	simm.s32 @!p0 $0x1082;
	s9 =	sld [smem:$0x3FB2]  }
0x2f: {  	lr =	sadd.s32 s0, s3;
	s0 =	sld [smem:$0x3FA9]  }
0x30: {  	s3 =	sld [smem:$0x3FAC]  }
0x31: {  	[smem:$0x3FB5] =	sst s10  }
0x32: {  	s10 =	sld [smem:$0x3FB3];
	_ =	sdelay $0x3  }
0x33: {  	p0 =	seq.s32 s10, $0x1;
	s10 =	sld [smem:$0x3FB5];
	_ =	sdelay $0x3  }
0x34: {  	[smem:$0x3FB5] =	sst s10  }
0x35: {  	s10 =	sld [smem:$0x3FB4];
	_ =	sdelay $0x3  }
0x36: {  	p1 =	seq.s32 s10, $0x1;
	s10 =	sld [smem:$0x3FB5];
	_ =	sdelay $0x3  }
0x37: {  	[smem:$0x3FB5] =	sst s10  }
0x38: {  	s10 =	sld [smem:$0x3FB6]  }
0x39: {  	_ = 	snop;
	(pc) =	sbr.ind lr, $3  }
0x3a: {  	_ = 	snop  }
0x3b: {  	_ = 	snop  }
0x3c: {  	p2 =	seq.s32 s10, $0x1;
	s10 =	sld [smem:$0x3FB5]  }
0x3d: {  	_ =	shalt  }
0x3e: {  	_ =	shalt  }
0x3f: {  	_ =	shalt  }
0x40: {  	_ =	shalt  }
0x41: {  	_ =	shalt  }
0x42: {  	_ =	shalt  }
0x43: {  	_ =	shalt  }
0x44: {  	_ =	shalt  }
0x45: {  	_ =	shalt  }
0x46: {  	_ =	shalt  }
0x47: {  	_ =	shalt  }
0x48: {  	_ =	shalt  }
0x49: {  	_ =	shalt  }
0x4a: {  	_ =	shalt  }
0x4b: {  	_ =	shalt  }
0x4c: {  	_ =	shalt  }
0x4d: {  	_ =	shalt  }
0x4e: {  	_ =	shalt  }
0x4f: {  	_ =	shalt  }
0x50: {  	_ =	shalt  }
0x51: {  	_ =	shalt  }
0x52: {  	_ =	shalt  }
0x53: {  	_ =	shalt  }
0x54: {  	_ =	shalt  }
0x55: {  	_ =	shalt  }
0x56: {  	_ =	shalt  }
0x57: {  	_ =	shalt  }
0x58: {  	_ =	shalt  }
0x59: {  	_ =	shalt  }
0x5a: {  	_ =	shalt  }
0x5b: {  	_ =	shalt  }
0x5c: {  	_ =	shalt  }
0x5d: {  	_ =	shalt  }
0x5e: {  	_ =	shalt  }
0x5f: {  	_ =	shalt  }
0x60: {  	_ =	shalt  }
0x61: {  	_ =	shalt  }
0x62: {  	_ =	shalt  }
0x63: {  	_ =	shalt  }
0x64: {  	_ =	shalt  }
0x65: {  	_ =	shalt  }
0x66: {  	_ =	shalt  }
0x67: {  	_ =	shalt  }
0x68: {  	_ =	shalt  }
0x69: {  	_ =	shalt  }
0x6a: {  	_ =	shalt  }
0x6b: {  	_ =	shalt  }
0x6c: {  	_ =	shalt  }
0x6d: {  	_ =	shalt  }
0x6e: {  	_ =	shalt  }
0x6f: {  	_ =	shalt  }
0x70: {  	_ =	shalt  }
0x71: {  	_ =	shalt  }
0x72: {  	_ =	shalt  }
0x73: {  	_ =	shalt  }
0x74: {  	_ =	shalt  }
0x75: {  	_ =	shalt  }
0x76: {  	_ =	shalt  }
0x77: {  	_ =	shalt  }
0x78: {  	_ =	shalt  }
0x79: {  	_ =	shalt  }
0x7a: {  	_ =	shalt  }
0x7b: {  	_ =	shalt  }
0x7c: {  	_ =	shalt  }
0x7d: {  	_ =	shalt  }
0x7e: {  	_ =	shalt  }
0x7f: {  	_ =	shalt  }
0x80: {  	_ =	shalt  }
0x81: {  	_ =	shalt  }
0x82: {  	_ =	shalt  }
0x83: {  	_ =	shalt  }
0x84: {  	_ =	shalt  }
0x85: {  	_ =	shalt  }
0x86: {  	_ =	shalt  }
0x87: {  	_ =	shalt  }
.Lfunc_end0:
.L_simem_size_0:
called_computation_lowered:
.L_overlay_start_0:
0x88: {  	s2 =	sld [smem:$0x3FD9]  }
0x89: {  	s3 =	sld [smem:$0x3FFE];
	_ =	sdelay $0x1  }
0x8a: {  	s1 =	srdreg.scid  }
0x8b: {  	s0 =	sand.u32 $0x1, s1  }
0x8c: {  	s16 =	sshll.u32 s0, $0xA;
	s2 =	sadd.s32 s3, s2  }
0x8d: {  	s2 =	sadd.s32 s2, s16  }
0x8e: {  	[smem:$0x3FC1] =	sst s2  }
0x8f: {  	_ = 	snop  }
0x90: {  	(tm) =	ssettm $0x1  }
0x91: {  	s17 =	sld [smem:$0x3FFB];
	_ =	sdelay $0x3  }
0x92: {  	_ =	strace s17  }
0x93: {  	s2 =	sld [smem:$0x3FFC];
	_ =	sdelay $0x3  }
0x94: {  	_ =	strace s2  }
0x95: {  	s2 =	sld [smem:$0x3FFD];
	_ =	sdelay $0x3  }
0x96: {  	_ =	strace s2  }
0x97: {  	_ =	strace $0x8FFFFFFF  }
0x98: {  	s18 =	sld [smem:$0x3FDB];
	_ =	sdelay $0x1  }
0x99: {  	s19 =	simm.s32 $_scs_section_size  }
0x9a: {  	s4 =	simm.s32 $_size__tile_overlayer_lowered;
	s5 =	simm.s32 $_tile_overlayer_lowered  }
0x9b: {  	s22 =	simm.s32 $0x1BFF;
	s21 =	sshll.u32 s5, $0x1;
	s2 =	sadd.s32 s19, s18  }
0x9c: {  	s6 =	simm.s32 $0x0;
	s20 =	sshll.u32 s4, $0x1;
	s4 =	sadd.s32 s21, s2  }
0x9d: {  	[timem:s6], [sflag:s22] =	dma.local [hbm:s4], s20  }
0x9e: {  	_ =	swait.ge [sflag:s22], s20  }
0x9f: {  	s3 =	ssub.s32 $0x0, s20;
	[sflag:s22] =	ssyncset.done $0x0  }
0xa0: {  	[sflag:s22] =	ssyncadd.s32 s3;
	_ =	sdelay $0x1  }
0xa1: {  	s23 =	simm.s32 $0x1B8B  }
0xa2: {  	_ =	swait.ge [sflag:s23], $0x1  }
0xa3: {  	[sflag:s23] =	ssyncset.done $0x0  }
0xa4: {  	s25 =	simm.s32 $0x1B8E;
	s24 =	sld [smem:$0x3FFE];
	[sflag:s23] =	ssyncadd.s32 $0xFFFFFFFF  }
0xa5: {  	s26 =	simm.s32 $execute0_lowered;
	[smem:$0x3FD2] =	sst s25  }
0xa6: {  	s4 =	sshll.u32 s26, $0x1;
	_ =	strace $0x80000046;
	[dreg:$0x1] =	wrdreg $0xFFFFFFFF  }
0xa7: {  	s28 =	simm.s32 $_size_execute0_lowered;
	s2 =	sadd.s32 s2, s4;
	[dreg:$0x0] =	wrdreg $0x0  }
0xa8: {  	s4 =	sshll.u32 s28, $0x1;
	[dreg:$0x2] =	wrdreg s2  }
0xa9: {  	[dreg:$0x3] =	wrdreg s4  }
0xaa: {  	[dreg:$0x4] =	wrdreg $0xC0  }
0xab: {  	_ =	task [dreg:s6], $0x5FFFF  }
0xac: {  	[dreg:$0x1] =	wrdreg $0xFFFFFFFF  }
0xad: {  	[dreg:$0x0] =	wrdreg $0x60  }
0xae: {  	[dreg:$0x2] =	wrdreg s24  }
0xaf: {  	[dreg:$0x3] =	wrdreg $0x3800  }
0xb0: {  	[dreg:$0x4] =	wrdreg $0x9  }
0xb1: {  	_ =	task.clear_ibuf [dreg:s6], $0x5FFFF;
	_ =	strace $0x90000046  }
0xb2: {  	s29 =	simm.s32 $0x9;
	_ =	strace $0x80000048  }
0xb3: {  	_ =	swait.ge [sflag:s29], $0x1  }
0xb4: {  	[sflag:s29] =	ssyncadd.s32 $0xFFFFFFFF  }
0xb5: {  	_ =	strace $0x90000048  }
0xb6: {  	_ =	sfence  }
0xb7: {  	s30 =	sld [smem:$0x0];
	_ =	sdelay $0x2  }
0xb8: {  	s31 =	sshll.u32 s1, $0xD;
	s1 =	sshrl.u32 s1, $0x2  }
0xb9: {  	s3 =	sand.u32 $0x4000, s31;
	s1 =	sadd.s32 s1, s30  }
0xba: {  	s0 =	sor.u32 s3, s0;
	s1 =	sshll.u32 s1, $0x11  }
0xbb: {  	s0 =	sor.u32 s1, s0  }
0xbc: {  	s0 =	sadd.s32 $0x8F2B, s0  }
0xbd: {  	[sflag:s0] =	ssyncadd.remote.s32 $0x1  }
0xbe: {  	_ =	sfence.sel $0xFFFF  }
0xbf: {  	[dreg:$0x0] =	wrdreg $0xFFFFFFFF;
	(pc) =	sbr.abs _section_cstart, $3  }
0xc0: {  	[dreg:$0x1] =	wrdreg $0xFFFFFFFF  }
0xc1: {  	_ =	task.clear_ibuf [dreg:s6], $0x2FFFF;
	_ =	strace $0x9FFFFFFF  }
0xc2: {  	(tm) =	ssettm $0x7FFFFFFF  }
0xc3: {  	_ =	shalt  }
tec
execute0_lowered:
.L_overlay_start_1:
0x0: {  	(tag) =	ssettag $0x1  }
0x1: {  	s4 =	rddreg [dreg:$0x0]  }
0x2: {  	s1 =	rddreg [dreg:$0x1]  }
0x3: {  	s2 =	srdreg.scid;
	s0 =	rddreg [dreg:$0x2]  }
0x4: {  	s3 =	simm.s32 $0x0;
	s11 =	simm.s32 $0x80;
	s14 =	simm.s32 $0x20  }
0x5: {  	s15 =	simm.s32 $0x10;
	s5 =	sand.u32 $0x1, s2;
	s2 =	stileid.u32  }
0x6: {  	s16 =	simm.s32 $0x0;
	[smem:$0x7FF] =	sst s3;
	s6 =	smul.u32 $0x4F00, s5  }
0x7: {  	s7 =	smul.u32 $0x500, s2;
	_ =	strace $0x80000047;
	s8 =	sshll.u32 s5, $0x7  }
0x8: {  	s5 =	ssub.s32 $0x2, s5;
	s29 =	smul.u32 $0xA00, s2;
	s12 =	sshll.u32 s2, $0x6  }
0x9: {  	s10 =	smul.u32 $0x4F0, s2;
	s9 =	sshrl.u32 s5, $0x1;
	s12 =	sor.u32 $0x1C01, s12  }
0xa: {  	s6 =	sadd.s32 s6, s4;
	s7 =	sor.u32 s8, s7;
	s9 =	ssub.s32 s5, s9  }
0xb: {  	s30 =	sshrl.u32 s29, $0x2;
	s7 =	sshrl.u32 s7, $0x3;
	s31 =	sadd.s32 s10, s6  }
0xc: {  	s6 =	smax.u32 s9, $0x1;
	s9 =	simm.s32 $0x100;
	s10 =	simm.s32 $0x1  }
0xd: {  	s7 =	sadd.s32 s7, s4;
	s4 =	sadd.s32 s30, s1;
	s8 =	sadd.s32 $0x1A00, s31  }
0xe: {  	v0 =	vimm.f32 $0.0e+00;
	s5 =	sadd.s32 $0x15600, s7;
	s7 =	sadd.s32 $0xB800, s31;
	s13 =	sshrl.u32 s4, $0x3  }
.LBB2_1:
0xf: {  	[tilespmem:$0x100] =	vst v0  }
0x10: {  	[tilespmem:$0x110] =	vst v0  }
0x11: {  	[tilespmem:$0x120] =	vst v0  }
0x12: {  	[tilespmem:$0x130] =	vst v0  }
0x13: {  	[tilespmem:$0x140] =	vst v0  }
0x14: {  	[tilespmem:$0x150] =	vst v0  }
0x15: {  	[tilespmem:$0x160] =	vst v0  }
0x16: {  	[tilespmem:$0x170] =	vst v0  }
0x17: {  	[tilespmem:$0x180] =	vst v0  }
0x18: {  	[tilespmem:$0x190] =	vst v0  }
0x19: {  	[tilespmem:$0x1A0] =	vst v0  }
0x1a: {  	[tilespmem:$0x1B0] =	vst v0  }
0x1b: {  	[tilespmem:$0x1C0] =	vst v0  }
0x1c: {  	[tilespmem:$0x1D0] =	vst v0  }
0x1d: {  	[tilespmem:$0x1E0] =	vst v0  }
0x1e: {  	[tilespmem:$0x1F0] =	vst v0  }
0x1f: {  	[tilespmem:$0x200] =	vst v0  }
0x20: {  	[tilespmem:$0x210] =	vst v0  }
0x21: {  	[tilespmem:$0x220] =	vst v0  }
0x22: {  	[tilespmem:$0x230] =	vst v0  }
0x23: {  	[tilespmem:$0x240] =	vst v0  }
0x24: {  	[tilespmem:$0x250] =	vst v0  }
0x25: {  	[tilespmem:$0x260] =	vst v0  }
0x26: {  	[tilespmem:$0x270] =	vst v0  }
0x27: {  	[tilespmem:$0x280] =	vst v0  }
0x28: {  	[tilespmem:$0x290] =	vst v0  }
0x29: {  	[tilespmem:$0x2A0] =	vst v0  }
0x2a: {  	[tilespmem:$0x2B0] =	vst v0  }
0x2b: {  	[tilespmem:$0x2C0] =	vst v0  }
0x2c: {  	[tilespmem:$0x2D0] =	vst v0  }
0x2d: {  	[tilespmem:$0x2E0] =	vst v0  }
0x2e: {  	[tilespmem:$0x2F0] =	vst v0  }
0x2f: {  	[tilespmem:$0x300] =	vst v0  }
0x30: {  	[tilespmem:$0x310] =	vst v0  }
0x31: {  	[tilespmem:$0x320] =	vst v0  }
0x32: {  	[tilespmem:$0x330] =	vst v0  }
0x33: {  	[tilespmem:$0x340] =	vst v0  }
0x34: {  	[tilespmem:$0x350] =	vst v0  }
0x35: {  	[tilespmem:$0x360] =	vst v0  }
0x36: {  	[tilespmem:$0x370] =	vst v0  }
0x37: {  	[spmem:s4] =	stream.linear.scatter [tilespmem:s9], [sflag:$0x1], $0x280, $0x38;
	[tilespmem:$0x600] =	vst v63  }
0x38: {  	_ =	swait.ge [sflag:s10], $0x280  }
0x39: {  	[sflag:s10] =	ssyncset.done $0x0  }
0x3a: {  	[sflag:s10] =	ssyncadd.s32 $0xFFFFFD80  }
0x3b: {  	s17 =	sadd.s32 $0x0, s8;
	[bflag:$0x0] =	sbarrier.arrive $0xFFFF  }
0x3c: {  	[tilespmem:s3], [sflag:$0x1] =	stream.linear.gather [hbm4b:s17+s3], $0x80, $0x38;
	[tilespmem:$0x600] =	vst v63  }
0x3d: {  	_ =	swait.ge [sflag:s10], $0x80  }
0x3e: {  	[sflag:s10] =	ssyncset.done $0x0  }
0x3f: {  	s31 =	sadd.s32 $0x0, s7;
	[sflag:s10] =	ssyncadd.s32 $0xFFFFFF80  }
0x40: {  	[tilespmem:s11], [sflag:$0x1] =	stream.linear.gather [hbm4b:s31+s3], $0x80, $0x38;
	[tilespmem:$0x600] =	vst v63  }
0x41: {  	_ =	swait.ge [sflag:s10], $0x80  }
0x42: {  	[sflag:s10] =	ssyncset.done $0x0  }
0x43: {  	[sflag:s10] =	ssyncadd.s32 $0xFFFFFF80  }
0x44: {  	[spmem:s1] =	stream.indirect.scatter.add.f32 [tilespmem:s11], [sflag:$0x1], $0x1, s3, s11, $0xb8;
	[tilespmem:$0x600] =	vst v63  }
0x45: {  	_ =	swait.ge [sflag:s10], $0x80  }
0x46: {  	s18 =	simm.s32 $0x20;
	s17 =	simm.s32 $0x10;
	[sflag:s10] =	ssyncset.done $0x0  }
.LBB2_2:
0x47: {  	s19 =	sadd.s32 s17, s8  }
0x48: {  	[sflag:s10] =	ssyncadd.s32 $0xFFFFFF80;
	s20 =	smov.u32 s18;
	s21 =	sadd.s32 $0x10, s18  }
0x49: {  	[tilespmem:s3], [sflag:$0x1] =	stream.linear.gather [hbm4b:s19+s3], $0x80, $0x38;
	[tilespmem:$0x600] =	vst v63  }
0x4a: {  	p0 =	sne.s32 s18, $0x4E0;
	_ =	swait.ge [sflag:s10], $0x80  }
0x4b: {  	[sflag:s10] =	ssyncset.done $0x0  }
0x4c: {  	s18 =	sadd.s32 s17, s7;
	s17 =	smov.u32 s20;
	[sflag:s10] =	ssyncadd.s32 $0xFFFFFF80  }
0x4d: {  	[tilespmem:s11], [sflag:$0x1] =	stream.linear.gather [hbm4b:s18+s3], $0x80, $0x38;
	[tilespmem:$0x600] =	vst v63  }
0x4e: {  	_ =	swait.ge [sflag:s10], $0x80  }
.Ltmp0:
0x4f: {  	[sflag:s10] =	ssyncset.done $0x0;
	(pc) =	sbr.rel @p0 .LBB2_2-.Ltmp0, $4  }
0x50: {  	[sflag:s10] =	ssyncadd.s32 $0xFFFFFF80  }
0x51: {  	[spmem:s1] =	stream.indirect.scatter.add.f32 [tilespmem:s11], [sflag:$0x1], $0x1, s3, s11, $0xb8;
	[tilespmem:$0x600] =	vst v63  }
0x52: {  	_ =	swait.ge [sflag:s10], $0x80  }
0x53: {  	s18 =	smov.u32 s21;
	[sflag:s10] =	ssyncset.done $0x0  }
0x54: {  	s18 =	sadd.s32 s17, s8;
	[sflag:s10] =	ssyncadd.s32 $0xFFFFFF80  }
0x55: {  	[tilespmem:s3], [sflag:$0x1] =	stream.linear.gather [hbm4b:s18+s3], $0x80, $0x38;
	[tilespmem:$0x600] =	vst v63  }
0x56: {  	_ =	swait.ge [sflag:s10], $0x80  }
0x57: {  	[sflag:s10] =	ssyncset.done $0x0  }
0x58: {  	s31 =	sadd.s32 s17, s7;
	[sflag:s10] =	ssyncadd.s32 $0xFFFFFF80  }
0x59: {  	[tilespmem:s11], [sflag:$0x1] =	stream.linear.gather [hbm4b:s31+s3], $0x80, $0x38;
	[tilespmem:$0x600] =	vst v63  }
0x5a: {  	_ =	swait.ge [sflag:s10], $0x80  }
0x5b: {  	[sflag:s10] =	ssyncset.done $0x0  }
0x5c: {  	[sflag:s10] =	ssyncadd.s32 $0xFFFFFF80  }
0x5d: {  	[spmem:s1] =	stream.indirect.scatter.add.f32 [tilespmem:s11], [sflag:$0x1], $0x1, s3, s11, $0xb8;
	[tilespmem:$0x600] =	vst v63  }
0x5e: {  	_ =	swait.ge [sflag:s10], $0x80  }
0x5f: {  	s16 =	sadd.s32 $0x1, s16;
	[sflag:s10] =	ssyncset.done $0x0  }
0x60: {  	p0 =	sne.s32 s16, s6;
	[sflag:s10] =	ssyncadd.s32 $0xFFFFFF80  }
.Ltmp1:
0x61: {  	[bflag:$0x0] =	sbarrier.arrive $0xFFFF;
	(pc) =	sbr.rel @p0 .LBB2_1-.Ltmp1, $4  }
0x62: {  	[hbm:s5@s14], [sflag:s12] =	dma.strided [spmem:s13@s15], $0x50, s10, $0x10   }
0x63: {  	_ =	swait.ge [sflag:s10], $0x50  }
0x64: {  	[sflag:s10] =	ssyncset.done $0x0  }
0x65: {  	[sflag:s10] =	ssyncadd.s32 $0xFFFFFFB0  }
0x66: {  	_ =	sfence.sel $0x180000  }
0x67: {  	[bflag:$0x0] =	sbarrier.arrive $0xFFFF  }
0x68: {  	p0 =	sne.s32 s2, $0x0;
	_ =	strace $0x90000047  }
0x69: {  	s0 =	sadd.s32 @!p0 $0x100000, s0;
	[bflag:$0x2] =	sbarrier.arrive $0xFFFF  }
0x6a: {  	[sflag:s0] =	ssyncadd.tile.s32 @!p0 $0x1;
	_ =	shalt  }
.Lfunc_end2:
_tile_overlayer_lowered:
.L_overlay_start_2:
0x6b: {  	(tag) =	ssettag $0x2  }
0x6c: {  	s0 =	rddreg [dreg:$0x0];
	s2 =	stileid.u32  }
0x6d: {  	s1 =	rddreg [dreg:$0x1];
	p0 =	sne.s32 s2, $0x0  }
0x6e: {  	s3 =	rddreg [dreg:$0x2];
	[bflag:$0x3] =	sbarrier.arrive $0xFFFF;
	s2 =	simm.s32 @!p0 $0x1C01  }
0x6f: {  	[timem:s3], [sflag:s2] =	dma.local @!p0 [hbm:s0], s1  }
0x70: {  	s0 =	simm.s32 @!p0 $0x1  }
0x71: {  	_ =	swait.ge @!p0 [sflag:s0], s1  }
0x72: {  	s1 =	ssub.s32 @!p0 $0x0, s1;
	[sflag:s0] =	ssyncset.done @!p0 $0x0  }
0x73: {  	[sflag:s0] =	ssyncadd.s32 @!p0 s1  }
0x74: {  	[bflag:$0x3] =	sbarrier.arrive $0xFFFF  }
0x75: {  	_ =	shalt  }

</sc_bundles>
